<compile_context>
chip_gen: v7x
topology: tpu7x:2x2x1
jax: 0.10.2.dev20260603
libtpu: 0.0.44.dev20260713+nightly
codegen_flags: <defaults>
</compile_context>

<pallas_src>
import functools

import jax
import jax.numpy as jnp
from jax import lax
from jax.experimental import pallas as pl
from jax.experimental.pallas import tpu as pltpu
from jax.experimental.pallas import tpu_sc as plsc

N = 10000
E = 160000
D = 128
DE = 16
G = 16
CF = 2 * D + DE
MD = CF // 2
MP = 144
FH = 2 * CF
GH = 2 * (D + MD)

NC = 2
NS = 16
NW = NC * NS
GC = 128
NP = 10240
NPS = NP // NS
ZCH = 128


@functools.cache
def _get_sc_gather(ne):
    epw = ne // NW
    gnc = epw // GC
    gt = epw - gnc * GC
    mesh = plsc.VectorSubcoreMesh(
        core_axis_name="c", subcore_axis_name="s",
        num_cores=NC, num_subcores=NS)

    def body_fn(table, src, dst, xj, xi, idx_v, rows_v, idxt_v, rowst_v, sem):
        wid = lax.axis_index("s") * NC + lax.axis_index("c")
        base = wid * epw

        def chunk(idx_hbm, out_hbm, off, iv, rv, n):
            pltpu.sync_copy(idx_hbm.at[pl.ds(off, n)], iv)
            pltpu.async_copy(table.at[iv], rv, sem).wait()
            pltpu.sync_copy(rv, out_hbm.at[pl.ds(off, n)])

        def body(k, carry):
            off = base + k * GC
            chunk(src, xj, off, idx_v, rows_v, GC)
            chunk(dst, xi, off, idx_v, rows_v, GC)
            return carry

        lax.fori_loop(0, gnc, body, 0)
        if gt:
            toff = base + gnc * GC
            chunk(src, xj, toff, idxt_v, rowst_v, gt)
            chunk(dst, xi, toff, idxt_v, rowst_v, gt)

    return functools.partial(
        pl.kernel,
        out_type=(jax.ShapeDtypeStruct((ne, D), jnp.float32),
                  jax.ShapeDtypeStruct((ne, D), jnp.float32)),
        mesh=mesh,
        scratch_types=(pltpu.VMEM((GC,), jnp.int32),
                       pltpu.VMEM((GC, D), jnp.float32),
                       pltpu.VMEM((max(gt, 8),), jnp.int32),
                       pltpu.VMEM((max(gt, 8), D), jnp.float32),
                       pltpu.SemaphoreType.DMA),
    )(body_fn)


@functools.cache
def _get_sc_scatter(ne):
    epw = ne // NW
    gnc = epw // GC
    gt = epw - gnc * GC
    mesh = plsc.VectorSubcoreMesh(
        core_axis_name="c", subcore_axis_name="s",
        num_cores=NC, num_subcores=NS)

    def body_fn(msg, dsti, zstage, part, idx_v, msg_v, idxt_v, msgt_v,
                stage_v, acc, sem):
        c = lax.axis_index("c")
        s = lax.axis_index("s")
        wid = s * NC + c

        pltpu.sync_copy(zstage, stage_v)

        def zbody(j, carry):
            pltpu.sync_copy(stage_v, acc.at[pl.ds(s * NPS + j * ZCH, ZCH)])
            return carry

        lax.fori_loop(0, NPS // ZCH, zbody, 0)
        plsc.subcore_barrier()

        base = wid * epw

        def chunk(off, iv, mv, n):
            c1 = pltpu.async_copy(dsti.at[pl.ds(off, n)], iv, sem)
            c2 = pltpu.async_copy(msg.at[pl.ds(off, n)], mv, sem)
            c1.wait()
            c2.wait()
            pltpu.sync_copy(mv, acc.at[iv], add=True)

        def body(k, carry):
            chunk(base + k * GC, idx_v, msg_v, GC)
            return carry

        lax.fori_loop(0, gnc, body, 0)
        if gt:
            chunk(base + gnc * GC, idxt_v, msgt_v, gt)
        plsc.subcore_barrier()

        def wbody(j, carry):
            r = s * NPS + j * ZCH
            pltpu.sync_copy(acc.at[pl.ds(r, ZCH)], stage_v)
            pltpu.sync_copy(stage_v, part.at[c, pl.ds(r, ZCH)])
            return carry

        lax.fori_loop(0, NPS // ZCH, wbody, 0)

    return functools.partial(
        pl.kernel,
        out_type=jax.ShapeDtypeStruct((NC, NP, MP), jnp.float32),
        mesh=mesh,
        compiler_params=pltpu.CompilerParams(use_tc_tiling_on_sc=False),
        scratch_types=(pltpu.VMEM((GC,), jnp.int32),
                       pltpu.VMEM((GC, MP), jnp.float32),
                       pltpu.VMEM((max(gt, 8),), jnp.int32),
                       pltpu.VMEM((max(gt, 8), MP), jnp.float32),
                       pltpu.VMEM((ZCH, MP), jnp.float32),
                       pltpu.VMEM_SHARED((NP, MP), jnp.float32),
                       pltpu.SemaphoreType.DMA),
    )(body_fn)



TN = 1000
ECH = 10000
_POOL_GRID = E // ECH


def _edge_body(xj, xi, ea,
               cw1a, cw1b, cw1c, cb1, cw2, cb2, cw3, cb3,
               pw1a, pw1b, pw1c, pb1, pw2, pb2, pw3, pb3,
               eo_ref, msg_ref):
    xjv = xj[...]
    xiv = xi[...]

    bf = jnp.bfloat16
    xjb = xjv.astype(bf)
    xib = xiv.astype(bf)

    def mlp(ev, w1a, w1b, w1c, b1, w2, b2, w3, b3):
        h = jnp.dot(xjb, w1a[...], preferred_element_type=jnp.float32)
        h = h + jnp.dot(xib, w1b[...], preferred_element_type=jnp.float32)
        h = h + jnp.dot(ev.astype(bf), w1c[...],
                        preferred_element_type=jnp.float32)
        h = jnp.maximum(h + b1[...], 0.0)
        h = jnp.dot(h.astype(bf), w2[...],
                    preferred_element_type=jnp.float32) + b2[...]
        h = jnp.maximum(h, 0.0)
        return jnp.dot(h.astype(bf), w3[...],
                       preferred_element_type=jnp.float32) + b3[...]

    eo = mlp(ea[...], cw1a, cw1b, cw1c, cb1, cw2, cb2, cw3, cb3)
    eo_ref[...] = eo
    msg_ref[...] = mlp(eo, pw1a, pw1b, pw1c, pb1, pw2, pb2, pw3, pb3)


def _edge_call(ne, te, xj, xi, ea, ws):
    row = lambda s: pl.BlockSpec((te, s), lambda i: (i, 0))
    full = lambda a: pl.BlockSpec(a.shape, lambda i: tuple(0 for _ in a.shape))
    return pl.pallas_call(
        _edge_body,
        grid=(ne // te,),
        in_specs=[row(D), row(D), row(DE)] + [full(w) for w in ws],
        out_specs=[pl.BlockSpec((te, DE), lambda i: (i, 0)),
                   pl.BlockSpec((te, MP), lambda i: (i, 0))],
        out_shape=[jax.ShapeDtypeStruct((ne, DE), jnp.float32),
                   jax.ShapeDtypeStruct((ne, MP), jnp.float32)],
    )(xj, xi, ea, *ws)


def _gamma_body(p0, p1, q0, q1, xr, wa, wb, b1, w2, b2, w3, b3, out_ref):
    ssum = p0[0] + p1[0] + q0[0] + q1[0]
    colsel = (lax.broadcasted_iota(jnp.int32, (1, MP), 1) == MD)
    cnt = jnp.sum(jnp.where(colsel, ssum, 0.0), axis=1, keepdims=True)
    t = ssum / jnp.maximum(cnt, 1.0)
    bf = jnp.bfloat16
    h = jnp.dot(t.astype(bf), wa[...], preferred_element_type=jnp.float32)
    h = h + jnp.dot(xr[...].astype(bf), wb[...],
                    preferred_element_type=jnp.float32)
    h = jnp.maximum(h + b1[...], 0.0)
    h = jnp.dot(h.astype(bf), w2[...],
                preferred_element_type=jnp.float32) + b2[...]
    h = jnp.maximum(h, 0.0)
    out_ref[...] = jnp.dot(h.astype(bf), w3[...],
                           preferred_element_type=jnp.float32) + b3[...]


def _gamma_call(p1, p2, x, ws):
    c0 = pl.BlockSpec((1, TN, MP), lambda i: (0, i, 0))
    c1 = pl.BlockSpec((1, TN, MP), lambda i: (1, i, 0))
    row = lambda s: pl.BlockSpec((TN, s), lambda i: (i, 0))
    full = lambda a: pl.BlockSpec(a.shape, lambda i: tuple(0 for _ in a.shape))
    return pl.pallas_call(
        _gamma_body,
        grid=(N // TN,),
        in_specs=[c0, c1, c0, c1, row(D)] + [full(w) for w in ws],
        out_specs=pl.BlockSpec((TN, D), lambda i: (i, 0)),
        out_shape=jax.ShapeDtypeStruct((N, D), jnp.float32),
    )(p1, p1, p2, p2, x, *ws)


def _pool_body(e2_ref, eb_ref, x2_ref, nb_ref,
               an, ae, b1, w2, b2, w3, b3, out_ref, acc, cnt):
    i = pl.program_id(0)
    ids = lax.broadcasted_iota(jnp.int32, (G, ECH), 0)
    m = (eb_ref[0] == ids).astype(jnp.float32)
    part = jnp.dot(m, e2_ref[...], preferred_element_type=jnp.float32)
    c = jnp.sum(m, axis=1, keepdims=True)

    @pl.when(i == 0)
    def _():
        acc[...] = part
        cnt[...] = c

    @pl.when(i > 0)
    def _():
        acc[...] = acc[...] + part
        cnt[...] = cnt[...] + c

    @pl.when(i == _POOL_GRID - 1)
    def _():
        idn = lax.broadcasted_iota(jnp.int32, (G, N), 0)
        mn = (nb_ref[...] == idn).astype(jnp.float32)
        pn = jnp.dot(mn, x2_ref[...], preferred_element_type=jnp.float32)
        cn = jnp.sum(mn, axis=1, keepdims=True)
        pooled_n = pn / jnp.maximum(cn, 1.0)
        pooled_e = acc[...] / jnp.maximum(cnt[...], 1.0)
        h = jnp.dot(pooled_n, an[...], preferred_element_type=jnp.float32)
        h = h + jnp.dot(pooled_e, ae[...], preferred_element_type=jnp.float32)
        h = jnp.maximum(h + b1[...], 0.0)
        h = jnp.dot(h, w2[...], preferred_element_type=jnp.float32) + b2[...]
        h = jnp.maximum(h, 0.0)
        out_ref[...] = jnp.dot(h, w3[...], preferred_element_type=jnp.float32) + b3[...]


def _pool_call(e2, x2, nb2d, eb3d, ws):
    full = lambda a: pl.BlockSpec(a.shape, lambda i: tuple(0 for _ in a.shape))
    return pl.pallas_call(
        _pool_body,
        grid=(_POOL_GRID,),
        in_specs=[pl.BlockSpec((ECH, DE), lambda i: (i, 0)),
                  pl.BlockSpec((1, 1, ECH), lambda i: (i, 0, 0)),
                  full(x2), full(nb2d)] + [full(w) for w in ws],
        out_specs=pl.BlockSpec((G, 5), lambda i: (0, 0)),
        out_shape=jax.ShapeDtypeStruct((G, 5), jnp.float32),
        scratch_shapes=[pltpu.VMEM((G, DE), jnp.float32),
                        pltpu.VMEM((G, 1), jnp.float32)],
    )(e2, eb3d, x2, nb2d, *ws)




def _prep_edge(ps):
    (cw1, cb1), (cw2, cb2), (cw3, cb3) = ps['chi']
    (pw1, pb1), (pw2, pb2), (pw3, pb3) = ps['phi']
    bf = jnp.bfloat16
    pw3p = jnp.pad(pw3, ((0, 0), (0, MP - MD)))
    pb3p = jnp.pad(pb3, (0, MP - MD)).at[MD].set(1.0)
    return (cw1[:D].astype(bf), cw1[D:2 * D].astype(bf),
            cw1[2 * D:].astype(bf), cb1.reshape(1, -1),
            cw2.astype(bf), cb2.reshape(1, -1),
            cw3.astype(bf), cb3.reshape(1, -1),
            pw1[:D].astype(bf), pw1[D:2 * D].astype(bf),
            pw1[2 * D:].astype(bf), pb1.reshape(1, -1),
            pw2.astype(bf), pb2.reshape(1, -1),
            pw3p.astype(bf), pb3p.reshape(1, -1))


def _prep_gamma(ps):
    (gw1, gb1), (gw2, gb2), (gw3, gb3) = ps['gamma']
    bf = jnp.bfloat16
    wa = jnp.pad(gw1[:MD], ((0, MP - MD), (0, 0))).astype(bf)
    wb = gw1[MD:].astype(bf)
    return (wa, wb, gb1.reshape(1, -1), gw2.astype(bf), gb2.reshape(1, -1),
            gw3.astype(bf), gb3.reshape(1, -1))


def _prep_alpha(ps):
    (aw1, ab1), (aw2, ab2), (aw3, ab3) = ps
    return (aw1[:D], aw1[D:], ab1.reshape(1, -1), aw2, ab2.reshape(1, -1),
            aw3, ab3.reshape(1, -1))


E1 = 81920
E2 = E - E1
TE1 = 2048
TE2 = 2440


def _layer(src, dst, ea1, ea2, ew, gw, xf, zstage):
    s1, s2 = src[:E1], src[E1:]
    d1, d2 = dst[:E1], dst[E1:]
    xj1, xi1 = _get_sc_gather(E1)(xf, s1, d1)
    xj2, xi2 = _get_sc_gather(E2)(xf, s2, d2)
    eo1, msg1 = _edge_call(E1, TE1, xj1, xi1, ea1, ew)
    eo2, msg2 = _edge_call(E2, TE2, xj2, xi2, ea2, ew)
    p1 = _get_sc_scatter(E1)(msg1, d1, zstage)
    p2 = _get_sc_scatter(E2)(msg2, d2, zstage)
    x_next = _gamma_call(p1, p2, xf, gw)
    return eo1, eo2, x_next


def kernel(x, edge_index, edge_attr, node_batch, edge_batch, params):
    src = edge_index[0]
    dst = edge_index[1]
    zstage = jnp.zeros((ZCH, MP), jnp.float32)
    nb2d = node_batch.reshape(1, N)
    eb3d = edge_batch.reshape(_POOL_GRID, 1, ECH)

    ew1 = _prep_edge(params['layer1'])
    gw1 = _prep_gamma(params['layer1'])
    ew2 = _prep_edge(params['layer2'])
    gw2 = _prep_gamma(params['layer2'])
    aw = _prep_alpha(params['alpha'])

    e1a, e1b, x1 = _layer(src, dst, edge_attr[:E1], edge_attr[E1:],
                          ew1, gw1, x, zstage)
    e2a, e2b, x2 = _layer(src, dst, e1a, e1b, ew2, gw2, x1, zstage)

    e2 = jnp.concatenate([e2a, e2b], axis=0)
    coeff = _pool_call(e2, x2, nb2d, eb3d, aw)
    return (e2, x2, coeff)

# --- scband reference (transcript-rebuilt; emitter-appended) ---
"""Pipeline reference for scband-learning-within-single-spin-configuration-55705725829286 (READ-ONLY COPY).

The authoritative reference and input builder live on the scoring server;
editing this copy changes nothing except your own understanding.
"""

import jax, jax.numpy as jnp
import numpy as np

N = 10000
E = 160000
D = 128
DE = 16
G = 16
CF = 2 * D + DE          # 272 concatenated feature dim
MD = CF // 2             # 136 message dim


def _lin(key, fi, fo):
    k1, k2 = jax.random.split(key)
    W = jax.random.normal(k1, (fi, fo), dtype=jnp.float32) * 0.02
    b = jnp.zeros((fo,), dtype=jnp.float32)
    return (W, b)


def _mlp3(key, fi, fh, fo):
    ks = jax.random.split(key, 3)
    return [_lin(ks[0], fi, fh), _lin(ks[1], fh, fh), _lin(ks[2], fh, fo)]


def _layer_params(key):
    k1, k2, k3 = jax.random.split(key, 3)
    return {
        'chi': _mlp3(k1, CF, 2 * CF, DE),
        'phi': _mlp3(k2, CF, 2 * CF, MD),
        'gamma': _mlp3(k3, D + MD, 2 * (D + MD), D),
    }


def setup_inputs(seed: int = 0) -> dict:
    key = jax.random.key(seed)
    ks = jax.random.split(key, 8)
    x = jax.random.normal(ks[0], (N, D), dtype=jnp.float32)
    edge_index = jax.random.randint(ks[1], (2, E), 0, N, dtype=jnp.int32)
    edge_attr = jax.random.normal(ks[2], (E, DE), dtype=jnp.float32)
    node_batch = jnp.sort(jax.random.randint(ks[3], (N,), 0, G, dtype=jnp.int32))
    edge_batch = jnp.sort(jax.random.randint(ks[4], (E,), 0, G, dtype=jnp.int32))
    params = {
        'layer1': _layer_params(ks[5]),
        'layer2': _layer_params(ks[6]),
        'alpha': _mlp3(ks[7], D + DE, 2 * (D + DE), 5),
    }
    return {'x': x, 'edge_index': edge_index, 'edge_attr': edge_attr,
            'node_batch': node_batch, 'edge_batch': edge_batch, 'params': params}


def _mlp(ps, h):
    for W, b in ps[:-1]:
        h = jax.nn.relu(h @ W + b)
    W, b = ps[-1]
    return h @ W + b


def _seg_mean(vals, ids, num):
    s = jax.ops.segment_sum(vals, ids, num_segments=num)
    c = jax.ops.segment_sum(jnp.ones((vals.shape[0], 1), vals.dtype), ids, num_segments=num)
    return s / jnp.maximum(c, 1.0)


def _message_pass(ps, x, edge_index, edge_attr):
    src = edge_index[0]
    dst = edge_index[1]
    x_j = x[src]
    x_i = x[dst]
    # update_edge: chi over [x_j, x_i, edge_attr]
    updated_edge_attr = _mlp(ps['chi'], jnp.concatenate([x_j, x_i, edge_attr], axis=1))
    # message: phi over [x_j, x_i, updated_edge_attr]
    msg = _mlp(ps['phi'], jnp.concatenate([x_j, x_i, updated_edge_attr], axis=1))
    # aggr='mean' at dst nodes
    aggr = _seg_mean(msg, dst, x.shape[0])
    # update: gamma over [aggr_out, x]
    updated_x = _mlp(ps['gamma'], jnp.concatenate([aggr, x], axis=1))
    return updated_edge_attr, updated_x


def reference(x, edge_index, edge_attr, node_batch, edge_batch, params):
    e1, x1 = _message_pass(params['layer1'], x, edge_index, edge_attr)
    e2, x2 = _message_pass(params['layer2'], x1, edge_index, e1)
    node_pooled = _seg_mean(x2, node_batch, G)
    edge_pooled = _seg_mean(e2, edge_batch, G)
    pooled_concat = jnp.concatenate([node_pooled, edge_pooled], axis=1)
    estimated_coeff = _mlp(params['alpha'], pooled_concat)
    return (e2, x2, estimated_coeff)

if __name__ == "__main__":
    import jax
    _d = setup_inputs()
    print(jax.jit(kernel)(*tuple(_d.values())))

</pallas_src>

<mosaic_0001>
#map = affine_map<(d0, d1) -> (0, 0)>
#map1 = affine_map<(d0, d1) -> (0)>
#map2 = affine_map<(d0, d1) -> (0, 0, 0)>
module attributes {stable_mosaic.version = 14 : i64} {
  func.func @body_fn(%arg0: i32, %arg1: i32, %arg2: memref<81920x144xf32, #tpu.memory_space<hbm>>, %arg3: memref<81920xi32, #tpu.memory_space<hbm>>, %arg4: memref<128x144xf32, #tpu.memory_space<hbm>>, %arg5: memref<2x10240x144xf32, #tpu.memory_space<hbm>>, %arg6: memref<128xi32, #tpu.memory_space<vmem>>, %arg7: memref<128x144xf32, #tpu.memory_space<vmem>>, %arg8: memref<8xi32, #tpu.memory_space<vmem>>, %arg9: memref<8x144xf32, #tpu.memory_space<vmem>>, %arg10: memref<128x144xf32, #tpu.memory_space<vmem>>, %arg11: memref<10240x144xf32, #tpu.memory_space<vmem_shared>>, %arg12: memref<!tpu.dma_semaphore, #tpu.memory_space<semaphore_mem>>) attributes {dimension_semantics = [#tpu.dimension_semantics<core_parallel>, #tpu.dimension_semantics<subcore_parallel>], iteration_bounds = array<i64: 2, 16>, scalar_prefetch = 0 : i64, scratch_operands = 7 : i64, tpu.core_type = #tpu.core_type<sc_vector_subcore>, window_params = [{transform_indices = #map}, {transform_indices = #map1}, {transform_indices = #map}, {transform_indices = #map2}]} {
    %mul3A = arith.constant 2 : i32
    %mul3A_0 = arith.muli %arg1, %mul3A : i32
    %add3A = arith.addi %mul3A_0, %arg0 : i32
    "tpu.region"() ({
      %run_scoped3A = tpu.sem_alloc : memref<!tpu.dma_semaphore, #tpu.memory_space<semaphore_mem>>
      tpu.enqueue_dma source(%arg4 : memref<128x144xf32, #tpu.memory_space<hbm>>) target(%arg10 : memref<128x144xf32, #tpu.memory_space<vmem>>) target_semaphore(%run_scoped3A : memref<!tpu.dma_semaphore, #tpu.memory_space<semaphore_mem>>)
      tpu.wait_dma2 semaphore(%run_scoped3A : memref<!tpu.dma_semaphore, #tpu.memory_space<semaphore_mem>>) src(%arg4 : memref<128x144xf32, #tpu.memory_space<hbm>>) dst(%arg10 : memref<128x144xf32, #tpu.memory_space<vmem>>)
      tpu.yield
    }) : () -> ()
    %scan3A = arith.constant 0 : i32
    %scan3A_1 = arith.constant 0 : i32
    %scan3A_2 = arith.constant 5 : i32
    %scan3A_3 = arith.addi %scan3A_1, %scan3A_2 : i32
    %scan3A_4 = arith.constant 1 : i32
    scf.for %scan3A_21 = %scan3A_1 to %scan3A_3 step %scan3A_4  : i32 {
      %mul3A_22 = arith.constant 640 : i32
      %mul3A_23 = arith.muli %arg1, %mul3A_22 : i32
      %mul3A_24 = arith.constant 128 : i32
      %mul3A_25 = arith.muli %scan3A_21, %mul3A_24 : i32
      %add3A_26 = arith.addi %mul3A_23, %mul3A_25 : i32
      "tpu.region"() ({
        %run_scoped3A = tpu.sem_alloc : memref<!tpu.dma_semaphore, #tpu.memory_space<semaphore_mem>>
        %dma_start3A = arith.constant 0 : i32
        %dma_start3A_27 = tpu.memref_slice %arg11[%add3A_26, %dma_start3A] : memref<10240x144xf32, #tpu.memory_space<vmem_shared>> -> memref<128x144xf32, #tpu.memory_space<vmem_shared>>
        %dma_start3A_28 = arith.constant 0 : i32
        %dma_start3A_29 = tpu.memref_slice %arg11[%add3A_26, %dma_start3A_28] : memref<10240x144xf32, #tpu.memory_space<vmem_shared>> -> memref<128x144xf32, #tpu.memory_space<vmem_shared>>
        tpu.enqueue_dma source(%arg10 : memref<128x144xf32, #tpu.memory_space<vmem>>) target(%dma_start3A_29 : memref<128x144xf32, #tpu.memory_space<vmem_shared>>) target_semaphore(%run_scoped3A : memref<!tpu.dma_semaphore, #tpu.memory_space<semaphore_mem>>)
        %dma_wait3A = arith.constant 0 : i32
        %dma_wait3A_30 = tpu.memref_slice %arg11[%add3A_26, %dma_wait3A] : memref<10240x144xf32, #tpu.memory_space<vmem_shared>> -> memref<128x144xf32, #tpu.memory_space<vmem_shared>>
        %dma_wait3A_31 = arith.constant 0 : i32
        %dma_wait3A_32 = tpu.memref_slice %arg11[%add3A_26, %dma_wait3A_31] : memref<10240x144xf32, #tpu.memory_space<vmem_shared>> -> memref<128x144xf32, #tpu.memory_space<vmem_shared>>
        tpu.wait_dma2 semaphore(%run_scoped3A : memref<!tpu.dma_semaphore, #tpu.memory_space<semaphore_mem>>) src(%arg10 : memref<128x144xf32, #tpu.memory_space<vmem>>) dst(%dma_wait3A_32 : memref<128x144xf32, #tpu.memory_space<vmem_shared>>)
        tpu.yield
      }) : () -> ()
    }
    %scan3A_5 = arith.constant 5 : i32
    %barrier3A = arith.constant 0 : index
    tpu.barrier barrier_id(%barrier3A)
    %mul3A_6 = arith.constant 2560 : i32
    %mul3A_7 = arith.muli %add3A, %mul3A_6 : i32
    %scan3A_8 = arith.constant 0 : i32
    %scan3A_9 = arith.constant 0 : i32
    %scan3A_10 = arith.constant 20 : i32
    %scan3A_11 = arith.addi %scan3A_9, %scan3A_10 : i32
    %scan3A_12 = arith.constant 1 : i32
    scf.for %scan3A_21 = %scan3A_9 to %scan3A_11 step %scan3A_12  : i32 {
      %mul3A_22 = arith.constant 128 : i32
      %mul3A_23 = arith.muli %scan3A_21, %mul3A_22 : i32
      %add3A_24 = arith.addi %mul3A_7, %mul3A_23 : i32
      %dma_start3A = tpu.memref_slice %arg3[%add3A_24] : memref<81920xi32, #tpu.memory_space<hbm>> -> memref<128xi32, #tpu.memory_space<hbm>>
      %dma_start3A_25 = tpu.memref_slice %arg3[%add3A_24] : memref<81920xi32, #tpu.memory_space<hbm>> -> memref<128xi32, #tpu.memory_space<hbm>>
      tpu.enqueue_dma source(%dma_start3A_25 : memref<128xi32, #tpu.memory_space<hbm>>) target(%arg6 : memref<128xi32, #tpu.memory_space<vmem>>) target_semaphore(%arg12 : memref<!tpu.dma_semaphore, #tpu.memory_space<semaphore_mem>>)
      %dma_start3A_26 = arith.constant 0 : i32
      %dma_start3A_27 = tpu.memref_slice %arg2[%add3A_24, %dma_start3A_26] : memref<81920x144xf32, #tpu.memory_space<hbm>> -> memref<128x144xf32, #tpu.memory_space<hbm>>
      %dma_start3A_28 = arith.constant 0 : i32
      %dma_start3A_29 = tpu.memref_slice %arg2[%add3A_24, %dma_start3A_28] : memref<81920x144xf32, #tpu.memory_space<hbm>> -> memref<128x144xf32, #tpu.memory_space<hbm>>
      tpu.enqueue_dma source(%dma_start3A_29 : memref<128x144xf32, #tpu.memory_space<hbm>>) target(%arg7 : memref<128x144xf32, #tpu.memory_space<vmem>>) target_semaphore(%arg12 : memref<!tpu.dma_semaphore, #tpu.memory_space<semaphore_mem>>)
      %dma_wait3A = tpu.memref_slice %arg3[%add3A_24] : memref<81920xi32, #tpu.memory_space<hbm>> -> memref<128xi32, #tpu.memory_space<hbm>>
      %dma_wait3A_30 = tpu.memref_slice %arg3[%add3A_24] : memref<81920xi32, #tpu.memory_space<hbm>> -> memref<128xi32, #tpu.memory_space<hbm>>
      tpu.wait_dma2 semaphore(%arg12 : memref<!tpu.dma_semaphore, #tpu.memory_space<semaphore_mem>>) src(%dma_wait3A_30 : memref<128xi32, #tpu.memory_space<hbm>>) dst(%arg6 : memref<128xi32, #tpu.memory_space<vmem>>)
      %dma_wait3A_31 = arith.constant 0 : i32
      %dma_wait3A_32 = tpu.memref_slice %arg2[%add3A_24, %dma_wait3A_31] : memref<81920x144xf32, #tpu.memory_space<hbm>> -> memref<128x144xf32, #tpu.memory_space<hbm>>
      %dma_wait3A_33 = arith.constant 0 : i32
      %dma_wait3A_34 = tpu.memref_slice %arg2[%add3A_24, %dma_wait3A_33] : memref<81920x144xf32, #tpu.memory_space<hbm>> -> memref<128x144xf32, #tpu.memory_space<hbm>>
      tpu.wait_dma2 semaphore(%arg12 : memref<!tpu.dma_semaphore, #tpu.memory_space<semaphore_mem>>) src(%dma_wait3A_34 : memref<128x144xf32, #tpu.memory_space<hbm>>) dst(%arg7 : memref<128x144xf32, #tpu.memory_space<vmem>>)
      "tpu.region"() ({
        %run_scoped3A = tpu.sem_alloc : memref<!tpu.dma_semaphore, #tpu.memory_space<semaphore_mem>>
        %dma_start3A_35 = arith.constant 0 : i32
        %dma_start3A_36 = arith.constant 0 : i32
        %dma_start3A_37 = tpu.memref_slice %arg11[%dma_start3A_35, %dma_start3A_36] : memref<10240x144xf32, #tpu.memory_space<vmem_shared>> -> memref<10240x144xf32, #tpu.memory_space<vmem_shared>>
        tpu.enqueue_indirect_dma source(%arg7 : memref<128x144xf32, #tpu.memory_space<vmem>>) target(%dma_start3A_37 : memref<10240x144xf32, #tpu.memory_space<vmem_shared>>) offsets(%arg6 : memref<128xi32, #tpu.memory_space<vmem>>) semaphore(%run_scoped3A : memref<!tpu.dma_semaphore, #tpu.memory_space<semaphore_mem>>) {add = true}
        %dma_wait3A_38 = arith.constant 0 : i32
        %dma_wait3A_39 = arith.constant 0 : i32
        %dma_wait3A_40 = tpu.memref_slice %arg11[%dma_wait3A_38, %dma_wait3A_39] : memref<10240x144xf32, #tpu.memory_space<vmem_shared>> -> memref<10240x144xf32, #tpu.memory_space<vmem_shared>>
        tpu.wait_indirect_dma semaphore(%run_scoped3A : memref<!tpu.dma_semaphore, #tpu.memory_space<semaphore_mem>>) src(%arg7 : memref<128x144xf32, #tpu.memory_space<vmem>>) dst(%dma_wait3A_40 : memref<10240x144xf32, #tpu.memory_space<vmem_shared>>)
        tpu.yield
      }) : () -> ()
    }
    %scan3A_13 = arith.constant 20 : i32
    %barrier3A_14 = arith.constant 0 : index
    tpu.barrier barrier_id(%barrier3A_14)
    %scan3A_15 = arith.constant 0 : i32
    %scan3A_16 = arith.constant 0 : i32
    %scan3A_17 = arith.constant 5 : i32
    %scan3A_18 = arith.addi %scan3A_16, %scan3A_17 : i32
    %scan3A_19 = arith.constant 1 : i32
    scf.for %scan3A_21 = %scan3A_16 to %scan3A_18 step %scan3A_19  : i32 {
      %mul3A_22 = arith.constant 640 : i32
      %mul3A_23 = arith.muli %arg1, %mul3A_22 : i32
      %mul3A_24 = arith.constant 128 : i32
      %mul3A_25 = arith.muli %scan3A_21, %mul3A_24 : i32
      %add3A_26 = arith.addi %mul3A_23, %mul3A_25 : i32
      "tpu.region"() ({
        %run_scoped3A = tpu.sem_alloc : memref<!tpu.dma_semaphore, #tpu.memory_space<semaphore_mem>>
        %dma_start3A = arith.constant 0 : i32
        %dma_start3A_27 = tpu.memref_slice %arg11[%add3A_26, %dma_start3A] : memref<10240x144xf32, #tpu.memory_space<vmem_shared>> -> memref<128x144xf32, #tpu.memory_space<vmem_shared>>
        %dma_start3A_28 = arith.constant 0 : i32
        %dma_start3A_29 = tpu.memref_slice %arg11[%add3A_26, %dma_start3A_28] : memref<10240x144xf32, #tpu.memory_space<vmem_shared>> -> memref<128x144xf32, #tpu.memory_space<vmem_shared>>
        tpu.enqueue_dma source(%dma_start3A_29 : memref<128x144xf32, #tpu.memory_space<vmem_shared>>) target(%arg10 : memref<128x144xf32, #tpu.memory_space<vmem>>) target_semaphore(%run_scoped3A : memref<!tpu.dma_semaphore, #tpu.memory_space<semaphore_mem>>)
        %dma_wait3A = arith.constant 0 : i32
        %dma_wait3A_30 = tpu.memref_slice %arg11[%add3A_26, %dma_wait3A] : memref<10240x144xf32, #tpu.memory_space<vmem_shared>> -> memref<128x144xf32, #tpu.memory_space<vmem_shared>>
        %dma_wait3A_31 = arith.constant 0 : i32
        %dma_wait3A_32 = tpu.memref_slice %arg11[%add3A_26, %dma_wait3A_31] : memref<10240x144xf32, #tpu.memory_space<vmem_shared>> -> memref<128x144xf32, #tpu.memory_space<vmem_shared>>
        tpu.wait_dma2 semaphore(%run_scoped3A : memref<!tpu.dma_semaphore, #tpu.memory_space<semaphore_mem>>) src(%dma_wait3A_32 : memref<128x144xf32, #tpu.memory_space<vmem_shared>>) dst(%arg10 : memref<128x144xf32, #tpu.memory_space<vmem>>)
        tpu.yield
      }) : () -> ()
      "tpu.region"() ({
        %run_scoped3A = tpu.sem_alloc : memref<!tpu.dma_semaphore, #tpu.memory_space<semaphore_mem>>
        %dma_start3A = arith.constant 0 : i32
        %dma_start3A_27 = tpu.memref_slice %arg5[%arg0, %add3A_26, %dma_start3A] : memref<2x10240x144xf32, #tpu.memory_space<hbm>> -> memref<1x128x144xf32, #tpu.memory_space<hbm>>
        %dma_start3A_28 = tpu.memref_squeeze %dma_start3A_27 : memref<1x128x144xf32, #tpu.memory_space<hbm>> -> memref<128x144xf32, #tpu.memory_space<hbm>>
        %dma_start3A_29 = arith.constant 0 : i32
        %dma_start3A_30 = tpu.memref_slice %arg5[%arg0, %add3A_26, %dma_start3A_29] : memref<2x10240x144xf32, #tpu.memory_space<hbm>> -> memref<1x128x144xf32, #tpu.memory_space<hbm>>
        %dma_start3A_31 = tpu.memref_squeeze %dma_start3A_30 : memref<1x128x144xf32, #tpu.memory_space<hbm>> -> memref<128x144xf32, #tpu.memory_space<hbm>>
        tpu.enqueue_dma source(%arg10 : memref<128x144xf32, #tpu.memory_space<vmem>>) target(%dma_start3A_31 : memref<128x144xf32, #tpu.memory_space<hbm>>) target_semaphore(%run_scoped3A : memref<!tpu.dma_semaphore, #tpu.memory_space<semaphore_mem>>)
        %dma_wait3A = arith.constant 0 : i32
        %dma_wait3A_32 = tpu.memref_slice %arg5[%arg0, %add3A_26, %dma_wait3A] : memref<2x10240x144xf32, #tpu.memory_space<hbm>> -> memref<1x128x144xf32, #tpu.memory_space<hbm>>
        %dma_wait3A_33 = tpu.memref_squeeze %dma_wait3A_32 : memref<1x128x144xf32, #tpu.memory_space<hbm>> -> memref<128x144xf32, #tpu.memory_space<hbm>>
        %dma_wait3A_34 = arith.constant 0 : i32
        %dma_wait3A_35 = tpu.memref_slice %arg5[%arg0, %add3A_26, %dma_wait3A_34] : memref<2x10240x144xf32, #tpu.memory_space<hbm>> -> memref<1x128x144xf32, #tpu.memory_space<hbm>>
        %dma_wait3A_36 = tpu.memref_squeeze %dma_wait3A_35 : memref<1x128x144xf32, #tpu.memory_space<hbm>> -> memref<128x144xf32, #tpu.memory_space<hbm>>
        tpu.wait_dma2 semaphore(%run_scoped3A : memref<!tpu.dma_semaphore, #tpu.memory_space<semaphore_mem>>) src(%arg10 : memref<128x144xf32, #tpu.memory_space<vmem>>) dst(%dma_wait3A_36 : memref<128x144xf32, #tpu.memory_space<hbm>>)
        tpu.yield
      }) : () -> ()
    }
    %scan3A_20 = arith.constant 5 : i32
    return
  }
}

#map = affine_map<(d0, d1) -> (0, 0)>
#map1 = affine_map<(d0, d1) -> (0)>
module attributes {stable_mosaic.version = 14 : i64} {
  func.func @body_fn(%arg0: i32, %arg1: i32, %arg2: memref<10000x128xf32, #tpu.memory_space<hbm>>, %arg3: memref<78080xi32, #tpu.memory_space<hbm>>, %arg4: memref<78080xi32, #tpu.memory_space<hbm>>, %arg5: memref<78080x128xf32, #tpu.memory_space<hbm>>, %arg6: memref<78080x128xf32, #tpu.memory_space<hbm>>, %arg7: memref<128xi32, #tpu.memory_space<vmem>>, %arg8: memref<128x128xf32, #tpu.memory_space<vmem>>, %arg9: memref<8xi32, #tpu.memory_space<vmem>>, %arg10: memref<8x128xf32, #tpu.memory_space<vmem>>, %arg11: memref<!tpu.dma_semaphore, #tpu.memory_space<semaphore_mem>>) attributes {dimension_semantics = [#tpu.dimension_semantics<core_parallel>, #tpu.dimension_semantics<subcore_parallel>], iteration_bounds = array<i64: 2, 16>, scalar_prefetch = 0 : i64, scratch_operands = 5 : i64, tpu.core_type = #tpu.core_type<sc_vector_subcore>, window_params = [{transform_indices = #map}, {transform_indices = #map1}, {transform_indices = #map1}, {transform_indices = #map}, {transform_indices = #map}]} {
    %mul3A = arith.constant 2 : i32
    %mul3A_0 = arith.muli %arg1, %mul3A : i32
    %add3A = arith.addi %mul3A_0, %arg0 : i32
    %mul3A_1 = arith.constant 2440 : i32
    %mul3A_2 = arith.muli %add3A, %mul3A_1 : i32
    %scan3A = arith.constant 0 : i32
    %scan3A_3 = arith.constant 0 : i32
    %scan3A_4 = arith.constant 19 : i32
    %scan3A_5 = arith.addi %scan3A_3, %scan3A_4 : i32
    %scan3A_6 = arith.constant 1 : i32
    scf.for %scan3A_20 = %scan3A_3 to %scan3A_5 step %scan3A_6  : i32 {
      %mul3A_21 = arith.constant 128 : i32
      %mul3A_22 = arith.muli %scan3A_20, %mul3A_21 : i32
      %add3A_23 = arith.addi %mul3A_2, %mul3A_22 : i32
      "tpu.region"() ({
        %run_scoped3A = tpu.sem_alloc : memref<!tpu.dma_semaphore, #tpu.memory_space<semaphore_mem>>
        %dma_start3A_36 = tpu.memref_slice %arg3[%add3A_23] : memref<78080xi32, #tpu.memory_space<hbm>> -> memref<128xi32, #tpu.memory_space<hbm>>
        %dma_start3A_37 = tpu.memref_slice %arg3[%add3A_23] : memref<78080xi32, #tpu.memory_space<hbm>> -> memref<128xi32, #tpu.memory_space<hbm>>
        tpu.enqueue_dma source(%dma_start3A_37 : memref<128xi32, #tpu.memory_space<hbm>>) target(%arg7 : memref<128xi32, #tpu.memory_space<vmem>>) target_semaphore(%run_scoped3A : memref<!tpu.dma_semaphore, #tpu.memory_space<semaphore_mem>>)
        %dma_wait3A_38 = tpu.memref_slice %arg3[%add3A_23] : memref<78080xi32, #tpu.memory_space<hbm>> -> memref<128xi32, #tpu.memory_space<hbm>>
        %dma_wait3A_39 = tpu.memref_slice %arg3[%add3A_23] : memref<78080xi32, #tpu.memory_space<hbm>> -> memref<128xi32, #tpu.memory_space<hbm>>
        tpu.wait_dma2 semaphore(%run_scoped3A : memref<!tpu.dma_semaphore, #tpu.memory_space<semaphore_mem>>) src(%dma_wait3A_39 : memref<128xi32, #tpu.memory_space<hbm>>) dst(%arg7 : memref<128xi32, #tpu.memory_space<vmem>>)
        tpu.yield
      }) : () -> ()
      %dma_start3A_24 = arith.constant 0 : i32
      %dma_start3A_25 = arith.constant 0 : i32
      %dma_start3A_26 = tpu.memref_slice %arg2[%dma_start3A_24, %dma_start3A_25] : memref<10000x128xf32, #tpu.memory_space<hbm>> -> memref<10000x128xf32, #tpu.memory_space<hbm>>
      tpu.enqueue_indirect_dma source(%dma_start3A_26 : memref<10000x128xf32, #tpu.memory_space<hbm>>) target(%arg8 : memref<128x128xf32, #tpu.memory_space<vmem>>) offsets(%arg7 : memref<128xi32, #tpu.memory_space<vmem>>) semaphore(%arg11 : memref<!tpu.dma_semaphore, #tpu.memory_space<semaphore_mem>>)
      %dma_wait3A_27 = arith.constant 0 : i32
      %dma_wait3A_28 = arith.constant 0 : i32
      %dma_wait3A_29 = tpu.memref_slice %arg2[%dma_wait3A_27, %dma_wait3A_28] : memref<10000x128xf32, #tpu.memory_space<hbm>> -> memref<10000x128xf32, #tpu.memory_space<hbm>>
      tpu.wait_indirect_dma semaphore(%arg11 : memref<!tpu.dma_semaphore, #tpu.memory_space<semaphore_mem>>) src(%dma_wait3A_29 : memref<10000x128xf32, #tpu.memory_space<hbm>>) dst(%arg8 : memref<128x128xf32, #tpu.memory_space<vmem>>)
      "tpu.region"() ({
        %run_scoped3A = tpu.sem_alloc : memref<!tpu.dma_semaphore, #tpu.memory_space<semaphore_mem>>
        %dma_start3A_36 = arith.constant 0 : i32
        %dma_start3A_37 = tpu.memref_slice %arg5[%add3A_23, %dma_start3A_36] : memref<78080x128xf32, #tpu.memory_space<hbm>> -> memref<128x128xf32, #tpu.memory_space<hbm>>
        %dma_start3A_38 = arith.constant 0 : i32
        %dma_start3A_39 = tpu.memref_slice %arg5[%add3A_23, %dma_start3A_38] : memref<78080x128xf32, #tpu.memory_space<hbm>> -> memref<128x128xf32, #tpu.memory_space<hbm>>
        tpu.enqueue_dma source(%arg8 : memref<128x128xf32, #tpu.memory_space<vmem>>) target(%dma_start3A_39 : memref<128x128xf32, #tpu.memory_space<hbm>>) target_semaphore(%run_scoped3A : memref<!tpu.dma_semaphore, #tpu.memory_space<semaphore_mem>>)
        %dma_wait3A_40 = arith.constant 0 : i32
        %dma_wait3A_41 = tpu.memref_slice %arg5[%add3A_23, %dma_wait3A_40] : memref<78080x128xf32, #tpu.memory_space<hbm>> -> memref<128x128xf32, #tpu.memory_space<hbm>>
        %dma_wait3A_42 = arith.constant 0 : i32
        %dma_wait3A_43 = tpu.memref_slice %arg5[%add3A_23, %dma_wait3A_42] : memref<78080x128xf32, #tpu.memory_space<hbm>> -> memref<128x128xf32, #tpu.memory_space<hbm>>
        tpu.wait_dma2 semaphore(%run_scoped3A : memref<!tpu.dma_semaphore, #tpu.memory_space<semaphore_mem>>) src(%arg8 : memref<128x128xf32, #tpu.memory_space<vmem>>) dst(%dma_wait3A_43 : memref<128x128xf32, #tpu.memory_space<hbm>>)
        tpu.yield
      }) : () -> ()
      "tpu.region"() ({
        %run_scoped3A = tpu.sem_alloc : memref<!tpu.dma_semaphore, #tpu.memory_space<semaphore_mem>>
        %dma_start3A_36 = tpu.memref_slice %arg4[%add3A_23] : memref<78080xi32, #tpu.memory_space<hbm>> -> memref<128xi32, #tpu.memory_space<hbm>>
        %dma_start3A_37 = tpu.memref_slice %arg4[%add3A_23] : memref<78080xi32, #tpu.memory_space<hbm>> -> memref<128xi32, #tpu.memory_space<hbm>>
        tpu.enqueue_dma source(%dma_start3A_37 : memref<128xi32, #tpu.memory_space<hbm>>) target(%arg7 : memref<128xi32, #tpu.memory_space<vmem>>) target_semaphore(%run_scoped3A : memref<!tpu.dma_semaphore, #tpu.memory_space<semaphore_mem>>)
        %dma_wait3A_38 = tpu.memref_slice %arg4[%add3A_23] : memref<78080xi32, #tpu.memory_space<hbm>> -> memref<128xi32, #tpu.memory_space<hbm>>
        %dma_wait3A_39 = tpu.memref_slice %arg4[%add3A_23] : memref<78080xi32, #tpu.memory_space<hbm>> -> memref<128xi32, #tpu.memory_space<hbm>>
        tpu.wait_dma2 semaphore(%run_scoped3A : memref<!tpu.dma_semaphore, #tpu.memory_space<semaphore_mem>>) src(%dma_wait3A_39 : memref<128xi32, #tpu.memory_space<hbm>>) dst(%arg7 : memref<128xi32, #tpu.memory_space<vmem>>)
        tpu.yield
      }) : () -> ()
      %dma_start3A_30 = arith.constant 0 : i32
      %dma_start3A_31 = arith.constant 0 : i32
      %dma_start3A_32 = tpu.memref_slice %arg2[%dma_start3A_30, %dma_start3A_31] : memref<10000x128xf32, #tpu.memory_space<hbm>> -> memref<10000x128xf32, #tpu.memory_space<hbm>>
      tpu.enqueue_indirect_dma source(%dma_start3A_32 : memref<10000x128xf32, #tpu.memory_space<hbm>>) target(%arg8 : memref<128x128xf32, #tpu.memory_space<vmem>>) offsets(%arg7 : memref<128xi32, #tpu.memory_space<vmem>>) semaphore(%arg11 : memref<!tpu.dma_semaphore, #tpu.memory_space<semaphore_mem>>)
      %dma_wait3A_33 = arith.constant 0 : i32
      %dma_wait3A_34 = arith.constant 0 : i32
      %dma_wait3A_35 = tpu.memref_slice %arg2[%dma_wait3A_33, %dma_wait3A_34] : memref<10000x128xf32, #tpu.memory_space<hbm>> -> memref<10000x128xf32, #tpu.memory_space<hbm>>
      tpu.wait_indirect_dma semaphore(%arg11 : memref<!tpu.dma_semaphore, #tpu.memory_space<semaphore_mem>>) src(%dma_wait3A_35 : memref<10000x128xf32, #tpu.memory_space<hbm>>) dst(%arg8 : memref<128x128xf32, #tpu.memory_space<vmem>>)
      "tpu.region"() ({
        %run_scoped3A = tpu.sem_alloc : memref<!tpu.dma_semaphore, #tpu.memory_space<semaphore_mem>>
        %dma_start3A_36 = arith.constant 0 : i32
        %dma_start3A_37 = tpu.memref_slice %arg6[%add3A_23, %dma_start3A_36] : memref<78080x128xf32, #tpu.memory_space<hbm>> -> memref<128x128xf32, #tpu.memory_space<hbm>>
        %dma_start3A_38 = arith.constant 0 : i32
        %dma_start3A_39 = tpu.memref_slice %arg6[%add3A_23, %dma_start3A_38] : memref<78080x128xf32, #tpu.memory_space<hbm>> -> memref<128x128xf32, #tpu.memory_space<hbm>>
        tpu.enqueue_dma source(%arg8 : memref<128x128xf32, #tpu.memory_space<vmem>>) target(%dma_start3A_39 : memref<128x128xf32, #tpu.memory_space<hbm>>) target_semaphore(%run_scoped3A : memref<!tpu.dma_semaphore, #tpu.memory_space<semaphore_mem>>)
        %dma_wait3A_40 = arith.constant 0 : i32
        %dma_wait3A_41 = tpu.memref_slice %arg6[%add3A_23, %dma_wait3A_40] : memref<78080x128xf32, #tpu.memory_space<hbm>> -> memref<128x128xf32, #tpu.memory_space<hbm>>
        %dma_wait3A_42 = arith.constant 0 : i32
        %dma_wait3A_43 = tpu.memref_slice %arg6[%add3A_23, %dma_wait3A_42] : memref<78080x128xf32, #tpu.memory_space<hbm>> -> memref<128x128xf32, #tpu.memory_space<hbm>>
        tpu.wait_dma2 semaphore(%run_scoped3A : memref<!tpu.dma_semaphore, #tpu.memory_space<semaphore_mem>>) src(%arg8 : memref<128x128xf32, #tpu.memory_space<vmem>>) dst(%dma_wait3A_43 : memref<128x128xf32, #tpu.memory_space<hbm>>)
        tpu.yield
      }) : () -> ()
    }
    %scan3A_7 = arith.constant 19 : i32
    %add3A_8 = arith.constant 2432 : i32
    %add3A_9 = arith.addi %mul3A_2, %add3A_8 : i32
    "tpu.region"() ({
      %run_scoped3A = tpu.sem_alloc : memref<!tpu.dma_semaphore, #tpu.memory_space<semaphore_mem>>
      %dma_start3A_20 = tpu.memref_slice %arg3[%add3A_9] : memref<78080xi32, #tpu.memory_space<hbm>> -> memref<8xi32, #tpu.memory_space<hbm>>
      %dma_start3A_21 = tpu.memref_slice %arg3[%add3A_9] : memref<78080xi32, #tpu.memory_space<hbm>> -> memref<8xi32, #tpu.memory_space<hbm>>
      tpu.enqueue_dma source(%dma_start3A_21 : memref<8xi32, #tpu.memory_space<hbm>>) target(%arg9 : memref<8xi32, #tpu.memory_space<vmem>>) target_semaphore(%run_scoped3A : memref<!tpu.dma_semaphore, #tpu.memory_space<semaphore_mem>>)
      %dma_wait3A_22 = tpu.memref_slice %arg3[%add3A_9] : memref<78080xi32, #tpu.memory_space<hbm>> -> memref<8xi32, #tpu.memory_space<hbm>>
      %dma_wait3A_23 = tpu.memref_slice %arg3[%add3A_9] : memref<78080xi32, #tpu.memory_space<hbm>> -> memref<8xi32, #tpu.memory_space<hbm>>
      tpu.wait_dma2 semaphore(%run_scoped3A : memref<!tpu.dma_semaphore, #tpu.memory_space<semaphore_mem>>) src(%dma_wait3A_23 : memref<8xi32, #tpu.memory_space<hbm>>) dst(%arg9 : memref<8xi32, #tpu.memory_space<vmem>>)
      tpu.yield
    }) : () -> ()
    %dma_start3A = arith.constant 0 : i32
    %dma_start3A_10 = arith.constant 0 : i32
    %dma_start3A_11 = tpu.memref_slice %arg2[%dma_start3A, %dma_start3A_10] : memref<10000x128xf32, #tpu.memory_space<hbm>> -> memref<10000x128xf32, #tpu.memory_space<hbm>>
    tpu.enqueue_indirect_dma source(%dma_start3A_11 : memref<10000x128xf32, #tpu.memory_space<hbm>>) target(%arg10 : memref<8x128xf32, #tpu.memory_space<vmem>>) offsets(%arg9 : memref<8xi32, #tpu.memory_space<vmem>>) semaphore(%arg11 : memref<!tpu.dma_semaphore, #tpu.memory_space<semaphore_mem>>)
    %dma_wait3A = arith.constant 0 : i32
    %dma_wait3A_12 = arith.constant 0 : i32
    %dma_wait3A_13 = tpu.memref_slice %arg2[%dma_wait3A, %dma_wait3A_12] : memref<10000x128xf32, #tpu.memory_space<hbm>> -> memref<10000x128xf32, #tpu.memory_space<hbm>>
    tpu.wait_indirect_dma semaphore(%arg11 : memref<!tpu.dma_semaphore, #tpu.memory_space<semaphore_mem>>) src(%dma_wait3A_13 : memref<10000x128xf32, #tpu.memory_space<hbm>>) dst(%arg10 : memref<8x128xf32, #tpu.memory_space<vmem>>)
    "tpu.region"() ({
      %run_scoped3A = tpu.sem_alloc : memref<!tpu.dma_semaphore, #tpu.memory_space<semaphore_mem>>
      %dma_start3A_20 = arith.constant 0 : i32
      %dma_start3A_21 = tpu.memref_slice %arg5[%add3A_9, %dma_start3A_20] : memref<78080x128xf32, #tpu.memory_space<hbm>> -> memref<8x128xf32, #tpu.memory_space<hbm>>
      %dma_start3A_22 = arith.constant 0 : i32
      %dma_start3A_23 = tpu.memref_slice %arg5[%add3A_9, %dma_start3A_22] : memref<78080x128xf32, #tpu.memory_space<hbm>> -> memref<8x128xf32, #tpu.memory_space<hbm>>
      tpu.enqueue_dma source(%arg10 : memref<8x128xf32, #tpu.memory_space<vmem>>) target(%dma_start3A_23 : memref<8x128xf32, #tpu.memory_space<hbm>>) target_semaphore(%run_scoped3A : memref<!tpu.dma_semaphore, #tpu.memory_space<semaphore_mem>>)
      %dma_wait3A_24 = arith.constant 0 : i32
      %dma_wait3A_25 = tpu.memref_slice %arg5[%add3A_9, %dma_wait3A_24] : memref<78080x128xf32, #tpu.memory_space<hbm>> -> memref<8x128xf32, #tpu.memory_space<hbm>>
      %dma_wait3A_26 = arith.constant 0 : i32
      %dma_wait3A_27 = tpu.memref_slice %arg5[%add3A_9, %dma_wait3A_26] : memref<78080x128xf32, #tpu.memory_space<hbm>> -> memref<8x128xf32, #tpu.memory_space<hbm>>
      tpu.wait_dma2 semaphore(%run_scoped3A : memref<!tpu.dma_semaphore, #tpu.memory_space<semaphore_mem>>) src(%arg10 : memref<8x128xf32, #tpu.memory_space<vmem>>) dst(%dma_wait3A_27 : memref<8x128xf32, #tpu.memory_space<hbm>>)
      tpu.yield
    }) : () -> ()
    "tpu.region"() ({
      %run_scoped3A = tpu.sem_alloc : memref<!tpu.dma_semaphore, #tpu.memory_space<semaphore_mem>>
      %dma_start3A_20 = tpu.memref_slice %arg4[%add3A_9] : memref<78080xi32, #tpu.memory_space<hbm>> -> memref<8xi32, #tpu.memory_space<hbm>>
      %dma_start3A_21 = tpu.memref_slice %arg4[%add3A_9] : memref<78080xi32, #tpu.memory_space<hbm>> -> memref<8xi32, #tpu.memory_space<hbm>>
      tpu.enqueue_dma source(%dma_start3A_21 : memref<8xi32, #tpu.memory_space<hbm>>) target(%arg9 : memref<8xi32, #tpu.memory_space<vmem>>) target_semaphore(%run_scoped3A : memref<!tpu.dma_semaphore, #tpu.memory_space<semaphore_mem>>)
      %dma_wait3A_22 = tpu.memref_slice %arg4[%add3A_9] : memref<78080xi32, #tpu.memory_space<hbm>> -> memref<8xi32, #tpu.memory_space<hbm>>
      %dma_wait3A_23 = tpu.memref_slice %arg4[%add3A_9] : memref<78080xi32, #tpu.memory_space<hbm>> -> memref<8xi32, #tpu.memory_space<hbm>>
      tpu.wait_dma2 semaphore(%run_scoped3A : memref<!tpu.dma_semaphore, #tpu.memory_space<semaphore_mem>>) src(%dma_wait3A_23 : memref<8xi32, #tpu.memory_space<hbm>>) dst(%arg9 : memref<8xi32, #tpu.memory_space<vmem>>)
      tpu.yield
    }) : () -> ()
    %dma_start3A_14 = arith.constant 0 : i32
    %dma_start3A_15 = arith.constant 0 : i32
    %dma_start3A_16 = tpu.memref_slice %arg2[%dma_start3A_14, %dma_start3A_15] : memref<10000x128xf32, #tpu.memory_space<hbm>> -> memref<10000x128xf32, #tpu.memory_space<hbm>>
    tpu.enqueue_indirect_dma source(%dma_start3A_16 : memref<10000x128xf32, #tpu.memory_space<hbm>>) target(%arg10 : memref<8x128xf32, #tpu.memory_space<vmem>>) offsets(%arg9 : memref<8xi32, #tpu.memory_space<vmem>>) semaphore(%arg11 : memref<!tpu.dma_semaphore, #tpu.memory_space<semaphore_mem>>)
    %dma_wait3A_17 = arith.constant 0 : i32
    %dma_wait3A_18 = arith.constant 0 : i32
    %dma_wait3A_19 = tpu.memref_slice %arg2[%dma_wait3A_17, %dma_wait3A_18] : memref<10000x128xf32, #tpu.memory_space<hbm>> -> memref<10000x128xf32, #tpu.memory_space<hbm>>
    tpu.wait_indirect_dma semaphore(%arg11 : memref<!tpu.dma_semaphore, #tpu.memory_space<semaphore_mem>>) src(%dma_wait3A_19 : memref<10000x128xf32, #tpu.memory_space<hbm>>) dst(%arg10 : memref<8x128xf32, #tpu.memory_space<vmem>>)
    "tpu.region"() ({
      %run_scoped3A = tpu.sem_alloc : memref<!tpu.dma_semaphore, #tpu.memory_space<semaphore_mem>>
      %dma_start3A_20 = arith.constant 0 : i32
      %dma_start3A_21 = tpu.memref_slice %arg6[%add3A_9, %dma_start3A_20] : memref<78080x128xf32, #tpu.memory_space<hbm>> -> memref<8x128xf32, #tpu.memory_space<hbm>>
      %dma_start3A_22 = arith.constant 0 : i32
      %dma_start3A_23 = tpu.memref_slice %arg6[%add3A_9, %dma_start3A_22] : memref<78080x128xf32, #tpu.memory_space<hbm>> -> memref<8x128xf32, #tpu.memory_space<hbm>>
      tpu.enqueue_dma source(%arg10 : memref<8x128xf32, #tpu.memory_space<vmem>>) target(%dma_start3A_23 : memref<8x128xf32, #tpu.memory_space<hbm>>) target_semaphore(%run_scoped3A : memref<!tpu.dma_semaphore, #tpu.memory_space<semaphore_mem>>)
      %dma_wait3A_24 = arith.constant 0 : i32
      %dma_wait3A_25 = tpu.memref_slice %arg6[%add3A_9, %dma_wait3A_24] : memref<78080x128xf32, #tpu.memory_space<hbm>> -> memref<8x128xf32, #tpu.memory_space<hbm>>
      %dma_wait3A_26 = arith.constant 0 : i32
      %dma_wait3A_27 = tpu.memref_slice %arg6[%add3A_9, %dma_wait3A_26] : memref<78080x128xf32, #tpu.memory_space<hbm>> -> memref<8x128xf32, #tpu.memory_space<hbm>>
      tpu.wait_dma2 semaphore(%run_scoped3A : memref<!tpu.dma_semaphore, #tpu.memory_space<semaphore_mem>>) src(%arg10 : memref<8x128xf32, #tpu.memory_space<vmem>>) dst(%dma_wait3A_27 : memref<8x128xf32, #tpu.memory_space<hbm>>)
      tpu.yield
    }) : () -> ()
    return
  }
}

#map = affine_map<(d0, d1) -> (0, 0)>
#map1 = affine_map<(d0, d1) -> (0)>
module attributes {stable_mosaic.version = 14 : i64} {
  func.func @body_fn(%arg0: i32, %arg1: i32, %arg2: memref<10000x128xf32, #tpu.memory_space<hbm>>, %arg3: memref<81920xi32, #tpu.memory_space<hbm>>, %arg4: memref<81920xi32, #tpu.memory_space<hbm>>, %arg5: memref<81920x128xf32, #tpu.memory_space<hbm>>, %arg6: memref<81920x128xf32, #tpu.memory_space<hbm>>, %arg7: memref<128xi32, #tpu.memory_space<vmem>>, %arg8: memref<128x128xf32, #tpu.memory_space<vmem>>, %arg9: memref<8xi32, #tpu.memory_space<vmem>>, %arg10: memref<8x128xf32, #tpu.memory_space<vmem>>, %arg11: memref<!tpu.dma_semaphore, #tpu.memory_space<semaphore_mem>>) attributes {dimension_semantics = [#tpu.dimension_semantics<core_parallel>, #tpu.dimension_semantics<subcore_parallel>], iteration_bounds = array<i64: 2, 16>, scalar_prefetch = 0 : i64, scratch_operands = 5 : i64, tpu.core_type = #tpu.core_type<sc_vector_subcore>, window_params = [{transform_indices = #map}, {transform_indices = #map1}, {transform_indices = #map1}, {transform_indices = #map}, {transform_indices = #map}]} {
    %mul3A = arith.constant 2 : i32
    %mul3A_0 = arith.muli %arg1, %mul3A : i32
    %add3A = arith.addi %mul3A_0, %arg0 : i32
    %mul3A_1 = arith.constant 2560 : i32
    %mul3A_2 = arith.muli %add3A, %mul3A_1 : i32
    %scan3A = arith.constant 0 : i32
    %scan3A_3 = arith.constant 0 : i32
    %scan3A_4 = arith.constant 20 : i32
    %scan3A_5 = arith.addi %scan3A_3, %scan3A_4 : i32
    %scan3A_6 = arith.constant 1 : i32
    scf.for %scan3A_8 = %scan3A_3 to %scan3A_5 step %scan3A_6  : i32 {
      %mul3A_9 = arith.constant 128 : i32
      %mul3A_10 = arith.muli %scan3A_8, %mul3A_9 : i32
      %add3A_11 = arith.addi %mul3A_2, %mul3A_10 : i32
      "tpu.region"() ({
        %run_scoped3A = tpu.sem_alloc : memref<!tpu.dma_semaphore, #tpu.memory_space<semaphore_mem>>
        %dma_start3A_22 = tpu.memref_slice %arg3[%add3A_11] : memref<81920xi32, #tpu.memory_space<hbm>> -> memref<128xi32, #tpu.memory_space<hbm>>
        %dma_start3A_23 = tpu.memref_slice %arg3[%add3A_11] : memref<81920xi32, #tpu.memory_space<hbm>> -> memref<128xi32, #tpu.memory_space<hbm>>
        tpu.enqueue_dma source(%dma_start3A_23 : memref<128xi32, #tpu.memory_space<hbm>>) target(%arg7 : memref<128xi32, #tpu.memory_space<vmem>>) target_semaphore(%run_scoped3A : memref<!tpu.dma_semaphore, #tpu.memory_space<semaphore_mem>>)
        %dma_wait3A_24 = tpu.memref_slice %arg3[%add3A_11] : memref<81920xi32, #tpu.memory_space<hbm>> -> memref<128xi32, #tpu.memory_space<hbm>>
        %dma_wait3A_25 = tpu.memref_slice %arg3[%add3A_11] : memref<81920xi32, #tpu.memory_space<hbm>> -> memref<128xi32, #tpu.memory_space<hbm>>
        tpu.wait_dma2 semaphore(%run_scoped3A : memref<!tpu.dma_semaphore, #tpu.memory_space<semaphore_mem>>) src(%dma_wait3A_25 : memref<128xi32, #tpu.memory_space<hbm>>) dst(%arg7 : memref<128xi32, #tpu.memory_space<vmem>>)
        tpu.yield
      }) : () -> ()
      %dma_start3A = arith.constant 0 : i32
      %dma_start3A_12 = arith.constant 0 : i32
      %dma_start3A_13 = tpu.memref_slice %arg2[%dma_start3A, %dma_start3A_12] : memref<10000x128xf32, #tpu.memory_space<hbm>> -> memref<10000x128xf32, #tpu.memory_space<hbm>>
      tpu.enqueue_indirect_dma source(%dma_start3A_13 : memref<10000x128xf32, #tpu.memory_space<hbm>>) target(%arg8 : memref<128x128xf32, #tpu.memory_space<vmem>>) offsets(%arg7 : memref<128xi32, #tpu.memory_space<vmem>>) semaphore(%arg11 : memref<!tpu.dma_semaphore, #tpu.memory_space<semaphore_mem>>)
      %dma_wait3A = arith.constant 0 : i32
      %dma_wait3A_14 = arith.constant 0 : i32
      %dma_wait3A_15 = tpu.memref_slice %arg2[%dma_wait3A, %dma_wait3A_14] : memref<10000x128xf32, #tpu.memory_space<hbm>> -> memref<10000x128xf32, #tpu.memory_space<hbm>>
      tpu.wait_indirect_dma semaphore(%arg11 : memref<!tpu.dma_semaphore, #tpu.memory_space<semaphore_mem>>) src(%dma_wait3A_15 : memref<10000x128xf32, #tpu.memory_space<hbm>>) dst(%arg8 : memref<128x128xf32, #tpu.memory_space<vmem>>)
      "tpu.region"() ({
        %run_scoped3A = tpu.sem_alloc : memref<!tpu.dma_semaphore, #tpu.memory_space<semaphore_mem>>
        %dma_start3A_22 = arith.constant 0 : i32
        %dma_start3A_23 = tpu.memref_slice %arg5[%add3A_11, %dma_start3A_22] : memref<81920x128xf32, #tpu.memory_space<hbm>> -> memref<128x128xf32, #tpu.memory_space<hbm>>
        %dma_start3A_24 = arith.constant 0 : i32
        %dma_start3A_25 = tpu.memref_slice %arg5[%add3A_11, %dma_start3A_24] : memref<81920x128xf32, #tpu.memory_space<hbm>> -> memref<128x128xf32, #tpu.memory_space<hbm>>
        tpu.enqueue_dma source(%arg8 : memref<128x128xf32, #tpu.memory_space<vmem>>) target(%dma_start3A_25 : memref<128x128xf32, #tpu.memory_space<hbm>>) target_semaphore(%run_scoped3A : memref<!tpu.dma_semaphore, #tpu.memory_space<semaphore_mem>>)
        %dma_wait3A_26 = arith.constant 0 : i32
        %dma_wait3A_27 = tpu.memref_slice %arg5[%add3A_11, %dma_wait3A_26] : memref<81920x128xf32, #tpu.memory_space<hbm>> -> memref<128x128xf32, #tpu.memory_space<hbm>>
        %dma_wait3A_28 = arith.constant 0 : i32
        %dma_wait3A_29 = tpu.memref_slice %arg5[%add3A_11, %dma_wait3A_28] : memref<81920x128xf32, #tpu.memory_space<hbm>> -> memref<128x128xf32, #tpu.memory_space<hbm>>
        tpu.wait_dma2 semaphore(%run_scoped3A : memref<!tpu.dma_semaphore, #tpu.memory_space<semaphore_mem>>) src(%arg8 : memref<128x128xf32, #tpu.memory_space<vmem>>) dst(%dma_wait3A_29 : memref<128x128xf32, #tpu.memory_space<hbm>>)
        tpu.yield
      }) : () -> ()
      "tpu.region"() ({
        %run_scoped3A = tpu.sem_alloc : memref<!tpu.dma_semaphore, #tpu.memory_space<semaphore_mem>>
        %dma_start3A_22 = tpu.memref_slice %arg4[%add3A_11] : memref<81920xi32, #tpu.memory_space<hbm>> -> memref<128xi32, #tpu.memory_space<hbm>>
        %dma_start3A_23 = tpu.memref_slice %arg4[%add3A_11] : memref<81920xi32, #tpu.memory_space<hbm>> -> memref<128xi32, #tpu.memory_space<hbm>>
        tpu.enqueue_dma source(%dma_start3A_23 : memref<128xi32, #tpu.memory_space<hbm>>) target(%arg7 : memref<128xi32, #tpu.memory_space<vmem>>) target_semaphore(%run_scoped3A : memref<!tpu.dma_semaphore, #tpu.memory_space<semaphore_mem>>)
        %dma_wait3A_24 = tpu.memref_slice %arg4[%add3A_11] : memref<81920xi32, #tpu.memory_space<hbm>> -> memref<128xi32, #tpu.memory_space<hbm>>
        %dma_wait3A_25 = tpu.memref_slice %arg4[%add3A_11] : memref<81920xi32, #tpu.memory_space<hbm>> -> memref<128xi32, #tpu.memory_space<hbm>>
        tpu.wait_dma2 semaphore(%run_scoped3A : memref<!tpu.dma_semaphore, #tpu.memory_space<semaphore_mem>>) src(%dma_wait3A_25 : memref<128xi32, #tpu.memory_space<hbm>>) dst(%arg7 : memref<128xi32, #tpu.memory_space<vmem>>)
        tpu.yield
      }) : () -> ()
      %dma_start3A_16 = arith.constant 0 : i32
      %dma_start3A_17 = arith.constant 0 : i32
      %dma_start3A_18 = tpu.memref_slice %arg2[%dma_start3A_16, %dma_start3A_17] : memref<10000x128xf32, #tpu.memory_space<hbm>> -> memref<10000x128xf32, #tpu.memory_space<hbm>>
      tpu.enqueue_indirect_dma source(%dma_start3A_18 : memref<10000x128xf32, #tpu.memory_space<hbm>>) target(%arg8 : memref<128x128xf32, #tpu.memory_space<vmem>>) offsets(%arg7 : memref<128xi32, #tpu.memory_space<vmem>>) semaphore(%arg11 : memref<!tpu.dma_semaphore, #tpu.memory_space<semaphore_mem>>)
      %dma_wait3A_19 = arith.constant 0 : i32
      %dma_wait3A_20 = arith.constant 0 : i32
      %dma_wait3A_21 = tpu.memref_slice %arg2[%dma_wait3A_19, %dma_wait3A_20] : memref<10000x128xf32, #tpu.memory_space<hbm>> -> memref<10000x128xf32, #tpu.memory_space<hbm>>
      tpu.wait_indirect_dma semaphore(%arg11 : memref<!tpu.dma_semaphore, #tpu.memory_space<semaphore_mem>>) src(%dma_wait3A_21 : memref<10000x128xf32, #tpu.memory_space<hbm>>) dst(%arg8 : memref<128x128xf32, #tpu.memory_space<vmem>>)
      "tpu.region"() ({
        %run_scoped3A = tpu.sem_alloc : memref<!tpu.dma_semaphore, #tpu.memory_space<semaphore_mem>>
        %dma_start3A_22 = arith.constant 0 : i32
        %dma_start3A_23 = tpu.memref_slice %arg6[%add3A_11, %dma_start3A_22] : memref<81920x128xf32, #tpu.memory_space<hbm>> -> memref<128x128xf32, #tpu.memory_space<hbm>>
        %dma_start3A_24 = arith.constant 0 : i32
        %dma_start3A_25 = tpu.memref_slice %arg6[%add3A_11, %dma_start3A_24] : memref<81920x128xf32, #tpu.memory_space<hbm>> -> memref<128x128xf32, #tpu.memory_space<hbm>>
        tpu.enqueue_dma source(%arg8 : memref<128x128xf32, #tpu.memory_space<vmem>>) target(%dma_start3A_25 : memref<128x128xf32, #tpu.memory_space<hbm>>) target_semaphore(%run_scoped3A : memref<!tpu.dma_semaphore, #tpu.memory_space<semaphore_mem>>)
        %dma_wait3A_26 = arith.constant 0 : i32
        %dma_wait3A_27 = tpu.memref_slice %arg6[%add3A_11, %dma_wait3A_26] : memref<81920x128xf32, #tpu.memory_space<hbm>> -> memref<128x128xf32, #tpu.memory_space<hbm>>
        %dma_wait3A_28 = arith.constant 0 : i32
        %dma_wait3A_29 = tpu.memref_slice %arg6[%add3A_11, %dma_wait3A_28] : memref<81920x128xf32, #tpu.memory_space<hbm>> -> memref<128x128xf32, #tpu.memory_space<hbm>>
        tpu.wait_dma2 semaphore(%run_scoped3A : memref<!tpu.dma_semaphore, #tpu.memory_space<semaphore_mem>>) src(%arg8 : memref<128x128xf32, #tpu.memory_space<vmem>>) dst(%dma_wait3A_29 : memref<128x128xf32, #tpu.memory_space<hbm>>)
        tpu.yield
      }) : () -> ()
    }
    %scan3A_7 = arith.constant 20 : i32
    return
  }
}

#map = affine_map<(d0, d1) -> (0, 0)>
#map1 = affine_map<(d0, d1) -> (0)>
#map2 = affine_map<(d0, d1) -> (0, 0, 0)>
module attributes {stable_mosaic.version = 14 : i64} {
  func.func @body_fn(%arg0: i32, %arg1: i32, %arg2: memref<78080x144xf32, #tpu.memory_space<hbm>>, %arg3: memref<78080xi32, #tpu.memory_space<hbm>>, %arg4: memref<128x144xf32, #tpu.memory_space<hbm>>, %arg5: memref<2x10240x144xf32, #tpu.memory_space<hbm>>, %arg6: memref<128xi32, #tpu.memory_space<vmem>>, %arg7: memref<128x144xf32, #tpu.memory_space<vmem>>, %arg8: memref<8xi32, #tpu.memory_space<vmem>>, %arg9: memref<8x144xf32, #tpu.memory_space<vmem>>, %arg10: memref<128x144xf32, #tpu.memory_space<vmem>>, %arg11: memref<10240x144xf32, #tpu.memory_space<vmem_shared>>, %arg12: memref<!tpu.dma_semaphore, #tpu.memory_space<semaphore_mem>>) attributes {dimension_semantics = [#tpu.dimension_semantics<core_parallel>, #tpu.dimension_semantics<subcore_parallel>], iteration_bounds = array<i64: 2, 16>, scalar_prefetch = 0 : i64, scratch_operands = 7 : i64, tpu.core_type = #tpu.core_type<sc_vector_subcore>, window_params = [{transform_indices = #map}, {transform_indices = #map1}, {transform_indices = #map}, {transform_indices = #map2}]} {
    %mul3A = arith.constant 2 : i32
    %mul3A_0 = arith.muli %arg1, %mul3A : i32
    %add3A = arith.addi %mul3A_0, %arg0 : i32
    "tpu.region"() ({
      %run_scoped3A = tpu.sem_alloc : memref<!tpu.dma_semaphore, #tpu.memory_space<semaphore_mem>>
      tpu.enqueue_dma source(%arg4 : memref<128x144xf32, #tpu.memory_space<hbm>>) target(%arg10 : memref<128x144xf32, #tpu.memory_space<vmem>>) target_semaphore(%run_scoped3A : memref<!tpu.dma_semaphore, #tpu.memory_space<semaphore_mem>>)
      tpu.wait_dma2 semaphore(%run_scoped3A : memref<!tpu.dma_semaphore, #tpu.memory_space<semaphore_mem>>) src(%arg4 : memref<128x144xf32, #tpu.memory_space<hbm>>) dst(%arg10 : memref<128x144xf32, #tpu.memory_space<vmem>>)
      tpu.yield
    }) : () -> ()
    %scan3A = arith.constant 0 : i32
    %scan3A_1 = arith.constant 0 : i32
    %scan3A_2 = arith.constant 5 : i32
    %scan3A_3 = arith.addi %scan3A_1, %scan3A_2 : i32
    %scan3A_4 = arith.constant 1 : i32
    scf.for %scan3A_33 = %scan3A_1 to %scan3A_3 step %scan3A_4  : i32 {
      %mul3A_34 = arith.constant 640 : i32
      %mul3A_35 = arith.muli %arg1, %mul3A_34 : i32
      %mul3A_36 = arith.constant 128 : i32
      %mul3A_37 = arith.muli %scan3A_33, %mul3A_36 : i32
      %add3A_38 = arith.addi %mul3A_35, %mul3A_37 : i32
      "tpu.region"() ({
        %run_scoped3A = tpu.sem_alloc : memref<!tpu.dma_semaphore, #tpu.memory_space<semaphore_mem>>
        %dma_start3A_39 = arith.constant 0 : i32
        %dma_start3A_40 = tpu.memref_slice %arg11[%add3A_38, %dma_start3A_39] : memref<10240x144xf32, #tpu.memory_space<vmem_shared>> -> memref<128x144xf32, #tpu.memory_space<vmem_shared>>
        %dma_start3A_41 = arith.constant 0 : i32
        %dma_start3A_42 = tpu.memref_slice %arg11[%add3A_38, %dma_start3A_41] : memref<10240x144xf32, #tpu.memory_space<vmem_shared>> -> memref<128x144xf32, #tpu.memory_space<vmem_shared>>
        tpu.enqueue_dma source(%arg10 : memref<128x144xf32, #tpu.memory_space<vmem>>) target(%dma_start3A_42 : memref<128x144xf32, #tpu.memory_space<vmem_shared>>) target_semaphore(%run_scoped3A : memref<!tpu.dma_semaphore, #tpu.memory_space<semaphore_mem>>)
        %dma_wait3A_43 = arith.constant 0 : i32
        %dma_wait3A_44 = tpu.memref_slice %arg11[%add3A_38, %dma_wait3A_43] : memref<10240x144xf32, #tpu.memory_space<vmem_shared>> -> memref<128x144xf32, #tpu.memory_space<vmem_shared>>
        %dma_wait3A_45 = arith.constant 0 : i32
        %dma_wait3A_46 = tpu.memref_slice %arg11[%add3A_38, %dma_wait3A_45] : memref<10240x144xf32, #tpu.memory_space<vmem_shared>> -> memref<128x144xf32, #tpu.memory_space<vmem_shared>>
        tpu.wait_dma2 semaphore(%run_scoped3A : memref<!tpu.dma_semaphore, #tpu.memory_space<semaphore_mem>>) src(%arg10 : memref<128x144xf32, #tpu.memory_space<vmem>>) dst(%dma_wait3A_46 : memref<128x144xf32, #tpu.memory_space<vmem_shared>>)
        tpu.yield
      }) : () -> ()
    }
    %scan3A_5 = arith.constant 5 : i32
    %barrier3A = arith.constant 0 : index
    tpu.barrier barrier_id(%barrier3A)
    %mul3A_6 = arith.constant 2440 : i32
    %mul3A_7 = arith.muli %add3A, %mul3A_6 : i32
    %scan3A_8 = arith.constant 0 : i32
    %scan3A_9 = arith.constant 0 : i32
    %scan3A_10 = arith.constant 19 : i32
    %scan3A_11 = arith.addi %scan3A_9, %scan3A_10 : i32
    %scan3A_12 = arith.constant 1 : i32
    scf.for %scan3A_33 = %scan3A_9 to %scan3A_11 step %scan3A_12  : i32 {
      %mul3A_34 = arith.constant 128 : i32
      %mul3A_35 = arith.muli %scan3A_33, %mul3A_34 : i32
      %add3A_36 = arith.addi %mul3A_7, %mul3A_35 : i32
      %dma_start3A_37 = tpu.memref_slice %arg3[%add3A_36] : memref<78080xi32, #tpu.memory_space<hbm>> -> memref<128xi32, #tpu.memory_space<hbm>>
      %dma_start3A_38 = tpu.memref_slice %arg3[%add3A_36] : memref<78080xi32, #tpu.memory_space<hbm>> -> memref<128xi32, #tpu.memory_space<hbm>>
      tpu.enqueue_dma source(%dma_start3A_38 : memref<128xi32, #tpu.memory_space<hbm>>) target(%arg6 : memref<128xi32, #tpu.memory_space<vmem>>) target_semaphore(%arg12 : memref<!tpu.dma_semaphore, #tpu.memory_space<semaphore_mem>>)
      %dma_start3A_39 = arith.constant 0 : i32
      %dma_start3A_40 = tpu.memref_slice %arg2[%add3A_36, %dma_start3A_39] : memref<78080x144xf32, #tpu.memory_space<hbm>> -> memref<128x144xf32, #tpu.memory_space<hbm>>
      %dma_start3A_41 = arith.constant 0 : i32
      %dma_start3A_42 = tpu.memref_slice %arg2[%add3A_36, %dma_start3A_41] : memref<78080x144xf32, #tpu.memory_space<hbm>> -> memref<128x144xf32, #tpu.memory_space<hbm>>
      tpu.enqueue_dma source(%dma_start3A_42 : memref<128x144xf32, #tpu.memory_space<hbm>>) target(%arg7 : memref<128x144xf32, #tpu.memory_space<vmem>>) target_semaphore(%arg12 : memref<!tpu.dma_semaphore, #tpu.memory_space<semaphore_mem>>)
      %dma_wait3A_43 = tpu.memref_slice %arg3[%add3A_36] : memref<78080xi32, #tpu.memory_space<hbm>> -> memref<128xi32, #tpu.memory_space<hbm>>
      %dma_wait3A_44 = tpu.memref_slice %arg3[%add3A_36] : memref<78080xi32, #tpu.memory_space<hbm>> -> memref<128xi32, #tpu.memory_space<hbm>>
      tpu.wait_dma2 semaphore(%arg12 : memref<!tpu.dma_semaphore, #tpu.memory_space<semaphore_mem>>) src(%dma_wait3A_44 : memref<128xi32, #tpu.memory_space<hbm>>) dst(%arg6 : memref<128xi32, #tpu.memory_space<vmem>>)
      %dma_wait3A_45 = arith.constant 0 : i32
      %dma_wait3A_46 = tpu.memref_slice %arg2[%add3A_36, %dma_wait3A_45] : memref<78080x144xf32, #tpu.memory_space<hbm>> -> memref<128x144xf32, #tpu.memory_space<hbm>>
      %dma_wait3A_47 = arith.constant 0 : i32
      %dma_wait3A_48 = tpu.memref_slice %arg2[%add3A_36, %dma_wait3A_47] : memref<78080x144xf32, #tpu.memory_space<hbm>> -> memref<128x144xf32, #tpu.memory_space<hbm>>
      tpu.wait_dma2 semaphore(%arg12 : memref<!tpu.dma_semaphore, #tpu.memory_space<semaphore_mem>>) src(%dma_wait3A_48 : memref<128x144xf32, #tpu.memory_space<hbm>>) dst(%arg7 : memref<128x144xf32, #tpu.memory_space<vmem>>)
      "tpu.region"() ({
        %run_scoped3A = tpu.sem_alloc : memref<!tpu.dma_semaphore, #tpu.memory_space<semaphore_mem>>
        %dma_start3A_49 = arith.constant 0 : i32
        %dma_start3A_50 = arith.constant 0 : i32
        %dma_start3A_51 = tpu.memref_slice %arg11[%dma_start3A_49, %dma_start3A_50] : memref<10240x144xf32, #tpu.memory_space<vmem_shared>> -> memref<10240x144xf32, #tpu.memory_space<vmem_shared>>
        tpu.enqueue_indirect_dma source(%arg7 : memref<128x144xf32, #tpu.memory_space<vmem>>) target(%dma_start3A_51 : memref<10240x144xf32, #tpu.memory_space<vmem_shared>>) offsets(%arg6 : memref<128xi32, #tpu.memory_space<vmem>>) semaphore(%run_scoped3A : memref<!tpu.dma_semaphore, #tpu.memory_space<semaphore_mem>>) {add = true}
        %dma_wait3A_52 = arith.constant 0 : i32
        %dma_wait3A_53 = arith.constant 0 : i32
        %dma_wait3A_54 = tpu.memref_slice %arg11[%dma_wait3A_52, %dma_wait3A_53] : memref<10240x144xf32, #tpu.memory_space<vmem_shared>> -> memref<10240x144xf32, #tpu.memory_space<vmem_shared>>
        tpu.wait_indirect_dma semaphore(%run_scoped3A : memref<!tpu.dma_semaphore, #tpu.memory_space<semaphore_mem>>) src(%arg7 : memref<128x144xf32, #tpu.memory_space<vmem>>) dst(%dma_wait3A_54 : memref<10240x144xf32, #tpu.memory_space<vmem_shared>>)
        tpu.yield
      }) : () -> ()
    }
    %scan3A_13 = arith.constant 19 : i32
    %add3A_14 = arith.constant 2432 : i32
    %add3A_15 = arith.addi %mul3A_7, %add3A_14 : i32
    %dma_start3A = tpu.memref_slice %arg3[%add3A_15] : memref<78080xi32, #tpu.memory_space<hbm>> -> memref<8xi32, #tpu.memory_space<hbm>>
    %dma_start3A_16 = tpu.memref_slice %arg3[%add3A_15] : memref<78080xi32, #tpu.memory_space<hbm>> -> memref<8xi32, #tpu.memory_space<hbm>>
    tpu.enqueue_dma source(%dma_start3A_16 : memref<8xi32, #tpu.memory_space<hbm>>) target(%arg8 : memref<8xi32, #tpu.memory_space<vmem>>) target_semaphore(%arg12 : memref<!tpu.dma_semaphore, #tpu.memory_space<semaphore_mem>>)
    %dma_start3A_17 = arith.constant 0 : i32
    %dma_start3A_18 = tpu.memref_slice %arg2[%add3A_15, %dma_start3A_17] : memref<78080x144xf32, #tpu.memory_space<hbm>> -> memref<8x144xf32, #tpu.memory_space<hbm>>
    %dma_start3A_19 = arith.constant 0 : i32
    %dma_start3A_20 = tpu.memref_slice %arg2[%add3A_15, %dma_start3A_19] : memref<78080x144xf32, #tpu.memory_space<hbm>> -> memref<8x144xf32, #tpu.memory_space<hbm>>
    tpu.enqueue_dma source(%dma_start3A_20 : memref<8x144xf32, #tpu.memory_space<hbm>>) target(%arg9 : memref<8x144xf32, #tpu.memory_space<vmem>>) target_semaphore(%arg12 : memref<!tpu.dma_semaphore, #tpu.memory_space<semaphore_mem>>)
    %dma_wait3A = tpu.memref_slice %arg3[%add3A_15] : memref<78080xi32, #tpu.memory_space<hbm>> -> memref<8xi32, #tpu.memory_space<hbm>>
    %dma_wait3A_21 = tpu.memref_slice %arg3[%add3A_15] : memref<78080xi32, #tpu.memory_space<hbm>> -> memref<8xi32, #tpu.memory_space<hbm>>
    tpu.wait_dma2 semaphore(%arg12 : memref<!tpu.dma_semaphore, #tpu.memory_space<semaphore_mem>>) src(%dma_wait3A_21 : memref<8xi32, #tpu.memory_space<hbm>>) dst(%arg8 : memref<8xi32, #tpu.memory_space<vmem>>)
    %dma_wait3A_22 = arith.constant 0 : i32
    %dma_wait3A_23 = tpu.memref_slice %arg2[%add3A_15, %dma_wait3A_22] : memref<78080x144xf32, #tpu.memory_space<hbm>> -> memref<8x144xf32, #tpu.memory_space<hbm>>
    %dma_wait3A_24 = arith.constant 0 : i32
    %dma_wait3A_25 = tpu.memref_slice %arg2[%add3A_15, %dma_wait3A_24] : memref<78080x144xf32, #tpu.memory_space<hbm>> -> memref<8x144xf32, #tpu.memory_space<hbm>>
    tpu.wait_dma2 semaphore(%arg12 : memref<!tpu.dma_semaphore, #tpu.memory_space<semaphore_mem>>) src(%dma_wait3A_25 : memref<8x144xf32, #tpu.memory_space<hbm>>) dst(%arg9 : memref<8x144xf32, #tpu.memory_space<vmem>>)
    "tpu.region"() ({
      %run_scoped3A = tpu.sem_alloc : memref<!tpu.dma_semaphore, #tpu.memory_space<semaphore_mem>>
      %dma_start3A_33 = arith.constant 0 : i32
      %dma_start3A_34 = arith.constant 0 : i32
      %dma_start3A_35 = tpu.memref_slice %arg11[%dma_start3A_33, %dma_start3A_34] : memref<10240x144xf32, #tpu.memory_space<vmem_shared>> -> memref<10240x144xf32, #tpu.memory_space<vmem_shared>>
      tpu.enqueue_indirect_dma source(%arg9 : memref<8x144xf32, #tpu.memory_space<vmem>>) target(%dma_start3A_35 : memref<10240x144xf32, #tpu.memory_space<vmem_shared>>) offsets(%arg8 : memref<8xi32, #tpu.memory_space<vmem>>) semaphore(%run_scoped3A : memref<!tpu.dma_semaphore, #tpu.memory_space<semaphore_mem>>) {add = true}
      %dma_wait3A_36 = arith.constant 0 : i32
      %dma_wait3A_37 = arith.constant 0 : i32
      %dma_wait3A_38 = tpu.memref_slice %arg11[%dma_wait3A_36, %dma_wait3A_37] : memref<10240x144xf32, #tpu.memory_space<vmem_shared>> -> memref<10240x144xf32, #tpu.memory_space<vmem_shared>>
      tpu.wait_indirect_dma semaphore(%run_scoped3A : memref<!tpu.dma_semaphore, #tpu.memory_space<semaphore_mem>>) src(%arg9 : memref<8x144xf32, #tpu.memory_space<vmem>>) dst(%dma_wait3A_38 : memref<10240x144xf32, #tpu.memory_space<vmem_shared>>)
      tpu.yield
    }) : () -> ()
    %barrier3A_26 = arith.constant 0 : index
    tpu.barrier barrier_id(%barrier3A_26)
    %scan3A_27 = arith.constant 0 : i32
    %scan3A_28 = arith.constant 0 : i32
    %scan3A_29 = arith.constant 5 : i32
    %scan3A_30 = arith.addi %scan3A_28, %scan3A_29 : i32
    %scan3A_31 = arith.constant 1 : i32
    scf.for %scan3A_33 = %scan3A_28 to %scan3A_30 step %scan3A_31  : i32 {
      %mul3A_34 = arith.constant 640 : i32
      %mul3A_35 = arith.muli %arg1, %mul3A_34 : i32
      %mul3A_36 = arith.constant 128 : i32
      %mul3A_37 = arith.muli %scan3A_33, %mul3A_36 : i32
      %add3A_38 = arith.addi %mul3A_35, %mul3A_37 : i32
      "tpu.region"() ({
        %run_scoped3A = tpu.sem_alloc : memref<!tpu.dma_semaphore, #tpu.memory_space<semaphore_mem>>
        %dma_start3A_39 = arith.constant 0 : i32
        %dma_start3A_40 = tpu.memref_slice %arg11[%add3A_38, %dma_start3A_39] : memref<10240x144xf32, #tpu.memory_space<vmem_shared>> -> memref<128x144xf32, #tpu.memory_space<vmem_shared>>
        %dma_start3A_41 = arith.constant 0 : i32
        %dma_start3A_42 = tpu.memref_slice %arg11[%add3A_38, %dma_start3A_41] : memref<10240x144xf32, #tpu.memory_space<vmem_shared>> -> memref<128x144xf32, #tpu.memory_space<vmem_shared>>
        tpu.enqueue_dma source(%dma_start3A_42 : memref<128x144xf32, #tpu.memory_space<vmem_shared>>) target(%arg10 : memref<128x144xf32, #tpu.memory_space<vmem>>) target_semaphore(%run_scoped3A : memref<!tpu.dma_semaphore, #tpu.memory_space<semaphore_mem>>)
        %dma_wait3A_43 = arith.constant 0 : i32
        %dma_wait3A_44 = tpu.memref_slice %arg11[%add3A_38, %dma_wait3A_43] : memref<10240x144xf32, #tpu.memory_space<vmem_shared>> -> memref<128x144xf32, #tpu.memory_space<vmem_shared>>
        %dma_wait3A_45 = arith.constant 0 : i32
        %dma_wait3A_46 = tpu.memref_slice %arg11[%add3A_38, %dma_wait3A_45] : memref<10240x144xf32, #tpu.memory_space<vmem_shared>> -> memref<128x144xf32, #tpu.memory_space<vmem_shared>>
        tpu.wait_dma2 semaphore(%run_scoped3A : memref<!tpu.dma_semaphore, #tpu.memory_space<semaphore_mem>>) src(%dma_wait3A_46 : memref<128x144xf32, #tpu.memory_space<vmem_shared>>) dst(%arg10 : memref<128x144xf32, #tpu.memory_space<vmem>>)
        tpu.yield
      }) : () -> ()
      "tpu.region"() ({
        %run_scoped3A = tpu.sem_alloc : memref<!tpu.dma_semaphore, #tpu.memory_space<semaphore_mem>>
        %dma_start3A_39 = arith.constant 0 : i32
        %dma_start3A_40 = tpu.memref_slice %arg5[%arg0, %add3A_38, %dma_start3A_39] : memref<2x10240x144xf32, #tpu.memory_space<hbm>> -> memref<1x128x144xf32, #tpu.memory_space<hbm>>
        %dma_start3A_41 = tpu.memref_squeeze %dma_start3A_40 : memref<1x128x144xf32, #tpu.memory_space<hbm>> -> memref<128x144xf32, #tpu.memory_space<hbm>>
        %dma_start3A_42 = arith.constant 0 : i32
        %dma_start3A_43 = tpu.memref_slice %arg5[%arg0, %add3A_38, %dma_start3A_42] : memref<2x10240x144xf32, #tpu.memory_space<hbm>> -> memref<1x128x144xf32, #tpu.memory_space<hbm>>
        %dma_start3A_44 = tpu.memref_squeeze %dma_start3A_43 : memref<1x128x144xf32, #tpu.memory_space<hbm>> -> memref<128x144xf32, #tpu.memory_space<hbm>>
        tpu.enqueue_dma source(%arg10 : memref<128x144xf32, #tpu.memory_space<vmem>>) target(%dma_start3A_44 : memref<128x144xf32, #tpu.memory_space<hbm>>) target_semaphore(%run_scoped3A : memref<!tpu.dma_semaphore, #tpu.memory_space<semaphore_mem>>)
        %dma_wait3A_45 = arith.constant 0 : i32
        %dma_wait3A_46 = tpu.memref_slice %arg5[%arg0, %add3A_38, %dma_wait3A_45] : memref<2x10240x144xf32, #tpu.memory_space<hbm>> -> memref<1x128x144xf32, #tpu.memory_space<hbm>>
        %dma_wait3A_47 = tpu.memref_squeeze %dma_wait3A_46 : memref<1x128x144xf32, #tpu.memory_space<hbm>> -> memref<128x144xf32, #tpu.memory_space<hbm>>
        %dma_wait3A_48 = arith.constant 0 : i32
        %dma_wait3A_49 = tpu.memref_slice %arg5[%arg0, %add3A_38, %dma_wait3A_48] : memref<2x10240x144xf32, #tpu.memory_space<hbm>> -> memref<1x128x144xf32, #tpu.memory_space<hbm>>
        %dma_wait3A_50 = tpu.memref_squeeze %dma_wait3A_49 : memref<1x128x144xf32, #tpu.memory_space<hbm>> -> memref<128x144xf32, #tpu.memory_space<hbm>>
        tpu.wait_dma2 semaphore(%run_scoped3A : memref<!tpu.dma_semaphore, #tpu.memory_space<semaphore_mem>>) src(%arg10 : memref<128x144xf32, #tpu.memory_space<vmem>>) dst(%dma_wait3A_50 : memref<128x144xf32, #tpu.memory_space<hbm>>)
        tpu.yield
      }) : () -> ()
    }
    %scan3A_32 = arith.constant 5 : i32
    return
  }
}

#map = affine_map<(d0, d1) -> (0, 0)>
#map1 = affine_map<(d0, d1) -> (0)>
module attributes {stable_mosaic.version = 14 : i64} {
  func.func @body_fn(%arg0: i32, %arg1: i32, %arg2: memref<10000x128xf32, #tpu.memory_space<hbm>>, %arg3: memref<81920xi32, #tpu.memory_space<hbm>>, %arg4: memref<81920xi32, #tpu.memory_space<hbm>>, %arg5: memref<81920x128xf32, #tpu.memory_space<hbm>>, %arg6: memref<81920x128xf32, #tpu.memory_space<hbm>>, %arg7: memref<128xi32, #tpu.memory_space<vmem>>, %arg8: memref<128x128xf32, #tpu.memory_space<vmem>>, %arg9: memref<8xi32, #tpu.memory_space<vmem>>, %arg10: memref<8x128xf32, #tpu.memory_space<vmem>>, %arg11: memref<!tpu.dma_semaphore, #tpu.memory_space<semaphore_mem>>) attributes {dimension_semantics = [#tpu.dimension_semantics<core_parallel>, #tpu.dimension_semantics<subcore_parallel>], iteration_bounds = array<i64: 2, 16>, scalar_prefetch = 0 : i64, scratch_operands = 5 : i64, tpu.core_type = #tpu.core_type<sc_vector_subcore>, window_params = [{transform_indices = #map}, {transform_indices = #map1}, {transform_indices = #map1}, {transform_indices = #map}, {transform_indices = #map}]} {
    %mul3A = arith.constant 2 : i32
    %mul3A_0 = arith.muli %arg1, %mul3A : i32
    %add3A = arith.addi %mul3A_0, %arg0 : i32
    %mul3A_1 = arith.constant 2560 : i32
    %mul3A_2 = arith.muli %add3A, %mul3A_1 : i32
    %scan3A = arith.constant 0 : i32
    %scan3A_3 = arith.constant 0 : i32
    %scan3A_4 = arith.constant 20 : i32
    %scan3A_5 = arith.addi %scan3A_3, %scan3A_4 : i32
    %scan3A_6 = arith.constant 1 : i32
    scf.for %scan3A_8 = %scan3A_3 to %scan3A_5 step %scan3A_6  : i32 {
      %mul3A_9 = arith.constant 128 : i32
      %mul3A_10 = arith.muli %scan3A_8, %mul3A_9 : i32
      %add3A_11 = arith.addi %mul3A_2, %mul3A_10 : i32
      "tpu.region"() ({
        %run_scoped3A = tpu.sem_alloc : memref<!tpu.dma_semaphore, #tpu.memory_space<semaphore_mem>>
        %dma_start3A_22 = tpu.memref_slice %arg3[%add3A_11] : memref<81920xi32, #tpu.memory_space<hbm>> -> memref<128xi32, #tpu.memory_space<hbm>>
        %dma_start3A_23 = tpu.memref_slice %arg3[%add3A_11] : memref<81920xi32, #tpu.memory_space<hbm>> -> memref<128xi32, #tpu.memory_space<hbm>>
        tpu.enqueue_dma source(%dma_start3A_23 : memref<128xi32, #tpu.memory_space<hbm>>) target(%arg7 : memref<128xi32, #tpu.memory_space<vmem>>) target_semaphore(%run_scoped3A : memref<!tpu.dma_semaphore, #tpu.memory_space<semaphore_mem>>)
        %dma_wait3A_24 = tpu.memref_slice %arg3[%add3A_11] : memref<81920xi32, #tpu.memory_space<hbm>> -> memref<128xi32, #tpu.memory_space<hbm>>
        %dma_wait3A_25 = tpu.memref_slice %arg3[%add3A_11] : memref<81920xi32, #tpu.memory_space<hbm>> -> memref<128xi32, #tpu.memory_space<hbm>>
        tpu.wait_dma2 semaphore(%run_scoped3A : memref<!tpu.dma_semaphore, #tpu.memory_space<semaphore_mem>>) src(%dma_wait3A_25 : memref<128xi32, #tpu.memory_space<hbm>>) dst(%arg7 : memref<128xi32, #tpu.memory_space<vmem>>)
        tpu.yield
      }) : () -> ()
      %dma_start3A = arith.constant 0 : i32
      %dma_start3A_12 = arith.constant 0 : i32
      %dma_start3A_13 = tpu.memref_slice %arg2[%dma_start3A, %dma_start3A_12] : memref<10000x128xf32, #tpu.memory_space<hbm>> -> memref<10000x128xf32, #tpu.memory_space<hbm>>
      tpu.enqueue_indirect_dma source(%dma_start3A_13 : memref<10000x128xf32, #tpu.memory_space<hbm>>) target(%arg8 : memref<128x128xf32, #tpu.memory_space<vmem>>) offsets(%arg7 : memref<128xi32, #tpu.memory_space<vmem>>) semaphore(%arg11 : memref<!tpu.dma_semaphore, #tpu.memory_space<semaphore_mem>>)
      %dma_wait3A = arith.constant 0 : i32
      %dma_wait3A_14 = arith.constant 0 : i32
      %dma_wait3A_15 = tpu.memref_slice %arg2[%dma_wait3A, %dma_wait3A_14] : memref<10000x128xf32, #tpu.memory_space<hbm>> -> memref<10000x128xf32, #tpu.memory_space<hbm>>
      tpu.wait_indirect_dma semaphore(%arg11 : memref<!tpu.dma_semaphore, #tpu.memory_space<semaphore_mem>>) src(%dma_wait3A_15 : memref<10000x128xf32, #tpu.memory_space<hbm>>) dst(%arg8 : memref<128x128xf32, #tpu.memory_space<vmem>>)
      "tpu.region"() ({
        %run_scoped3A = tpu.sem_alloc : memref<!tpu.dma_semaphore, #tpu.memory_space<semaphore_mem>>
        %dma_start3A_22 = arith.constant 0 : i32
        %dma_start3A_23 = tpu.memref_slice %arg5[%add3A_11, %dma_start3A_22] : memref<81920x128xf32, #tpu.memory_space<hbm>> -> memref<128x128xf32, #tpu.memory_space<hbm>>
        %dma_start3A_24 = arith.constant 0 : i32
        %dma_start3A_25 = tpu.memref_slice %arg5[%add3A_11, %dma_start3A_24] : memref<81920x128xf32, #tpu.memory_space<hbm>> -> memref<128x128xf32, #tpu.memory_space<hbm>>
        tpu.enqueue_dma source(%arg8 : memref<128x128xf32, #tpu.memory_space<vmem>>) target(%dma_start3A_25 : memref<128x128xf32, #tpu.memory_space<hbm>>) target_semaphore(%run_scoped3A : memref<!tpu.dma_semaphore, #tpu.memory_space<semaphore_mem>>)
        %dma_wait3A_26 = arith.constant 0 : i32
        %dma_wait3A_27 = tpu.memref_slice %arg5[%add3A_11, %dma_wait3A_26] : memref<81920x128xf32, #tpu.memory_space<hbm>> -> memref<128x128xf32, #tpu.memory_space<hbm>>
        %dma_wait3A_28 = arith.constant 0 : i32
        %dma_wait3A_29 = tpu.memref_slice %arg5[%add3A_11, %dma_wait3A_28] : memref<81920x128xf32, #tpu.memory_space<hbm>> -> memref<128x128xf32, #tpu.memory_space<hbm>>
        tpu.wait_dma2 semaphore(%run_scoped3A : memref<!tpu.dma_semaphore, #tpu.memory_space<semaphore_mem>>) src(%arg8 : memref<128x128xf32, #tpu.memory_space<vmem>>) dst(%dma_wait3A_29 : memref<128x128xf32, #tpu.memory_space<hbm>>)
        tpu.yield
      }) : () -> ()
      "tpu.region"() ({
        %run_scoped3A = tpu.sem_alloc : memref<!tpu.dma_semaphore, #tpu.memory_space<semaphore_mem>>
        %dma_start3A_22 = tpu.memref_slice %arg4[%add3A_11] : memref<81920xi32, #tpu.memory_space<hbm>> -> memref<128xi32, #tpu.memory_space<hbm>>
        %dma_start3A_23 = tpu.memref_slice %arg4[%add3A_11] : memref<81920xi32, #tpu.memory_space<hbm>> -> memref<128xi32, #tpu.memory_space<hbm>>
        tpu.enqueue_dma source(%dma_start3A_23 : memref<128xi32, #tpu.memory_space<hbm>>) target(%arg7 : memref<128xi32, #tpu.memory_space<vmem>>) target_semaphore(%run_scoped3A : memref<!tpu.dma_semaphore, #tpu.memory_space<semaphore_mem>>)
        %dma_wait3A_24 = tpu.memref_slice %arg4[%add3A_11] : memref<81920xi32, #tpu.memory_space<hbm>> -> memref<128xi32, #tpu.memory_space<hbm>>
        %dma_wait3A_25 = tpu.memref_slice %arg4[%add3A_11] : memref<81920xi32, #tpu.memory_space<hbm>> -> memref<128xi32, #tpu.memory_space<hbm>>
        tpu.wait_dma2 semaphore(%run_scoped3A : memref<!tpu.dma_semaphore, #tpu.memory_space<semaphore_mem>>) src(%dma_wait3A_25 : memref<128xi32, #tpu.memory_space<hbm>>) dst(%arg7 : memref<128xi32, #tpu.memory_space<vmem>>)
        tpu.yield
      }) : () -> ()
      %dma_start3A_16 = arith.constant 0 : i32
      %dma_start3A_17 = arith.constant 0 : i32
      %dma_start3A_18 = tpu.memref_slice %arg2[%dma_start3A_16, %dma_start3A_17] : memref<10000x128xf32, #tpu.memory_space<hbm>> -> memref<10000x128xf32, #tpu.memory_space<hbm>>
      tpu.enqueue_indirect_dma source(%dma_start3A_18 : memref<10000x128xf32, #tpu.memory_space<hbm>>) target(%arg8 : memref<128x128xf32, #tpu.memory_space<vmem>>) offsets(%arg7 : memref<128xi32, #tpu.memory_space<vmem>>) semaphore(%arg11 : memref<!tpu.dma_semaphore, #tpu.memory_space<semaphore_mem>>)
      %dma_wait3A_19 = arith.constant 0 : i32
      %dma_wait3A_20 = arith.constant 0 : i32
      %dma_wait3A_21 = tpu.memref_slice %arg2[%dma_wait3A_19, %dma_wait3A_20] : memref<10000x128xf32, #tpu.memory_space<hbm>> -> memref<10000x128xf32, #tpu.memory_space<hbm>>
      tpu.wait_indirect_dma semaphore(%arg11 : memref<!tpu.dma_semaphore, #tpu.memory_space<semaphore_mem>>) src(%dma_wait3A_21 : memref<10000x128xf32, #tpu.memory_space<hbm>>) dst(%arg8 : memref<128x128xf32, #tpu.memory_space<vmem>>)
      "tpu.region"() ({
        %run_scoped3A = tpu.sem_alloc : memref<!tpu.dma_semaphore, #tpu.memory_space<semaphore_mem>>
        %dma_start3A_22 = arith.constant 0 : i32
        %dma_start3A_23 = tpu.memref_slice %arg6[%add3A_11, %dma_start3A_22] : memref<81920x128xf32, #tpu.memory_space<hbm>> -> memref<128x128xf32, #tpu.memory_space<hbm>>
        %dma_start3A_24 = arith.constant 0 : i32
        %dma_start3A_25 = tpu.memref_slice %arg6[%add3A_11, %dma_start3A_24] : memref<81920x128xf32, #tpu.memory_space<hbm>> -> memref<128x128xf32, #tpu.memory_space<hbm>>
        tpu.enqueue_dma source(%arg8 : memref<128x128xf32, #tpu.memory_space<vmem>>) target(%dma_start3A_25 : memref<128x128xf32, #tpu.memory_space<hbm>>) target_semaphore(%run_scoped3A : memref<!tpu.dma_semaphore, #tpu.memory_space<semaphore_mem>>)
        %dma_wait3A_26 = arith.constant 0 : i32
        %dma_wait3A_27 = tpu.memref_slice %arg6[%add3A_11, %dma_wait3A_26] : memref<81920x128xf32, #tpu.memory_space<hbm>> -> memref<128x128xf32, #tpu.memory_space<hbm>>
        %dma_wait3A_28 = arith.constant 0 : i32
        %dma_wait3A_29 = tpu.memref_slice %arg6[%add3A_11, %dma_wait3A_28] : memref<81920x128xf32, #tpu.memory_space<hbm>> -> memref<128x128xf32, #tpu.memory_space<hbm>>
        tpu.wait_dma2 semaphore(%run_scoped3A : memref<!tpu.dma_semaphore, #tpu.memory_space<semaphore_mem>>) src(%arg8 : memref<128x128xf32, #tpu.memory_space<vmem>>) dst(%dma_wait3A_29 : memref<128x128xf32, #tpu.memory_space<hbm>>)
        tpu.yield
      }) : () -> ()
    }
    %scan3A_7 = arith.constant 20 : i32
    return
  }
}

#map = affine_map<(d0, d1) -> (0, 0)>
#map1 = affine_map<(d0, d1) -> (0)>
module attributes {stable_mosaic.version = 14 : i64} {
  func.func @body_fn(%arg0: i32, %arg1: i32, %arg2: memref<10000x128xf32, #tpu.memory_space<hbm>>, %arg3: memref<78080xi32, #tpu.memory_space<hbm>>, %arg4: memref<78080xi32, #tpu.memory_space<hbm>>, %arg5: memref<78080x128xf32, #tpu.memory_space<hbm>>, %arg6: memref<78080x128xf32, #tpu.memory_space<hbm>>, %arg7: memref<128xi32, #tpu.memory_space<vmem>>, %arg8: memref<128x128xf32, #tpu.memory_space<vmem>>, %arg9: memref<8xi32, #tpu.memory_space<vmem>>, %arg10: memref<8x128xf32, #tpu.memory_space<vmem>>, %arg11: memref<!tpu.dma_semaphore, #tpu.memory_space<semaphore_mem>>) attributes {dimension_semantics = [#tpu.dimension_semantics<core_parallel>, #tpu.dimension_semantics<subcore_parallel>], iteration_bounds = array<i64: 2, 16>, scalar_prefetch = 0 : i64, scratch_operands = 5 : i64, tpu.core_type = #tpu.core_type<sc_vector_subcore>, window_params = [{transform_indices = #map}, {transform_indices = #map1}, {transform_indices = #map1}, {transform_indices = #map}, {transform_indices = #map}]} {
    %mul3A = arith.constant 2 : i32
    %mul3A_0 = arith.muli %arg1, %mul3A : i32
    %add3A = arith.addi %mul3A_0, %arg0 : i32
    %mul3A_1 = arith.constant 2440 : i32
    %mul3A_2 = arith.muli %add3A, %mul3A_1 : i32
    %scan3A = arith.constant 0 : i32
    %scan3A_3 = arith.constant 0 : i32
    %scan3A_4 = arith.constant 19 : i32
    %scan3A_5 = arith.addi %scan3A_3, %scan3A_4 : i32
    %scan3A_6 = arith.constant 1 : i32
    scf.for %scan3A_20 = %scan3A_3 to %scan3A_5 step %scan3A_6  : i32 {
      %mul3A_21 = arith.constant 128 : i32
      %mul3A_22 = arith.muli %scan3A_20, %mul3A_21 : i32
      %add3A_23 = arith.addi %mul3A_2, %mul3A_22 : i32
      "tpu.region"() ({
        %run_scoped3A = tpu.sem_alloc : memref<!tpu.dma_semaphore, #tpu.memory_space<semaphore_mem>>
        %dma_start3A_36 = tpu.memref_slice %arg3[%add3A_23] : memref<78080xi32, #tpu.memory_space<hbm>> -> memref<128xi32, #tpu.memory_space<hbm>>
        %dma_start3A_37 = tpu.memref_slice %arg3[%add3A_23] : memref<78080xi32, #tpu.memory_space<hbm>> -> memref<128xi32, #tpu.memory_space<hbm>>
        tpu.enqueue_dma source(%dma_start3A_37 : memref<128xi32, #tpu.memory_space<hbm>>) target(%arg7 : memref<128xi32, #tpu.memory_space<vmem>>) target_semaphore(%run_scoped3A : memref<!tpu.dma_semaphore, #tpu.memory_space<semaphore_mem>>)
        %dma_wait3A_38 = tpu.memref_slice %arg3[%add3A_23] : memref<78080xi32, #tpu.memory_space<hbm>> -> memref<128xi32, #tpu.memory_space<hbm>>
        %dma_wait3A_39 = tpu.memref_slice %arg3[%add3A_23] : memref<78080xi32, #tpu.memory_space<hbm>> -> memref<128xi32, #tpu.memory_space<hbm>>
        tpu.wait_dma2 semaphore(%run_scoped3A : memref<!tpu.dma_semaphore, #tpu.memory_space<semaphore_mem>>) src(%dma_wait3A_39 : memref<128xi32, #tpu.memory_space<hbm>>) dst(%arg7 : memref<128xi32, #tpu.memory_space<vmem>>)
        tpu.yield
      }) : () -> ()
      %dma_start3A_24 = arith.constant 0 : i32
      %dma_start3A_25 = arith.constant 0 : i32
      %dma_start3A_26 = tpu.memref_slice %arg2[%dma_start3A_24, %dma_start3A_25] : memref<10000x128xf32, #tpu.memory_space<hbm>> -> memref<10000x128xf32, #tpu.memory_space<hbm>>
      tpu.enqueue_indirect_dma source(%dma_start3A_26 : memref<10000x128xf32, #tpu.memory_space<hbm>>) target(%arg8 : memref<128x128xf32, #tpu.memory_space<vmem>>) offsets(%arg7 : memref<128xi32, #tpu.memory_space<vmem>>) semaphore(%arg11 : memref<!tpu.dma_semaphore, #tpu.memory_space<semaphore_mem>>)
      %dma_wait3A_27 = arith.constant 0 : i32
      %dma_wait3A_28 = arith.constant 0 : i32
      %dma_wait3A_29 = tpu.memref_slice %arg2[%dma_wait3A_27, %dma_wait3A_28] : memref<10000x128xf32, #tpu.memory_space<hbm>> -> memref<10000x128xf32, #tpu.memory_space<hbm>>
      tpu.wait_indirect_dma semaphore(%arg11 : memref<!tpu.dma_semaphore, #tpu.memory_space<semaphore_mem>>) src(%dma_wait3A_29 : memref<10000x128xf32, #tpu.memory_space<hbm>>) dst(%arg8 : memref<128x128xf32, #tpu.memory_space<vmem>>)
      "tpu.region"() ({
        %run_scoped3A = tpu.sem_alloc : memref<!tpu.dma_semaphore, #tpu.memory_space<semaphore_mem>>
        %dma_start3A_36 = arith.constant 0 : i32
        %dma_start3A_37 = tpu.memref_slice %arg5[%add3A_23, %dma_start3A_36] : memref<78080x128xf32, #tpu.memory_space<hbm>> -> memref<128x128xf32, #tpu.memory_space<hbm>>
        %dma_start3A_38 = arith.constant 0 : i32
        %dma_start3A_39 = tpu.memref_slice %arg5[%add3A_23, %dma_start3A_38] : memref<78080x128xf32, #tpu.memory_space<hbm>> -> memref<128x128xf32, #tpu.memory_space<hbm>>
        tpu.enqueue_dma source(%arg8 : memref<128x128xf32, #tpu.memory_space<vmem>>) target(%dma_start3A_39 : memref<128x128xf32, #tpu.memory_space<hbm>>) target_semaphore(%run_scoped3A : memref<!tpu.dma_semaphore, #tpu.memory_space<semaphore_mem>>)
        %dma_wait3A_40 = arith.constant 0 : i32
        %dma_wait3A_41 = tpu.memref_slice %arg5[%add3A_23, %dma_wait3A_40] : memref<78080x128xf32, #tpu.memory_space<hbm>> -> memref<128x128xf32, #tpu.memory_space<hbm>>
        %dma_wait3A_42 = arith.constant 0 : i32
        %dma_wait3A_43 = tpu.memref_slice %arg5[%add3A_23, %dma_wait3A_42] : memref<78080x128xf32, #tpu.memory_space<hbm>> -> memref<128x128xf32, #tpu.memory_space<hbm>>
        tpu.wait_dma2 semaphore(%run_scoped3A : memref<!tpu.dma_semaphore, #tpu.memory_space<semaphore_mem>>) src(%arg8 : memref<128x128xf32, #tpu.memory_space<vmem>>) dst(%dma_wait3A_43 : memref<128x128xf32, #tpu.memory_space<hbm>>)
        tpu.yield
      }) : () -> ()
      "tpu.region"() ({
        %run_scoped3A = tpu.sem_alloc : memref<!tpu.dma_semaphore, #tpu.memory_space<semaphore_mem>>
        %dma_start3A_36 = tpu.memref_slice %arg4[%add3A_23] : memref<78080xi32, #tpu.memory_space<hbm>> -> memref<128xi32, #tpu.memory_space<hbm>>
        %dma_start3A_37 = tpu.memref_slice %arg4[%add3A_23] : memref<78080xi32, #tpu.memory_space<hbm>> -> memref<128xi32, #tpu.memory_space<hbm>>
        tpu.enqueue_dma source(%dma_start3A_37 : memref<128xi32, #tpu.memory_space<hbm>>) target(%arg7 : memref<128xi32, #tpu.memory_space<vmem>>) target_semaphore(%run_scoped3A : memref<!tpu.dma_semaphore, #tpu.memory_space<semaphore_mem>>)
        %dma_wait3A_38 = tpu.memref_slice %arg4[%add3A_23] : memref<78080xi32, #tpu.memory_space<hbm>> -> memref<128xi32, #tpu.memory_space<hbm>>
        %dma_wait3A_39 = tpu.memref_slice %arg4[%add3A_23] : memref<78080xi32, #tpu.memory_space<hbm>> -> memref<128xi32, #tpu.memory_space<hbm>>
        tpu.wait_dma2 semaphore(%run_scoped3A : memref<!tpu.dma_semaphore, #tpu.memory_space<semaphore_mem>>) src(%dma_wait3A_39 : memref<128xi32, #tpu.memory_space<hbm>>) dst(%arg7 : memref<128xi32, #tpu.memory_space<vmem>>)
        tpu.yield
      }) : () -> ()
      %dma_start3A_30 = arith.constant 0 : i32
      %dma_start3A_31 = arith.constant 0 : i32
      %dma_start3A_32 = tpu.memref_slice %arg2[%dma_start3A_30, %dma_start3A_31] : memref<10000x128xf32, #tpu.memory_space<hbm>> -> memref<10000x128xf32, #tpu.memory_space<hbm>>
      tpu.enqueue_indirect_dma source(%dma_start3A_32 : memref<10000x128xf32, #tpu.memory_space<hbm>>) target(%arg8 : memref<128x128xf32, #tpu.memory_space<vmem>>) offsets(%arg7 : memref<128xi32, #tpu.memory_space<vmem>>) semaphore(%arg11 : memref<!tpu.dma_semaphore, #tpu.memory_space<semaphore_mem>>)
      %dma_wait3A_33 = arith.constant 0 : i32
      %dma_wait3A_34 = arith.constant 0 : i32
      %dma_wait3A_35 = tpu.memref_slice %arg2[%dma_wait3A_33, %dma_wait3A_34] : memref<10000x128xf32, #tpu.memory_space<hbm>> -> memref<10000x128xf32, #tpu.memory_space<hbm>>
      tpu.wait_indirect_dma semaphore(%arg11 : memref<!tpu.dma_semaphore, #tpu.memory_space<semaphore_mem>>) src(%dma_wait3A_35 : memref<10000x128xf32, #tpu.memory_space<hbm>>) dst(%arg8 : memref<128x128xf32, #tpu.memory_space<vmem>>)
      "tpu.region"() ({
        %run_scoped3A = tpu.sem_alloc : memref<!tpu.dma_semaphore, #tpu.memory_space<semaphore_mem>>
        %dma_start3A_36 = arith.constant 0 : i32
        %dma_start3A_37 = tpu.memref_slice %arg6[%add3A_23, %dma_start3A_36] : memref<78080x128xf32, #tpu.memory_space<hbm>> -> memref<128x128xf32, #tpu.memory_space<hbm>>
        %dma_start3A_38 = arith.constant 0 : i32
        %dma_start3A_39 = tpu.memref_slice %arg6[%add3A_23, %dma_start3A_38] : memref<78080x128xf32, #tpu.memory_space<hbm>> -> memref<128x128xf32, #tpu.memory_space<hbm>>
        tpu.enqueue_dma source(%arg8 : memref<128x128xf32, #tpu.memory_space<vmem>>) target(%dma_start3A_39 : memref<128x128xf32, #tpu.memory_space<hbm>>) target_semaphore(%run_scoped3A : memref<!tpu.dma_semaphore, #tpu.memory_space<semaphore_mem>>)
        %dma_wait3A_40 = arith.constant 0 : i32
        %dma_wait3A_41 = tpu.memref_slice %arg6[%add3A_23, %dma_wait3A_40] : memref<78080x128xf32, #tpu.memory_space<hbm>> -> memref<128x128xf32, #tpu.memory_space<hbm>>
        %dma_wait3A_42 = arith.constant 0 : i32
        %dma_wait3A_43 = tpu.memref_slice %arg6[%add3A_23, %dma_wait3A_42] : memref<78080x128xf32, #tpu.memory_space<hbm>> -> memref<128x128xf32, #tpu.memory_space<hbm>>
        tpu.wait_dma2 semaphore(%run_scoped3A : memref<!tpu.dma_semaphore, #tpu.memory_space<semaphore_mem>>) src(%arg8 : memref<128x128xf32, #tpu.memory_space<vmem>>) dst(%dma_wait3A_43 : memref<128x128xf32, #tpu.memory_space<hbm>>)
        tpu.yield
      }) : () -> ()
    }
    %scan3A_7 = arith.constant 19 : i32
    %add3A_8 = arith.constant 2432 : i32
    %add3A_9 = arith.addi %mul3A_2, %add3A_8 : i32
    "tpu.region"() ({
      %run_scoped3A = tpu.sem_alloc : memref<!tpu.dma_semaphore, #tpu.memory_space<semaphore_mem>>
      %dma_start3A_20 = tpu.memref_slice %arg3[%add3A_9] : memref<78080xi32, #tpu.memory_space<hbm>> -> memref<8xi32, #tpu.memory_space<hbm>>
      %dma_start3A_21 = tpu.memref_slice %arg3[%add3A_9] : memref<78080xi32, #tpu.memory_space<hbm>> -> memref<8xi32, #tpu.memory_space<hbm>>
      tpu.enqueue_dma source(%dma_start3A_21 : memref<8xi32, #tpu.memory_space<hbm>>) target(%arg9 : memref<8xi32, #tpu.memory_space<vmem>>) target_semaphore(%run_scoped3A : memref<!tpu.dma_semaphore, #tpu.memory_space<semaphore_mem>>)
      %dma_wait3A_22 = tpu.memref_slice %arg3[%add3A_9] : memref<78080xi32, #tpu.memory_space<hbm>> -> memref<8xi32, #tpu.memory_space<hbm>>
      %dma_wait3A_23 = tpu.memref_slice %arg3[%add3A_9] : memref<78080xi32, #tpu.memory_space<hbm>> -> memref<8xi32, #tpu.memory_space<hbm>>
      tpu.wait_dma2 semaphore(%run_scoped3A : memref<!tpu.dma_semaphore, #tpu.memory_space<semaphore_mem>>) src(%dma_wait3A_23 : memref<8xi32, #tpu.memory_space<hbm>>) dst(%arg9 : memref<8xi32, #tpu.memory_space<vmem>>)
      tpu.yield
    }) : () -> ()
    %dma_start3A = arith.constant 0 : i32
    %dma_start3A_10 = arith.constant 0 : i32
    %dma_start3A_11 = tpu.memref_slice %arg2[%dma_start3A, %dma_start3A_10] : memref<10000x128xf32, #tpu.memory_space<hbm>> -> memref<10000x128xf32, #tpu.memory_space<hbm>>
    tpu.enqueue_indirect_dma source(%dma_start3A_11 : memref<10000x128xf32, #tpu.memory_space<hbm>>) target(%arg10 : memref<8x128xf32, #tpu.memory_space<vmem>>) offsets(%arg9 : memref<8xi32, #tpu.memory_space<vmem>>) semaphore(%arg11 : memref<!tpu.dma_semaphore, #tpu.memory_space<semaphore_mem>>)
    %dma_wait3A = arith.constant 0 : i32
    %dma_wait3A_12 = arith.constant 0 : i32
    %dma_wait3A_13 = tpu.memref_slice %arg2[%dma_wait3A, %dma_wait3A_12] : memref<10000x128xf32, #tpu.memory_space<hbm>> -> memref<10000x128xf32, #tpu.memory_space<hbm>>
    tpu.wait_indirect_dma semaphore(%arg11 : memref<!tpu.dma_semaphore, #tpu.memory_space<semaphore_mem>>) src(%dma_wait3A_13 : memref<10000x128xf32, #tpu.memory_space<hbm>>) dst(%arg10 : memref<8x128xf32, #tpu.memory_space<vmem>>)
    "tpu.region"() ({
      %run_scoped3A = tpu.sem_alloc : memref<!tpu.dma_semaphore, #tpu.memory_space<semaphore_mem>>
      %dma_start3A_20 = arith.constant 0 : i32
      %dma_start3A_21 = tpu.memref_slice %arg5[%add3A_9, %dma_start3A_20] : memref<78080x128xf32, #tpu.memory_space<hbm>> -> memref<8x128xf32, #tpu.memory_space<hbm>>
      %dma_start3A_22 = arith.constant 0 : i32
      %dma_start3A_23 = tpu.memref_slice %arg5[%add3A_9, %dma_start3A_22] : memref<78080x128xf32, #tpu.memory_space<hbm>> -> memref<8x128xf32, #tpu.memory_space<hbm>>
      tpu.enqueue_dma source(%arg10 : memref<8x128xf32, #tpu.memory_space<vmem>>) target(%dma_start3A_23 : memref<8x128xf32, #tpu.memory_space<hbm>>) target_semaphore(%run_scoped3A : memref<!tpu.dma_semaphore, #tpu.memory_space<semaphore_mem>>)
      %dma_wait3A_24 = arith.constant 0 : i32
      %dma_wait3A_25 = tpu.memref_slice %arg5[%add3A_9, %dma_wait3A_24] : memref<78080x128xf32, #tpu.memory_space<hbm>> -> memref<8x128xf32, #tpu.memory_space<hbm>>
      %dma_wait3A_26 = arith.constant 0 : i32
      %dma_wait3A_27 = tpu.memref_slice %arg5[%add3A_9, %dma_wait3A_26] : memref<78080x128xf32, #tpu.memory_space<hbm>> -> memref<8x128xf32, #tpu.memory_space<hbm>>
      tpu.wait_dma2 semaphore(%run_scoped3A : memref<!tpu.dma_semaphore, #tpu.memory_space<semaphore_mem>>) src(%arg10 : memref<8x128xf32, #tpu.memory_space<vmem>>) dst(%dma_wait3A_27 : memref<8x128xf32, #tpu.memory_space<hbm>>)
      tpu.yield
    }) : () -> ()
    "tpu.region"() ({
      %run_scoped3A = tpu.sem_alloc : memref<!tpu.dma_semaphore, #tpu.memory_space<semaphore_mem>>
      %dma_start3A_20 = tpu.memref_slice %arg4[%add3A_9] : memref<78080xi32, #tpu.memory_space<hbm>> -> memref<8xi32, #tpu.memory_space<hbm>>
      %dma_start3A_21 = tpu.memref_slice %arg4[%add3A_9] : memref<78080xi32, #tpu.memory_space<hbm>> -> memref<8xi32, #tpu.memory_space<hbm>>
      tpu.enqueue_dma source(%dma_start3A_21 : memref<8xi32, #tpu.memory_space<hbm>>) target(%arg9 : memref<8xi32, #tpu.memory_space<vmem>>) target_semaphore(%run_scoped3A : memref<!tpu.dma_semaphore, #tpu.memory_space<semaphore_mem>>)
      %dma_wait3A_22 = tpu.memref_slice %arg4[%add3A_9] : memref<78080xi32, #tpu.memory_space<hbm>> -> memref<8xi32, #tpu.memory_space<hbm>>
      %dma_wait3A_23 = tpu.memref_slice %arg4[%add3A_9] : memref<78080xi32, #tpu.memory_space<hbm>> -> memref<8xi32, #tpu.memory_space<hbm>>
      tpu.wait_dma2 semaphore(%run_scoped3A : memref<!tpu.dma_semaphore, #tpu.memory_space<semaphore_mem>>) src(%dma_wait3A_23 : memref<8xi32, #tpu.memory_space<hbm>>) dst(%arg9 : memref<8xi32, #tpu.memory_space<vmem>>)
      tpu.yield
    }) : () -> ()
    %dma_start3A_14 = arith.constant 0 : i32
    %dma_start3A_15 = arith.constant 0 : i32
    %dma_start3A_16 = tpu.memref_slice %arg2[%dma_start3A_14, %dma_start3A_15] : memref<10000x128xf32, #tpu.memory_space<hbm>> -> memref<10000x128xf32, #tpu.memory_space<hbm>>
    tpu.enqueue_indirect_dma source(%dma_start3A_16 : memref<10000x128xf32, #tpu.memory_space<hbm>>) target(%arg10 : memref<8x128xf32, #tpu.memory_space<vmem>>) offsets(%arg9 : memref<8xi32, #tpu.memory_space<vmem>>) semaphore(%arg11 : memref<!tpu.dma_semaphore, #tpu.memory_space<semaphore_mem>>)
    %dma_wait3A_17 = arith.constant 0 : i32
    %dma_wait3A_18 = arith.constant 0 : i32
    %dma_wait3A_19 = tpu.memref_slice %arg2[%dma_wait3A_17, %dma_wait3A_18] : memref<10000x128xf32, #tpu.memory_space<hbm>> -> memref<10000x128xf32, #tpu.memory_space<hbm>>
    tpu.wait_indirect_dma semaphore(%arg11 : memref<!tpu.dma_semaphore, #tpu.memory_space<semaphore_mem>>) src(%dma_wait3A_19 : memref<10000x128xf32, #tpu.memory_space<hbm>>) dst(%arg10 : memref<8x128xf32, #tpu.memory_space<vmem>>)
    "tpu.region"() ({
      %run_scoped3A = tpu.sem_alloc : memref<!tpu.dma_semaphore, #tpu.memory_space<semaphore_mem>>
      %dma_start3A_20 = arith.constant 0 : i32
      %dma_start3A_21 = tpu.memref_slice %arg6[%add3A_9, %dma_start3A_20] : memref<78080x128xf32, #tpu.memory_space<hbm>> -> memref<8x128xf32, #tpu.memory_space<hbm>>
      %dma_start3A_22 = arith.constant 0 : i32
      %dma_start3A_23 = tpu.memref_slice %arg6[%add3A_9, %dma_start3A_22] : memref<78080x128xf32, #tpu.memory_space<hbm>> -> memref<8x128xf32, #tpu.memory_space<hbm>>
      tpu.enqueue_dma source(%arg10 : memref<8x128xf32, #tpu.memory_space<vmem>>) target(%dma_start3A_23 : memref<8x128xf32, #tpu.memory_space<hbm>>) target_semaphore(%run_scoped3A : memref<!tpu.dma_semaphore, #tpu.memory_space<semaphore_mem>>)
      %dma_wait3A_24 = arith.constant 0 : i32
      %dma_wait3A_25 = tpu.memref_slice %arg6[%add3A_9, %dma_wait3A_24] : memref<78080x128xf32, #tpu.memory_space<hbm>> -> memref<8x128xf32, #tpu.memory_space<hbm>>
      %dma_wait3A_26 = arith.constant 0 : i32
      %dma_wait3A_27 = tpu.memref_slice %arg6[%add3A_9, %dma_wait3A_26] : memref<78080x128xf32, #tpu.memory_space<hbm>> -> memref<8x128xf32, #tpu.memory_space<hbm>>
      tpu.wait_dma2 semaphore(%run_scoped3A : memref<!tpu.dma_semaphore, #tpu.memory_space<semaphore_mem>>) src(%arg10 : memref<8x128xf32, #tpu.memory_space<vmem>>) dst(%dma_wait3A_27 : memref<8x128xf32, #tpu.memory_space<hbm>>)
      tpu.yield
    }) : () -> ()
    return
  }
}

#map = affine_map<(d0, d1) -> (0, 0)>
#map1 = affine_map<(d0, d1) -> (0)>
#map2 = affine_map<(d0, d1) -> (0, 0, 0)>
module attributes {stable_mosaic.version = 14 : i64} {
  func.func @body_fn(%arg0: i32, %arg1: i32, %arg2: memref<81920x144xf32, #tpu.memory_space<hbm>>, %arg3: memref<81920xi32, #tpu.memory_space<hbm>>, %arg4: memref<128x144xf32, #tpu.memory_space<hbm>>, %arg5: memref<2x10240x144xf32, #tpu.memory_space<hbm>>, %arg6: memref<128xi32, #tpu.memory_space<vmem>>, %arg7: memref<128x144xf32, #tpu.memory_space<vmem>>, %arg8: memref<8xi32, #tpu.memory_space<vmem>>, %arg9: memref<8x144xf32, #tpu.memory_space<vmem>>, %arg10: memref<128x144xf32, #tpu.memory_space<vmem>>, %arg11: memref<10240x144xf32, #tpu.memory_space<vmem_shared>>, %arg12: memref<!tpu.dma_semaphore, #tpu.memory_space<semaphore_mem>>) attributes {dimension_semantics = [#tpu.dimension_semantics<core_parallel>, #tpu.dimension_semantics<subcore_parallel>], iteration_bounds = array<i64: 2, 16>, scalar_prefetch = 0 : i64, scratch_operands = 7 : i64, tpu.core_type = #tpu.core_type<sc_vector_subcore>, window_params = [{transform_indices = #map}, {transform_indices = #map1}, {transform_indices = #map}, {transform_indices = #map2}]} {
    %mul3A = arith.constant 2 : i32
    %mul3A_0 = arith.muli %arg1, %mul3A : i32
    %add3A = arith.addi %mul3A_0, %arg0 : i32
    "tpu.region"() ({
      %run_scoped3A = tpu.sem_alloc : memref<!tpu.dma_semaphore, #tpu.memory_space<semaphore_mem>>
      tpu.enqueue_dma source(%arg4 : memref<128x144xf32, #tpu.memory_space<hbm>>) target(%arg10 : memref<128x144xf32, #tpu.memory_space<vmem>>) target_semaphore(%run_scoped3A : memref<!tpu.dma_semaphore, #tpu.memory_space<semaphore_mem>>)
      tpu.wait_dma2 semaphore(%run_scoped3A : memref<!tpu.dma_semaphore, #tpu.memory_space<semaphore_mem>>) src(%arg4 : memref<128x144xf32, #tpu.memory_space<hbm>>) dst(%arg10 : memref<128x144xf32, #tpu.memory_space<vmem>>)
      tpu.yield
    }) : () -> ()
    %scan3A = arith.constant 0 : i32
    %scan3A_1 = arith.constant 0 : i32
    %scan3A_2 = arith.constant 5 : i32
    %scan3A_3 = arith.addi %scan3A_1, %scan3A_2 : i32
    %scan3A_4 = arith.constant 1 : i32
    scf.for %scan3A_21 = %scan3A_1 to %scan3A_3 step %scan3A_4  : i32 {
      %mul3A_22 = arith.constant 640 : i32
      %mul3A_23 = arith.muli %arg1, %mul3A_22 : i32
      %mul3A_24 = arith.constant 128 : i32
      %mul3A_25 = arith.muli %scan3A_21, %mul3A_24 : i32
      %add3A_26 = arith.addi %mul3A_23, %mul3A_25 : i32
      "tpu.region"() ({
        %run_scoped3A = tpu.sem_alloc : memref<!tpu.dma_semaphore, #tpu.memory_space<semaphore_mem>>
        %dma_start3A = arith.constant 0 : i32
        %dma_start3A_27 = tpu.memref_slice %arg11[%add3A_26, %dma_start3A] : memref<10240x144xf32, #tpu.memory_space<vmem_shared>> -> memref<128x144xf32, #tpu.memory_space<vmem_shared>>
        %dma_start3A_28 = arith.constant 0 : i32
        %dma_start3A_29 = tpu.memref_slice %arg11[%add3A_26, %dma_start3A_28] : memref<10240x144xf32, #tpu.memory_space<vmem_shared>> -> memref<128x144xf32, #tpu.memory_space<vmem_shared>>
        tpu.enqueue_dma source(%arg10 : memref<128x144xf32, #tpu.memory_space<vmem>>) target(%dma_start3A_29 : memref<128x144xf32, #tpu.memory_space<vmem_shared>>) target_semaphore(%run_scoped3A : memref<!tpu.dma_semaphore, #tpu.memory_space<semaphore_mem>>)
        %dma_wait3A = arith.constant 0 : i32
        %dma_wait3A_30 = tpu.memref_slice %arg11[%add3A_26, %dma_wait3A] : memref<10240x144xf32, #tpu.memory_space<vmem_shared>> -> memref<128x144xf32, #tpu.memory_space<vmem_shared>>
        %dma_wait3A_31 = arith.constant 0 : i32
        %dma_wait3A_32 = tpu.memref_slice %arg11[%add3A_26, %dma_wait3A_31] : memref<10240x144xf32, #tpu.memory_space<vmem_shared>> -> memref<128x144xf32, #tpu.memory_space<vmem_shared>>
        tpu.wait_dma2 semaphore(%run_scoped3A : memref<!tpu.dma_semaphore, #tpu.memory_space<semaphore_mem>>) src(%arg10 : memref<128x144xf32, #tpu.memory_space<vmem>>) dst(%dma_wait3A_32 : memref<128x144xf32, #tpu.memory_space<vmem_shared>>)
        tpu.yield
      }) : () -> ()
    }
    %scan3A_5 = arith.constant 5 : i32
    %barrier3A = arith.constant 0 : index
    tpu.barrier barrier_id(%barrier3A)
    %mul3A_6 = arith.constant 2560 : i32
    %mul3A_7 = arith.muli %add3A, %mul3A_6 : i32
    %scan3A_8 = arith.constant 0 : i32
    %scan3A_9 = arith.constant 0 : i32
    %scan3A_10 = arith.constant 20 : i32
    %scan3A_11 = arith.addi %scan3A_9, %scan3A_10 : i32
    %scan3A_12 = arith.constant 1 : i32
    scf.for %scan3A_21 = %scan3A_9 to %scan3A_11 step %scan3A_12  : i32 {
      %mul3A_22 = arith.constant 128 : i32
      %mul3A_23 = arith.muli %scan3A_21, %mul3A_22 : i32
      %add3A_24 = arith.addi %mul3A_7, %mul3A_23 : i32
      %dma_start3A = tpu.memref_slice %arg3[%add3A_24] : memref<81920xi32, #tpu.memory_space<hbm>> -> memref<128xi32, #tpu.memory_space<hbm>>
      %dma_start3A_25 = tpu.memref_slice %arg3[%add3A_24] : memref<81920xi32, #tpu.memory_space<hbm>> -> memref<128xi32, #tpu.memory_space<hbm>>
      tpu.enqueue_dma source(%dma_start3A_25 : memref<128xi32, #tpu.memory_space<hbm>>) target(%arg6 : memref<128xi32, #tpu.memory_space<vmem>>) target_semaphore(%arg12 : memref<!tpu.dma_semaphore, #tpu.memory_space<semaphore_mem>>)
      %dma_start3A_26 = arith.constant 0 : i32
      %dma_start3A_27 = tpu.memref_slice %arg2[%add3A_24, %dma_start3A_26] : memref<81920x144xf32, #tpu.memory_space<hbm>> -> memref<128x144xf32, #tpu.memory_space<hbm>>
      %dma_start3A_28 = arith.constant 0 : i32
      %dma_start3A_29 = tpu.memref_slice %arg2[%add3A_24, %dma_start3A_28] : memref<81920x144xf32, #tpu.memory_space<hbm>> -> memref<128x144xf32, #tpu.memory_space<hbm>>
      tpu.enqueue_dma source(%dma_start3A_29 : memref<128x144xf32, #tpu.memory_space<hbm>>) target(%arg7 : memref<128x144xf32, #tpu.memory_space<vmem>>) target_semaphore(%arg12 : memref<!tpu.dma_semaphore, #tpu.memory_space<semaphore_mem>>)
      %dma_wait3A = tpu.memref_slice %arg3[%add3A_24] : memref<81920xi32, #tpu.memory_space<hbm>> -> memref<128xi32, #tpu.memory_space<hbm>>
      %dma_wait3A_30 = tpu.memref_slice %arg3[%add3A_24] : memref<81920xi32, #tpu.memory_space<hbm>> -> memref<128xi32, #tpu.memory_space<hbm>>
      tpu.wait_dma2 semaphore(%arg12 : memref<!tpu.dma_semaphore, #tpu.memory_space<semaphore_mem>>) src(%dma_wait3A_30 : memref<128xi32, #tpu.memory_space<hbm>>) dst(%arg6 : memref<128xi32, #tpu.memory_space<vmem>>)
      %dma_wait3A_31 = arith.constant 0 : i32
      %dma_wait3A_32 = tpu.memref_slice %arg2[%add3A_24, %dma_wait3A_31] : memref<81920x144xf32, #tpu.memory_space<hbm>> -> memref<128x144xf32, #tpu.memory_space<hbm>>
      %dma_wait3A_33 = arith.constant 0 : i32
      %dma_wait3A_34 = tpu.memref_slice %arg2[%add3A_24, %dma_wait3A_33] : memref<81920x144xf32, #tpu.memory_space<hbm>> -> memref<128x144xf32, #tpu.memory_space<hbm>>
      tpu.wait_dma2 semaphore(%arg12 : memref<!tpu.dma_semaphore, #tpu.memory_space<semaphore_mem>>) src(%dma_wait3A_34 : memref<128x144xf32, #tpu.memory_space<hbm>>) dst(%arg7 : memref<128x144xf32, #tpu.memory_space<vmem>>)
      "tpu.region"() ({
        %run_scoped3A = tpu.sem_alloc : memref<!tpu.dma_semaphore, #tpu.memory_space<semaphore_mem>>
        %dma_start3A_35 = arith.constant 0 : i32
        %dma_start3A_36 = arith.constant 0 : i32
        %dma_start3A_37 = tpu.memref_slice %arg11[%dma_start3A_35, %dma_start3A_36] : memref<10240x144xf32, #tpu.memory_space<vmem_shared>> -> memref<10240x144xf32, #tpu.memory_space<vmem_shared>>
        tpu.enqueue_indirect_dma source(%arg7 : memref<128x144xf32, #tpu.memory_space<vmem>>) target(%dma_start3A_37 : memref<10240x144xf32, #tpu.memory_space<vmem_shared>>) offsets(%arg6 : memref<128xi32, #tpu.memory_space<vmem>>) semaphore(%run_scoped3A : memref<!tpu.dma_semaphore, #tpu.memory_space<semaphore_mem>>) {add = true}
        %dma_wait3A_38 = arith.constant 0 : i32
        %dma_wait3A_39 = arith.constant 0 : i32
        %dma_wait3A_40 = tpu.memref_slice %arg11[%dma_wait3A_38, %dma_wait3A_39] : memref<10240x144xf32, #tpu.memory_space<vmem_shared>> -> memref<10240x144xf32, #tpu.memory_space<vmem_shared>>
        tpu.wait_indirect_dma semaphore(%run_scoped3A : memref<!tpu.dma_semaphore, #tpu.memory_space<semaphore_mem>>) src(%arg7 : memref<128x144xf32, #tpu.memory_space<vmem>>) dst(%dma_wait3A_40 : memref<10240x144xf32, #tpu.memory_space<vmem_shared>>)
        tpu.yield
      }) : () -> ()
    }
    %scan3A_13 = arith.constant 20 : i32
    %barrier3A_14 = arith.constant 0 : index
    tpu.barrier barrier_id(%barrier3A_14)
    %scan3A_15 = arith.constant 0 : i32
    %scan3A_16 = arith.constant 0 : i32
    %scan3A_17 = arith.constant 5 : i32
    %scan3A_18 = arith.addi %scan3A_16, %scan3A_17 : i32
    %scan3A_19 = arith.constant 1 : i32
    scf.for %scan3A_21 = %scan3A_16 to %scan3A_18 step %scan3A_19  : i32 {
      %mul3A_22 = arith.constant 640 : i32
      %mul3A_23 = arith.muli %arg1, %mul3A_22 : i32
      %mul3A_24 = arith.constant 128 : i32
      %mul3A_25 = arith.muli %scan3A_21, %mul3A_24 : i32
      %add3A_26 = arith.addi %mul3A_23, %mul3A_25 : i32
      "tpu.region"() ({
        %run_scoped3A = tpu.sem_alloc : memref<!tpu.dma_semaphore, #tpu.memory_space<semaphore_mem>>
        %dma_start3A = arith.constant 0 : i32
        %dma_start3A_27 = tpu.memref_slice %arg11[%add3A_26, %dma_start3A] : memref<10240x144xf32, #tpu.memory_space<vmem_shared>> -> memref<128x144xf32, #tpu.memory_space<vmem_shared>>
        %dma_start3A_28 = arith.constant 0 : i32
        %dma_start3A_29 = tpu.memref_slice %arg11[%add3A_26, %dma_start3A_28] : memref<10240x144xf32, #tpu.memory_space<vmem_shared>> -> memref<128x144xf32, #tpu.memory_space<vmem_shared>>
        tpu.enqueue_dma source(%dma_start3A_29 : memref<128x144xf32, #tpu.memory_space<vmem_shared>>) target(%arg10 : memref<128x144xf32, #tpu.memory_space<vmem>>) target_semaphore(%run_scoped3A : memref<!tpu.dma_semaphore, #tpu.memory_space<semaphore_mem>>)
        %dma_wait3A = arith.constant 0 : i32
        %dma_wait3A_30 = tpu.memref_slice %arg11[%add3A_26, %dma_wait3A] : memref<10240x144xf32, #tpu.memory_space<vmem_shared>> -> memref<128x144xf32, #tpu.memory_space<vmem_shared>>
        %dma_wait3A_31 = arith.constant 0 : i32
        %dma_wait3A_32 = tpu.memref_slice %arg11[%add3A_26, %dma_wait3A_31] : memref<10240x144xf32, #tpu.memory_space<vmem_shared>> -> memref<128x144xf32, #tpu.memory_space<vmem_shared>>
        tpu.wait_dma2 semaphore(%run_scoped3A : memref<!tpu.dma_semaphore, #tpu.memory_space<semaphore_mem>>) src(%dma_wait3A_32 : memref<128x144xf32, #tpu.memory_space<vmem_shared>>) dst(%arg10 : memref<128x144xf32, #tpu.memory_space<vmem>>)
        tpu.yield
      }) : () -> ()
      "tpu.region"() ({
        %run_scoped3A = tpu.sem_alloc : memref<!tpu.dma_semaphore, #tpu.memory_space<semaphore_mem>>
        %dma_start3A = arith.constant 0 : i32
        %dma_start3A_27 = tpu.memref_slice %arg5[%arg0, %add3A_26, %dma_start3A] : memref<2x10240x144xf32, #tpu.memory_space<hbm>> -> memref<1x128x144xf32, #tpu.memory_space<hbm>>
        %dma_start3A_28 = tpu.memref_squeeze %dma_start3A_27 : memref<1x128x144xf32, #tpu.memory_space<hbm>> -> memref<128x144xf32, #tpu.memory_space<hbm>>
        %dma_start3A_29 = arith.constant 0 : i32
        %dma_start3A_30 = tpu.memref_slice %arg5[%arg0, %add3A_26, %dma_start3A_29] : memref<2x10240x144xf32, #tpu.memory_space<hbm>> -> memref<1x128x144xf32, #tpu.memory_space<hbm>>
        %dma_start3A_31 = tpu.memref_squeeze %dma_start3A_30 : memref<1x128x144xf32, #tpu.memory_space<hbm>> -> memref<128x144xf32, #tpu.memory_space<hbm>>
        tpu.enqueue_dma source(%arg10 : memref<128x144xf32, #tpu.memory_space<vmem>>) target(%dma_start3A_31 : memref<128x144xf32, #tpu.memory_space<hbm>>) target_semaphore(%run_scoped3A : memref<!tpu.dma_semaphore, #tpu.memory_space<semaphore_mem>>)
        %dma_wait3A = arith.constant 0 : i32
        %dma_wait3A_32 = tpu.memref_slice %arg5[%arg0, %add3A_26, %dma_wait3A] : memref<2x10240x144xf32, #tpu.memory_space<hbm>> -> memref<1x128x144xf32, #tpu.memory_space<hbm>>
        %dma_wait3A_33 = tpu.memref_squeeze %dma_wait3A_32 : memref<1x128x144xf32, #tpu.memory_space<hbm>> -> memref<128x144xf32, #tpu.memory_space<hbm>>
        %dma_wait3A_34 = arith.constant 0 : i32
        %dma_wait3A_35 = tpu.memref_slice %arg5[%arg0, %add3A_26, %dma_wait3A_34] : memref<2x10240x144xf32, #tpu.memory_space<hbm>> -> memref<1x128x144xf32, #tpu.memory_space<hbm>>
        %dma_wait3A_36 = tpu.memref_squeeze %dma_wait3A_35 : memref<1x128x144xf32, #tpu.memory_space<hbm>> -> memref<128x144xf32, #tpu.memory_space<hbm>>
        tpu.wait_dma2 semaphore(%run_scoped3A : memref<!tpu.dma_semaphore, #tpu.memory_space<semaphore_mem>>) src(%arg10 : memref<128x144xf32, #tpu.memory_space<vmem>>) dst(%dma_wait3A_36 : memref<128x144xf32, #tpu.memory_space<hbm>>)
        tpu.yield
      }) : () -> ()
    }
    %scan3A_20 = arith.constant 5 : i32
    return
  }
}

#map = affine_map<(d0, d1) -> (0, 0)>
#map1 = affine_map<(d0, d1) -> (0)>
#map2 = affine_map<(d0, d1) -> (0, 0, 0)>
module attributes {stable_mosaic.version = 14 : i64} {
  func.func @body_fn(%arg0: i32, %arg1: i32, %arg2: memref<78080x144xf32, #tpu.memory_space<hbm>>, %arg3: memref<78080xi32, #tpu.memory_space<hbm>>, %arg4: memref<128x144xf32, #tpu.memory_space<hbm>>, %arg5: memref<2x10240x144xf32, #tpu.memory_space<hbm>>, %arg6: memref<128xi32, #tpu.memory_space<vmem>>, %arg7: memref<128x144xf32, #tpu.memory_space<vmem>>, %arg8: memref<8xi32, #tpu.memory_space<vmem>>, %arg9: memref<8x144xf32, #tpu.memory_space<vmem>>, %arg10: memref<128x144xf32, #tpu.memory_space<vmem>>, %arg11: memref<10240x144xf32, #tpu.memory_space<vmem_shared>>, %arg12: memref<!tpu.dma_semaphore, #tpu.memory_space<semaphore_mem>>) attributes {dimension_semantics = [#tpu.dimension_semantics<core_parallel>, #tpu.dimension_semantics<subcore_parallel>], iteration_bounds = array<i64: 2, 16>, scalar_prefetch = 0 : i64, scratch_operands = 7 : i64, tpu.core_type = #tpu.core_type<sc_vector_subcore>, window_params = [{transform_indices = #map}, {transform_indices = #map1}, {transform_indices = #map}, {transform_indices = #map2}]} {
    %mul3A = arith.constant 2 : i32
    %mul3A_0 = arith.muli %arg1, %mul3A : i32
    %add3A = arith.addi %mul3A_0, %arg0 : i32
    "tpu.region"() ({
      %run_scoped3A = tpu.sem_alloc : memref<!tpu.dma_semaphore, #tpu.memory_space<semaphore_mem>>
      tpu.enqueue_dma source(%arg4 : memref<128x144xf32, #tpu.memory_space<hbm>>) target(%arg10 : memref<128x144xf32, #tpu.memory_space<vmem>>) target_semaphore(%run_scoped3A : memref<!tpu.dma_semaphore, #tpu.memory_space<semaphore_mem>>)
      tpu.wait_dma2 semaphore(%run_scoped3A : memref<!tpu.dma_semaphore, #tpu.memory_space<semaphore_mem>>) src(%arg4 : memref<128x144xf32, #tpu.memory_space<hbm>>) dst(%arg10 : memref<128x144xf32, #tpu.memory_space<vmem>>)
      tpu.yield
    }) : () -> ()
    %scan3A = arith.constant 0 : i32
    %scan3A_1 = arith.constant 0 : i32
    %scan3A_2 = arith.constant 5 : i32
    %scan3A_3 = arith.addi %scan3A_1, %scan3A_2 : i32
    %scan3A_4 = arith.constant 1 : i32
    scf.for %scan3A_33 = %scan3A_1 to %scan3A_3 step %scan3A_4  : i32 {
      %mul3A_34 = arith.constant 640 : i32
      %mul3A_35 = arith.muli %arg1, %mul3A_34 : i32
      %mul3A_36 = arith.constant 128 : i32
      %mul3A_37 = arith.muli %scan3A_33, %mul3A_36 : i32
      %add3A_38 = arith.addi %mul3A_35, %mul3A_37 : i32
      "tpu.region"() ({
        %run_scoped3A = tpu.sem_alloc : memref<!tpu.dma_semaphore, #tpu.memory_space<semaphore_mem>>
        %dma_start3A_39 = arith.constant 0 : i32
        %dma_start3A_40 = tpu.memref_slice %arg11[%add3A_38, %dma_start3A_39] : memref<10240x144xf32, #tpu.memory_space<vmem_shared>> -> memref<128x144xf32, #tpu.memory_space<vmem_shared>>
        %dma_start3A_41 = arith.constant 0 : i32
        %dma_start3A_42 = tpu.memref_slice %arg11[%add3A_38, %dma_start3A_41] : memref<10240x144xf32, #tpu.memory_space<vmem_shared>> -> memref<128x144xf32, #tpu.memory_space<vmem_shared>>
        tpu.enqueue_dma source(%arg10 : memref<128x144xf32, #tpu.memory_space<vmem>>) target(%dma_start3A_42 : memref<128x144xf32, #tpu.memory_space<vmem_shared>>) target_semaphore(%run_scoped3A : memref<!tpu.dma_semaphore, #tpu.memory_space<semaphore_mem>>)
        %dma_wait3A_43 = arith.constant 0 : i32
        %dma_wait3A_44 = tpu.memref_slice %arg11[%add3A_38, %dma_wait3A_43] : memref<10240x144xf32, #tpu.memory_space<vmem_shared>> -> memref<128x144xf32, #tpu.memory_space<vmem_shared>>
        %dma_wait3A_45 = arith.constant 0 : i32
        %dma_wait3A_46 = tpu.memref_slice %arg11[%add3A_38, %dma_wait3A_45] : memref<10240x144xf32, #tpu.memory_space<vmem_shared>> -> memref<128x144xf32, #tpu.memory_space<vmem_shared>>
        tpu.wait_dma2 semaphore(%run_scoped3A : memref<!tpu.dma_semaphore, #tpu.memory_space<semaphore_mem>>) src(%arg10 : memref<128x144xf32, #tpu.memory_space<vmem>>) dst(%dma_wait3A_46 : memref<128x144xf32, #tpu.memory_space<vmem_shared>>)
        tpu.yield
      }) : () -> ()
    }
    %scan3A_5 = arith.constant 5 : i32
    %barrier3A = arith.constant 0 : index
    tpu.barrier barrier_id(%barrier3A)
    %mul3A_6 = arith.constant 2440 : i32
    %mul3A_7 = arith.muli %add3A, %mul3A_6 : i32
    %scan3A_8 = arith.constant 0 : i32
    %scan3A_9 = arith.constant 0 : i32
    %scan3A_10 = arith.constant 19 : i32
    %scan3A_11 = arith.addi %scan3A_9, %scan3A_10 : i32
    %scan3A_12 = arith.constant 1 : i32
    scf.for %scan3A_33 = %scan3A_9 to %scan3A_11 step %scan3A_12  : i32 {
      %mul3A_34 = arith.constant 128 : i32
      %mul3A_35 = arith.muli %scan3A_33, %mul3A_34 : i32
      %add3A_36 = arith.addi %mul3A_7, %mul3A_35 : i32
      %dma_start3A_37 = tpu.memref_slice %arg3[%add3A_36] : memref<78080xi32, #tpu.memory_space<hbm>> -> memref<128xi32, #tpu.memory_space<hbm>>
      %dma_start3A_38 = tpu.memref_slice %arg3[%add3A_36] : memref<78080xi32, #tpu.memory_space<hbm>> -> memref<128xi32, #tpu.memory_space<hbm>>
      tpu.enqueue_dma source(%dma_start3A_38 : memref<128xi32, #tpu.memory_space<hbm>>) target(%arg6 : memref<128xi32, #tpu.memory_space<vmem>>) target_semaphore(%arg12 : memref<!tpu.dma_semaphore, #tpu.memory_space<semaphore_mem>>)
      %dma_start3A_39 = arith.constant 0 : i32
      %dma_start3A_40 = tpu.memref_slice %arg2[%add3A_36, %dma_start3A_39] : memref<78080x144xf32, #tpu.memory_space<hbm>> -> memref<128x144xf32, #tpu.memory_space<hbm>>
      %dma_start3A_41 = arith.constant 0 : i32
      %dma_start3A_42 = tpu.memref_slice %arg2[%add3A_36, %dma_start3A_41] : memref<78080x144xf32, #tpu.memory_space<hbm>> -> memref<128x144xf32, #tpu.memory_space<hbm>>
      tpu.enqueue_dma source(%dma_start3A_42 : memref<128x144xf32, #tpu.memory_space<hbm>>) target(%arg7 : memref<128x144xf32, #tpu.memory_space<vmem>>) target_semaphore(%arg12 : memref<!tpu.dma_semaphore, #tpu.memory_space<semaphore_mem>>)
      %dma_wait3A_43 = tpu.memref_slice %arg3[%add3A_36] : memref<78080xi32, #tpu.memory_space<hbm>> -> memref<128xi32, #tpu.memory_space<hbm>>
      %dma_wait3A_44 = tpu.memref_slice %arg3[%add3A_36] : memref<78080xi32, #tpu.memory_space<hbm>> -> memref<128xi32, #tpu.memory_space<hbm>>
      tpu.wait_dma2 semaphore(%arg12 : memref<!tpu.dma_semaphore, #tpu.memory_space<semaphore_mem>>) src(%dma_wait3A_44 : memref<128xi32, #tpu.memory_space<hbm>>) dst(%arg6 : memref<128xi32, #tpu.memory_space<vmem>>)
      %dma_wait3A_45 = arith.constant 0 : i32
      %dma_wait3A_46 = tpu.memref_slice %arg2[%add3A_36, %dma_wait3A_45] : memref<78080x144xf32, #tpu.memory_space<hbm>> -> memref<128x144xf32, #tpu.memory_space<hbm>>
      %dma_wait3A_47 = arith.constant 0 : i32
      %dma_wait3A_48 = tpu.memref_slice %arg2[%add3A_36, %dma_wait3A_47] : memref<78080x144xf32, #tpu.memory_space<hbm>> -> memref<128x144xf32, #tpu.memory_space<hbm>>
      tpu.wait_dma2 semaphore(%arg12 : memref<!tpu.dma_semaphore, #tpu.memory_space<semaphore_mem>>) src(%dma_wait3A_48 : memref<128x144xf32, #tpu.memory_space<hbm>>) dst(%arg7 : memref<128x144xf32, #tpu.memory_space<vmem>>)
      "tpu.region"() ({
        %run_scoped3A = tpu.sem_alloc : memref<!tpu.dma_semaphore, #tpu.memory_space<semaphore_mem>>
        %dma_start3A_49 = arith.constant 0 : i32
        %dma_start3A_50 = arith.constant 0 : i32
        %dma_start3A_51 = tpu.memref_slice %arg11[%dma_start3A_49, %dma_start3A_50] : memref<10240x144xf32, #tpu.memory_space<vmem_shared>> -> memref<10240x144xf32, #tpu.memory_space<vmem_shared>>
        tpu.enqueue_indirect_dma source(%arg7 : memref<128x144xf32, #tpu.memory_space<vmem>>) target(%dma_start3A_51 : memref<10240x144xf32, #tpu.memory_space<vmem_shared>>) offsets(%arg6 : memref<128xi32, #tpu.memory_space<vmem>>) semaphore(%run_scoped3A : memref<!tpu.dma_semaphore, #tpu.memory_space<semaphore_mem>>) {add = true}
        %dma_wait3A_52 = arith.constant 0 : i32
        %dma_wait3A_53 = arith.constant 0 : i32
        %dma_wait3A_54 = tpu.memref_slice %arg11[%dma_wait3A_52, %dma_wait3A_53] : memref<10240x144xf32, #tpu.memory_space<vmem_shared>> -> memref<10240x144xf32, #tpu.memory_space<vmem_shared>>
        tpu.wait_indirect_dma semaphore(%run_scoped3A : memref<!tpu.dma_semaphore, #tpu.memory_space<semaphore_mem>>) src(%arg7 : memref<128x144xf32, #tpu.memory_space<vmem>>) dst(%dma_wait3A_54 : memref<10240x144xf32, #tpu.memory_space<vmem_shared>>)
        tpu.yield
      }) : () -> ()
    }
    %scan3A_13 = arith.constant 19 : i32
    %add3A_14 = arith.constant 2432 : i32
    %add3A_15 = arith.addi %mul3A_7, %add3A_14 : i32
    %dma_start3A = tpu.memref_slice %arg3[%add3A_15] : memref<78080xi32, #tpu.memory_space<hbm>> -> memref<8xi32, #tpu.memory_space<hbm>>
    %dma_start3A_16 = tpu.memref_slice %arg3[%add3A_15] : memref<78080xi32, #tpu.memory_space<hbm>> -> memref<8xi32, #tpu.memory_space<hbm>>
    tpu.enqueue_dma source(%dma_start3A_16 : memref<8xi32, #tpu.memory_space<hbm>>) target(%arg8 : memref<8xi32, #tpu.memory_space<vmem>>) target_semaphore(%arg12 : memref<!tpu.dma_semaphore, #tpu.memory_space<semaphore_mem>>)
    %dma_start3A_17 = arith.constant 0 : i32
    %dma_start3A_18 = tpu.memref_slice %arg2[%add3A_15, %dma_start3A_17] : memref<78080x144xf32, #tpu.memory_space<hbm>> -> memref<8x144xf32, #tpu.memory_space<hbm>>
    %dma_start3A_19 = arith.constant 0 : i32
    %dma_start3A_20 = tpu.memref_slice %arg2[%add3A_15, %dma_start3A_19] : memref<78080x144xf32, #tpu.memory_space<hbm>> -> memref<8x144xf32, #tpu.memory_space<hbm>>
    tpu.enqueue_dma source(%dma_start3A_20 : memref<8x144xf32, #tpu.memory_space<hbm>>) target(%arg9 : memref<8x144xf32, #tpu.memory_space<vmem>>) target_semaphore(%arg12 : memref<!tpu.dma_semaphore, #tpu.memory_space<semaphore_mem>>)
    %dma_wait3A = tpu.memref_slice %arg3[%add3A_15] : memref<78080xi32, #tpu.memory_space<hbm>> -> memref<8xi32, #tpu.memory_space<hbm>>
    %dma_wait3A_21 = tpu.memref_slice %arg3[%add3A_15] : memref<78080xi32, #tpu.memory_space<hbm>> -> memref<8xi32, #tpu.memory_space<hbm>>
    tpu.wait_dma2 semaphore(%arg12 : memref<!tpu.dma_semaphore, #tpu.memory_space<semaphore_mem>>) src(%dma_wait3A_21 : memref<8xi32, #tpu.memory_space<hbm>>) dst(%arg8 : memref<8xi32, #tpu.memory_space<vmem>>)
    %dma_wait3A_22 = arith.constant 0 : i32
    %dma_wait3A_23 = tpu.memref_slice %arg2[%add3A_15, %dma_wait3A_22] : memref<78080x144xf32, #tpu.memory_space<hbm>> -> memref<8x144xf32, #tpu.memory_space<hbm>>
    %dma_wait3A_24 = arith.constant 0 : i32
    %dma_wait3A_25 = tpu.memref_slice %arg2[%add3A_15, %dma_wait3A_24] : memref<78080x144xf32, #tpu.memory_space<hbm>> -> memref<8x144xf32, #tpu.memory_space<hbm>>
    tpu.wait_dma2 semaphore(%arg12 : memref<!tpu.dma_semaphore, #tpu.memory_space<semaphore_mem>>) src(%dma_wait3A_25 : memref<8x144xf32, #tpu.memory_space<hbm>>) dst(%arg9 : memref<8x144xf32, #tpu.memory_space<vmem>>)
    "tpu.region"() ({
      %run_scoped3A = tpu.sem_alloc : memref<!tpu.dma_semaphore, #tpu.memory_space<semaphore_mem>>
      %dma_start3A_33 = arith.constant 0 : i32
      %dma_start3A_34 = arith.constant 0 : i32
      %dma_start3A_35 = tpu.memref_slice %arg11[%dma_start3A_33, %dma_start3A_34] : memref<10240x144xf32, #tpu.memory_space<vmem_shared>> -> memref<10240x144xf32, #tpu.memory_space<vmem_shared>>
      tpu.enqueue_indirect_dma source(%arg9 : memref<8x144xf32, #tpu.memory_space<vmem>>) target(%dma_start3A_35 : memref<10240x144xf32, #tpu.memory_space<vmem_shared>>) offsets(%arg8 : memref<8xi32, #tpu.memory_space<vmem>>) semaphore(%run_scoped3A : memref<!tpu.dma_semaphore, #tpu.memory_space<semaphore_mem>>) {add = true}
      %dma_wait3A_36 = arith.constant 0 : i32
      %dma_wait3A_37 = arith.constant 0 : i32
      %dma_wait3A_38 = tpu.memref_slice %arg11[%dma_wait3A_36, %dma_wait3A_37] : memref<10240x144xf32, #tpu.memory_space<vmem_shared>> -> memref<10240x144xf32, #tpu.memory_space<vmem_shared>>
      tpu.wait_indirect_dma semaphore(%run_scoped3A : memref<!tpu.dma_semaphore, #tpu.memory_space<semaphore_mem>>) src(%arg9 : memref<8x144xf32, #tpu.memory_space<vmem>>) dst(%dma_wait3A_38 : memref<10240x144xf32, #tpu.memory_space<vmem_shared>>)
      tpu.yield
    }) : () -> ()
    %barrier3A_26 = arith.constant 0 : index
    tpu.barrier barrier_id(%barrier3A_26)
    %scan3A_27 = arith.constant 0 : i32
    %scan3A_28 = arith.constant 0 : i32
    %scan3A_29 = arith.constant 5 : i32
    %scan3A_30 = arith.addi %scan3A_28, %scan3A_29 : i32
    %scan3A_31 = arith.constant 1 : i32
    scf.for %scan3A_33 = %scan3A_28 to %scan3A_30 step %scan3A_31  : i32 {
      %mul3A_34 = arith.constant 640 : i32
      %mul3A_35 = arith.muli %arg1, %mul3A_34 : i32
      %mul3A_36 = arith.constant 128 : i32
      %mul3A_37 = arith.muli %scan3A_33, %mul3A_36 : i32
      %add3A_38 = arith.addi %mul3A_35, %mul3A_37 : i32
      "tpu.region"() ({
        %run_scoped3A = tpu.sem_alloc : memref<!tpu.dma_semaphore, #tpu.memory_space<semaphore_mem>>
        %dma_start3A_39 = arith.constant 0 : i32
        %dma_start3A_40 = tpu.memref_slice %arg11[%add3A_38, %dma_start3A_39] : memref<10240x144xf32, #tpu.memory_space<vmem_shared>> -> memref<128x144xf32, #tpu.memory_space<vmem_shared>>
        %dma_start3A_41 = arith.constant 0 : i32
        %dma_start3A_42 = tpu.memref_slice %arg11[%add3A_38, %dma_start3A_41] : memref<10240x144xf32, #tpu.memory_space<vmem_shared>> -> memref<128x144xf32, #tpu.memory_space<vmem_shared>>
        tpu.enqueue_dma source(%dma_start3A_42 : memref<128x144xf32, #tpu.memory_space<vmem_shared>>) target(%arg10 : memref<128x144xf32, #tpu.memory_space<vmem>>) target_semaphore(%run_scoped3A : memref<!tpu.dma_semaphore, #tpu.memory_space<semaphore_mem>>)
        %dma_wait3A_43 = arith.constant 0 : i32
        %dma_wait3A_44 = tpu.memref_slice %arg11[%add3A_38, %dma_wait3A_43] : memref<10240x144xf32, #tpu.memory_space<vmem_shared>> -> memref<128x144xf32, #tpu.memory_space<vmem_shared>>
        %dma_wait3A_45 = arith.constant 0 : i32
        %dma_wait3A_46 = tpu.memref_slice %arg11[%add3A_38, %dma_wait3A_45] : memref<10240x144xf32, #tpu.memory_space<vmem_shared>> -> memref<128x144xf32, #tpu.memory_space<vmem_shared>>
        tpu.wait_dma2 semaphore(%run_scoped3A : memref<!tpu.dma_semaphore, #tpu.memory_space<semaphore_mem>>) src(%dma_wait3A_46 : memref<128x144xf32, #tpu.memory_space<vmem_shared>>) dst(%arg10 : memref<128x144xf32, #tpu.memory_space<vmem>>)
        tpu.yield
      }) : () -> ()
      "tpu.region"() ({
        %run_scoped3A = tpu.sem_alloc : memref<!tpu.dma_semaphore, #tpu.memory_space<semaphore_mem>>
        %dma_start3A_39 = arith.constant 0 : i32
        %dma_start3A_40 = tpu.memref_slice %arg5[%arg0, %add3A_38, %dma_start3A_39] : memref<2x10240x144xf32, #tpu.memory_space<hbm>> -> memref<1x128x144xf32, #tpu.memory_space<hbm>>
        %dma_start3A_41 = tpu.memref_squeeze %dma_start3A_40 : memref<1x128x144xf32, #tpu.memory_space<hbm>> -> memref<128x144xf32, #tpu.memory_space<hbm>>
        %dma_start3A_42 = arith.constant 0 : i32
        %dma_start3A_43 = tpu.memref_slice %arg5[%arg0, %add3A_38, %dma_start3A_42] : memref<2x10240x144xf32, #tpu.memory_space<hbm>> -> memref<1x128x144xf32, #tpu.memory_space<hbm>>
        %dma_start3A_44 = tpu.memref_squeeze %dma_start3A_43 : memref<1x128x144xf32, #tpu.memory_space<hbm>> -> memref<128x144xf32, #tpu.memory_space<hbm>>
        tpu.enqueue_dma source(%arg10 : memref<128x144xf32, #tpu.memory_space<vmem>>) target(%dma_start3A_44 : memref<128x144xf32, #tpu.memory_space<hbm>>) target_semaphore(%run_scoped3A : memref<!tpu.dma_semaphore, #tpu.memory_space<semaphore_mem>>)
        %dma_wait3A_45 = arith.constant 0 : i32
        %dma_wait3A_46 = tpu.memref_slice %arg5[%arg0, %add3A_38, %dma_wait3A_45] : memref<2x10240x144xf32, #tpu.memory_space<hbm>> -> memref<1x128x144xf32, #tpu.memory_space<hbm>>
        %dma_wait3A_47 = tpu.memref_squeeze %dma_wait3A_46 : memref<1x128x144xf32, #tpu.memory_space<hbm>> -> memref<128x144xf32, #tpu.memory_space<hbm>>
        %dma_wait3A_48 = arith.constant 0 : i32
        %dma_wait3A_49 = tpu.memref_slice %arg5[%arg0, %add3A_38, %dma_wait3A_48] : memref<2x10240x144xf32, #tpu.memory_space<hbm>> -> memref<1x128x144xf32, #tpu.memory_space<hbm>>
        %dma_wait3A_50 = tpu.memref_squeeze %dma_wait3A_49 : memref<1x128x144xf32, #tpu.memory_space<hbm>> -> memref<128x144xf32, #tpu.memory_space<hbm>>
        tpu.wait_dma2 semaphore(%run_scoped3A : memref<!tpu.dma_semaphore, #tpu.memory_space<semaphore_mem>>) src(%arg10 : memref<128x144xf32, #tpu.memory_space<vmem>>) dst(%dma_wait3A_50 : memref<128x144xf32, #tpu.memory_space<hbm>>)
        tpu.yield
      }) : () -> ()
    }
    %scan3A_32 = arith.constant 5 : i32
    return
  }
}

module attributes {stable_mosaic.version = 14 : i64} {
  func.func @_edge_body(%arg0: i32, %arg1: memref<2440x128xf32, #tpu.memory_space<vmem>>, %arg2: memref<2440x128xf32, #tpu.memory_space<vmem>>, %arg3: memref<2440x16xf32, #tpu.memory_space<vmem>>, %arg4: memref<128x544xbf16, #tpu.memory_space<vmem>>, %arg5: memref<128x544xbf16, #tpu.memory_space<vmem>>, %arg6: memref<16x544xbf16, #tpu.memory_space<vmem>>, %arg7: memref<1x544xf32, #tpu.memory_space<vmem>>, %arg8: memref<544x544xbf16, #tpu.memory_space<vmem>>, %arg9: memref<1x544xf32, #tpu.memory_space<vmem>>, %arg10: memref<544x16xbf16, #tpu.memory_space<vmem>>, %arg11: memref<1x16xf32, #tpu.memory_space<vmem>>, %arg12: memref<128x544xbf16, #tpu.memory_space<vmem>>, %arg13: memref<128x544xbf16, #tpu.memory_space<vmem>>, %arg14: memref<16x544xbf16, #tpu.memory_space<vmem>>, %arg15: memref<1x544xf32, #tpu.memory_space<vmem>>, %arg16: memref<544x544xbf16, #tpu.memory_space<vmem>>, %arg17: memref<1x544xf32, #tpu.memory_space<vmem>>, %arg18: memref<544x144xbf16, #tpu.memory_space<vmem>>, %arg19: memref<1x144xf32, #tpu.memory_space<vmem>>, %arg20: memref<2440x16xf32, #tpu.memory_space<vmem>>, %arg21: memref<2440x144xf32, #tpu.memory_space<vmem>>) attributes {dimension_semantics = [#tpu.dimension_semantics<arbitrary>], iteration_bounds = array<i64: 32>, scalar_prefetch = 0 : i64, scratch_operands = 0 : i64, tpu.core_type = #tpu.core_type<tc>, window_params = [{transform_indices = @transform_0, window_bounds = array<i64: 2440, 128>}, {transform_indices = @transform_1, window_bounds = array<i64: 2440, 128>}, {transform_indices = @transform_2, window_bounds = array<i64: 2440, 16>}, {pipeline_mode = #tpu.pipeline_mode<synchronous>, transform_indices = @transform_3, window_bounds = array<i64: 128, 544>}, {pipeline_mode = #tpu.pipeline_mode<synchronous>, transform_indices = @transform_4, window_bounds = array<i64: 128, 544>}, {pipeline_mode = #tpu.pipeline_mode<synchronous>, transform_indices = @transform_5, window_bounds = array<i64: 16, 544>}, {pipeline_mode = #tpu.pipeline_mode<synchronous>, transform_indices = @transform_6, window_bounds = array<i64: 1, 544>}, {pipeline_mode = #tpu.pipeline_mode<synchronous>, transform_indices = @transform_7, window_bounds = array<i64: 544, 544>}, {pipeline_mode = #tpu.pipeline_mode<synchronous>, transform_indices = @transform_8, window_bounds = array<i64: 1, 544>}, {pipeline_mode = #tpu.pipeline_mode<synchronous>, transform_indices = @transform_9, window_bounds = array<i64: 544, 16>}, {pipeline_mode = #tpu.pipeline_mode<synchronous>, transform_indices = @transform_10, window_bounds = array<i64: 1, 16>}, {pipeline_mode = #tpu.pipeline_mode<synchronous>, transform_indices = @transform_11, window_bounds = array<i64: 128, 544>}, {pipeline_mode = #tpu.pipeline_mode<synchronous>, transform_indices = @transform_12, window_bounds = array<i64: 128, 544>}, {pipeline_mode = #tpu.pipeline_mode<synchronous>, transform_indices = @transform_13, window_bounds = array<i64: 16, 544>}, {pipeline_mode = #tpu.pipeline_mode<synchronous>, transform_indices = @transform_14, window_bounds = array<i64: 1, 544>}, {pipeline_mode = #tpu.pipeline_mode<synchronous>, transform_indices = @transform_15, window_bounds = array<i64: 544, 544>}, {pipeline_mode = #tpu.pipeline_mode<synchronous>, transform_indices = @transform_16, window_bounds = array<i64: 1, 544>}, {pipeline_mode = #tpu.pipeline_mode<synchronous>, transform_indices = @transform_17, window_bounds = array<i64: 544, 144>}, {pipeline_mode = #tpu.pipeline_mode<synchronous>, transform_indices = @transform_18, window_bounds = array<i64: 1, 144>}, {transform_indices = @transform_19, window_bounds = array<i64: 2440, 16>}, {transform_indices = @transform_20, window_bounds = array<i64: 2440, 144>}]} {
    %get3A = arith.constant 0 : index
    %get3A_0 = arith.constant 0 : index
    %get3A_1 = vector.load %arg1[%get3A, %get3A_0] : memref<2440x128xf32, #tpu.memory_space<vmem>>, vector<2440x128xf32>
    %get3A_2 = arith.constant 0 : index
    %get3A_3 = arith.constant 0 : index
    %get3A_4 = vector.load %arg2[%get3A_2, %get3A_3] : memref<2440x128xf32, #tpu.memory_space<vmem>>, vector<2440x128xf32>
    %convert_element_type3A = arith.truncf %get3A_1 : vector<2440x128xf32> to vector<2440x128xbf16>
    %convert_element_type3A_5 = arith.truncf %get3A_4 : vector<2440x128xf32> to vector<2440x128xbf16>
    %get3A_6 = arith.constant 0 : index
    %get3A_7 = arith.constant 0 : index
    %get3A_8 = vector.load %arg3[%get3A_6, %get3A_7] : memref<2440x16xf32, #tpu.memory_space<vmem>>, vector<2440x16xf32>
    %get3A_9 = arith.constant 0 : index
    %get3A_10 = arith.constant 0 : index
    %get3A_11 = vector.load %arg4[%get3A_9, %get3A_10] : memref<128x544xbf16, #tpu.memory_space<vmem>>, vector<128x544xbf16>
    %dot_general3A = arith.constant dense<0.000000e+00> : vector<2440x544xf32>
    %dot_general3A_12 = tpu.matmul %convert_element_type3A, %get3A_11, %dot_general3A {dimension_numbers = #tpu.dot_dimension_numbers<[1], [0], [0], [1], [0, 0, 1, 1], [], []>, transpose_lhs_hint = false} : vector<2440x128xbf16>, vector<128x544xbf16>, vector<2440x544xf32> -> vector<2440x544xf32>
    %get3A_13 = arith.constant 0 : index
    %get3A_14 = arith.constant 0 : index
    %get3A_15 = vector.load %arg5[%get3A_13, %get3A_14] : memref<128x544xbf16, #tpu.memory_space<vmem>>, vector<128x544xbf16>
    %dot_general3A_16 = arith.constant dense<0.000000e+00> : vector<2440x544xf32>
    %dot_general3A_17 = tpu.matmul %convert_element_type3A_5, %get3A_15, %dot_general3A_16 {dimension_numbers = #tpu.dot_dimension_numbers<[1], [0], [0], [1], [0, 0, 1, 1], [], []>, transpose_lhs_hint = false} : vector<2440x128xbf16>, vector<128x544xbf16>, vector<2440x544xf32> -> vector<2440x544xf32>
    %add3A = arith.addf %dot_general3A_12, %dot_general3A_17 : vector<2440x544xf32>
    %convert_element_type3A_18 = arith.truncf %get3A_8 : vector<2440x16xf32> to vector<2440x16xbf16>
    %get3A_19 = arith.constant 0 : index
    %get3A_20 = arith.constant 0 : index
    %get3A_21 = vector.load %arg6[%get3A_19, %get3A_20] : memref<16x544xbf16, #tpu.memory_space<vmem>>, vector<16x544xbf16>
    %dot_general3A_22 = arith.constant dense<0.000000e+00> : vector<2440x544xf32>
    %dot_general3A_23 = tpu.matmul %convert_element_type3A_18, %get3A_21, %dot_general3A_22 {dimension_numbers = #tpu.dot_dimension_numbers<[1], [0], [0], [1], [0, 0, 1, 1], [], []>, transpose_lhs_hint = false} : vector<2440x16xbf16>, vector<16x544xbf16>, vector<2440x544xf32> -> vector<2440x544xf32>
    %add3A_24 = arith.addf %add3A, %dot_general3A_23 : vector<2440x544xf32>
    %get3A_25 = arith.constant 0 : index
    %get3A_26 = arith.constant 0 : index
    %get3A_27 = vector.load %arg7[%get3A_25, %get3A_26] : memref<1x544xf32, #tpu.memory_space<vmem>>, vector<1x544xf32>
    %add3A_28 = vector.broadcast %get3A_27 : vector<1x544xf32> to vector<2440x544xf32>
    %add3A_29 = arith.addf %add3A_24, %add3A_28 : vector<2440x544xf32>
    %max3A = arith.constant 0.000000e+00 : f32
    %max3A_30 = vector.broadcast %max3A : f32 to vector<2440x544xf32>
    %max3A_31 = arith.maximumf %add3A_29, %max3A_30 : vector<2440x544xf32>
    %convert_element_type3A_32 = arith.truncf %max3A_31 : vector<2440x544xf32> to vector<2440x544xbf16>
    %get3A_33 = arith.constant 0 : index
    %get3A_34 = arith.constant 0 : index
    %get3A_35 = vector.load %arg8[%get3A_33, %get3A_34] : memref<544x544xbf16, #tpu.memory_space<vmem>>, vector<544x544xbf16>
    %dot_general3A_36 = arith.constant dense<0.000000e+00> : vector<2440x544xf32>
    %dot_general3A_37 = tpu.matmul %convert_element_type3A_32, %get3A_35, %dot_general3A_36 {dimension_numbers = #tpu.dot_dimension_numbers<[1], [0], [0], [1], [0, 0, 1, 1], [], []>, transpose_lhs_hint = false} : vector<2440x544xbf16>, vector<544x544xbf16>, vector<2440x544xf32> -> vector<2440x544xf32>
    %get3A_38 = arith.constant 0 : index
    %get3A_39 = arith.constant 0 : index
    %get3A_40 = vector.load %arg9[%get3A_38, %get3A_39] : memref<1x544xf32, #tpu.memory_space<vmem>>, vector<1x544xf32>
    %add3A_41 = vector.broadcast %get3A_40 : vector<1x544xf32> to vector<2440x544xf32>
    %add3A_42 = arith.addf %dot_general3A_37, %add3A_41 : vector<2440x544xf32>
    %max3A_43 = arith.constant 0.000000e+00 : f32
    %max3A_44 = vector.broadcast %max3A_43 : f32 to vector<2440x544xf32>
    %max3A_45 = arith.maximumf %add3A_42, %max3A_44 : vector<2440x544xf32>
    %convert_element_type3A_46 = arith.truncf %max3A_45 : vector<2440x544xf32> to vector<2440x544xbf16>
    %get3A_47 = arith.constant 0 : index
    %get3A_48 = arith.constant 0 : index
    %get3A_49 = vector.load %arg10[%get3A_47, %get3A_48] : memref<544x16xbf16, #tpu.memory_space<vmem>>, vector<544x16xbf16>
    %dot_general3A_50 = arith.constant dense<0.000000e+00> : vector<2440x16xf32>
    %dot_general3A_51 = tpu.matmul %convert_element_type3A_46, %get3A_49, %dot_general3A_50 {dimension_numbers = #tpu.dot_dimension_numbers<[1], [0], [0], [1], [0, 0, 1, 1], [], []>, transpose_lhs_hint = false} : vector<2440x544xbf16>, vector<544x16xbf16>, vector<2440x16xf32> -> vector<2440x16xf32>
    %get3A_52 = arith.constant 0 : index
    %get3A_53 = arith.constant 0 : index
    %get3A_54 = vector.load %arg11[%get3A_52, %get3A_53] : memref<1x16xf32, #tpu.memory_space<vmem>>, vector<1x16xf32>
    %add3A_55 = vector.broadcast %get3A_54 : vector<1x16xf32> to vector<2440x16xf32>
    %add3A_56 = arith.addf %dot_general3A_51, %add3A_55 : vector<2440x16xf32>
    %swap3A = arith.constant 0 : index
    %swap3A_57 = arith.constant 0 : index
    %swap3A_58 = vector.load %arg20[%swap3A, %swap3A_57] : memref<2440x16xf32, #tpu.memory_space<vmem>>, vector<2440x16xf32>
    tpu.vector_store %arg20[%swap3A, %swap3A_57], %add3A_56 {strides = array<i32>} : memref<2440x16xf32, #tpu.memory_space<vmem>>, vector<2440x16xf32>,
    %get3A_59 = arith.constant 0 : index
    %get3A_60 = arith.constant 0 : index
    %get3A_61 = vector.load %arg12[%get3A_59, %get3A_60] : memref<128x544xbf16, #tpu.memory_space<vmem>>, vector<128x544xbf16>
    %dot_general3A_62 = arith.constant dense<0.000000e+00> : vector<2440x544xf32>
    %dot_general3A_63 = tpu.matmul %convert_element_type3A, %get3A_61, %dot_general3A_62 {dimension_numbers = #tpu.dot_dimension_numbers<[1], [0], [0], [1], [0, 0, 1, 1], [], []>, transpose_lhs_hint = false} : vector<2440x128xbf16>, vector<128x544xbf16>, vector<2440x544xf32> -> vector<2440x544xf32>
    %get3A_64 = arith.constant 0 : index
    %get3A_65 = arith.constant 0 : index
    %get3A_66 = vector.load %arg13[%get3A_64, %get3A_65] : memref<128x544xbf16, #tpu.memory_space<vmem>>, vector<128x544xbf16>
    %dot_general3A_67 = arith.constant dense<0.000000e+00> : vector<2440x544xf32>
    %dot_general3A_68 = tpu.matmul %convert_element_type3A_5, %get3A_66, %dot_general3A_67 {dimension_numbers = #tpu.dot_dimension_numbers<[1], [0], [0], [1], [0, 0, 1, 1], [], []>, transpose_lhs_hint = false} : vector<2440x128xbf16>, vector<128x544xbf16>, vector<2440x544xf32> -> vector<2440x544xf32>
    %add3A_69 = arith.addf %dot_general3A_63, %dot_general3A_68 : vector<2440x544xf32>
    %convert_element_type3A_70 = arith.truncf %add3A_56 : vector<2440x16xf32> to vector<2440x16xbf16>
    %get3A_71 = arith.constant 0 : index
    %get3A_72 = arith.constant 0 : index
    %get3A_73 = vector.load %arg14[%get3A_71, %get3A_72] : memref<16x544xbf16, #tpu.memory_space<vmem>>, vector<16x544xbf16>
    %dot_general3A_74 = arith.constant dense<0.000000e+00> : vector<2440x544xf32>
    %dot_general3A_75 = tpu.matmul %convert_element_type3A_70, %get3A_73, %dot_general3A_74 {dimension_numbers = #tpu.dot_dimension_numbers<[1], [0], [0], [1], [0, 0, 1, 1], [], []>, transpose_lhs_hint = false} : vector<2440x16xbf16>, vector<16x544xbf16>, vector<2440x544xf32> -> vector<2440x544xf32>
    %add3A_76 = arith.addf %add3A_69, %dot_general3A_75 : vector<2440x544xf32>
    %get3A_77 = arith.constant 0 : index
    %get3A_78 = arith.constant 0 : index
    %get3A_79 = vector.load %arg15[%get3A_77, %get3A_78] : memref<1x544xf32, #tpu.memory_space<vmem>>, vector<1x544xf32>
    %add3A_80 = vector.broadcast %get3A_79 : vector<1x544xf32> to vector<2440x544xf32>
    %add3A_81 = arith.addf %add3A_76, %add3A_80 : vector<2440x544xf32>
    %max3A_82 = arith.constant 0.000000e+00 : f32
    %max3A_83 = vector.broadcast %max3A_82 : f32 to vector<2440x544xf32>
    %max3A_84 = arith.maximumf %add3A_81, %max3A_83 : vector<2440x544xf32>
    %convert_element_type3A_85 = arith.truncf %max3A_84 : vector<2440x544xf32> to vector<2440x544xbf16>
    %get3A_86 = arith.constant 0 : index
    %get3A_87 = arith.constant 0 : index
    %get3A_88 = vector.load %arg16[%get3A_86, %get3A_87] : memref<544x544xbf16, #tpu.memory_space<vmem>>, vector<544x544xbf16>
    %dot_general3A_89 = arith.constant dense<0.000000e+00> : vector<2440x544xf32>
    %dot_general3A_90 = tpu.matmul %convert_element_type3A_85, %get3A_88, %dot_general3A_89 {dimension_numbers = #tpu.dot_dimension_numbers<[1], [0], [0], [1], [0, 0, 1, 1], [], []>, transpose_lhs_hint = false} : vector<2440x544xbf16>, vector<544x544xbf16>, vector<2440x544xf32> -> vector<2440x544xf32>
    %get3A_91 = arith.constant 0 : index
    %get3A_92 = arith.constant 0 : index
    %get3A_93 = vector.load %arg17[%get3A_91, %get3A_92] : memref<1x544xf32, #tpu.memory_space<vmem>>, vector<1x544xf32>
    %add3A_94 = vector.broadcast %get3A_93 : vector<1x544xf32> to vector<2440x544xf32>
    %add3A_95 = arith.addf %dot_general3A_90, %add3A_94 : vector<2440x544xf32>
    %max3A_96 = arith.constant 0.000000e+00 : f32
    %max3A_97 = vector.broadcast %max3A_96 : f32 to vector<2440x544xf32>
    %max3A_98 = arith.maximumf %add3A_95, %max3A_97 : vector<2440x544xf32>
    %convert_element_type3A_99 = arith.truncf %max3A_98 : vector<2440x544xf32> to vector<2440x544xbf16>
    %get3A_100 = arith.constant 0 : index
    %get3A_101 = arith.constant 0 : index
    %get3A_102 = vector.load %arg18[%get3A_100, %get3A_101] : memref<544x144xbf16, #tpu.memory_space<vmem>>, vector<544x144xbf16>
    %dot_general3A_103 = arith.constant dense<0.000000e+00> : vector<2440x144xf32>
    %dot_general3A_104 = tpu.matmul %convert_element_type3A_99, %get3A_102, %dot_general3A_103 {dimension_numbers = #tpu.dot_dimension_numbers<[1], [0], [0], [1], [0, 0, 1, 1], [], []>, transpose_lhs_hint = false} : vector<2440x544xbf16>, vector<544x144xbf16>, vector<2440x144xf32> -> vector<2440x144xf32>
    %get3A_105 = arith.constant 0 : index
    %get3A_106 = arith.constant 0 : index
    %get3A_107 = vector.load %arg19[%get3A_105, %get3A_106] : memref<1x144xf32, #tpu.memory_space<vmem>>, vector<1x144xf32>
    %add3A_108 = vector.broadcast %get3A_107 : vector<1x144xf32> to vector<2440x144xf32>
    %add3A_109 = arith.addf %dot_general3A_104, %add3A_108 : vector<2440x144xf32>
    %swap3A_110 = arith.constant 0 : index
    %swap3A_111 = arith.constant 0 : index
    %swap3A_112 = vector.load %arg21[%swap3A_110, %swap3A_111] : memref<2440x144xf32, #tpu.memory_space<vmem>>, vector<2440x144xf32>
    tpu.vector_store %arg21[%swap3A_110, %swap3A_111], %add3A_109 {strides = array<i32>} : memref<2440x144xf32, #tpu.memory_space<vmem>>, vector<2440x144xf32>,
    return
  }
  func.func @transform_0(%arg0: i32) -> (i32, i32) {
    %c0_i32 = arith.constant 0 : i32
    %c0_i32_0 = arith.constant 0 : i32
    return %arg0, %c0_i32 : i32, i32
  }
  func.func @transform_1(%arg0: i32) -> (i32, i32) {
    %c0_i32 = arith.constant 0 : i32
    %c0_i32_0 = arith.constant 0 : i32
    return %arg0, %c0_i32 : i32, i32
  }
  func.func @transform_2(%arg0: i32) -> (i32, i32) {
    %c0_i32 = arith.constant 0 : i32
    %c0_i32_0 = arith.constant 0 : i32
    return %arg0, %c0_i32 : i32, i32
  }
  func.func @transform_3(%arg0: i32) -> (i32, i32) {
    %c0_i32 = arith.constant 0 : i32
    %c0_i32_0 = arith.constant 0 : i32
    %c0_i32_1 = arith.constant 0 : i32
    return %c0_i32, %c0_i32_0 : i32, i32
  }
  func.func @transform_4(%arg0: i32) -> (i32, i32) {
    %c0_i32 = arith.constant 0 : i32
    %c0_i32_0 = arith.constant 0 : i32
    %c0_i32_1 = arith.constant 0 : i32
    return %c0_i32, %c0_i32_0 : i32, i32
  }
  func.func @transform_5(%arg0: i32) -> (i32, i32) {
    %c0_i32 = arith.constant 0 : i32
    %c0_i32_0 = arith.constant 0 : i32
    %c0_i32_1 = arith.constant 0 : i32
    return %c0_i32, %c0_i32_0 : i32, i32
  }
  func.func @transform_6(%arg0: i32) -> (i32, i32) {
    %c0_i32 = arith.constant 0 : i32
    %c0_i32_0 = arith.constant 0 : i32
    %c0_i32_1 = arith.constant 0 : i32
    return %c0_i32, %c0_i32_0 : i32, i32
  }
  func.func @transform_7(%arg0: i32) -> (i32, i32) {
    %c0_i32 = arith.constant 0 : i32
    %c0_i32_0 = arith.constant 0 : i32
    %c0_i32_1 = arith.constant 0 : i32
    return %c0_i32, %c0_i32_0 : i32, i32
  }
  func.func @transform_8(%arg0: i32) -> (i32, i32) {
    %c0_i32 = arith.constant 0 : i32
    %c0_i32_0 = arith.constant 0 : i32
    %c0_i32_1 = arith.constant 0 : i32
    return %c0_i32, %c0_i32_0 : i32, i32
  }
  func.func @transform_9(%arg0: i32) -> (i32, i32) {
    %c0_i32 = arith.constant 0 : i32
    %c0_i32_0 = arith.constant 0 : i32
    %c0_i32_1 = arith.constant 0 : i32
    return %c0_i32, %c0_i32_0 : i32, i32
  }
  func.func @transform_10(%arg0: i32) -> (i32, i32) {
    %c0_i32 = arith.constant 0 : i32
    %c0_i32_0 = arith.constant 0 : i32
    %c0_i32_1 = arith.constant 0 : i32
    return %c0_i32, %c0_i32_0 : i32, i32
  }
  func.func @transform_11(%arg0: i32) -> (i32, i32) {
    %c0_i32 = arith.constant 0 : i32
    %c0_i32_0 = arith.constant 0 : i32
    %c0_i32_1 = arith.constant 0 : i32
    return %c0_i32, %c0_i32_0 : i32, i32
  }
  func.func @transform_12(%arg0: i32) -> (i32, i32) {
    %c0_i32 = arith.constant 0 : i32
    %c0_i32_0 = arith.constant 0 : i32
    %c0_i32_1 = arith.constant 0 : i32
    return %c0_i32, %c0_i32_0 : i32, i32
  }
  func.func @transform_13(%arg0: i32) -> (i32, i32) {
    %c0_i32 = arith.constant 0 : i32
    %c0_i32_0 = arith.constant 0 : i32
    %c0_i32_1 = arith.constant 0 : i32
    return %c0_i32, %c0_i32_0 : i32, i32
  }
  func.func @transform_14(%arg0: i32) -> (i32, i32) {
    %c0_i32 = arith.constant 0 : i32
    %c0_i32_0 = arith.constant 0 : i32
    %c0_i32_1 = arith.constant 0 : i32
    return %c0_i32, %c0_i32_0 : i32, i32
  }
  func.func @transform_15(%arg0: i32) -> (i32, i32) {
    %c0_i32 = arith.constant 0 : i32
    %c0_i32_0 = arith.constant 0 : i32
    %c0_i32_1 = arith.constant 0 : i32
    return %c0_i32, %c0_i32_0 : i32, i32
  }
  func.func @transform_16(%arg0: i32) -> (i32, i32) {
    %c0_i32 = arith.constant 0 : i32
    %c0_i32_0 = arith.constant 0 : i32
    %c0_i32_1 = arith.constant 0 : i32
    return %c0_i32, %c0_i32_0 : i32, i32
  }
  func.func @transform_17(%arg0: i32) -> (i32, i32) {
    %c0_i32 = arith.constant 0 : i32
    %c0_i32_0 = arith.constant 0 : i32
    %c0_i32_1 = arith.constant 0 : i32
    return %c0_i32, %c0_i32_0 : i32, i32
  }
  func.func @transform_18(%arg0: i32) -> (i32, i32) {
    %c0_i32 = arith.constant 0 : i32
    %c0_i32_0 = arith.constant 0 : i32
    %c0_i32_1 = arith.constant 0 : i32
    return %c0_i32, %c0_i32_0 : i32, i32
  }
  func.func @transform_19(%arg0: i32) -> (i32, i32) {
    %c0_i32 = arith.constant 0 : i32
    %c0_i32_0 = arith.constant 0 : i32
    return %arg0, %c0_i32 : i32, i32
  }
  func.func @transform_20(%arg0: i32) -> (i32, i32) {
    %c0_i32 = arith.constant 0 : i32
    %c0_i32_0 = arith.constant 0 : i32
    return %arg0, %c0_i32 : i32, i32
  }
}

module attributes {stable_mosaic.version = 14 : i64} {
  func.func @_edge_body(%arg0: i32, %arg1: memref<2048x128xf32, #tpu.memory_space<vmem>>, %arg2: memref<2048x128xf32, #tpu.memory_space<vmem>>, %arg3: memref<2048x16xf32, #tpu.memory_space<vmem>>, %arg4: memref<128x544xbf16, #tpu.memory_space<vmem>>, %arg5: memref<128x544xbf16, #tpu.memory_space<vmem>>, %arg6: memref<16x544xbf16, #tpu.memory_space<vmem>>, %arg7: memref<1x544xf32, #tpu.memory_space<vmem>>, %arg8: memref<544x544xbf16, #tpu.memory_space<vmem>>, %arg9: memref<1x544xf32, #tpu.memory_space<vmem>>, %arg10: memref<544x16xbf16, #tpu.memory_space<vmem>>, %arg11: memref<1x16xf32, #tpu.memory_space<vmem>>, %arg12: memref<128x544xbf16, #tpu.memory_space<vmem>>, %arg13: memref<128x544xbf16, #tpu.memory_space<vmem>>, %arg14: memref<16x544xbf16, #tpu.memory_space<vmem>>, %arg15: memref<1x544xf32, #tpu.memory_space<vmem>>, %arg16: memref<544x544xbf16, #tpu.memory_space<vmem>>, %arg17: memref<1x544xf32, #tpu.memory_space<vmem>>, %arg18: memref<544x144xbf16, #tpu.memory_space<vmem>>, %arg19: memref<1x144xf32, #tpu.memory_space<vmem>>, %arg20: memref<2048x16xf32, #tpu.memory_space<vmem>>, %arg21: memref<2048x144xf32, #tpu.memory_space<vmem>>) attributes {dimension_semantics = [#tpu.dimension_semantics<arbitrary>], iteration_bounds = array<i64: 40>, scalar_prefetch = 0 : i64, scratch_operands = 0 : i64, tpu.core_type = #tpu.core_type<tc>, window_params = [{transform_indices = @transform_0, window_bounds = array<i64: 2048, 128>}, {transform_indices = @transform_1, window_bounds = array<i64: 2048, 128>}, {transform_indices = @transform_2, window_bounds = array<i64: 2048, 16>}, {pipeline_mode = #tpu.pipeline_mode<synchronous>, transform_indices = @transform_3, window_bounds = array<i64: 128, 544>}, {pipeline_mode = #tpu.pipeline_mode<synchronous>, transform_indices = @transform_4, window_bounds = array<i64: 128, 544>}, {pipeline_mode = #tpu.pipeline_mode<synchronous>, transform_indices = @transform_5, window_bounds = array<i64: 16, 544>}, {pipeline_mode = #tpu.pipeline_mode<synchronous>, transform_indices = @transform_6, window_bounds = array<i64: 1, 544>}, {pipeline_mode = #tpu.pipeline_mode<synchronous>, transform_indices = @transform_7, window_bounds = array<i64: 544, 544>}, {pipeline_mode = #tpu.pipeline_mode<synchronous>, transform_indices = @transform_8, window_bounds = array<i64: 1, 544>}, {pipeline_mode = #tpu.pipeline_mode<synchronous>, transform_indices = @transform_9, window_bounds = array<i64: 544, 16>}, {pipeline_mode = #tpu.pipeline_mode<synchronous>, transform_indices = @transform_10, window_bounds = array<i64: 1, 16>}, {pipeline_mode = #tpu.pipeline_mode<synchronous>, transform_indices = @transform_11, window_bounds = array<i64: 128, 544>}, {pipeline_mode = #tpu.pipeline_mode<synchronous>, transform_indices = @transform_12, window_bounds = array<i64: 128, 544>}, {pipeline_mode = #tpu.pipeline_mode<synchronous>, transform_indices = @transform_13, window_bounds = array<i64: 16, 544>}, {pipeline_mode = #tpu.pipeline_mode<synchronous>, transform_indices = @transform_14, window_bounds = array<i64: 1, 544>}, {pipeline_mode = #tpu.pipeline_mode<synchronous>, transform_indices = @transform_15, window_bounds = array<i64: 544, 544>}, {pipeline_mode = #tpu.pipeline_mode<synchronous>, transform_indices = @transform_16, window_bounds = array<i64: 1, 544>}, {pipeline_mode = #tpu.pipeline_mode<synchronous>, transform_indices = @transform_17, window_bounds = array<i64: 544, 144>}, {pipeline_mode = #tpu.pipeline_mode<synchronous>, transform_indices = @transform_18, window_bounds = array<i64: 1, 144>}, {transform_indices = @transform_19, window_bounds = array<i64: 2048, 16>}, {transform_indices = @transform_20, window_bounds = array<i64: 2048, 144>}]} {
    %get3A = arith.constant 0 : index
    %get3A_0 = arith.constant 0 : index
    %get3A_1 = vector.load %arg1[%get3A, %get3A_0] : memref<2048x128xf32, #tpu.memory_space<vmem>>, vector<2048x128xf32>
    %get3A_2 = arith.constant 0 : index
    %get3A_3 = arith.constant 0 : index
    %get3A_4 = vector.load %arg2[%get3A_2, %get3A_3] : memref<2048x128xf32, #tpu.memory_space<vmem>>, vector<2048x128xf32>
    %convert_element_type3A = arith.truncf %get3A_1 : vector<2048x128xf32> to vector<2048x128xbf16>
    %convert_element_type3A_5 = arith.truncf %get3A_4 : vector<2048x128xf32> to vector<2048x128xbf16>
    %get3A_6 = arith.constant 0 : index
    %get3A_7 = arith.constant 0 : index
    %get3A_8 = vector.load %arg3[%get3A_6, %get3A_7] : memref<2048x16xf32, #tpu.memory_space<vmem>>, vector<2048x16xf32>
    %get3A_9 = arith.constant 0 : index
    %get3A_10 = arith.constant 0 : index
    %get3A_11 = vector.load %arg4[%get3A_9, %get3A_10] : memref<128x544xbf16, #tpu.memory_space<vmem>>, vector<128x544xbf16>
    %dot_general3A = arith.constant dense<0.000000e+00> : vector<2048x544xf32>
    %dot_general3A_12 = tpu.matmul %convert_element_type3A, %get3A_11, %dot_general3A {dimension_numbers = #tpu.dot_dimension_numbers<[1], [0], [0], [1], [0, 0, 1, 1], [], []>, transpose_lhs_hint = false} : vector<2048x128xbf16>, vector<128x544xbf16>, vector<2048x544xf32> -> vector<2048x544xf32>
    %get3A_13 = arith.constant 0 : index
    %get3A_14 = arith.constant 0 : index
    %get3A_15 = vector.load %arg5[%get3A_13, %get3A_14] : memref<128x544xbf16, #tpu.memory_space<vmem>>, vector<128x544xbf16>
    %dot_general3A_16 = arith.constant dense<0.000000e+00> : vector<2048x544xf32>
    %dot_general3A_17 = tpu.matmul %convert_element_type3A_5, %get3A_15, %dot_general3A_16 {dimension_numbers = #tpu.dot_dimension_numbers<[1], [0], [0], [1], [0, 0, 1, 1], [], []>, transpose_lhs_hint = false} : vector<2048x128xbf16>, vector<128x544xbf16>, vector<2048x544xf32> -> vector<2048x544xf32>
    %add3A = arith.addf %dot_general3A_12, %dot_general3A_17 : vector<2048x544xf32>
    %convert_element_type3A_18 = arith.truncf %get3A_8 : vector<2048x16xf32> to vector<2048x16xbf16>
    %get3A_19 = arith.constant 0 : index
    %get3A_20 = arith.constant 0 : index
    %get3A_21 = vector.load %arg6[%get3A_19, %get3A_20] : memref<16x544xbf16, #tpu.memory_space<vmem>>, vector<16x544xbf16>
    %dot_general3A_22 = arith.constant dense<0.000000e+00> : vector<2048x544xf32>
    %dot_general3A_23 = tpu.matmul %convert_element_type3A_18, %get3A_21, %dot_general3A_22 {dimension_numbers = #tpu.dot_dimension_numbers<[1], [0], [0], [1], [0, 0, 1, 1], [], []>, transpose_lhs_hint = false} : vector<2048x16xbf16>, vector<16x544xbf16>, vector<2048x544xf32> -> vector<2048x544xf32>
    %add3A_24 = arith.addf %add3A, %dot_general3A_23 : vector<2048x544xf32>
    %get3A_25 = arith.constant 0 : index
    %get3A_26 = arith.constant 0 : index
    %get3A_27 = vector.load %arg7[%get3A_25, %get3A_26] : memref<1x544xf32, #tpu.memory_space<vmem>>, vector<1x544xf32>
    %add3A_28 = vector.broadcast %get3A_27 : vector<1x544xf32> to vector<2048x544xf32>
    %add3A_29 = arith.addf %add3A_24, %add3A_28 : vector<2048x544xf32>
    %max3A = arith.constant 0.000000e+00 : f32
    %max3A_30 = vector.broadcast %max3A : f32 to vector<2048x544xf32>
    %max3A_31 = arith.maximumf %add3A_29, %max3A_30 : vector<2048x544xf32>
    %convert_element_type3A_32 = arith.truncf %max3A_31 : vector<2048x544xf32> to vector<2048x544xbf16>
    %get3A_33 = arith.constant 0 : index
    %get3A_34 = arith.constant 0 : index
    %get3A_35 = vector.load %arg8[%get3A_33, %get3A_34] : memref<544x544xbf16, #tpu.memory_space<vmem>>, vector<544x544xbf16>
    %dot_general3A_36 = arith.constant dense<0.000000e+00> : vector<2048x544xf32>
    %dot_general3A_37 = tpu.matmul %convert_element_type3A_32, %get3A_35, %dot_general3A_36 {dimension_numbers = #tpu.dot_dimension_numbers<[1], [0], [0], [1], [0, 0, 1, 1], [], []>, transpose_lhs_hint = false} : vector<2048x544xbf16>, vector<544x544xbf16>, vector<2048x544xf32> -> vector<2048x544xf32>
    %get3A_38 = arith.constant 0 : index
    %get3A_39 = arith.constant 0 : index
    %get3A_40 = vector.load %arg9[%get3A_38, %get3A_39] : memref<1x544xf32, #tpu.memory_space<vmem>>, vector<1x544xf32>
    %add3A_41 = vector.broadcast %get3A_40 : vector<1x544xf32> to vector<2048x544xf32>
    %add3A_42 = arith.addf %dot_general3A_37, %add3A_41 : vector<2048x544xf32>
    %max3A_43 = arith.constant 0.000000e+00 : f32
    %max3A_44 = vector.broadcast %max3A_43 : f32 to vector<2048x544xf32>
    %max3A_45 = arith.maximumf %add3A_42, %max3A_44 : vector<2048x544xf32>
    %convert_element_type3A_46 = arith.truncf %max3A_45 : vector<2048x544xf32> to vector<2048x544xbf16>
    %get3A_47 = arith.constant 0 : index
    %get3A_48 = arith.constant 0 : index
    %get3A_49 = vector.load %arg10[%get3A_47, %get3A_48] : memref<544x16xbf16, #tpu.memory_space<vmem>>, vector<544x16xbf16>
    %dot_general3A_50 = arith.constant dense<0.000000e+00> : vector<2048x16xf32>
    %dot_general3A_51 = tpu.matmul %convert_element_type3A_46, %get3A_49, %dot_general3A_50 {dimension_numbers = #tpu.dot_dimension_numbers<[1], [0], [0], [1], [0, 0, 1, 1], [], []>, transpose_lhs_hint = false} : vector<2048x544xbf16>, vector<544x16xbf16>, vector<2048x16xf32> -> vector<2048x16xf32>
    %get3A_52 = arith.constant 0 : index
    %get3A_53 = arith.constant 0 : index
    %get3A_54 = vector.load %arg11[%get3A_52, %get3A_53] : memref<1x16xf32, #tpu.memory_space<vmem>>, vector<1x16xf32>
    %add3A_55 = vector.broadcast %get3A_54 : vector<1x16xf32> to vector<2048x16xf32>
    %add3A_56 = arith.addf %dot_general3A_51, %add3A_55 : vector<2048x16xf32>
    %swap3A = arith.constant 0 : index
    %swap3A_57 = arith.constant 0 : index
    %swap3A_58 = vector.load %arg20[%swap3A, %swap3A_57] : memref<2048x16xf32, #tpu.memory_space<vmem>>, vector<2048x16xf32>
    tpu.vector_store %arg20[%swap3A, %swap3A_57], %add3A_56 {strides = array<i32>} : memref<2048x16xf32, #tpu.memory_space<vmem>>, vector<2048x16xf32>,
    %get3A_59 = arith.constant 0 : index
    %get3A_60 = arith.constant 0 : index
    %get3A_61 = vector.load %arg12[%get3A_59, %get3A_60] : memref<128x544xbf16, #tpu.memory_space<vmem>>, vector<128x544xbf16>
    %dot_general3A_62 = arith.constant dense<0.000000e+00> : vector<2048x544xf32>
    %dot_general3A_63 = tpu.matmul %convert_element_type3A, %get3A_61, %dot_general3A_62 {dimension_numbers = #tpu.dot_dimension_numbers<[1], [0], [0], [1], [0, 0, 1, 1], [], []>, transpose_lhs_hint = false} : vector<2048x128xbf16>, vector<128x544xbf16>, vector<2048x544xf32> -> vector<2048x544xf32>
    %get3A_64 = arith.constant 0 : index
    %get3A_65 = arith.constant 0 : index
    %get3A_66 = vector.load %arg13[%get3A_64, %get3A_65] : memref<128x544xbf16, #tpu.memory_space<vmem>>, vector<128x544xbf16>
    %dot_general3A_67 = arith.constant dense<0.000000e+00> : vector<2048x544xf32>
    %dot_general3A_68 = tpu.matmul %convert_element_type3A_5, %get3A_66, %dot_general3A_67 {dimension_numbers = #tpu.dot_dimension_numbers<[1], [0], [0], [1], [0, 0, 1, 1], [], []>, transpose_lhs_hint = false} : vector<2048x128xbf16>, vector<128x544xbf16>, vector<2048x544xf32> -> vector<2048x544xf32>
    %add3A_69 = arith.addf %dot_general3A_63, %dot_general3A_68 : vector<2048x544xf32>
    %convert_element_type3A_70 = arith.truncf %add3A_56 : vector<2048x16xf32> to vector<2048x16xbf16>
    %get3A_71 = arith.constant 0 : index
    %get3A_72 = arith.constant 0 : index
    %get3A_73 = vector.load %arg14[%get3A_71, %get3A_72] : memref<16x544xbf16, #tpu.memory_space<vmem>>, vector<16x544xbf16>
    %dot_general3A_74 = arith.constant dense<0.000000e+00> : vector<2048x544xf32>
    %dot_general3A_75 = tpu.matmul %convert_element_type3A_70, %get3A_73, %dot_general3A_74 {dimension_numbers = #tpu.dot_dimension_numbers<[1], [0], [0], [1], [0, 0, 1, 1], [], []>, transpose_lhs_hint = false} : vector<2048x16xbf16>, vector<16x544xbf16>, vector<2048x544xf32> -> vector<2048x544xf32>
    %add3A_76 = arith.addf %add3A_69, %dot_general3A_75 : vector<2048x544xf32>
    %get3A_77 = arith.constant 0 : index
    %get3A_78 = arith.constant 0 : index
    %get3A_79 = vector.load %arg15[%get3A_77, %get3A_78] : memref<1x544xf32, #tpu.memory_space<vmem>>, vector<1x544xf32>
    %add3A_80 = vector.broadcast %get3A_79 : vector<1x544xf32> to vector<2048x544xf32>
    %add3A_81 = arith.addf %add3A_76, %add3A_80 : vector<2048x544xf32>
    %max3A_82 = arith.constant 0.000000e+00 : f32
    %max3A_83 = vector.broadcast %max3A_82 : f32 to vector<2048x544xf32>
    %max3A_84 = arith.maximumf %add3A_81, %max3A_83 : vector<2048x544xf32>
    %convert_element_type3A_85 = arith.truncf %max3A_84 : vector<2048x544xf32> to vector<2048x544xbf16>
    %get3A_86 = arith.constant 0 : index
    %get3A_87 = arith.constant 0 : index
    %get3A_88 = vector.load %arg16[%get3A_86, %get3A_87] : memref<544x544xbf16, #tpu.memory_space<vmem>>, vector<544x544xbf16>
    %dot_general3A_89 = arith.constant dense<0.000000e+00> : vector<2048x544xf32>
    %dot_general3A_90 = tpu.matmul %convert_element_type3A_85, %get3A_88, %dot_general3A_89 {dimension_numbers = #tpu.dot_dimension_numbers<[1], [0], [0], [1], [0, 0, 1, 1], [], []>, transpose_lhs_hint = false} : vector<2048x544xbf16>, vector<544x544xbf16>, vector<2048x544xf32> -> vector<2048x544xf32>
    %get3A_91 = arith.constant 0 : index
    %get3A_92 = arith.constant 0 : index
    %get3A_93 = vector.load %arg17[%get3A_91, %get3A_92] : memref<1x544xf32, #tpu.memory_space<vmem>>, vector<1x544xf32>
    %add3A_94 = vector.broadcast %get3A_93 : vector<1x544xf32> to vector<2048x544xf32>
    %add3A_95 = arith.addf %dot_general3A_90, %add3A_94 : vector<2048x544xf32>
    %max3A_96 = arith.constant 0.000000e+00 : f32
    %max3A_97 = vector.broadcast %max3A_96 : f32 to vector<2048x544xf32>
    %max3A_98 = arith.maximumf %add3A_95, %max3A_97 : vector<2048x544xf32>
    %convert_element_type3A_99 = arith.truncf %max3A_98 : vector<2048x544xf32> to vector<2048x544xbf16>
    %get3A_100 = arith.constant 0 : index
    %get3A_101 = arith.constant 0 : index
    %get3A_102 = vector.load %arg18[%get3A_100, %get3A_101] : memref<544x144xbf16, #tpu.memory_space<vmem>>, vector<544x144xbf16>
    %dot_general3A_103 = arith.constant dense<0.000000e+00> : vector<2048x144xf32>
    %dot_general3A_104 = tpu.matmul %convert_element_type3A_99, %get3A_102, %dot_general3A_103 {dimension_numbers = #tpu.dot_dimension_numbers<[1], [0], [0], [1], [0, 0, 1, 1], [], []>, transpose_lhs_hint = false} : vector<2048x544xbf16>, vector<544x144xbf16>, vector<2048x144xf32> -> vector<2048x144xf32>
    %get3A_105 = arith.constant 0 : index
    %get3A_106 = arith.constant 0 : index
    %get3A_107 = vector.load %arg19[%get3A_105, %get3A_106] : memref<1x144xf32, #tpu.memory_space<vmem>>, vector<1x144xf32>
    %add3A_108 = vector.broadcast %get3A_107 : vector<1x144xf32> to vector<2048x144xf32>
    %add3A_109 = arith.addf %dot_general3A_104, %add3A_108 : vector<2048x144xf32>
    %swap3A_110 = arith.constant 0 : index
    %swap3A_111 = arith.constant 0 : index
    %swap3A_112 = vector.load %arg21[%swap3A_110, %swap3A_111] : memref<2048x144xf32, #tpu.memory_space<vmem>>, vector<2048x144xf32>
    tpu.vector_store %arg21[%swap3A_110, %swap3A_111], %add3A_109 {strides = array<i32>} : memref<2048x144xf32, #tpu.memory_space<vmem>>, vector<2048x144xf32>,
    return
  }
  func.func @transform_0(%arg0: i32) -> (i32, i32) {
    %c0_i32 = arith.constant 0 : i32
    %c0_i32_0 = arith.constant 0 : i32
    return %arg0, %c0_i32 : i32, i32
  }
  func.func @transform_1(%arg0: i32) -> (i32, i32) {
    %c0_i32 = arith.constant 0 : i32
    %c0_i32_0 = arith.constant 0 : i32
    return %arg0, %c0_i32 : i32, i32
  }
  func.func @transform_2(%arg0: i32) -> (i32, i32) {
    %c0_i32 = arith.constant 0 : i32
    %c0_i32_0 = arith.constant 0 : i32
    return %arg0, %c0_i32 : i32, i32
  }
  func.func @transform_3(%arg0: i32) -> (i32, i32) {
    %c0_i32 = arith.constant 0 : i32
    %c0_i32_0 = arith.constant 0 : i32
    %c0_i32_1 = arith.constant 0 : i32
    return %c0_i32, %c0_i32_0 : i32, i32
  }
  func.func @transform_4(%arg0: i32) -> (i32, i32) {
    %c0_i32 = arith.constant 0 : i32
    %c0_i32_0 = arith.constant 0 : i32
    %c0_i32_1 = arith.constant 0 : i32
    return %c0_i32, %c0_i32_0 : i32, i32
  }
  func.func @transform_5(%arg0: i32) -> (i32, i32) {
    %c0_i32 = arith.constant 0 : i32
    %c0_i32_0 = arith.constant 0 : i32
    %c0_i32_1 = arith.constant 0 : i32
    return %c0_i32, %c0_i32_0 : i32, i32
  }
  func.func @transform_6(%arg0: i32) -> (i32, i32) {
    %c0_i32 = arith.constant 0 : i32
    %c0_i32_0 = arith.constant 0 : i32
    %c0_i32_1 = arith.constant 0 : i32
    return %c0_i32, %c0_i32_0 : i32, i32
  }
  func.func @transform_7(%arg0: i32) -> (i32, i32) {
    %c0_i32 = arith.constant 0 : i32
    %c0_i32_0 = arith.constant 0 : i32
    %c0_i32_1 = arith.constant 0 : i32
    return %c0_i32, %c0_i32_0 : i32, i32
  }
  func.func @transform_8(%arg0: i32) -> (i32, i32) {
    %c0_i32 = arith.constant 0 : i32
    %c0_i32_0 = arith.constant 0 : i32
    %c0_i32_1 = arith.constant 0 : i32
    return %c0_i32, %c0_i32_0 : i32, i32
  }
  func.func @transform_9(%arg0: i32) -> (i32, i32) {
    %c0_i32 = arith.constant 0 : i32
    %c0_i32_0 = arith.constant 0 : i32
    %c0_i32_1 = arith.constant 0 : i32
    return %c0_i32, %c0_i32_0 : i32, i32
  }
  func.func @transform_10(%arg0: i32) -> (i32, i32) {
    %c0_i32 = arith.constant 0 : i32
    %c0_i32_0 = arith.constant 0 : i32
    %c0_i32_1 = arith.constant 0 : i32
    return %c0_i32, %c0_i32_0 : i32, i32
  }
  func.func @transform_11(%arg0: i32) -> (i32, i32) {
    %c0_i32 = arith.constant 0 : i32
    %c0_i32_0 = arith.constant 0 : i32
    %c0_i32_1 = arith.constant 0 : i32
    return %c0_i32, %c0_i32_0 : i32, i32
  }
  func.func @transform_12(%arg0: i32) -> (i32, i32) {
    %c0_i32 = arith.constant 0 : i32
    %c0_i32_0 = arith.constant 0 : i32
    %c0_i32_1 = arith.constant 0 : i32
    return %c0_i32, %c0_i32_0 : i32, i32
  }
  func.func @transform_13(%arg0: i32) -> (i32, i32) {
    %c0_i32 = arith.constant 0 : i32
    %c0_i32_0 = arith.constant 0 : i32
    %c0_i32_1 = arith.constant 0 : i32
    return %c0_i32, %c0_i32_0 : i32, i32
  }
  func.func @transform_14(%arg0: i32) -> (i32, i32) {
    %c0_i32 = arith.constant 0 : i32
    %c0_i32_0 = arith.constant 0 : i32
    %c0_i32_1 = arith.constant 0 : i32
    return %c0_i32, %c0_i32_0 : i32, i32
  }
  func.func @transform_15(%arg0: i32) -> (i32, i32) {
    %c0_i32 = arith.constant 0 : i32
    %c0_i32_0 = arith.constant 0 : i32
    %c0_i32_1 = arith.constant 0 : i32
    return %c0_i32, %c0_i32_0 : i32, i32
  }
  func.func @transform_16(%arg0: i32) -> (i32, i32) {
    %c0_i32 = arith.constant 0 : i32
    %c0_i32_0 = arith.constant 0 : i32
    %c0_i32_1 = arith.constant 0 : i32
    return %c0_i32, %c0_i32_0 : i32, i32
  }
  func.func @transform_17(%arg0: i32) -> (i32, i32) {
    %c0_i32 = arith.constant 0 : i32
    %c0_i32_0 = arith.constant 0 : i32
    %c0_i32_1 = arith.constant 0 : i32
    return %c0_i32, %c0_i32_0 : i32, i32
  }
  func.func @transform_18(%arg0: i32) -> (i32, i32) {
    %c0_i32 = arith.constant 0 : i32
    %c0_i32_0 = arith.constant 0 : i32
    %c0_i32_1 = arith.constant 0 : i32
    return %c0_i32, %c0_i32_0 : i32, i32
  }
  func.func @transform_19(%arg0: i32) -> (i32, i32) {
    %c0_i32 = arith.constant 0 : i32
    %c0_i32_0 = arith.constant 0 : i32
    return %arg0, %c0_i32 : i32, i32
  }
  func.func @transform_20(%arg0: i32) -> (i32, i32) {
    %c0_i32 = arith.constant 0 : i32
    %c0_i32_0 = arith.constant 0 : i32
    return %arg0, %c0_i32 : i32, i32
  }
}

module attributes {stable_mosaic.version = 14 : i64} {
  func.func @_gamma_body(%arg0: i32, %arg1: memref<1x1000x144xf32, #tpu.memory_space<vmem>>, %arg2: memref<1x1000x144xf32, #tpu.memory_space<vmem>>, %arg3: memref<1x1000x144xf32, #tpu.memory_space<vmem>>, %arg4: memref<1x1000x144xf32, #tpu.memory_space<vmem>>, %arg5: memref<1000x128xf32, #tpu.memory_space<vmem>>, %arg6: memref<144x528xbf16, #tpu.memory_space<vmem>>, %arg7: memref<128x528xbf16, #tpu.memory_space<vmem>>, %arg8: memref<1x528xf32, #tpu.memory_space<vmem>>, %arg9: memref<528x528xbf16, #tpu.memory_space<vmem>>, %arg10: memref<1x528xf32, #tpu.memory_space<vmem>>, %arg11: memref<528x128xbf16, #tpu.memory_space<vmem>>, %arg12: memref<1x128xf32, #tpu.memory_space<vmem>>, %arg13: memref<1000x128xf32, #tpu.memory_space<vmem>>) attributes {dimension_semantics = [#tpu.dimension_semantics<arbitrary>], iteration_bounds = array<i64: 10>, scalar_prefetch = 0 : i64, scratch_operands = 0 : i64, tpu.core_type = #tpu.core_type<tc>, window_params = [{transform_indices = @transform_0, window_bounds = array<i64: 1, 1000, 144>}, {transform_indices = @transform_1, window_bounds = array<i64: 1, 1000, 144>}, {transform_indices = @transform_2, window_bounds = array<i64: 1, 1000, 144>}, {transform_indices = @transform_3, window_bounds = array<i64: 1, 1000, 144>}, {transform_indices = @transform_4, window_bounds = array<i64: 1000, 128>}, {pipeline_mode = #tpu.pipeline_mode<synchronous>, transform_indices = @transform_5, window_bounds = array<i64: 144, 528>}, {pipeline_mode = #tpu.pipeline_mode<synchronous>, transform_indices = @transform_6, window_bounds = array<i64: 128, 528>}, {pipeline_mode = #tpu.pipeline_mode<synchronous>, transform_indices = @transform_7, window_bounds = array<i64: 1, 528>}, {pipeline_mode = #tpu.pipeline_mode<synchronous>, transform_indices = @transform_8, window_bounds = array<i64: 528, 528>}, {pipeline_mode = #tpu.pipeline_mode<synchronous>, transform_indices = @transform_9, window_bounds = array<i64: 1, 528>}, {pipeline_mode = #tpu.pipeline_mode<synchronous>, transform_indices = @transform_10, window_bounds = array<i64: 528, 128>}, {pipeline_mode = #tpu.pipeline_mode<synchronous>, transform_indices = @transform_11, window_bounds = array<i64: 1, 128>}, {transform_indices = @transform_12, window_bounds = array<i64: 1000, 128>}]} {
    %get3A = arith.constant 0 : index
    %get3A_0 = arith.constant 0 : index
    %get3A_1 = arith.constant 0 : index
    %get3A_2 = vector.load %arg1[%get3A, %get3A_0, %get3A_1] : memref<1x1000x144xf32, #tpu.memory_space<vmem>>, vector<1x1000x144xf32>
    %get3A_3 = vector.shape_cast %get3A_2 : vector<1x1000x144xf32> to vector<1000x144xf32>
    %get3A_4 = arith.constant 0 : index
    %get3A_5 = arith.constant 0 : index
    %get3A_6 = arith.constant 0 : index
    %get3A_7 = vector.load %arg2[%get3A_4, %get3A_5, %get3A_6] : memref<1x1000x144xf32, #tpu.memory_space<vmem>>, vector<1x1000x144xf32>
    %get3A_8 = vector.shape_cast %get3A_7 : vector<1x1000x144xf32> to vector<1000x144xf32>
    %add3A = arith.addf %get3A_3, %get3A_8 : vector<1000x144xf32>
    %get3A_9 = arith.constant 0 : index
    %get3A_10 = arith.constant 0 : index
    %get3A_11 = arith.constant 0 : index
    %get3A_12 = vector.load %arg3[%get3A_9, %get3A_10, %get3A_11] : memref<1x1000x144xf32, #tpu.memory_space<vmem>>, vector<1x1000x144xf32>
    %get3A_13 = vector.shape_cast %get3A_12 : vector<1x1000x144xf32> to vector<1000x144xf32>
    %add3A_14 = arith.addf %add3A, %get3A_13 : vector<1000x144xf32>
    %get3A_15 = arith.constant 0 : index
    %get3A_16 = arith.constant 0 : index
    %get3A_17 = arith.constant 0 : index
    %get3A_18 = vector.load %arg4[%get3A_15, %get3A_16, %get3A_17] : memref<1x1000x144xf32, #tpu.memory_space<vmem>>, vector<1x1000x144xf32>
    %get3A_19 = vector.shape_cast %get3A_18 : vector<1x1000x144xf32> to vector<1000x144xf32>
    %add3A_20 = arith.addf %add3A_14, %get3A_19 : vector<1000x144xf32>
    %iota3A = tpu.iota {dimensions = array<i32: 1>} : vector<1x144xi32>
    %eq3A = arith.constant 136 : i32
    %eq3A_21 = vector.broadcast %eq3A : i32 to vector<1x144xi32>
    %eq3A_22 = arith.cmpi eq, %iota3A, %eq3A_21 : vector<1x144xi32>
    %jit3A = arith.constant 0.000000e+00 : f32
    %broadcast_in_dim3A = vector.shape_cast %eq3A_22 : vector<1x144xi1> to vector<1x144xi1>
    %broadcast_in_dim3A_23 = vector.broadcast %broadcast_in_dim3A : vector<1x144xi1> to vector<1000x144xi1>
    %broadcast_in_dim3A_24 = vector.broadcast %jit3A : f32 to vector<1000x144xf32>
    %select_n3A = arith.select %broadcast_in_dim3A_23, %add3A_20, %broadcast_in_dim3A_24 : vector<1000x144xi1>, vector<1000x144xf32>
    %reduce_sum3A = arith.constant dense<0.000000e+00> : vector<1000xf32>
    %reduce_sum3A_25 = vector.multi_reduction <add>, %select_n3A, %reduce_sum3A [1] : vector<1000x144xf32> to vector<1000xf32>
    %broadcast_in_dim3A_26 = vector.shape_cast %reduce_sum3A_25 : vector<1000xf32> to vector<1000x1xf32>
    %max3A = arith.constant 1.000000e+00 : f32
    %max3A_27 = vector.broadcast %max3A : f32 to vector<1000x1xf32>
    %max3A_28 = arith.maximumf %broadcast_in_dim3A_26, %max3A_27 : vector<1000x1xf32>
    %div3A = vector.broadcast %max3A_28 : vector<1000x1xf32> to vector<1000x144xf32>
    %div3A_29 = arith.divf %add3A_20, %div3A : vector<1000x144xf32>
    %convert_element_type3A = arith.truncf %div3A_29 : vector<1000x144xf32> to vector<1000x144xbf16>
    %get3A_30 = arith.constant 0 : index
    %get3A_31 = arith.constant 0 : index
    %get3A_32 = vector.load %arg6[%get3A_30, %get3A_31] : memref<144x528xbf16, #tpu.memory_space<vmem>>, vector<144x528xbf16>
    %dot_general3A = arith.constant dense<0.000000e+00> : vector<1000x528xf32>
    %dot_general3A_33 = tpu.matmul %convert_element_type3A, %get3A_32, %dot_general3A {dimension_numbers = #tpu.dot_dimension_numbers<[1], [0], [0], [1], [0, 0, 1, 1], [], []>, transpose_lhs_hint = false} : vector<1000x144xbf16>, vector<144x528xbf16>, vector<1000x528xf32> -> vector<1000x528xf32>
    %get3A_34 = arith.constant 0 : index
    %get3A_35 = arith.constant 0 : index
    %get3A_36 = vector.load %arg5[%get3A_34, %get3A_35] : memref<1000x128xf32, #tpu.memory_space<vmem>>, vector<1000x128xf32>
    %convert_element_type3A_37 = arith.truncf %get3A_36 : vector<1000x128xf32> to vector<1000x128xbf16>
    %get3A_38 = arith.constant 0 : index
    %get3A_39 = arith.constant 0 : index
    %get3A_40 = vector.load %arg7[%get3A_38, %get3A_39] : memref<128x528xbf16, #tpu.memory_space<vmem>>, vector<128x528xbf16>
    %dot_general3A_41 = arith.constant dense<0.000000e+00> : vector<1000x528xf32>
    %dot_general3A_42 = tpu.matmul %convert_element_type3A_37, %get3A_40, %dot_general3A_41 {dimension_numbers = #tpu.dot_dimension_numbers<[1], [0], [0], [1], [0, 0, 1, 1], [], []>, transpose_lhs_hint = false} : vector<1000x128xbf16>, vector<128x528xbf16>, vector<1000x528xf32> -> vector<1000x528xf32>
    %add3A_43 = arith.addf %dot_general3A_33, %dot_general3A_42 : vector<1000x528xf32>
    %get3A_44 = arith.constant 0 : index
    %get3A_45 = arith.constant 0 : index
    %get3A_46 = vector.load %arg8[%get3A_44, %get3A_45] : memref<1x528xf32, #tpu.memory_space<vmem>>, vector<1x528xf32>
    %add3A_47 = vector.broadcast %get3A_46 : vector<1x528xf32> to vector<1000x528xf32>
    %add3A_48 = arith.addf %add3A_43, %add3A_47 : vector<1000x528xf32>
    %max3A_49 = arith.constant 0.000000e+00 : f32
    %max3A_50 = vector.broadcast %max3A_49 : f32 to vector<1000x528xf32>
    %max3A_51 = arith.maximumf %add3A_48, %max3A_50 : vector<1000x528xf32>
    %convert_element_type3A_52 = arith.truncf %max3A_51 : vector<1000x528xf32> to vector<1000x528xbf16>
    %get3A_53 = arith.constant 0 : index
    %get3A_54 = arith.constant 0 : index
    %get3A_55 = vector.load %arg9[%get3A_53, %get3A_54] : memref<528x528xbf16, #tpu.memory_space<vmem>>, vector<528x528xbf16>
    %dot_general3A_56 = arith.constant dense<0.000000e+00> : vector<1000x528xf32>
    %dot_general3A_57 = tpu.matmul %convert_element_type3A_52, %get3A_55, %dot_general3A_56 {dimension_numbers = #tpu.dot_dimension_numbers<[1], [0], [0], [1], [0, 0, 1, 1], [], []>, transpose_lhs_hint = false} : vector<1000x528xbf16>, vector<528x528xbf16>, vector<1000x528xf32> -> vector<1000x528xf32>
    %get3A_58 = arith.constant 0 : index
    %get3A_59 = arith.constant 0 : index
    %get3A_60 = vector.load %arg10[%get3A_58, %get3A_59] : memref<1x528xf32, #tpu.memory_space<vmem>>, vector<1x528xf32>
    %add3A_61 = vector.broadcast %get3A_60 : vector<1x528xf32> to vector<1000x528xf32>
    %add3A_62 = arith.addf %dot_general3A_57, %add3A_61 : vector<1000x528xf32>
    %max3A_63 = arith.constant 0.000000e+00 : f32
    %max3A_64 = vector.broadcast %max3A_63 : f32 to vector<1000x528xf32>
    %max3A_65 = arith.maximumf %add3A_62, %max3A_64 : vector<1000x528xf32>
    %convert_element_type3A_66 = arith.truncf %max3A_65 : vector<1000x528xf32> to vector<1000x528xbf16>
    %get3A_67 = arith.constant 0 : index
    %get3A_68 = arith.constant 0 : index
    %get3A_69 = vector.load %arg11[%get3A_67, %get3A_68] : memref<528x128xbf16, #tpu.memory_space<vmem>>, vector<528x128xbf16>
    %dot_general3A_70 = arith.constant dense<0.000000e+00> : vector<1000x128xf32>
    %dot_general3A_71 = tpu.matmul %convert_element_type3A_66, %get3A_69, %dot_general3A_70 {dimension_numbers = #tpu.dot_dimension_numbers<[1], [0], [0], [1], [0, 0, 1, 1], [], []>, transpose_lhs_hint = false} : vector<1000x528xbf16>, vector<528x128xbf16>, vector<1000x128xf32> -> vector<1000x128xf32>
    %get3A_72 = arith.constant 0 : index
    %get3A_73 = arith.constant 0 : index
    %get3A_74 = vector.load %arg12[%get3A_72, %get3A_73] : memref<1x128xf32, #tpu.memory_space<vmem>>, vector<1x128xf32>
    %add3A_75 = vector.broadcast %get3A_74 : vector<1x128xf32> to vector<1000x128xf32>
    %add3A_76 = arith.addf %dot_general3A_71, %add3A_75 : vector<1000x128xf32>
    %swap3A = arith.constant 0 : index
    %swap3A_77 = arith.constant 0 : index
    %swap3A_78 = vector.load %arg13[%swap3A, %swap3A_77] : memref<1000x128xf32, #tpu.memory_space<vmem>>, vector<1000x128xf32>
    tpu.vector_store %arg13[%swap3A, %swap3A_77], %add3A_76 {strides = array<i32>} : memref<1000x128xf32, #tpu.memory_space<vmem>>, vector<1000x128xf32>,
    return
  }
  func.func @transform_0(%arg0: i32) -> (i32, i32, i32) {
    %c0_i32 = arith.constant 0 : i32
    %c0_i32_0 = arith.constant 0 : i32
    %c0_i32_1 = arith.constant 0 : i32
    return %c0_i32, %arg0, %c0_i32_0 : i32, i32, i32
  }
  func.func @transform_1(%arg0: i32) -> (i32, i32, i32) {
    %c1_i32 = arith.constant 1 : i32
    %c0_i32 = arith.constant 0 : i32
    %c0_i32_0 = arith.constant 0 : i32
    return %c1_i32, %arg0, %c0_i32 : i32, i32, i32
  }
  func.func @transform_2(%arg0: i32) -> (i32, i32, i32) {
    %c0_i32 = arith.constant 0 : i32
    %c0_i32_0 = arith.constant 0 : i32
    %c0_i32_1 = arith.constant 0 : i32
    return %c0_i32, %arg0, %c0_i32_0 : i32, i32, i32
  }
  func.func @transform_3(%arg0: i32) -> (i32, i32, i32) {
    %c1_i32 = arith.constant 1 : i32
    %c0_i32 = arith.constant 0 : i32
    %c0_i32_0 = arith.constant 0 : i32
    return %c1_i32, %arg0, %c0_i32 : i32, i32, i32
  }
  func.func @transform_4(%arg0: i32) -> (i32, i32) {
    %c0_i32 = arith.constant 0 : i32
    %c0_i32_0 = arith.constant 0 : i32
    return %arg0, %c0_i32 : i32, i32
  }
  func.func @transform_5(%arg0: i32) -> (i32, i32) {
    %c0_i32 = arith.constant 0 : i32
    %c0_i32_0 = arith.constant 0 : i32
    %c0_i32_1 = arith.constant 0 : i32
    return %c0_i32, %c0_i32_0 : i32, i32
  }
  func.func @transform_6(%arg0: i32) -> (i32, i32) {
    %c0_i32 = arith.constant 0 : i32
    %c0_i32_0 = arith.constant 0 : i32
    %c0_i32_1 = arith.constant 0 : i32
    return %c0_i32, %c0_i32_0 : i32, i32
  }
  func.func @transform_7(%arg0: i32) -> (i32, i32) {
    %c0_i32 = arith.constant 0 : i32
    %c0_i32_0 = arith.constant 0 : i32
    %c0_i32_1 = arith.constant 0 : i32
    return %c0_i32, %c0_i32_0 : i32, i32
  }
  func.func @transform_8(%arg0: i32) -> (i32, i32) {
    %c0_i32 = arith.constant 0 : i32
    %c0_i32_0 = arith.constant 0 : i32
    %c0_i32_1 = arith.constant 0 : i32
    return %c0_i32, %c0_i32_0 : i32, i32
  }
  func.func @transform_9(%arg0: i32) -> (i32, i32) {
    %c0_i32 = arith.constant 0 : i32
    %c0_i32_0 = arith.constant 0 : i32
    %c0_i32_1 = arith.constant 0 : i32
    return %c0_i32, %c0_i32_0 : i32, i32
  }
  func.func @transform_10(%arg0: i32) -> (i32, i32) {
    %c0_i32 = arith.constant 0 : i32
    %c0_i32_0 = arith.constant 0 : i32
    %c0_i32_1 = arith.constant 0 : i32
    return %c0_i32, %c0_i32_0 : i32, i32
  }
  func.func @transform_11(%arg0: i32) -> (i32, i32) {
    %c0_i32 = arith.constant 0 : i32
    %c0_i32_0 = arith.constant 0 : i32
    %c0_i32_1 = arith.constant 0 : i32
    return %c0_i32, %c0_i32_0 : i32, i32
  }
  func.func @transform_12(%arg0: i32) -> (i32, i32) {
    %c0_i32 = arith.constant 0 : i32
    %c0_i32_0 = arith.constant 0 : i32
    return %arg0, %c0_i32 : i32, i32
  }
}

module attributes {stable_mosaic.version = 14 : i64} {
  func.func @_gamma_body(%arg0: i32, %arg1: memref<1x1000x144xf32, #tpu.memory_space<vmem>>, %arg2: memref<1x1000x144xf32, #tpu.memory_space<vmem>>, %arg3: memref<1x1000x144xf32, #tpu.memory_space<vmem>>, %arg4: memref<1x1000x144xf32, #tpu.memory_space<vmem>>, %arg5: memref<1000x128xf32, #tpu.memory_space<vmem>>, %arg6: memref<144x528xbf16, #tpu.memory_space<vmem>>, %arg7: memref<128x528xbf16, #tpu.memory_space<vmem>>, %arg8: memref<1x528xf32, #tpu.memory_space<vmem>>, %arg9: memref<528x528xbf16, #tpu.memory_space<vmem>>, %arg10: memref<1x528xf32, #tpu.memory_space<vmem>>, %arg11: memref<528x128xbf16, #tpu.memory_space<vmem>>, %arg12: memref<1x128xf32, #tpu.memory_space<vmem>>, %arg13: memref<1000x128xf32, #tpu.memory_space<vmem>>) attributes {dimension_semantics = [#tpu.dimension_semantics<arbitrary>], iteration_bounds = array<i64: 10>, scalar_prefetch = 0 : i64, scratch_operands = 0 : i64, tpu.core_type = #tpu.core_type<tc>, window_params = [{transform_indices = @transform_0, window_bounds = array<i64: 1, 1000, 144>}, {transform_indices = @transform_1, window_bounds = array<i64: 1, 1000, 144>}, {transform_indices = @transform_2, window_bounds = array<i64: 1, 1000, 144>}, {transform_indices = @transform_3, window_bounds = array<i64: 1, 1000, 144>}, {transform_indices = @transform_4, window_bounds = array<i64: 1000, 128>}, {pipeline_mode = #tpu.pipeline_mode<synchronous>, transform_indices = @transform_5, window_bounds = array<i64: 144, 528>}, {pipeline_mode = #tpu.pipeline_mode<synchronous>, transform_indices = @transform_6, window_bounds = array<i64: 128, 528>}, {pipeline_mode = #tpu.pipeline_mode<synchronous>, transform_indices = @transform_7, window_bounds = array<i64: 1, 528>}, {pipeline_mode = #tpu.pipeline_mode<synchronous>, transform_indices = @transform_8, window_bounds = array<i64: 528, 528>}, {pipeline_mode = #tpu.pipeline_mode<synchronous>, transform_indices = @transform_9, window_bounds = array<i64: 1, 528>}, {pipeline_mode = #tpu.pipeline_mode<synchronous>, transform_indices = @transform_10, window_bounds = array<i64: 528, 128>}, {pipeline_mode = #tpu.pipeline_mode<synchronous>, transform_indices = @transform_11, window_bounds = array<i64: 1, 128>}, {transform_indices = @transform_12, window_bounds = array<i64: 1000, 128>}]} {
    %get3A = arith.constant 0 : index
    %get3A_0 = arith.constant 0 : index
    %get3A_1 = arith.constant 0 : index
    %get3A_2 = vector.load %arg1[%get3A, %get3A_0, %get3A_1] : memref<1x1000x144xf32, #tpu.memory_space<vmem>>, vector<1x1000x144xf32>
    %get3A_3 = vector.shape_cast %get3A_2 : vector<1x1000x144xf32> to vector<1000x144xf32>
    %get3A_4 = arith.constant 0 : index
    %get3A_5 = arith.constant 0 : index
    %get3A_6 = arith.constant 0 : index
    %get3A_7 = vector.load %arg2[%get3A_4, %get3A_5, %get3A_6] : memref<1x1000x144xf32, #tpu.memory_space<vmem>>, vector<1x1000x144xf32>
    %get3A_8 = vector.shape_cast %get3A_7 : vector<1x1000x144xf32> to vector<1000x144xf32>
    %add3A = arith.addf %get3A_3, %get3A_8 : vector<1000x144xf32>
    %get3A_9 = arith.constant 0 : index
    %get3A_10 = arith.constant 0 : index
    %get3A_11 = arith.constant 0 : index
    %get3A_12 = vector.load %arg3[%get3A_9, %get3A_10, %get3A_11] : memref<1x1000x144xf32, #tpu.memory_space<vmem>>, vector<1x1000x144xf32>
    %get3A_13 = vector.shape_cast %get3A_12 : vector<1x1000x144xf32> to vector<1000x144xf32>
    %add3A_14 = arith.addf %add3A, %get3A_13 : vector<1000x144xf32>
    %get3A_15 = arith.constant 0 : index
    %get3A_16 = arith.constant 0 : index
    %get3A_17 = arith.constant 0 : index
    %get3A_18 = vector.load %arg4[%get3A_15, %get3A_16, %get3A_17] : memref<1x1000x144xf32, #tpu.memory_space<vmem>>, vector<1x1000x144xf32>
    %get3A_19 = vector.shape_cast %get3A_18 : vector<1x1000x144xf32> to vector<1000x144xf32>
    %add3A_20 = arith.addf %add3A_14, %get3A_19 : vector<1000x144xf32>
    %iota3A = tpu.iota {dimensions = array<i32: 1>} : vector<1x144xi32>
    %eq3A = arith.constant 136 : i32
    %eq3A_21 = vector.broadcast %eq3A : i32 to vector<1x144xi32>
    %eq3A_22 = arith.cmpi eq, %iota3A, %eq3A_21 : vector<1x144xi32>
    %jit3A = arith.constant 0.000000e+00 : f32
    %broadcast_in_dim3A = vector.shape_cast %eq3A_22 : vector<1x144xi1> to vector<1x144xi1>
    %broadcast_in_dim3A_23 = vector.broadcast %broadcast_in_dim3A : vector<1x144xi1> to vector<1000x144xi1>
    %broadcast_in_dim3A_24 = vector.broadcast %jit3A : f32 to vector<1000x144xf32>
    %select_n3A = arith.select %broadcast_in_dim3A_23, %add3A_20, %broadcast_in_dim3A_24 : vector<1000x144xi1>, vector<1000x144xf32>
    %reduce_sum3A = arith.constant dense<0.000000e+00> : vector<1000xf32>
    %reduce_sum3A_25 = vector.multi_reduction <add>, %select_n3A, %reduce_sum3A [1] : vector<1000x144xf32> to vector<1000xf32>
    %broadcast_in_dim3A_26 = vector.shape_cast %reduce_sum3A_25 : vector<1000xf32> to vector<1000x1xf32>
    %max3A = arith.constant 1.000000e+00 : f32
    %max3A_27 = vector.broadcast %max3A : f32 to vector<1000x1xf32>
    %max3A_28 = arith.maximumf %broadcast_in_dim3A_26, %max3A_27 : vector<1000x1xf32>
    %div3A = vector.broadcast %max3A_28 : vector<1000x1xf32> to vector<1000x144xf32>
    %div3A_29 = arith.divf %add3A_20, %div3A : vector<1000x144xf32>
    %convert_element_type3A = arith.truncf %div3A_29 : vector<1000x144xf32> to vector<1000x144xbf16>
    %get3A_30 = arith.constant 0 : index
    %get3A_31 = arith.constant 0 : index
    %get3A_32 = vector.load %arg6[%get3A_30, %get3A_31] : memref<144x528xbf16, #tpu.memory_space<vmem>>, vector<144x528xbf16>
    %dot_general3A = arith.constant dense<0.000000e+00> : vector<1000x528xf32>
    %dot_general3A_33 = tpu.matmul %convert_element_type3A, %get3A_32, %dot_general3A {dimension_numbers = #tpu.dot_dimension_numbers<[1], [0], [0], [1], [0, 0, 1, 1], [], []>, transpose_lhs_hint = false} : vector<1000x144xbf16>, vector<144x528xbf16>, vector<1000x528xf32> -> vector<1000x528xf32>
    %get3A_34 = arith.constant 0 : index
    %get3A_35 = arith.constant 0 : index
    %get3A_36 = vector.load %arg5[%get3A_34, %get3A_35] : memref<1000x128xf32, #tpu.memory_space<vmem>>, vector<1000x128xf32>
    %convert_element_type3A_37 = arith.truncf %get3A_36 : vector<1000x128xf32> to vector<1000x128xbf16>
    %get3A_38 = arith.constant 0 : index
    %get3A_39 = arith.constant 0 : index
    %get3A_40 = vector.load %arg7[%get3A_38, %get3A_39] : memref<128x528xbf16, #tpu.memory_space<vmem>>, vector<128x528xbf16>
    %dot_general3A_41 = arith.constant dense<0.000000e+00> : vector<1000x528xf32>
    %dot_general3A_42 = tpu.matmul %convert_element_type3A_37, %get3A_40, %dot_general3A_41 {dimension_numbers = #tpu.dot_dimension_numbers<[1], [0], [0], [1], [0, 0, 1, 1], [], []>, transpose_lhs_hint = false} : vector<1000x128xbf16>, vector<128x528xbf16>, vector<1000x528xf32> -> vector<1000x528xf32>
    %add3A_43 = arith.addf %dot_general3A_33, %dot_general3A_42 : vector<1000x528xf32>
    %get3A_44 = arith.constant 0 : index
    %get3A_45 = arith.constant 0 : index
    %get3A_46 = vector.load %arg8[%get3A_44, %get3A_45] : memref<1x528xf32, #tpu.memory_space<vmem>>, vector<1x528xf32>
    %add3A_47 = vector.broadcast %get3A_46 : vector<1x528xf32> to vector<1000x528xf32>
    %add3A_48 = arith.addf %add3A_43, %add3A_47 : vector<1000x528xf32>
    %max3A_49 = arith.constant 0.000000e+00 : f32
    %max3A_50 = vector.broadcast %max3A_49 : f32 to vector<1000x528xf32>
    %max3A_51 = arith.maximumf %add3A_48, %max3A_50 : vector<1000x528xf32>
    %convert_element_type3A_52 = arith.truncf %max3A_51 : vector<1000x528xf32> to vector<1000x528xbf16>
    %get3A_53 = arith.constant 0 : index
    %get3A_54 = arith.constant 0 : index
    %get3A_55 = vector.load %arg9[%get3A_53, %get3A_54] : memref<528x528xbf16, #tpu.memory_space<vmem>>, vector<528x528xbf16>
    %dot_general3A_56 = arith.constant dense<0.000000e+00> : vector<1000x528xf32>
    %dot_general3A_57 = tpu.matmul %convert_element_type3A_52, %get3A_55, %dot_general3A_56 {dimension_numbers = #tpu.dot_dimension_numbers<[1], [0], [0], [1], [0, 0, 1, 1], [], []>, transpose_lhs_hint = false} : vector<1000x528xbf16>, vector<528x528xbf16>, vector<1000x528xf32> -> vector<1000x528xf32>
    %get3A_58 = arith.constant 0 : index
    %get3A_59 = arith.constant 0 : index
    %get3A_60 = vector.load %arg10[%get3A_58, %get3A_59] : memref<1x528xf32, #tpu.memory_space<vmem>>, vector<1x528xf32>
    %add3A_61 = vector.broadcast %get3A_60 : vector<1x528xf32> to vector<1000x528xf32>
    %add3A_62 = arith.addf %dot_general3A_57, %add3A_61 : vector<1000x528xf32>
    %max3A_63 = arith.constant 0.000000e+00 : f32
    %max3A_64 = vector.broadcast %max3A_63 : f32 to vector<1000x528xf32>
    %max3A_65 = arith.maximumf %add3A_62, %max3A_64 : vector<1000x528xf32>
    %convert_element_type3A_66 = arith.truncf %max3A_65 : vector<1000x528xf32> to vector<1000x528xbf16>
    %get3A_67 = arith.constant 0 : index
    %get3A_68 = arith.constant 0 : index
    %get3A_69 = vector.load %arg11[%get3A_67, %get3A_68] : memref<528x128xbf16, #tpu.memory_space<vmem>>, vector<528x128xbf16>
    %dot_general3A_70 = arith.constant dense<0.000000e+00> : vector<1000x128xf32>
    %dot_general3A_71 = tpu.matmul %convert_element_type3A_66, %get3A_69, %dot_general3A_70 {dimension_numbers = #tpu.dot_dimension_numbers<[1], [0], [0], [1], [0, 0, 1, 1], [], []>, transpose_lhs_hint = false} : vector<1000x528xbf16>, vector<528x128xbf16>, vector<1000x128xf32> -> vector<1000x128xf32>
    %get3A_72 = arith.constant 0 : index
    %get3A_73 = arith.constant 0 : index
    %get3A_74 = vector.load %arg12[%get3A_72, %get3A_73] : memref<1x128xf32, #tpu.memory_space<vmem>>, vector<1x128xf32>
    %add3A_75 = vector.broadcast %get3A_74 : vector<1x128xf32> to vector<1000x128xf32>
    %add3A_76 = arith.addf %dot_general3A_71, %add3A_75 : vector<1000x128xf32>
    %swap3A = arith.constant 0 : index
    %swap3A_77 = arith.constant 0 : index
    %swap3A_78 = vector.load %arg13[%swap3A, %swap3A_77] : memref<1000x128xf32, #tpu.memory_space<vmem>>, vector<1000x128xf32>
    tpu.vector_store %arg13[%swap3A, %swap3A_77], %add3A_76 {strides = array<i32>} : memref<1000x128xf32, #tpu.memory_space<vmem>>, vector<1000x128xf32>,
    return
  }
  func.func @transform_0(%arg0: i32) -> (i32, i32, i32) {
    %c0_i32 = arith.constant 0 : i32
    %c0_i32_0 = arith.constant 0 : i32
    %c0_i32_1 = arith.constant 0 : i32
    return %c0_i32, %arg0, %c0_i32_0 : i32, i32, i32
  }
  func.func @transform_1(%arg0: i32) -> (i32, i32, i32) {
    %c1_i32 = arith.constant 1 : i32
    %c0_i32 = arith.constant 0 : i32
    %c0_i32_0 = arith.constant 0 : i32
    return %c1_i32, %arg0, %c0_i32 : i32, i32, i32
  }
  func.func @transform_2(%arg0: i32) -> (i32, i32, i32) {
    %c0_i32 = arith.constant 0 : i32
    %c0_i32_0 = arith.constant 0 : i32
    %c0_i32_1 = arith.constant 0 : i32
    return %c0_i32, %arg0, %c0_i32_0 : i32, i32, i32
  }
  func.func @transform_3(%arg0: i32) -> (i32, i32, i32) {
    %c1_i32 = arith.constant 1 : i32
    %c0_i32 = arith.constant 0 : i32
    %c0_i32_0 = arith.constant 0 : i32
    return %c1_i32, %arg0, %c0_i32 : i32, i32, i32
  }
  func.func @transform_4(%arg0: i32) -> (i32, i32) {
    %c0_i32 = arith.constant 0 : i32
    %c0_i32_0 = arith.constant 0 : i32
    return %arg0, %c0_i32 : i32, i32
  }
  func.func @transform_5(%arg0: i32) -> (i32, i32) {
    %c0_i32 = arith.constant 0 : i32
    %c0_i32_0 = arith.constant 0 : i32
    %c0_i32_1 = arith.constant 0 : i32
    return %c0_i32, %c0_i32_0 : i32, i32
  }
  func.func @transform_6(%arg0: i32) -> (i32, i32) {
    %c0_i32 = arith.constant 0 : i32
    %c0_i32_0 = arith.constant 0 : i32
    %c0_i32_1 = arith.constant 0 : i32
    return %c0_i32, %c0_i32_0 : i32, i32
  }
  func.func @transform_7(%arg0: i32) -> (i32, i32) {
    %c0_i32 = arith.constant 0 : i32
    %c0_i32_0 = arith.constant 0 : i32
    %c0_i32_1 = arith.constant 0 : i32
    return %c0_i32, %c0_i32_0 : i32, i32
  }
  func.func @transform_8(%arg0: i32) -> (i32, i32) {
    %c0_i32 = arith.constant 0 : i32
    %c0_i32_0 = arith.constant 0 : i32
    %c0_i32_1 = arith.constant 0 : i32
    return %c0_i32, %c0_i32_0 : i32, i32
  }
  func.func @transform_9(%arg0: i32) -> (i32, i32) {
    %c0_i32 = arith.constant 0 : i32
    %c0_i32_0 = arith.constant 0 : i32
    %c0_i32_1 = arith.constant 0 : i32
    return %c0_i32, %c0_i32_0 : i32, i32
  }
  func.func @transform_10(%arg0: i32) -> (i32, i32) {
    %c0_i32 = arith.constant 0 : i32
    %c0_i32_0 = arith.constant 0 : i32
    %c0_i32_1 = arith.constant 0 : i32
    return %c0_i32, %c0_i32_0 : i32, i32
  }
  func.func @transform_11(%arg0: i32) -> (i32, i32) {
    %c0_i32 = arith.constant 0 : i32
    %c0_i32_0 = arith.constant 0 : i32
    %c0_i32_1 = arith.constant 0 : i32
    return %c0_i32, %c0_i32_0 : i32, i32
  }
  func.func @transform_12(%arg0: i32) -> (i32, i32) {
    %c0_i32 = arith.constant 0 : i32
    %c0_i32_0 = arith.constant 0 : i32
    return %arg0, %c0_i32 : i32, i32
  }
}

module attributes {stable_mosaic.version = 14 : i64} {
  func.func @_pool_body(%arg0: i32, %arg1: memref<10000x16xf32, #tpu.memory_space<vmem>>, %arg2: memref<1x1x10000xi32, #tpu.memory_space<vmem>>, %arg3: memref<10000x128xf32, #tpu.memory_space<vmem>>, %arg4: memref<1x10000xi32, #tpu.memory_space<vmem>>, %arg5: memref<128x288xf32, #tpu.memory_space<vmem>>, %arg6: memref<16x288xf32, #tpu.memory_space<vmem>>, %arg7: memref<1x288xf32, #tpu.memory_space<vmem>>, %arg8: memref<288x288xf32, #tpu.memory_space<vmem>>, %arg9: memref<1x288xf32, #tpu.memory_space<vmem>>, %arg10: memref<288x5xf32, #tpu.memory_space<vmem>>, %arg11: memref<1x5xf32, #tpu.memory_space<vmem>>, %arg12: memref<16x5xf32, #tpu.memory_space<vmem>>, %arg13: memref<16x16xf32, #tpu.memory_space<vmem>>, %arg14: memref<16x1xf32, #tpu.memory_space<vmem>>) attributes {dimension_semantics = [#tpu.dimension_semantics<arbitrary>], iteration_bounds = array<i64: 16>, scalar_prefetch = 0 : i64, scratch_operands = 2 : i64, tpu.core_type = #tpu.core_type<tc>, window_params = [{transform_indices = @transform_0, window_bounds = array<i64: 10000, 16>}, {transform_indices = @transform_1, window_bounds = array<i64: 1, 1, 10000>}, {pipeline_mode = #tpu.pipeline_mode<synchronous>, transform_indices = @transform_2, window_bounds = array<i64: 10000, 128>}, {pipeline_mode = #tpu.pipeline_mode<synchronous>, transform_indices = @transform_3, window_bounds = array<i64: 1, 10000>}, {pipeline_mode = #tpu.pipeline_mode<synchronous>, transform_indices = @transform_4, window_bounds = array<i64: 128, 288>}, {pipeline_mode = #tpu.pipeline_mode<synchronous>, transform_indices = @transform_5, window_bounds = array<i64: 16, 288>}, {pipeline_mode = #tpu.pipeline_mode<synchronous>, transform_indices = @transform_6, window_bounds = array<i64: 1, 288>}, {pipeline_mode = #tpu.pipeline_mode<synchronous>, transform_indices = @transform_7, window_bounds = array<i64: 288, 288>}, {pipeline_mode = #tpu.pipeline_mode<synchronous>, transform_indices = @transform_8, window_bounds = array<i64: 1, 288>}, {pipeline_mode = #tpu.pipeline_mode<synchronous>, transform_indices = @transform_9, window_bounds = array<i64: 288, 5>}, {pipeline_mode = #tpu.pipeline_mode<synchronous>, transform_indices = @transform_10, window_bounds = array<i64: 1, 5>}, {pipeline_mode = #tpu.pipeline_mode<synchronous>, transform_indices = @transform_11, window_bounds = array<i64: 16, 5>}]} {
    %iota3A = tpu.iota {dimensions = array<i32: 0>} : vector<16x10000xi32>
    %get3A = arith.constant 0 : index
    %get3A_0 = arith.constant 0 : index
    %get3A_1 = arith.constant 0 : index
    %get3A_2 = vector.load %arg2[%get3A, %get3A_0, %get3A_1] : memref<1x1x10000xi32, #tpu.memory_space<vmem>>, vector<1x1x10000xi32>
    %get3A_3 = vector.shape_cast %get3A_2 : vector<1x1x10000xi32> to vector<1x10000xi32>
    %eq3A = vector.broadcast %get3A_3 : vector<1x10000xi32> to vector<16x10000xi32>
    %eq3A_4 = arith.cmpi eq, %eq3A, %iota3A : vector<16x10000xi32>
    %convert_element_type3A = arith.extui %eq3A_4 : vector<16x10000xi1> to vector<16x10000xi32>
    %convert_element_type3A_5 = arith.sitofp %convert_element_type3A : vector<16x10000xi32> to vector<16x10000xf32>
    %get3A_6 = arith.constant 0 : index
    %get3A_7 = arith.constant 0 : index
    %get3A_8 = vector.load %arg1[%get3A_6, %get3A_7] : memref<10000x16xf32, #tpu.memory_space<vmem>>, vector<10000x16xf32>
    %dot_general3A = arith.constant dense<0.000000e+00> : vector<16x16xf32>
    %dot_general3A_9 = tpu.matmul %convert_element_type3A_5, %get3A_8, %dot_general3A {dimension_numbers = #tpu.dot_dimension_numbers<[1], [0], [0], [1], [0, 0, 1, 1], [], []>, transpose_lhs_hint = false} : vector<16x10000xf32>, vector<10000x16xf32>, vector<16x16xf32> -> vector<16x16xf32>
    %reduce_sum3A = arith.constant dense<0.000000e+00> : vector<16xf32>
    %reduce_sum3A_10 = vector.multi_reduction <add>, %convert_element_type3A_5, %reduce_sum3A [1] : vector<16x10000xf32> to vector<16xf32>
    %broadcast_in_dim3A = vector.shape_cast %reduce_sum3A_10 : vector<16xf32> to vector<16x1xf32>
    %eq3A_11 = arith.constant 0 : i32
    %eq3A_12 = arith.cmpi eq, %arg0, %eq3A_11 : i32
    %convert_element_type3A_13 = arith.extui %eq3A_12 : i1 to i32
    %cond3A = arith.constant 0 : i32
    %cond3A_14 = arith.cmpi ne, %convert_element_type3A_13, %cond3A : i32
    scf.if %cond3A_14 {
      %swap3A = arith.constant 0 : index
      %swap3A_24 = arith.constant 0 : index
      %swap3A_25 = vector.load %arg13[%swap3A, %swap3A_24] : memref<16x16xf32, #tpu.memory_space<vmem>>, vector<16x16xf32>
      tpu.vector_store %arg13[%swap3A, %swap3A_24], %dot_general3A_9 {strides = array<i32>} : memref<16x16xf32, #tpu.memory_space<vmem>>, vector<16x16xf32>,
      %swap3A_26 = arith.constant 0 : index
      %swap3A_27 = arith.constant 0 : index
      %swap3A_28 = vector.load %arg14[%swap3A_26, %swap3A_27] : memref<16x1xf32, #tpu.memory_space<vmem>>, vector<16x1xf32>
      tpu.vector_store %arg14[%swap3A_26, %swap3A_27], %broadcast_in_dim3A {strides = array<i32>} : memref<16x1xf32, #tpu.memory_space<vmem>>, vector<16x1xf32>,
    } else {
    }
    %gt3A = arith.constant 0 : i32
    %gt3A_15 = arith.cmpi sgt, %arg0, %gt3A : i32
    %convert_element_type3A_16 = arith.extui %gt3A_15 : i1 to i32
    %cond3A_17 = arith.constant 0 : i32
    %cond3A_18 = arith.cmpi ne, %convert_element_type3A_16, %cond3A_17 : i32
    scf.if %cond3A_18 {
      %get3A_24 = arith.constant 0 : index
      %get3A_25 = arith.constant 0 : index
      %get3A_26 = vector.load %arg13[%get3A_24, %get3A_25] : memref<16x16xf32, #tpu.memory_space<vmem>>, vector<16x16xf32>
      %add3A = arith.addf %get3A_26, %dot_general3A_9 : vector<16x16xf32>
      %swap3A = arith.constant 0 : index
      %swap3A_27 = arith.constant 0 : index
      %swap3A_28 = vector.load %arg13[%swap3A, %swap3A_27] : memref<16x16xf32, #tpu.memory_space<vmem>>, vector<16x16xf32>
      tpu.vector_store %arg13[%swap3A, %swap3A_27], %add3A {strides = array<i32>} : memref<16x16xf32, #tpu.memory_space<vmem>>, vector<16x16xf32>,
      %get3A_29 = arith.constant 0 : index
      %get3A_30 = arith.constant 0 : index
      %get3A_31 = vector.load %arg14[%get3A_29, %get3A_30] : memref<16x1xf32, #tpu.memory_space<vmem>>, vector<16x1xf32>
      %add3A_32 = arith.addf %get3A_31, %broadcast_in_dim3A : vector<16x1xf32>
      %swap3A_33 = arith.constant 0 : index
      %swap3A_34 = arith.constant 0 : index
      %swap3A_35 = vector.load %arg14[%swap3A_33, %swap3A_34] : memref<16x1xf32, #tpu.memory_space<vmem>>, vector<16x1xf32>
      tpu.vector_store %arg14[%swap3A_33, %swap3A_34], %add3A_32 {strides = array<i32>} : memref<16x1xf32, #tpu.memory_space<vmem>>, vector<16x1xf32>,
    } else {
    }
    %eq3A_19 = arith.constant 15 : i32
    %eq3A_20 = arith.cmpi eq, %arg0, %eq3A_19 : i32
    %convert_element_type3A_21 = arith.extui %eq3A_20 : i1 to i32
    %cond3A_22 = arith.constant 0 : i32
    %cond3A_23 = arith.cmpi ne, %convert_element_type3A_21, %cond3A_22 : i32
    scf.if %cond3A_23 {
      %iota3A_24 = tpu.iota {dimensions = array<i32: 0>} : vector<16x10000xi32>
      %get3A_25 = arith.constant 0 : index
      %get3A_26 = arith.constant 0 : index
      %get3A_27 = vector.load %arg4[%get3A_25, %get3A_26] : memref<1x10000xi32, #tpu.memory_space<vmem>>, vector<1x10000xi32>
      %eq3A_28 = vector.broadcast %get3A_27 : vector<1x10000xi32> to vector<16x10000xi32>
      %eq3A_29 = arith.cmpi eq, %eq3A_28, %iota3A_24 : vector<16x10000xi32>
      %convert_element_type3A_30 = arith.extui %eq3A_29 : vector<16x10000xi1> to vector<16x10000xi32>
      %convert_element_type3A_31 = arith.sitofp %convert_element_type3A_30 : vector<16x10000xi32> to vector<16x10000xf32>
      %get3A_32 = arith.constant 0 : index
      %get3A_33 = arith.constant 0 : index
      %get3A_34 = vector.load %arg3[%get3A_32, %get3A_33] : memref<10000x128xf32, #tpu.memory_space<vmem>>, vector<10000x128xf32>
      %dot_general3A_35 = arith.constant dense<0.000000e+00> : vector<16x128xf32>
      %dot_general3A_36 = tpu.matmul %convert_element_type3A_31, %get3A_34, %dot_general3A_35 {dimension_numbers = #tpu.dot_dimension_numbers<[1], [0], [0], [1], [0, 0, 1, 1], [], []>, transpose_lhs_hint = false} : vector<16x10000xf32>, vector<10000x128xf32>, vector<16x128xf32> -> vector<16x128xf32>
      %reduce_sum3A_37 = arith.constant dense<0.000000e+00> : vector<16xf32>
      %reduce_sum3A_38 = vector.multi_reduction <add>, %convert_element_type3A_31, %reduce_sum3A_37 [1] : vector<16x10000xf32> to vector<16xf32>
      %broadcast_in_dim3A_39 = vector.shape_cast %reduce_sum3A_38 : vector<16xf32> to vector<16x1xf32>
      %max3A = arith.constant 1.000000e+00 : f32
      %max3A_40 = vector.broadcast %max3A : f32 to vector<16x1xf32>
      %max3A_41 = arith.maximumf %broadcast_in_dim3A_39, %max3A_40 : vector<16x1xf32>
      %div3A = vector.broadcast %max3A_41 : vector<16x1xf32> to vector<16x128xf32>
      %div3A_42 = arith.divf %dot_general3A_36, %div3A : vector<16x128xf32>
      %get3A_43 = arith.constant 0 : index
      %get3A_44 = arith.constant 0 : index
      %get3A_45 = vector.load %arg13[%get3A_43, %get3A_44] : memref<16x16xf32, #tpu.memory_space<vmem>>, vector<16x16xf32>
      %get3A_46 = arith.constant 0 : index
      %get3A_47 = arith.constant 0 : index
      %get3A_48 = vector.load %arg14[%get3A_46, %get3A_47] : memref<16x1xf32, #tpu.memory_space<vmem>>, vector<16x1xf32>
      %max3A_49 = arith.constant 1.000000e+00 : f32
      %max3A_50 = vector.broadcast %max3A_49 : f32 to vector<16x1xf32>
      %max3A_51 = arith.maximumf %get3A_48, %max3A_50 : vector<16x1xf32>
      %div3A_52 = vector.broadcast %max3A_51 : vector<16x1xf32> to vector<16x16xf32>
      %div3A_53 = arith.divf %get3A_45, %div3A_52 : vector<16x16xf32>
      %get3A_54 = arith.constant 0 : index
      %get3A_55 = arith.constant 0 : index
      %get3A_56 = vector.load %arg5[%get3A_54, %get3A_55] : memref<128x288xf32, #tpu.memory_space<vmem>>, vector<128x288xf32>
      %dot_general3A_57 = arith.constant dense<0.000000e+00> : vector<16x288xf32>
      %dot_general3A_58 = tpu.matmul %div3A_42, %get3A_56, %dot_general3A_57 {dimension_numbers = #tpu.dot_dimension_numbers<[1], [0], [0], [1], [0, 0, 1, 1], [], []>, transpose_lhs_hint = false} : vector<16x128xf32>, vector<128x288xf32>, vector<16x288xf32> -> vector<16x288xf32>
      %get3A_59 = arith.constant 0 : index
      %get3A_60 = arith.constant 0 : index
      %get3A_61 = vector.load %arg6[%get3A_59, %get3A_60] : memref<16x288xf32, #tpu.memory_space<vmem>>, vector<16x288xf32>
      %dot_general3A_62 = arith.constant dense<0.000000e+00> : vector<16x288xf32>
      %dot_general3A_63 = tpu.matmul %div3A_53, %get3A_61, %dot_general3A_62 {dimension_numbers = #tpu.dot_dimension_numbers<[1], [0], [0], [1], [0, 0, 1, 1], [], []>, transpose_lhs_hint = false} : vector<16x16xf32>, vector<16x288xf32>, vector<16x288xf32> -> vector<16x288xf32>
      %add3A = arith.addf %dot_general3A_58, %dot_general3A_63 : vector<16x288xf32>
      %get3A_64 = arith.constant 0 : index
      %get3A_65 = arith.constant 0 : index
      %get3A_66 = vector.load %arg7[%get3A_64, %get3A_65] : memref<1x288xf32, #tpu.memory_space<vmem>>, vector<1x288xf32>
      %add3A_67 = vector.broadcast %get3A_66 : vector<1x288xf32> to vector<16x288xf32>
      %add3A_68 = arith.addf %add3A, %add3A_67 : vector<16x288xf32>
      %max3A_69 = arith.constant 0.000000e+00 : f32
      %max3A_70 = vector.broadcast %max3A_69 : f32 to vector<16x288xf32>
      %max3A_71 = arith.maximumf %add3A_68, %max3A_70 : vector<16x288xf32>
      %get3A_72 = arith.constant 0 : index
      %get3A_73 = arith.constant 0 : index
      %get3A_74 = vector.load %arg8[%get3A_72, %get3A_73] : memref<288x288xf32, #tpu.memory_space<vmem>>, vector<288x288xf32>
      %dot_general3A_75 = arith.constant dense<0.000000e+00> : vector<16x288xf32>
      %dot_general3A_76 = tpu.matmul %max3A_71, %get3A_74, %dot_general3A_75 {dimension_numbers = #tpu.dot_dimension_numbers<[1], [0], [0], [1], [0, 0, 1, 1], [], []>, transpose_lhs_hint = false} : vector<16x288xf32>, vector<288x288xf32>, vector<16x288xf32> -> vector<16x288xf32>
      %get3A_77 = arith.constant 0 : index
      %get3A_78 = arith.constant 0 : index
      %get3A_79 = vector.load %arg9[%get3A_77, %get3A_78] : memref<1x288xf32, #tpu.memory_space<vmem>>, vector<1x288xf32>
      %add3A_80 = vector.broadcast %get3A_79 : vector<1x288xf32> to vector<16x288xf32>
      %add3A_81 = arith.addf %dot_general3A_76, %add3A_80 : vector<16x288xf32>
      %max3A_82 = arith.constant 0.000000e+00 : f32
      %max3A_83 = vector.broadcast %max3A_82 : f32 to vector<16x288xf32>
      %max3A_84 = arith.maximumf %add3A_81, %max3A_83 : vector<16x288xf32>
      %get3A_85 = arith.constant 0 : index
      %get3A_86 = arith.constant 0 : index
      %get3A_87 = vector.load %arg10[%get3A_85, %get3A_86] : memref<288x5xf32, #tpu.memory_space<vmem>>, vector<288x5xf32>
      %dot_general3A_88 = arith.constant dense<0.000000e+00> : vector<16x5xf32>
      %dot_general3A_89 = tpu.matmul %max3A_84, %get3A_87, %dot_general3A_88 {dimension_numbers = #tpu.dot_dimension_numbers<[1], [0], [0], [1], [0, 0, 1, 1], [], []>, transpose_lhs_hint = false} : vector<16x288xf32>, vector<288x5xf32>, vector<16x5xf32> -> vector<16x5xf32>
      %get3A_90 = arith.constant 0 : index
      %get3A_91 = arith.constant 0 : index
      %get3A_92 = vector.load %arg11[%get3A_90, %get3A_91] : memref<1x5xf32, #tpu.memory_space<vmem>>, vector<1x5xf32>
      %add3A_93 = vector.broadcast %get3A_92 : vector<1x5xf32> to vector<16x5xf32>
      %add3A_94 = arith.addf %dot_general3A_89, %add3A_93 : vector<16x5xf32>
      %swap3A = arith.constant 0 : index
      %swap3A_95 = arith.constant 0 : index
      %swap3A_96 = vector.load %arg12[%swap3A, %swap3A_95] : memref<16x5xf32, #tpu.memory_space<vmem>>, vector<16x5xf32>
      tpu.vector_store %arg12[%swap3A, %swap3A_95], %add3A_94 {strides = array<i32>} : memref<16x5xf32, #tpu.memory_space<vmem>>, vector<16x5xf32>,
    } else {
    }
    return
  }
  func.func @transform_0(%arg0: i32) -> (i32, i32) {
    %c0_i32 = arith.constant 0 : i32
    %c0_i32_0 = arith.constant 0 : i32
    return %arg0, %c0_i32 : i32, i32
  }
  func.func @transform_1(%arg0: i32) -> (i32, i32, i32) {
    %c0_i32 = arith.constant 0 : i32
    %c0_i32_0 = arith.constant 0 : i32
    %c0_i32_1 = arith.constant 0 : i32
    return %arg0, %c0_i32, %c0_i32_0 : i32, i32, i32
  }
  func.func @transform_2(%arg0: i32) -> (i32, i32) {
    %c0_i32 = arith.constant 0 : i32
    %c0_i32_0 = arith.constant 0 : i32
    %c0_i32_1 = arith.constant 0 : i32
    return %c0_i32, %c0_i32_0 : i32, i32
  }
  func.func @transform_3(%arg0: i32) -> (i32, i32) {
    %c0_i32 = arith.constant 0 : i32
    %c0_i32_0 = arith.constant 0 : i32
    %c0_i32_1 = arith.constant 0 : i32
    return %c0_i32, %c0_i32_0 : i32, i32
  }
  func.func @transform_4(%arg0: i32) -> (i32, i32) {
    %c0_i32 = arith.constant 0 : i32
    %c0_i32_0 = arith.constant 0 : i32
    %c0_i32_1 = arith.constant 0 : i32
    return %c0_i32, %c0_i32_0 : i32, i32
  }
  func.func @transform_5(%arg0: i32) -> (i32, i32) {
    %c0_i32 = arith.constant 0 : i32
    %c0_i32_0 = arith.constant 0 : i32
    %c0_i32_1 = arith.constant 0 : i32
    return %c0_i32, %c0_i32_0 : i32, i32
  }
  func.func @transform_6(%arg0: i32) -> (i32, i32) {
    %c0_i32 = arith.constant 0 : i32
    %c0_i32_0 = arith.constant 0 : i32
    %c0_i32_1 = arith.constant 0 : i32
    return %c0_i32, %c0_i32_0 : i32, i32
  }
  func.func @transform_7(%arg0: i32) -> (i32, i32) {
    %c0_i32 = arith.constant 0 : i32
    %c0_i32_0 = arith.constant 0 : i32
    %c0_i32_1 = arith.constant 0 : i32
    return %c0_i32, %c0_i32_0 : i32, i32
  }
  func.func @transform_8(%arg0: i32) -> (i32, i32) {
    %c0_i32 = arith.constant 0 : i32
    %c0_i32_0 = arith.constant 0 : i32
    %c0_i32_1 = arith.constant 0 : i32
    return %c0_i32, %c0_i32_0 : i32, i32
  }
  func.func @transform_9(%arg0: i32) -> (i32, i32) {
    %c0_i32 = arith.constant 0 : i32
    %c0_i32_0 = arith.constant 0 : i32
    %c0_i32_1 = arith.constant 0 : i32
    return %c0_i32, %c0_i32_0 : i32, i32
  }
  func.func @transform_10(%arg0: i32) -> (i32, i32) {
    %c0_i32 = arith.constant 0 : i32
    %c0_i32_0 = arith.constant 0 : i32
    %c0_i32_1 = arith.constant 0 : i32
    return %c0_i32, %c0_i32_0 : i32, i32
  }
  func.func @transform_11(%arg0: i32) -> (i32, i32) {
    %c0_i32 = arith.constant 0 : i32
    %c0_i32_0 = arith.constant 0 : i32
    %c0_i32_1 = arith.constant 0 : i32
    return %c0_i32, %c0_i32_0 : i32, i32
  }
}

</mosaic_0001>

<sc_bundles>
// kernel: kernel.17.cloned.1.call-start
scs
__scs_entry_jumppad:
0x0: {  	(pc) =	sbr.rel $0x88, $3  }
0x1: {  	(tag) =	ssettag $0x0;
	lr =	simm.s32 $0x1  }
0x2: {  	[smem:$0x3F72] =	sst lr;
	_ =	strace $0xD0000000  }
0x3: {  	_ = 	snop  }
0x4: {  	_ = 	snop  }
0x5: {  	_ = 	snop  }
0x6: {  	_ = 	snop  }
0x7: {  	_ = 	snop  }
__scs_overlays_trampoline_lowered:
0x8: {  	[smem:$0x3F81] =	sst s0  }
0x9: {  	[smem:$0x3F82] =	sst s1  }
0xa: {  	[smem:$0x3F83] =	sst s2  }
0xb: {  	[smem:$0x3F84] =	sst s3  }
0xc: {  	[smem:$0x3F85] =	sst s4  }
0xd: {  	[smem:$0x3F86] =	sst s5  }
0xe: {  	[smem:$0x3F87] =	sst s6  }
0xf: {  	[smem:$0x3F88] =	sst s7  }
0x10: {  	[smem:$0x3F89] =	sst s8  }
0x11: {  	[smem:$0x3F8A] =	sst s9;
	s0 =	simm.s32 @!p0 $0x0  }
0x12: {  	s1 =	sld [smem:$0x3F70];
	s0 =	simm.s32 @p0 $0x1  }
0x13: {  	[smem:$0x3F8B] =	sst s0;
	s0 =	simm.s32 @!p1 $0x0  }
0x14: {  	s2 =	sld [smem:$0x3F6F];
	s0 =	simm.s32 @p1 $0x1  }
0x15: {  	[smem:$0x3F8C] =	sst s0;
	s0 =	simm.s32 @!p2 $0x0  }
0x16: {  	s3 =	sld [smem:$0x3FDB];
	s0 =	simm.s32 @p2 $0x1  }
0x17: {  	s4 =	simm.s32 $0x1BF5;
	[smem:$0x3F8E] =	sst s0  }
0x18: {  	s0 =	sld [smem:$0x3F71];
	_ =	swait.ge [sflag:s4], $0x0  }
0x19: {  	s7 =	sld [smem:$0x3F72]  }
0x1a: {  	s8 =	sadd.s32 $0xFFFFE003, lr  }
0x1b: {  	s9 =	sadd.s32 $0xFFFFFEF7, lr;
	s5 =	simm.s32 $0xFFFFFFFF;
	p2 =	slt.u32 s8, $0xFFFFF086  }
0x1c: {  	p1 =	slt.u32 s9, $0xF7A;
	s5 =	simm.s32 @!p2 $0x0  }
0x1d: {  	s5 =	simm.s32 @p1 $0x1;
	p0 =	seq.s32 s7, s2  }
0x1e: {  	s7 =	smul.u32 @!p0 $0xF7A, s2;
	p2 =	seq.s32 @!p0 s5, $0x0  }
0x1f: {  	s9 =	smul.u32 $0xF7A, s1;
	s8 =	simm.s32 @!p0 $0x1BF5;
	p2 =	por !p2, p0  }
0x20: {  	[sflag:s8] =	ssyncset.s32 @!p0 $0xFFFFF086;
	s6 =	sadd.s32 @!p0 s3, s7;
	s7 =	simm.s32 @!p0 $0x108  }
0x21: {  	s3 =	sadd.s32 s3, s9;
	s6 =	sadd.s32 @!p0 $0x88, s6;
	s7 =	simm.s32 @p2 $0x1082  }
0x22: {  	[simem:s7], [sflag:s8] =	dma.local @!p0 [hbm:s6], $0xF7A  }
0x23: {  	s9 =	sor.u32 $0xD0000000, s2;
	s6 =	simm.s32 $0x108;
	_ =	swait.ge @!p0 [sflag:s8], $0x0  }
0x24: {  	s3 =	sadd.s32 $0x88, s3;
	s6 =	simm.s32 @!p1 $0x1082;
	[sflag:s4] =	ssyncset.s32 $0xFFFFF086  }
0x25: {  	[simem:s6], [sflag:s4] =	dma.local [hbm:s3], $0xF7A  }
0x26: {  	[smem:$0x3F72] =	sst s1;
	(tag) =	ssettag s2;
	_ =	strace s9  }
0x27: {  	s1 =	sld [smem:$0x3F82]  }
0x28: {  	s2 =	sld [smem:$0x3F83]  }
0x29: {  	s4 =	sld [smem:$0x3F85]  }
0x2a: {  	p0 =	seq.s32 s5, $0x0;
	s5 =	sld [smem:$0x3F86]  }
0x2b: {  	s6 =	sld [smem:$0x3F87]  }
0x2c: {  	s7 =	sld [smem:$0x3F88]  }
0x2d: {  	s3 =	simm.s32 $0x108;
	s8 =	sld [smem:$0x3F89]  }
0x2e: {  	s3 =	simm.s32 @!p0 $0x1082;
	s9 =	sld [smem:$0x3F8A]  }
0x2f: {  	lr =	sadd.s32 s0, s3;
	s0 =	sld [smem:$0x3F81]  }
0x30: {  	s3 =	sld [smem:$0x3F84]  }
0x31: {  	[smem:$0x3F8D] =	sst s10  }
0x32: {  	s10 =	sld [smem:$0x3F8B];
	_ =	sdelay $0x3  }
0x33: {  	p0 =	seq.s32 s10, $0x1;
	s10 =	sld [smem:$0x3F8D];
	_ =	sdelay $0x3  }
0x34: {  	[smem:$0x3F8D] =	sst s10  }
0x35: {  	s10 =	sld [smem:$0x3F8C];
	_ =	sdelay $0x3  }
0x36: {  	p1 =	seq.s32 s10, $0x1;
	s10 =	sld [smem:$0x3F8D];
	_ =	sdelay $0x3  }
0x37: {  	[smem:$0x3F8D] =	sst s10  }
0x38: {  	s10 =	sld [smem:$0x3F8E]  }
0x39: {  	_ = 	snop;
	(pc) =	sbr.ind lr, $3  }
0x3a: {  	_ = 	snop  }
0x3b: {  	_ = 	snop  }
0x3c: {  	p2 =	seq.s32 s10, $0x1;
	s10 =	sld [smem:$0x3F8D]  }
0x3d: {  	_ =	shalt  }
0x3e: {  	_ =	shalt  }
0x3f: {  	_ =	shalt  }
0x40: {  	_ =	shalt  }
0x41: {  	_ =	shalt  }
0x42: {  	_ =	shalt  }
0x43: {  	_ =	shalt  }
0x44: {  	_ =	shalt  }
0x45: {  	_ =	shalt  }
0x46: {  	_ =	shalt  }
0x47: {  	_ =	shalt  }
0x48: {  	_ =	shalt  }
0x49: {  	_ =	shalt  }
0x4a: {  	_ =	shalt  }
0x4b: {  	_ =	shalt  }
0x4c: {  	_ =	shalt  }
0x4d: {  	_ =	shalt  }
0x4e: {  	_ =	shalt  }
0x4f: {  	_ =	shalt  }
0x50: {  	_ =	shalt  }
0x51: {  	_ =	shalt  }
0x52: {  	_ =	shalt  }
0x53: {  	_ =	shalt  }
0x54: {  	_ =	shalt  }
0x55: {  	_ =	shalt  }
0x56: {  	_ =	shalt  }
0x57: {  	_ =	shalt  }
0x58: {  	_ =	shalt  }
0x59: {  	_ =	shalt  }
0x5a: {  	_ =	shalt  }
0x5b: {  	_ =	shalt  }
0x5c: {  	_ =	shalt  }
0x5d: {  	_ =	shalt  }
0x5e: {  	_ =	shalt  }
0x5f: {  	_ =	shalt  }
0x60: {  	_ =	shalt  }
0x61: {  	_ =	shalt  }
0x62: {  	_ =	shalt  }
0x63: {  	_ =	shalt  }
0x64: {  	_ =	shalt  }
0x65: {  	_ =	shalt  }
0x66: {  	_ =	shalt  }
0x67: {  	_ =	shalt  }
0x68: {  	_ =	shalt  }
0x69: {  	_ =	shalt  }
0x6a: {  	_ =	shalt  }
0x6b: {  	_ =	shalt  }
0x6c: {  	_ =	shalt  }
0x6d: {  	_ =	shalt  }
0x6e: {  	_ =	shalt  }
0x6f: {  	_ =	shalt  }
0x70: {  	_ =	shalt  }
0x71: {  	_ =	shalt  }
0x72: {  	_ =	shalt  }
0x73: {  	_ =	shalt  }
0x74: {  	_ =	shalt  }
0x75: {  	_ =	shalt  }
0x76: {  	_ =	shalt  }
0x77: {  	_ =	shalt  }
0x78: {  	_ =	shalt  }
0x79: {  	_ =	shalt  }
0x7a: {  	_ =	shalt  }
0x7b: {  	_ =	shalt  }
0x7c: {  	_ =	shalt  }
0x7d: {  	_ =	shalt  }
0x7e: {  	_ =	shalt  }
0x7f: {  	_ =	shalt  }
0x80: {  	_ =	shalt  }
0x81: {  	_ =	shalt  }
0x82: {  	_ =	shalt  }
0x83: {  	_ =	shalt  }
0x84: {  	_ =	shalt  }
0x85: {  	_ =	shalt  }
0x86: {  	_ =	shalt  }
0x87: {  	_ =	shalt  }
.Lfunc_end0:
.L_simem_size_0:
called_computation_lowered:
.L_overlay_start_0:
0x88: {  	s2 =	sld [smem:$0x3FD9]  }
0x89: {  	s3 =	sld [smem:$0x3FFE];
	_ =	sdelay $0x1  }
0x8a: {  	s1 =	srdreg.scid  }
0x8b: {  	s0 =	sand.u32 $0x1, s1  }
0x8c: {  	s15 =	sshll.u32 s0, $0xA;
	s2 =	sadd.s32 s3, s2  }
0x8d: {  	s2 =	sadd.s32 s2, s15  }
0x8e: {  	[smem:$0x3F99] =	sst s2  }
0x8f: {  	_ = 	snop  }
0x90: {  	s16 =	sld [smem:$0x3FD0];
	_ =	sdelay $0x2  }
0x91: {  	s4 =	simm.s32 $0xB;
	s5 =	simm.s32 $0x10;
	s2 =	sld [smem:$0x3FC9]  }
0x92: {  	[smem:s5], [sflag:s4] =	dma.local [hbm:s16], $0x1  }
0x93: {  	_ =	swait.eq [sflag:s4], $0x1  }
0x94: {  	[sflag:s4] =	ssyncset.done $0x0  }
0x95: {  	[sflag:s4] =	ssyncadd.s32 $0xFFFFFFFF  }
0x96: {  	s17 =	sld [smem:$0x10];
	(tm) =	ssettm $0x1  }
0x97: {  	s18 =	sld [smem:$0x3FFB];
	_ =	sdelay $0x3  }
0x98: {  	_ =	strace s18  }
0x99: {  	s3 =	sld [smem:$0x3FFC];
	_ =	sdelay $0x3  }
0x9a: {  	_ =	strace s3  }
0x9b: {  	s3 =	sld [smem:$0x3FFD];
	_ =	sdelay $0x3  }
0x9c: {  	_ =	strace s3  }
0x9d: {  	_ =	strace $0x8FFFFFFF  }
0x9e: {  	s19 =	sld [smem:$0x3FDB];
	_ =	sdelay $0x1  }
0x9f: {  	s20 =	simm.s32 $_scs_section_size  }
0xa0: {  	s6 =	simm.s32 $_size__tile_overlayer_lowered;
	s7 =	simm.s32 $_tile_overlayer_lowered  }
0xa1: {  	s8 =	simm.s32 $0x1BFF;
	s21 =	sshll.u32 s7, $0x1;
	s5 =	sadd.s32 s20, s19  }
0xa2: {  	s22 =	simm.s32 $0x0;
	s6 =	sshll.u32 s6, $0x1;
	s7 =	sadd.s32 s21, s5  }
0xa3: {  	[timem:s22], [sflag:s8] =	dma.local [hbm:s7], s6  }
0xa4: {  	_ =	swait.ge [sflag:s8], s6  }
0xa5: {  	s6 =	ssub.s32 $0x0, s6;
	[sflag:s8] =	ssyncset.done $0x0  }
0xa6: {  	[sflag:s8] =	ssyncadd.s32 s6;
	_ =	sdelay $0x1  }
0xa7: {  	s23 =	simm.s32 $0x1B8B  }
0xa8: {  	_ =	swait.ge [sflag:s23], $0x1  }
0xa9: {  	[sflag:s23] =	ssyncset.done $0x0  }
0xaa: {  	[sflag:s23] =	ssyncadd.s32 $0xFFFFFFFF  }
0xab: {  	s6 =	sld [smem:$0x0]  }
0xac: {  	s7 =	sand.u32 $0xFFFFFFFE, s1  }
0xad: {  	p0 =	sne.s32 s1, s7  }
0xae: {  	s7 =	sshll.u32 @p0 s7, $0xE  }
0xaf: {  	s7 =	sadd.s32 @p0 $0x11B8D, s7;
	s8 =	sshll.u32 @p0 s6, $0x11  }
0xb0: {  	s7 =	sor.u32 @p0 s8, s7  }
0xb1: {  	[sflag:s7] =	ssyncadd.remote.s32 @p0 $0x1;
	_ =	sdelay $0x1  }
0xb2: {  	s7 =	simm.s32 @p0 $0x1B8D  }
0xb3: {  	_ =	swait.eq @p0 [sflag:s7], $0x1  }
0xb4: {  	[sflag:s7] =	ssyncadd.s32 @p0 $0xFFFFFFFF  }
0xb5: {  	s8 =	sshll.u32 @!p0 s1, $0xE  }
0xb6: {  	s8 =	sor.u32 @!p0 $0x4000, s8;
	s7 =	simm.s32 @!p0 $0x1B8D  }
0xb7: {  	s6 =	sshll.u32 @!p0 s6, $0x11;
	s8 =	sadd.s32 @!p0 $0x11B8D, s8;
	_ =	swait.eq @!p0 [sflag:s7], $0x1  }
0xb8: {  	s6 =	sor.u32 @!p0 s6, s8;
	[sflag:s7] =	ssyncadd.s32 @!p0 $0xFFFFFFFF  }
0xb9: {  	s25 =	simm.s32 $0x1B8E;
	s24 =	sld [smem:$0x3FFE];
	[sflag:s6] =	ssyncadd.remote.s32 @!p0 $0x1  }
0xba: {  	s26 =	simm.s32 $execute0_lowered;
	[smem:$0x3FD2] =	sst s25  }
0xbb: {  	s7 =	sshll.u32 s26, $0x1;
	_ =	strace $0x80000049;
	[dreg:$0x1] =	wrdreg $0xFFFFFFFF  }
0xbc: {  	s28 =	simm.s32 $_size_execute0_lowered;
	s5 =	sadd.s32 s5, s7;
	[dreg:$0x0] =	wrdreg $0x0  }
0xbd: {  	s7 =	sshll.u32 s28, $0x1;
	[dreg:$0x2] =	wrdreg s5  }
0xbe: {  	[dreg:$0x3] =	wrdreg s7  }
0xbf: {  	[dreg:$0x4] =	wrdreg $0xC0  }
0xc0: {  	_ =	task [dreg:s22], $0x5FFFF  }
0xc1: {  	[dreg:$0x1] =	wrdreg $0xFFFFFFFF  }
0xc2: {  	[dreg:$0x0] =	wrdreg $0x60  }
0xc3: {  	[dreg:$0x2] =	wrdreg s2  }
0xc4: {  	[dreg:$0x3] =	wrdreg s17  }
0xc5: {  	[dreg:$0x4] =	wrdreg s24  }
0xc6: {  	[dreg:$0x5] =	wrdreg $0x9  }
0xc7: {  	_ =	task.clear_ibuf [dreg:s22], $0x6FFFF;
	_ =	strace $0x90000049  }
0xc8: {  	s29 =	simm.s32 $0x9;
	_ =	strace $0x8000004B  }
0xc9: {  	_ =	swait.ge [sflag:s29], $0x1  }
0xca: {  	[sflag:s29] =	ssyncadd.s32 $0xFFFFFFFF  }
0xcb: {  	_ =	strace $0x9000004B  }
0xcc: {  	_ =	sfence  }
0xcd: {  	s30 =	sld [smem:$0x0];
	_ =	sdelay $0x2  }
0xce: {  	s31 =	sshll.u32 s1, $0xD;
	s1 =	sshrl.u32 s1, $0x2  }
0xcf: {  	s4 =	sand.u32 $0x4000, s31;
	s1 =	sadd.s32 s1, s30  }
0xd0: {  	s0 =	sor.u32 s4, s0;
	s1 =	sshll.u32 s1, $0x11  }
0xd1: {  	s0 =	sor.u32 s1, s0  }
0xd2: {  	s0 =	sadd.s32 $0x8F2B, s0  }
0xd3: {  	[sflag:s0] =	ssyncadd.remote.s32 $0x1  }
0xd4: {  	_ =	sfence.sel $0xFFFF  }
0xd5: {  	[dreg:$0x0] =	wrdreg $0xFFFFFFFF;
	(pc) =	sbr.abs _section_cstart, $3  }
0xd6: {  	[dreg:$0x1] =	wrdreg $0xFFFFFFFF  }
0xd7: {  	_ =	task.clear_ibuf [dreg:s22], $0x2FFFF;
	_ =	strace $0x9FFFFFFF  }
0xd8: {  	(tm) =	ssettm $0x7FFFFFFF  }
0xd9: {  	_ =	shalt  }
tec
execute0_lowered:
.L_overlay_start_1:
0x0: {  	(tag) =	ssettag $0x1  }
0x1: {  	s1 =	rddreg [dreg:$0x0]  }
0x2: {  	s8 =	rddreg [dreg:$0x1]  }
0x3: {  	s4 =	rddreg [dreg:$0x2]  }
0x4: {  	s0 =	rddreg [dreg:$0x3];
	s2 =	stileid.u32  }
0x5: {  	s5 =	srdreg.scid;
	s6 =	smul.u32 $0x1400, s2  }
0x6: {  	s3 =	simm.s32 $0x0;
	s5 =	sand.u32 $0x1, s5;
	s9 =	smul.u32 $0x14000, s2  }
0x7: {  	s12 =	simm.s32 $0x0;
	[smem:$0x7FF] =	sst s3;
	s7 =	smul.u32 $0xA00, s5  }
0x8: {  	_ =	strace $0x8000004A;
	s28 =	ssub.s32 $0x2, s5;
	s5 =	smul.u32 $0xA000, s5  }
0x9: {  	s29 =	sadd.s32 s9, s4;
	s30 =	sshrl.u32 s28, $0x1;
	s6 =	sadd.s32 s7, s6  }
0xa: {  	s9 =	simm.s32 $0x2;
	s31 =	ssub.s32 s28, s30;
	s10 =	sshrl.u32 s6, $0x3  }
0xb: {  	s6 =	sadd.s32 s5, s29;
	s11 =	sadd.s32 s10, s4;
	s4 =	smax.u32 s31, $0x1  }
0xc: {  	s5 =	sadd.s32 $0x274A00, s6;
	s6 =	sadd.s32 $0x3B4A00, s6;
	s8 =	sadd.s32 s10, s8  }
0xd: {  	s10 =	simm.s32 $0x80;
	s7 =	sadd.s32 $0x272200, s11;
	s11 =	simm.s32 $0x1  }
.LBB2_1:
0xe: {  	s13 =	sadd.s32 $0x0, s8  }
0xf: {  	[tilespmem:s3], [sflag:$0x2] =	stream.linear.gather [hbm4b:s13+s3], $0x80, $0x38;
	[tilespmem:$0x4080] =	vst v63  }
0x10: {  	_ =	swait.ge [sflag:s9], $0x80  }
0x11: {  	[sflag:s9] =	ssyncset.done $0x0  }
0x12: {  	[sflag:s9] =	ssyncadd.s32 $0xFFFFFF80  }
0x13: {  	[tilespmem:s10], [sflag:$0x1] =	stream.indirect.gather [hbm4b:s1+s10], $0x80, s3, s10, $0xb8;
	[tilespmem:$0x4080] =	vst v63  }
0x14: {  	_ =	swait.ge [sflag:s11], $0x4000  }
0x15: {  	[sflag:s11] =	ssyncset.done $0x0  }
0x16: {  	[sflag:s11] =	ssyncadd.s32 $0xFFFFC000  }
0x17: {  	[hbm4b:s5+s3] =	stream.linear.scatter [tilespmem:s10], [sflag:$0x2], $0x4000, $0x38;
	[tilespmem:$0x4080] =	vst v63  }
0x18: {  	_ =	swait.ge [sflag:s9], $0x4000  }
0x19: {  	[sflag:s9] =	ssyncset.done $0x0  }
0x1a: {  	s31 =	sadd.s32 $0x0, s7;
	[sflag:s9] =	ssyncadd.s32 $0xFFFFC000  }
0x1b: {  	[tilespmem:s3], [sflag:$0x2] =	stream.linear.gather [hbm4b:s31+s3], $0x80, $0x38;
	[tilespmem:$0x4080] =	vst v63  }
0x1c: {  	_ =	swait.ge [sflag:s9], $0x80  }
0x1d: {  	[sflag:s9] =	ssyncset.done $0x0  }
0x1e: {  	[sflag:s9] =	ssyncadd.s32 $0xFFFFFF80  }
0x1f: {  	[tilespmem:s10], [sflag:$0x1] =	stream.indirect.gather [hbm4b:s1+s10], $0x80, s3, s10, $0xb8;
	[tilespmem:$0x4080] =	vst v63  }
0x20: {  	_ =	swait.ge [sflag:s11], $0x4000  }
0x21: {  	[sflag:s11] =	ssyncset.done $0x0  }
0x22: {  	[sflag:s11] =	ssyncadd.s32 $0xFFFFC000  }
0x23: {  	[hbm4b:s6+s3] =	stream.linear.scatter [tilespmem:s10], [sflag:$0x2], $0x4000, $0x38;
	[tilespmem:$0x4080] =	vst v63  }
0x24: {  	s14 =	simm.s32 $0x10;
	s16 =	simm.s32 $0x20;
	_ =	swait.ge [sflag:s9], $0x4000  }
0x25: {  	s15 =	sadd.s32 $0x800, s5;
	s13 =	sadd.s32 $0x800, s6;
	[sflag:s9] =	ssyncset.done $0x0  }
.LBB2_2:
0x26: {  	s17 =	sadd.s32 s14, s8  }
0x27: {  	[sflag:s9] =	ssyncadd.s32 $0xFFFFC000;
	s18 =	smov.u32 s16;
	s19 =	sadd.s32 $0x10, s16  }
0x28: {  	[tilespmem:s3], [sflag:$0x2] =	stream.linear.gather [hbm4b:s17+s3], $0x80, $0x38;
	[tilespmem:$0x4080] =	vst v63  }
0x29: {  	p0 =	sne.s32 s16, $0x130;
	_ =	swait.ge [sflag:s9], $0x80  }
0x2a: {  	[sflag:s9] =	ssyncset.done $0x0  }
0x2b: {  	[sflag:s9] =	ssyncadd.s32 $0xFFFFFF80  }
0x2c: {  	[tilespmem:s10], [sflag:$0x1] =	stream.indirect.gather [hbm4b:s1+s10], $0x80, s3, s10, $0xb8;
	[tilespmem:$0x4080] =	vst v63  }
0x2d: {  	_ =	swait.ge [sflag:s11], $0x4000  }
0x2e: {  	[sflag:s11] =	ssyncset.done $0x0  }
0x2f: {  	[sflag:s11] =	ssyncadd.s32 $0xFFFFC000  }
0x30: {  	[hbm4b:s15+s3] =	stream.linear.scatter [tilespmem:s10], [sflag:$0x2], $0x4000, $0x38;
	[tilespmem:$0x4080] =	vst v63  }
0x31: {  	_ =	swait.ge [sflag:s9], $0x4000  }
0x32: {  	[sflag:s9] =	ssyncset.done $0x0  }
0x33: {  	s16 =	sadd.s32 s14, s7;
	s14 =	smov.u32 s18;
	[sflag:s9] =	ssyncadd.s32 $0xFFFFC000  }
0x34: {  	[tilespmem:s3], [sflag:$0x2] =	stream.linear.gather [hbm4b:s16+s3], $0x80, $0x38;
	[tilespmem:$0x4080] =	vst v63  }
0x35: {  	_ =	swait.ge [sflag:s9], $0x80  }
0x36: {  	[sflag:s9] =	ssyncset.done $0x0  }
0x37: {  	[sflag:s9] =	ssyncadd.s32 $0xFFFFFF80  }
0x38: {  	[tilespmem:s10], [sflag:$0x1] =	stream.indirect.gather [hbm4b:s1+s10], $0x80, s3, s10, $0xb8;
	[tilespmem:$0x4080] =	vst v63  }
0x39: {  	_ =	swait.ge [sflag:s11], $0x4000  }
.Ltmp0:
0x3a: {  	[sflag:s11] =	ssyncset.done $0x0;
	(pc) =	sbr.rel @p0 .LBB2_2-.Ltmp0, $4  }
0x3b: {  	[sflag:s11] =	ssyncadd.s32 $0xFFFFC000  }
0x3c: {  	[hbm4b:s13+s3] =	stream.linear.scatter [tilespmem:s10], [sflag:$0x2], $0x4000, $0x38;
	[tilespmem:$0x4080] =	vst v63  }
0x3d: {  	s15 =	sadd.s32 $0x800, s15;
	_ =	swait.ge [sflag:s9], $0x4000  }
0x3e: {  	s16 =	smov.u32 s19;
	s13 =	sadd.s32 $0x800, s13;
	[sflag:s9] =	ssyncset.done $0x0  }
0x3f: {  	s16 =	sadd.s32 s14, s8;
	[sflag:s9] =	ssyncadd.s32 $0xFFFFC000  }
0x40: {  	[tilespmem:s3], [sflag:$0x2] =	stream.linear.gather [hbm4b:s16+s3], $0x80, $0x38;
	[tilespmem:$0x4080] =	vst v63  }
0x41: {  	_ =	swait.ge [sflag:s9], $0x80  }
0x42: {  	[sflag:s9] =	ssyncset.done $0x0  }
0x43: {  	[sflag:s9] =	ssyncadd.s32 $0xFFFFFF80  }
0x44: {  	[tilespmem:s10], [sflag:$0x1] =	stream.indirect.gather [hbm4b:s1+s10], $0x80, s3, s10, $0xb8;
	[tilespmem:$0x4080] =	vst v63  }
0x45: {  	_ =	swait.ge [sflag:s11], $0x4000  }
0x46: {  	[sflag:s11] =	ssyncset.done $0x0  }
0x47: {  	[sflag:s11] =	ssyncadd.s32 $0xFFFFC000  }
0x48: {  	[hbm4b:s15+s3] =	stream.linear.scatter [tilespmem:s10], [sflag:$0x2], $0x4000, $0x38;
	[tilespmem:$0x4080] =	vst v63  }
0x49: {  	_ =	swait.ge [sflag:s9], $0x4000  }
0x4a: {  	[sflag:s9] =	ssyncset.done $0x0  }
0x4b: {  	s31 =	sadd.s32 s14, s7;
	[sflag:s9] =	ssyncadd.s32 $0xFFFFC000  }
0x4c: {  	[tilespmem:s3], [sflag:$0x2] =	stream.linear.gather [hbm4b:s31+s3], $0x80, $0x38;
	[tilespmem:$0x4080] =	vst v63  }
0x4d: {  	_ =	swait.ge [sflag:s9], $0x80  }
0x4e: {  	[sflag:s9] =	ssyncset.done $0x0  }
0x4f: {  	[sflag:s9] =	ssyncadd.s32 $0xFFFFFF80  }
0x50: {  	[tilespmem:s10], [sflag:$0x1] =	stream.indirect.gather [hbm4b:s1+s10], $0x80, s3, s10, $0xb8;
	[tilespmem:$0x4080] =	vst v63  }
0x51: {  	s12 =	sadd.s32 $0x1, s12;
	_ =	swait.ge [sflag:s11], $0x4000  }
0x52: {  	p0 =	sne.s32 s12, s4;
	[sflag:s11] =	ssyncset.done $0x0  }
.Ltmp1:
0x53: {  	[sflag:s11] =	ssyncadd.s32 $0xFFFFC000;
	(pc) =	sbr.rel @p0 .LBB2_1-.Ltmp1, $4  }
0x54: {  	[hbm4b:s13+s3] =	stream.linear.scatter [tilespmem:s10], [sflag:$0x2], $0x4000, $0x38;
	[tilespmem:$0x4080] =	vst v63  }
0x55: {  	_ =	swait.ge [sflag:s9], $0x4000  }
0x56: {  	[sflag:s9] =	ssyncset.done $0x0  }
0x57: {  	[sflag:s9] =	ssyncadd.s32 $0xFFFFC000  }
0x58: {  	_ =	sfence.sel $0x180000  }
0x59: {  	[bflag:$0x0] =	sbarrier.arrive $0xFFFF  }
0x5a: {  	p0 =	sne.s32 s2, $0x0;
	_ =	strace $0x9000004A  }
0x5b: {  	s0 =	sadd.s32 @!p0 $0x100000, s0;
	[bflag:$0x2] =	sbarrier.arrive $0xFFFF  }
0x5c: {  	[sflag:s0] =	ssyncadd.tile.s32 @!p0 $0x1;
	_ =	shalt  }
.Lfunc_end2:
_tile_overlayer_lowered:
.L_overlay_start_2:
0x5d: {  	(tag) =	ssettag $0x2  }
0x5e: {  	s0 =	rddreg [dreg:$0x0];
	s2 =	stileid.u32  }
0x5f: {  	s1 =	rddreg [dreg:$0x1];
	p0 =	sne.s32 s2, $0x0  }
0x60: {  	s3 =	rddreg [dreg:$0x2];
	[bflag:$0x3] =	sbarrier.arrive $0xFFFF;
	s2 =	simm.s32 @!p0 $0x1C02  }
0x61: {  	[timem:s3], [sflag:s2] =	dma.local @!p0 [hbm:s0], s1  }
0x62: {  	s0 =	simm.s32 @!p0 $0x2  }
0x63: {  	_ =	swait.ge @!p0 [sflag:s0], s1  }
0x64: {  	s1 =	ssub.s32 @!p0 $0x0, s1;
	[sflag:s0] =	ssyncset.done @!p0 $0x0  }
0x65: {  	[sflag:s0] =	ssyncadd.s32 @!p0 s1  }
0x66: {  	[bflag:$0x3] =	sbarrier.arrive $0xFFFF  }
0x67: {  	_ =	shalt  }

// kernel: kernel.20.cloned.1.call-start
scs
__scs_entry_jumppad:
0x0: {  	(pc) =	sbr.rel $0x88, $3  }
0x1: {  	(tag) =	ssettag $0x0;
	lr =	simm.s32 $0x1  }
0x2: {  	[smem:$0x3F72] =	sst lr;
	_ =	strace $0xD0000000  }
0x3: {  	_ = 	snop  }
0x4: {  	_ = 	snop  }
0x5: {  	_ = 	snop  }
0x6: {  	_ = 	snop  }
0x7: {  	_ = 	snop  }
__scs_overlays_trampoline_lowered:
0x8: {  	[smem:$0x3F81] =	sst s0  }
0x9: {  	[smem:$0x3F82] =	sst s1  }
0xa: {  	[smem:$0x3F83] =	sst s2  }
0xb: {  	[smem:$0x3F84] =	sst s3  }
0xc: {  	[smem:$0x3F85] =	sst s4  }
0xd: {  	[smem:$0x3F86] =	sst s5  }
0xe: {  	[smem:$0x3F87] =	sst s6  }
0xf: {  	[smem:$0x3F88] =	sst s7  }
0x10: {  	[smem:$0x3F89] =	sst s8  }
0x11: {  	[smem:$0x3F8A] =	sst s9;
	s0 =	simm.s32 @!p0 $0x0  }
0x12: {  	s1 =	sld [smem:$0x3F70];
	s0 =	simm.s32 @p0 $0x1  }
0x13: {  	[smem:$0x3F8B] =	sst s0;
	s0 =	simm.s32 @!p1 $0x0  }
0x14: {  	s2 =	sld [smem:$0x3F6F];
	s0 =	simm.s32 @p1 $0x1  }
0x15: {  	[smem:$0x3F8C] =	sst s0;
	s0 =	simm.s32 @!p2 $0x0  }
0x16: {  	s3 =	sld [smem:$0x3FDB];
	s0 =	simm.s32 @p2 $0x1  }
0x17: {  	s4 =	simm.s32 $0x1BF5;
	[smem:$0x3F8E] =	sst s0  }
0x18: {  	s0 =	sld [smem:$0x3F71];
	_ =	swait.ge [sflag:s4], $0x0  }
0x19: {  	s7 =	sld [smem:$0x3F72]  }
0x1a: {  	s8 =	sadd.s32 $0xFFFFE003, lr  }
0x1b: {  	s9 =	sadd.s32 $0xFFFFFEF7, lr;
	s5 =	simm.s32 $0xFFFFFFFF;
	p2 =	slt.u32 s8, $0xFFFFF086  }
0x1c: {  	p1 =	slt.u32 s9, $0xF7A;
	s5 =	simm.s32 @!p2 $0x0  }
0x1d: {  	s5 =	simm.s32 @p1 $0x1;
	p0 =	seq.s32 s7, s2  }
0x1e: {  	s7 =	smul.u32 @!p0 $0xF7A, s2;
	p2 =	seq.s32 @!p0 s5, $0x0  }
0x1f: {  	s9 =	smul.u32 $0xF7A, s1;
	s8 =	simm.s32 @!p0 $0x1BF5;
	p2 =	por !p2, p0  }
0x20: {  	[sflag:s8] =	ssyncset.s32 @!p0 $0xFFFFF086;
	s6 =	sadd.s32 @!p0 s3, s7;
	s7 =	simm.s32 @!p0 $0x108  }
0x21: {  	s3 =	sadd.s32 s3, s9;
	s6 =	sadd.s32 @!p0 $0x88, s6;
	s7 =	simm.s32 @p2 $0x1082  }
0x22: {  	[simem:s7], [sflag:s8] =	dma.local @!p0 [hbm:s6], $0xF7A  }
0x23: {  	s9 =	sor.u32 $0xD0000000, s2;
	s6 =	simm.s32 $0x108;
	_ =	swait.ge @!p0 [sflag:s8], $0x0  }
0x24: {  	s3 =	sadd.s32 $0x88, s3;
	s6 =	simm.s32 @!p1 $0x1082;
	[sflag:s4] =	ssyncset.s32 $0xFFFFF086  }
0x25: {  	[simem:s6], [sflag:s4] =	dma.local [hbm:s3], $0xF7A  }
0x26: {  	[smem:$0x3F72] =	sst s1;
	(tag) =	ssettag s2;
	_ =	strace s9  }
0x27: {  	s1 =	sld [smem:$0x3F82]  }
0x28: {  	s2 =	sld [smem:$0x3F83]  }
0x29: {  	s4 =	sld [smem:$0x3F85]  }
0x2a: {  	p0 =	seq.s32 s5, $0x0;
	s5 =	sld [smem:$0x3F86]  }
0x2b: {  	s6 =	sld [smem:$0x3F87]  }
0x2c: {  	s7 =	sld [smem:$0x3F88]  }
0x2d: {  	s3 =	simm.s32 $0x108;
	s8 =	sld [smem:$0x3F89]  }
0x2e: {  	s3 =	simm.s32 @!p0 $0x1082;
	s9 =	sld [smem:$0x3F8A]  }
0x2f: {  	lr =	sadd.s32 s0, s3;
	s0 =	sld [smem:$0x3F81]  }
0x30: {  	s3 =	sld [smem:$0x3F84]  }
0x31: {  	[smem:$0x3F8D] =	sst s10  }
0x32: {  	s10 =	sld [smem:$0x3F8B];
	_ =	sdelay $0x3  }
0x33: {  	p0 =	seq.s32 s10, $0x1;
	s10 =	sld [smem:$0x3F8D];
	_ =	sdelay $0x3  }
0x34: {  	[smem:$0x3F8D] =	sst s10  }
0x35: {  	s10 =	sld [smem:$0x3F8C];
	_ =	sdelay $0x3  }
0x36: {  	p1 =	seq.s32 s10, $0x1;
	s10 =	sld [smem:$0x3F8D];
	_ =	sdelay $0x3  }
0x37: {  	[smem:$0x3F8D] =	sst s10  }
0x38: {  	s10 =	sld [smem:$0x3F8E]  }
0x39: {  	_ = 	snop;
	(pc) =	sbr.ind lr, $3  }
0x3a: {  	_ = 	snop  }
0x3b: {  	_ = 	snop  }
0x3c: {  	p2 =	seq.s32 s10, $0x1;
	s10 =	sld [smem:$0x3F8D]  }
0x3d: {  	_ =	shalt  }
0x3e: {  	_ =	shalt  }
0x3f: {  	_ =	shalt  }
0x40: {  	_ =	shalt  }
0x41: {  	_ =	shalt  }
0x42: {  	_ =	shalt  }
0x43: {  	_ =	shalt  }
0x44: {  	_ =	shalt  }
0x45: {  	_ =	shalt  }
0x46: {  	_ =	shalt  }
0x47: {  	_ =	shalt  }
0x48: {  	_ =	shalt  }
0x49: {  	_ =	shalt  }
0x4a: {  	_ =	shalt  }
0x4b: {  	_ =	shalt  }
0x4c: {  	_ =	shalt  }
0x4d: {  	_ =	shalt  }
0x4e: {  	_ =	shalt  }
0x4f: {  	_ =	shalt  }
0x50: {  	_ =	shalt  }
0x51: {  	_ =	shalt  }
0x52: {  	_ =	shalt  }
0x53: {  	_ =	shalt  }
0x54: {  	_ =	shalt  }
0x55: {  	_ =	shalt  }
0x56: {  	_ =	shalt  }
0x57: {  	_ =	shalt  }
0x58: {  	_ =	shalt  }
0x59: {  	_ =	shalt  }
0x5a: {  	_ =	shalt  }
0x5b: {  	_ =	shalt  }
0x5c: {  	_ =	shalt  }
0x5d: {  	_ =	shalt  }
0x5e: {  	_ =	shalt  }
0x5f: {  	_ =	shalt  }
0x60: {  	_ =	shalt  }
0x61: {  	_ =	shalt  }
0x62: {  	_ =	shalt  }
0x63: {  	_ =	shalt  }
0x64: {  	_ =	shalt  }
0x65: {  	_ =	shalt  }
0x66: {  	_ =	shalt  }
0x67: {  	_ =	shalt  }
0x68: {  	_ =	shalt  }
0x69: {  	_ =	shalt  }
0x6a: {  	_ =	shalt  }
0x6b: {  	_ =	shalt  }
0x6c: {  	_ =	shalt  }
0x6d: {  	_ =	shalt  }
0x6e: {  	_ =	shalt  }
0x6f: {  	_ =	shalt  }
0x70: {  	_ =	shalt  }
0x71: {  	_ =	shalt  }
0x72: {  	_ =	shalt  }
0x73: {  	_ =	shalt  }
0x74: {  	_ =	shalt  }
0x75: {  	_ =	shalt  }
0x76: {  	_ =	shalt  }
0x77: {  	_ =	shalt  }
0x78: {  	_ =	shalt  }
0x79: {  	_ =	shalt  }
0x7a: {  	_ =	shalt  }
0x7b: {  	_ =	shalt  }
0x7c: {  	_ =	shalt  }
0x7d: {  	_ =	shalt  }
0x7e: {  	_ =	shalt  }
0x7f: {  	_ =	shalt  }
0x80: {  	_ =	shalt  }
0x81: {  	_ =	shalt  }
0x82: {  	_ =	shalt  }
0x83: {  	_ =	shalt  }
0x84: {  	_ =	shalt  }
0x85: {  	_ =	shalt  }
0x86: {  	_ =	shalt  }
0x87: {  	_ =	shalt  }
.Lfunc_end0:
.L_simem_size_0:
called_computation.1_lowered:
.L_overlay_start_0:
0x88: {  	s2 =	sld [smem:$0x3FD9]  }
0x89: {  	s3 =	sld [smem:$0x3FFE];
	_ =	sdelay $0x1  }
0x8a: {  	s1 =	srdreg.scid  }
0x8b: {  	s0 =	sand.u32 $0x1, s1  }
0x8c: {  	s17 =	sshll.u32 s0, $0xA;
	s2 =	sadd.s32 s3, s2  }
0x8d: {  	s2 =	sadd.s32 s2, s17  }
0x8e: {  	[smem:$0x3F99] =	sst s2  }
0x8f: {  	_ = 	snop  }
0x90: {  	s2 =	sld [smem:$0x3FC9];
	(tm) =	ssettm $0x1  }
0x91: {  	s18 =	sld [smem:$0x3FFB];
	_ =	sdelay $0x3  }
0x92: {  	_ =	strace s18  }
0x93: {  	s3 =	sld [smem:$0x3FFC];
	_ =	sdelay $0x3  }
0x94: {  	_ =	strace s3  }
0x95: {  	s3 =	sld [smem:$0x3FFD];
	_ =	sdelay $0x3  }
0x96: {  	_ =	strace s3  }
0x97: {  	_ =	strace $0x8FFFFFFF  }
0x98: {  	s19 =	sld [smem:$0x3FDB];
	_ =	sdelay $0x1  }
0x99: {  	s4 =	simm.s32 $_scs_section_size  }
0x9a: {  	s5 =	simm.s32 $_size__tile_overlayer_lowered;
	s6 =	simm.s32 $_tile_overlayer_lowered  }
0x9b: {  	s22 =	simm.s32 $0x1BFF;
	s21 =	sshll.u32 s6, $0x1;
	s3 =	sadd.s32 s4, s19  }
0x9c: {  	s7 =	simm.s32 $0x0;
	s20 =	sshll.u32 s5, $0x1;
	s5 =	sadd.s32 s21, s3  }
0x9d: {  	[timem:s7], [sflag:s22] =	dma.local [hbm:s5], s20  }
0x9e: {  	_ =	swait.ge [sflag:s22], s20  }
0x9f: {  	s4 =	ssub.s32 $0x0, s20;
	[sflag:s22] =	ssyncset.done $0x0  }
0xa0: {  	[sflag:s22] =	ssyncadd.s32 s4;
	_ =	sdelay $0x1  }
0xa1: {  	s23 =	simm.s32 $0x1B8B  }
0xa2: {  	_ =	swait.ge [sflag:s23], $0x1  }
0xa3: {  	[sflag:s23] =	ssyncset.done $0x0  }
0xa4: {  	s25 =	simm.s32 $0x1B8E;
	s24 =	sld [smem:$0x3FFE];
	[sflag:s23] =	ssyncadd.s32 $0xFFFFFFFF  }
0xa5: {  	s26 =	simm.s32 $execute0_lowered;
	[smem:$0x3FD2] =	sst s25  }
0xa6: {  	s5 =	sshll.u32 s26, $0x1;
	_ =	strace $0x80000046;
	[dreg:$0x1] =	wrdreg $0xFFFFFFFF  }
0xa7: {  	s28 =	simm.s32 $_size_execute0_lowered;
	s3 =	sadd.s32 s3, s5;
	[dreg:$0x0] =	wrdreg $0x0  }
0xa8: {  	s5 =	sshll.u32 s28, $0x1;
	[dreg:$0x2] =	wrdreg s3  }
0xa9: {  	[dreg:$0x3] =	wrdreg s5  }
0xaa: {  	[dreg:$0x4] =	wrdreg $0xC0  }
0xab: {  	_ =	task [dreg:s7], $0x5FFFF  }
0xac: {  	[dreg:$0x1] =	wrdreg $0xFFFFFFFF  }
0xad: {  	[dreg:$0x0] =	wrdreg $0x60  }
0xae: {  	[dreg:$0x2] =	wrdreg s2  }
0xaf: {  	[dreg:$0x3] =	wrdreg s24  }
0xb0: {  	[dreg:$0x4] =	wrdreg $0xA  }
0xb1: {  	_ =	task.clear_ibuf [dreg:s7], $0x5FFFF;
	_ =	strace $0x90000046  }
0xb2: {  	s29 =	simm.s32 $0xA;
	_ =	strace $0x80000048  }
0xb3: {  	_ =	swait.ge [sflag:s29], $0x1  }
0xb4: {  	[sflag:s29] =	ssyncadd.s32 $0xFFFFFFFF  }
0xb5: {  	_ =	strace $0x90000048  }
0xb6: {  	_ =	sfence  }
0xb7: {  	s30 =	sld [smem:$0x0];
	_ =	sdelay $0x2  }
0xb8: {  	s31 =	sshll.u32 s1, $0xD;
	s1 =	sshrl.u32 s1, $0x2  }
0xb9: {  	s3 =	sand.u32 $0x4000, s31;
	s1 =	sadd.s32 s1, s30  }
0xba: {  	s0 =	sor.u32 s3, s0;
	s1 =	sshll.u32 s1, $0x11  }
0xbb: {  	s0 =	sor.u32 s1, s0  }
0xbc: {  	s0 =	sadd.s32 $0x8F2B, s0  }
0xbd: {  	[sflag:s0] =	ssyncadd.remote.s32 $0x1  }
0xbe: {  	_ =	sfence.sel $0xFFFF  }
0xbf: {  	[dreg:$0x0] =	wrdreg $0xFFFFFFFF;
	(pc) =	sbr.abs _section_cstart, $3  }
0xc0: {  	[dreg:$0x1] =	wrdreg $0xFFFFFFFF  }
0xc1: {  	_ =	task.clear_ibuf [dreg:s7], $0x2FFFF;
	_ =	strace $0x9FFFFFFF  }
0xc2: {  	(tm) =	ssettm $0x7FFFFFFF  }
0xc3: {  	_ =	shalt  }
tec
execute0_lowered:
.L_overlay_start_1:
0x0: {  	(tag) =	ssettag $0x1  }
0x1: {  	s2 =	rddreg [dreg:$0x0]  }
0x2: {  	s4 =	rddreg [dreg:$0x1]  }
0x3: {  	s0 =	rddreg [dreg:$0x2];
	s5 =	srdreg.scid  }
0x4: {  	s1 =	stileid.u32;
	s3 =	simm.s32 $0x0;
	s18 =	simm.s32 $0x4100  }
0x5: {  	s19 =	simm.s32 $0x0;
	s9 =	sand.u32 $0x1, s5;
	s25 =	sshll.u32 s1, $0x1  }
0x6: {  	[smem:$0x7FF] =	sst s3;
	s12 =	sadd.s32 $0xDA00, s4;
	s14 =	smul.u32 $0x13100, s1  }
0x7: {  	s11 =	sadd.s32 $0xB200, s4;
	s10 =	sadd.s32 $0x10200, s4;
	s15 =	smul.u32 $0x1310, s1  }
0x8: {  	s13 =	sadd.s32 $0x141200, s4;
	s5 =	sor.u32 s9, s25;
	s16 =	smul.u32 $0x988, s9  }
0x9: {  	_ =	strace $0x80000047;
	s6 =	ssub.s32 $0x2, s9;
	s17 =	smul.u32 $0x9880, s9  }
0xa: {  	s5 =	smul.u32 $0x988, s5;
	s26 =	sshrl.u32 s6, $0x1;
	s29 =	sadd.s32 s14, s10  }
0xb: {  	s30 =	sadd.s32 s14, s13;
	s14 =	simm.s32 $0x80;
	s8 =	ssub.s32 s6, s26  }
0xc: {  	s31 =	sadd.s32 s16, s15;
	s9 =	sadd.s32 s17, s29;
	s5 =	sadd.s32 $0x980, s5  }
0xd: {  	s15 =	simm.s32 $0x1;
	s16 =	simm.s32 $0x4080;
	s28 =	sshrl.u32 s5, $0x3  }
0xe: {  	s8 =	smax.u32 s8, $0x1;
	s7 =	sshll.u32 s5, $0x4;
	s4 =	sadd.s32 s12, s28  }
0xf: {  	s5 =	sadd.s32 s10, s7;
	s6 =	sadd.s32 s11, s28;
	s7 =	sadd.s32 s13, s7  }
0x10: {  	s10 =	sadd.s32 s17, s30;
	s13 =	sshrl.u32 s31, $0x3;
	s17 =	simm.s32 $0x8  }
0x11: {  	s11 =	sadd.s32 s13, s11;
	s12 =	sadd.s32 s13, s12;
	s13 =	simm.s32 $0x2  }
.LBB2_1:
0x12: {  	s20 =	sadd.s32 $0x0, s12  }
0x13: {  	[tilespmem:s3], [sflag:$0x2] =	stream.linear.gather [hbm4b:s20+s3], $0x80, $0x38;
	[tilespmem:$0x4500] =	vst v63  }
0x14: {  	_ =	swait.ge [sflag:s13], $0x80  }
0x15: {  	[sflag:s13] =	ssyncset.done $0x0  }
0x16: {  	[sflag:s13] =	ssyncadd.s32 $0xFFFFFF80  }
0x17: {  	[tilespmem:s14], [sflag:$0x1] =	stream.indirect.gather [hbm4b:s2+s14], $0x80, s3, s14, $0xb8;
	[tilespmem:$0x4500] =	vst v63  }
0x18: {  	_ =	swait.ge [sflag:s15], $0x4000  }
0x19: {  	[sflag:s15] =	ssyncset.done $0x0  }
0x1a: {  	[sflag:s15] =	ssyncadd.s32 $0xFFFFC000  }
0x1b: {  	[hbm4b:s9+s3] =	stream.linear.scatter [tilespmem:s14], [sflag:$0x2], $0x4000, $0x38;
	[tilespmem:$0x4500] =	vst v63  }
0x1c: {  	_ =	swait.ge [sflag:s13], $0x4000  }
0x1d: {  	[sflag:s13] =	ssyncset.done $0x0  }
0x1e: {  	s31 =	sadd.s32 $0x0, s11;
	[sflag:s13] =	ssyncadd.s32 $0xFFFFC000  }
0x1f: {  	[tilespmem:s3], [sflag:$0x2] =	stream.linear.gather [hbm4b:s31+s3], $0x80, $0x38;
	[tilespmem:$0x4500] =	vst v63  }
0x20: {  	_ =	swait.ge [sflag:s13], $0x80  }
0x21: {  	[sflag:s13] =	ssyncset.done $0x0  }
0x22: {  	[sflag:s13] =	ssyncadd.s32 $0xFFFFFF80  }
0x23: {  	[tilespmem:s14], [sflag:$0x1] =	stream.indirect.gather [hbm4b:s2+s14], $0x80, s3, s14, $0xb8;
	[tilespmem:$0x4500] =	vst v63  }
0x24: {  	_ =	swait.ge [sflag:s15], $0x4000  }
0x25: {  	[sflag:s15] =	ssyncset.done $0x0  }
0x26: {  	[sflag:s15] =	ssyncadd.s32 $0xFFFFC000  }
0x27: {  	[hbm4b:s10+s3] =	stream.linear.scatter [tilespmem:s14], [sflag:$0x2], $0x4000, $0x38;
	[tilespmem:$0x4500] =	vst v63  }
0x28: {  	s21 =	simm.s32 $0x10;
	s23 =	simm.s32 $0x20;
	_ =	swait.ge [sflag:s13], $0x4000  }
0x29: {  	s22 =	sadd.s32 $0x800, s9;
	s20 =	sadd.s32 $0x800, s10;
	[sflag:s13] =	ssyncset.done $0x0  }
.LBB2_2:
0x2a: {  	s24 =	sadd.s32 s21, s12  }
0x2b: {  	[sflag:s13] =	ssyncadd.s32 $0xFFFFC000;
	s25 =	smov.u32 s23;
	s26 =	sadd.s32 $0x10, s23  }
0x2c: {  	[tilespmem:s3], [sflag:$0x2] =	stream.linear.gather [hbm4b:s24+s3], $0x80, $0x38;
	[tilespmem:$0x4500] =	vst v63  }
0x2d: {  	p0 =	sne.s32 s23, $0x120;
	_ =	swait.ge [sflag:s13], $0x80  }
0x2e: {  	[sflag:s13] =	ssyncset.done $0x0  }
0x2f: {  	[sflag:s13] =	ssyncadd.s32 $0xFFFFFF80  }
0x30: {  	[tilespmem:s14], [sflag:$0x1] =	stream.indirect.gather [hbm4b:s2+s14], $0x80, s3, s14, $0xb8;
	[tilespmem:$0x4500] =	vst v63  }
0x31: {  	_ =	swait.ge [sflag:s15], $0x4000  }
0x32: {  	[sflag:s15] =	ssyncset.done $0x0  }
0x33: {  	[sflag:s15] =	ssyncadd.s32 $0xFFFFC000  }
0x34: {  	[hbm4b:s22+s3] =	stream.linear.scatter [tilespmem:s14], [sflag:$0x2], $0x4000, $0x38;
	[tilespmem:$0x4500] =	vst v63  }
0x35: {  	_ =	swait.ge [sflag:s13], $0x4000  }
0x36: {  	[sflag:s13] =	ssyncset.done $0x0  }
0x37: {  	s23 =	sadd.s32 s21, s11;
	s21 =	smov.u32 s25;
	[sflag:s13] =	ssyncadd.s32 $0xFFFFC000  }
0x38: {  	[tilespmem:s3], [sflag:$0x2] =	stream.linear.gather [hbm4b:s23+s3], $0x80, $0x38;
	[tilespmem:$0x4500] =	vst v63  }
0x39: {  	_ =	swait.ge [sflag:s13], $0x80  }
0x3a: {  	[sflag:s13] =	ssyncset.done $0x0  }
0x3b: {  	[sflag:s13] =	ssyncadd.s32 $0xFFFFFF80  }
0x3c: {  	[tilespmem:s14], [sflag:$0x1] =	stream.indirect.gather [hbm4b:s2+s14], $0x80, s3, s14, $0xb8;
	[tilespmem:$0x4500] =	vst v63  }
0x3d: {  	_ =	swait.ge [sflag:s15], $0x4000  }
.Ltmp0:
0x3e: {  	[sflag:s15] =	ssyncset.done $0x0;
	(pc) =	sbr.rel @p0 .LBB2_2-.Ltmp0, $4  }
0x3f: {  	[sflag:s15] =	ssyncadd.s32 $0xFFFFC000  }
0x40: {  	[hbm4b:s20+s3] =	stream.linear.scatter [tilespmem:s14], [sflag:$0x2], $0x4000, $0x38;
	[tilespmem:$0x4500] =	vst v63  }
0x41: {  	s22 =	sadd.s32 $0x800, s22;
	_ =	swait.ge [sflag:s13], $0x4000  }
0x42: {  	s23 =	smov.u32 s26;
	s20 =	sadd.s32 $0x800, s20;
	[sflag:s13] =	ssyncset.done $0x0  }
0x43: {  	s23 =	sadd.s32 s21, s12;
	[sflag:s13] =	ssyncadd.s32 $0xFFFFC000  }
0x44: {  	[tilespmem:s3], [sflag:$0x2] =	stream.linear.gather [hbm4b:s23+s3], $0x80, $0x38;
	[tilespmem:$0x4500] =	vst v63  }
0x45: {  	_ =	swait.ge [sflag:s13], $0x80  }
0x46: {  	[sflag:s13] =	ssyncset.done $0x0  }
0x47: {  	[sflag:s13] =	ssyncadd.s32 $0xFFFFFF80  }
0x48: {  	[tilespmem:s14], [sflag:$0x1] =	stream.indirect.gather [hbm4b:s2+s14], $0x80, s3, s14, $0xb8;
	[tilespmem:$0x4500] =	vst v63  }
0x49: {  	_ =	swait.ge [sflag:s15], $0x4000  }
0x4a: {  	[sflag:s15] =	ssyncset.done $0x0  }
0x4b: {  	[sflag:s15] =	ssyncadd.s32 $0xFFFFC000  }
0x4c: {  	[hbm4b:s22+s3] =	stream.linear.scatter [tilespmem:s14], [sflag:$0x2], $0x4000, $0x38;
	[tilespmem:$0x4500] =	vst v63  }
0x4d: {  	_ =	swait.ge [sflag:s13], $0x4000  }
0x4e: {  	[sflag:s13] =	ssyncset.done $0x0  }
0x4f: {  	s31 =	sadd.s32 s21, s11;
	[sflag:s13] =	ssyncadd.s32 $0xFFFFC000  }
0x50: {  	[tilespmem:s3], [sflag:$0x2] =	stream.linear.gather [hbm4b:s31+s3], $0x80, $0x38;
	[tilespmem:$0x4500] =	vst v63  }
0x51: {  	_ =	swait.ge [sflag:s13], $0x80  }
0x52: {  	[sflag:s13] =	ssyncset.done $0x0  }
0x53: {  	[sflag:s13] =	ssyncadd.s32 $0xFFFFFF80  }
0x54: {  	[tilespmem:s14], [sflag:$0x1] =	stream.indirect.gather [hbm4b:s2+s14], $0x80, s3, s14, $0xb8;
	[tilespmem:$0x4500] =	vst v63  }
0x55: {  	_ =	swait.ge [sflag:s15], $0x4000  }
0x56: {  	[sflag:s15] =	ssyncset.done $0x0  }
0x57: {  	[sflag:s15] =	ssyncadd.s32 $0xFFFFC000  }
0x58: {  	[hbm4b:s20+s3] =	stream.linear.scatter [tilespmem:s14], [sflag:$0x2], $0x4000, $0x38;
	[tilespmem:$0x4500] =	vst v63  }
0x59: {  	_ =	swait.ge [sflag:s13], $0x4000  }
0x5a: {  	[sflag:s13] =	ssyncset.done $0x0  }
0x5b: {  	[sflag:s13] =	ssyncadd.s32 $0xFFFFC000  }
0x5c: {  	[tilespmem:s16], [sflag:$0x2] =	stream.linear.gather [hbm4b:s4+s3], $0x8, $0x38;
	[tilespmem:$0x4500] =	vst v63  }
0x5d: {  	_ =	swait.ge [sflag:s13], $0x8  }
0x5e: {  	[sflag:s13] =	ssyncset.done $0x0  }
0x5f: {  	[sflag:s13] =	ssyncadd.s32 $0xFFFFFFF8  }
0x60: {  	[tilespmem:s18], [sflag:$0x1] =	stream.indirect.gather [hbm4b:s2+s17], $0x80, s16, s17, $0xb8;
	[tilespmem:$0x4500] =	vst v63  }
0x61: {  	_ =	swait.ge [sflag:s15], $0x400  }
0x62: {  	[sflag:s15] =	ssyncset.done $0x0  }
0x63: {  	[sflag:s15] =	ssyncadd.s32 $0xFFFFFC00  }
0x64: {  	[hbm4b:s5+s3] =	stream.linear.scatter [tilespmem:s18], [sflag:$0x2], $0x400, $0x38;
	[tilespmem:$0x4500] =	vst v63  }
0x65: {  	_ =	swait.ge [sflag:s13], $0x400  }
0x66: {  	[sflag:s13] =	ssyncset.done $0x0  }
0x67: {  	[sflag:s13] =	ssyncadd.s32 $0xFFFFFC00  }
0x68: {  	[tilespmem:s16], [sflag:$0x2] =	stream.linear.gather [hbm4b:s6+s3], $0x8, $0x38;
	[tilespmem:$0x4500] =	vst v63  }
0x69: {  	_ =	swait.ge [sflag:s13], $0x8  }
0x6a: {  	[sflag:s13] =	ssyncset.done $0x0  }
0x6b: {  	[sflag:s13] =	ssyncadd.s32 $0xFFFFFFF8  }
0x6c: {  	[tilespmem:s18], [sflag:$0x1] =	stream.indirect.gather [hbm4b:s2+s17], $0x80, s16, s17, $0xb8;
	[tilespmem:$0x4500] =	vst v63  }
0x6d: {  	s19 =	sadd.s32 $0x1, s19;
	_ =	swait.ge [sflag:s15], $0x400  }
0x6e: {  	p0 =	sne.s32 s19, s8;
	[sflag:s15] =	ssyncset.done $0x0  }
.Ltmp1:
0x6f: {  	[sflag:s15] =	ssyncadd.s32 $0xFFFFFC00;
	(pc) =	sbr.rel @p0 .LBB2_1-.Ltmp1, $4  }
0x70: {  	[hbm4b:s7+s3] =	stream.linear.scatter [tilespmem:s18], [sflag:$0x2], $0x400, $0x38;
	[tilespmem:$0x4500] =	vst v63  }
0x71: {  	_ =	swait.ge [sflag:s13], $0x400  }
0x72: {  	[sflag:s13] =	ssyncset.done $0x0  }
0x73: {  	[sflag:s13] =	ssyncadd.s32 $0xFFFFFC00  }
0x74: {  	_ =	sfence.sel $0x180000  }
0x75: {  	[bflag:$0x0] =	sbarrier.arrive $0xFFFF  }
0x76: {  	p0 =	sne.s32 s1, $0x0;
	_ =	strace $0x90000047  }
0x77: {  	s0 =	sadd.s32 @!p0 $0x100000, s0;
	[bflag:$0x2] =	sbarrier.arrive $0xFFFF  }
0x78: {  	[sflag:s0] =	ssyncadd.tile.s32 @!p0 $0x1;
	_ =	shalt  }
.Lfunc_end2:
_tile_overlayer_lowered:
.L_overlay_start_2:
0x79: {  	(tag) =	ssettag $0x2  }
0x7a: {  	s0 =	rddreg [dreg:$0x0];
	s2 =	stileid.u32  }
0x7b: {  	s1 =	rddreg [dreg:$0x1];
	p0 =	sne.s32 s2, $0x0  }
0x7c: {  	s3 =	rddreg [dreg:$0x2];
	[bflag:$0x3] =	sbarrier.arrive $0xFFFF;
	s2 =	simm.s32 @!p0 $0x1C02  }
0x7d: {  	[timem:s3], [sflag:s2] =	dma.local @!p0 [hbm:s0], s1  }
0x7e: {  	s0 =	simm.s32 @!p0 $0x2  }
0x7f: {  	_ =	swait.ge @!p0 [sflag:s0], s1  }
0x80: {  	s1 =	ssub.s32 @!p0 $0x0, s1;
	[sflag:s0] =	ssyncset.done @!p0 $0x0  }
0x81: {  	[sflag:s0] =	ssyncadd.s32 @!p0 s1  }
0x82: {  	[bflag:$0x3] =	sbarrier.arrive $0xFFFF  }
0x83: {  	_ =	shalt  }

// kernel: kernel.23.cloned.1.call-start
scs
__scs_entry_jumppad:
0x0: {  	(pc) =	sbr.rel $0x88, $3  }
0x1: {  	(tag) =	ssettag $0x0;
	lr =	simm.s32 $0x1  }
0x2: {  	[smem:$0x3F72] =	sst lr;
	_ =	strace $0xD0000000  }
0x3: {  	_ = 	snop  }
0x4: {  	_ = 	snop  }
0x5: {  	_ = 	snop  }
0x6: {  	_ = 	snop  }
0x7: {  	_ = 	snop  }
__scs_overlays_trampoline_lowered:
0x8: {  	[smem:$0x3F81] =	sst s0  }
0x9: {  	[smem:$0x3F82] =	sst s1  }
0xa: {  	[smem:$0x3F83] =	sst s2  }
0xb: {  	[smem:$0x3F84] =	sst s3  }
0xc: {  	[smem:$0x3F85] =	sst s4  }
0xd: {  	[smem:$0x3F86] =	sst s5  }
0xe: {  	[smem:$0x3F87] =	sst s6  }
0xf: {  	[smem:$0x3F88] =	sst s7  }
0x10: {  	[smem:$0x3F89] =	sst s8  }
0x11: {  	[smem:$0x3F8A] =	sst s9;
	s0 =	simm.s32 @!p0 $0x0  }
0x12: {  	s1 =	sld [smem:$0x3F70];
	s0 =	simm.s32 @p0 $0x1  }
0x13: {  	[smem:$0x3F8B] =	sst s0;
	s0 =	simm.s32 @!p1 $0x0  }
0x14: {  	s2 =	sld [smem:$0x3F6F];
	s0 =	simm.s32 @p1 $0x1  }
0x15: {  	[smem:$0x3F8C] =	sst s0;
	s0 =	simm.s32 @!p2 $0x0  }
0x16: {  	s3 =	sld [smem:$0x3FDB];
	s0 =	simm.s32 @p2 $0x1  }
0x17: {  	s4 =	simm.s32 $0x1BF5;
	[smem:$0x3F8E] =	sst s0  }
0x18: {  	s0 =	sld [smem:$0x3F71];
	_ =	swait.ge [sflag:s4], $0x0  }
0x19: {  	s7 =	sld [smem:$0x3F72]  }
0x1a: {  	s8 =	sadd.s32 $0xFFFFE003, lr  }
0x1b: {  	s9 =	sadd.s32 $0xFFFFFEF7, lr;
	s5 =	simm.s32 $0xFFFFFFFF;
	p2 =	slt.u32 s8, $0xFFFFF086  }
0x1c: {  	p1 =	slt.u32 s9, $0xF7A;
	s5 =	simm.s32 @!p2 $0x0  }
0x1d: {  	s5 =	simm.s32 @p1 $0x1;
	p0 =	seq.s32 s7, s2  }
0x1e: {  	s7 =	smul.u32 @!p0 $0xF7A, s2;
	p2 =	seq.s32 @!p0 s5, $0x0  }
0x1f: {  	s9 =	smul.u32 $0xF7A, s1;
	s8 =	simm.s32 @!p0 $0x1BF5;
	p2 =	por !p2, p0  }
0x20: {  	[sflag:s8] =	ssyncset.s32 @!p0 $0xFFFFF086;
	s6 =	sadd.s32 @!p0 s3, s7;
	s7 =	simm.s32 @!p0 $0x108  }
0x21: {  	s3 =	sadd.s32 s3, s9;
	s6 =	sadd.s32 @!p0 $0x88, s6;
	s7 =	simm.s32 @p2 $0x1082  }
0x22: {  	[simem:s7], [sflag:s8] =	dma.local @!p0 [hbm:s6], $0xF7A  }
0x23: {  	s9 =	sor.u32 $0xD0000000, s2;
	s6 =	simm.s32 $0x108;
	_ =	swait.ge @!p0 [sflag:s8], $0x0  }
0x24: {  	s3 =	sadd.s32 $0x88, s3;
	s6 =	simm.s32 @!p1 $0x1082;
	[sflag:s4] =	ssyncset.s32 $0xFFFFF086  }
0x25: {  	[simem:s6], [sflag:s4] =	dma.local [hbm:s3], $0xF7A  }
0x26: {  	[smem:$0x3F72] =	sst s1;
	(tag) =	ssettag s2;
	_ =	strace s9  }
0x27: {  	s1 =	sld [smem:$0x3F82]  }
0x28: {  	s2 =	sld [smem:$0x3F83]  }
0x29: {  	s4 =	sld [smem:$0x3F85]  }
0x2a: {  	p0 =	seq.s32 s5, $0x0;
	s5 =	sld [smem:$0x3F86]  }
0x2b: {  	s6 =	sld [smem:$0x3F87]  }
0x2c: {  	s7 =	sld [smem:$0x3F88]  }
0x2d: {  	s3 =	simm.s32 $0x108;
	s8 =	sld [smem:$0x3F89]  }
0x2e: {  	s3 =	simm.s32 @!p0 $0x1082;
	s9 =	sld [smem:$0x3F8A]  }
0x2f: {  	lr =	sadd.s32 s0, s3;
	s0 =	sld [smem:$0x3F81]  }
0x30: {  	s3 =	sld [smem:$0x3F84]  }
0x31: {  	[smem:$0x3F8D] =	sst s10  }
0x32: {  	s10 =	sld [smem:$0x3F8B];
	_ =	sdelay $0x3  }
0x33: {  	p0 =	seq.s32 s10, $0x1;
	s10 =	sld [smem:$0x3F8D];
	_ =	sdelay $0x3  }
0x34: {  	[smem:$0x3F8D] =	sst s10  }
0x35: {  	s10 =	sld [smem:$0x3F8C];
	_ =	sdelay $0x3  }
0x36: {  	p1 =	seq.s32 s10, $0x1;
	s10 =	sld [smem:$0x3F8D];
	_ =	sdelay $0x3  }
0x37: {  	[smem:$0x3F8D] =	sst s10  }
0x38: {  	s10 =	sld [smem:$0x3F8E]  }
0x39: {  	_ = 	snop;
	(pc) =	sbr.ind lr, $3  }
0x3a: {  	_ = 	snop  }
0x3b: {  	_ = 	snop  }
0x3c: {  	p2 =	seq.s32 s10, $0x1;
	s10 =	sld [smem:$0x3F8D]  }
0x3d: {  	_ =	shalt  }
0x3e: {  	_ =	shalt  }
0x3f: {  	_ =	shalt  }
0x40: {  	_ =	shalt  }
0x41: {  	_ =	shalt  }
0x42: {  	_ =	shalt  }
0x43: {  	_ =	shalt  }
0x44: {  	_ =	shalt  }
0x45: {  	_ =	shalt  }
0x46: {  	_ =	shalt  }
0x47: {  	_ =	shalt  }
0x48: {  	_ =	shalt  }
0x49: {  	_ =	shalt  }
0x4a: {  	_ =	shalt  }
0x4b: {  	_ =	shalt  }
0x4c: {  	_ =	shalt  }
0x4d: {  	_ =	shalt  }
0x4e: {  	_ =	shalt  }
0x4f: {  	_ =	shalt  }
0x50: {  	_ =	shalt  }
0x51: {  	_ =	shalt  }
0x52: {  	_ =	shalt  }
0x53: {  	_ =	shalt  }
0x54: {  	_ =	shalt  }
0x55: {  	_ =	shalt  }
0x56: {  	_ =	shalt  }
0x57: {  	_ =	shalt  }
0x58: {  	_ =	shalt  }
0x59: {  	_ =	shalt  }
0x5a: {  	_ =	shalt  }
0x5b: {  	_ =	shalt  }
0x5c: {  	_ =	shalt  }
0x5d: {  	_ =	shalt  }
0x5e: {  	_ =	shalt  }
0x5f: {  	_ =	shalt  }
0x60: {  	_ =	shalt  }
0x61: {  	_ =	shalt  }
0x62: {  	_ =	shalt  }
0x63: {  	_ =	shalt  }
0x64: {  	_ =	shalt  }
0x65: {  	_ =	shalt  }
0x66: {  	_ =	shalt  }
0x67: {  	_ =	shalt  }
0x68: {  	_ =	shalt  }
0x69: {  	_ =	shalt  }
0x6a: {  	_ =	shalt  }
0x6b: {  	_ =	shalt  }
0x6c: {  	_ =	shalt  }
0x6d: {  	_ =	shalt  }
0x6e: {  	_ =	shalt  }
0x6f: {  	_ =	shalt  }
0x70: {  	_ =	shalt  }
0x71: {  	_ =	shalt  }
0x72: {  	_ =	shalt  }
0x73: {  	_ =	shalt  }
0x74: {  	_ =	shalt  }
0x75: {  	_ =	shalt  }
0x76: {  	_ =	shalt  }
0x77: {  	_ =	shalt  }
0x78: {  	_ =	shalt  }
0x79: {  	_ =	shalt  }
0x7a: {  	_ =	shalt  }
0x7b: {  	_ =	shalt  }
0x7c: {  	_ =	shalt  }
0x7d: {  	_ =	shalt  }
0x7e: {  	_ =	shalt  }
0x7f: {  	_ =	shalt  }
0x80: {  	_ =	shalt  }
0x81: {  	_ =	shalt  }
0x82: {  	_ =	shalt  }
0x83: {  	_ =	shalt  }
0x84: {  	_ =	shalt  }
0x85: {  	_ =	shalt  }
0x86: {  	_ =	shalt  }
0x87: {  	_ =	shalt  }
.Lfunc_end0:
.L_simem_size_0:
called_computation.2_lowered:
.L_overlay_start_0:
0x88: {  	s2 =	sld [smem:$0x3FD9]  }
0x89: {  	s3 =	sld [smem:$0x3FFE];
	_ =	sdelay $0x1  }
0x8a: {  	s1 =	srdreg.scid  }
0x8b: {  	s0 =	sand.u32 $0x1, s1  }
0x8c: {  	s17 =	sshll.u32 s0, $0xA;
	s2 =	sadd.s32 s3, s2  }
0x8d: {  	s2 =	sadd.s32 s2, s17  }
0x8e: {  	[smem:$0x3F99] =	sst s2  }
0x8f: {  	_ = 	snop  }
0x90: {  	(tm) =	ssettm $0x1  }
0x91: {  	s18 =	sld [smem:$0x3FFB];
	_ =	sdelay $0x3  }
0x92: {  	_ =	strace s18  }
0x93: {  	s2 =	sld [smem:$0x3FFC];
	_ =	sdelay $0x3  }
0x94: {  	_ =	strace s2  }
0x95: {  	s2 =	sld [smem:$0x3FFD];
	_ =	sdelay $0x3  }
0x96: {  	_ =	strace s2  }
0x97: {  	_ =	strace $0x8FFFFFFF  }
0x98: {  	s19 =	sld [smem:$0x3FDB];
	_ =	sdelay $0x1  }
0x99: {  	s20 =	simm.s32 $_scs_section_size  }
0x9a: {  	s4 =	simm.s32 $_size__tile_overlayer_lowered;
	s5 =	simm.s32 $_tile_overlayer_lowered  }
0x9b: {  	s6 =	simm.s32 $0x1BFF;
	s21 =	sshll.u32 s5, $0x1;
	s3 =	sadd.s32 s20, s19  }
0x9c: {  	s22 =	simm.s32 $0x0;
	s4 =	sshll.u32 s4, $0x1;
	s5 =	sadd.s32 s21, s3  }
0x9d: {  	[timem:s22], [sflag:s6] =	dma.local [hbm:s5], s4  }
0x9e: {  	_ =	swait.ge [sflag:s6], s4  }
0x9f: {  	s4 =	ssub.s32 $0x0, s4;
	[sflag:s6] =	ssyncset.done $0x0  }
0xa0: {  	[sflag:s6] =	ssyncadd.s32 s4;
	_ =	sdelay $0x1  }
0xa1: {  	s23 =	simm.s32 $0x1B8B  }
0xa2: {  	_ =	swait.ge [sflag:s23], $0x1  }
0xa3: {  	[sflag:s23] =	ssyncset.done $0x0  }
0xa4: {  	[sflag:s23] =	ssyncadd.s32 $0xFFFFFFFF  }
0xa5: {  	s4 =	sld [smem:$0x0]  }
0xa6: {  	s5 =	sand.u32 $0xFFFFFFFE, s1  }
0xa7: {  	p0 =	sne.s32 s1, s5  }
0xa8: {  	s5 =	sshll.u32 @p0 s5, $0xE  }
0xa9: {  	s5 =	sadd.s32 @p0 $0x11B8D, s5;
	s6 =	sshll.u32 @p0 s4, $0x11  }
0xaa: {  	s5 =	sor.u32 @p0 s6, s5  }
0xab: {  	[sflag:s5] =	ssyncadd.remote.s32 @p0 $0x1;
	_ =	sdelay $0x1  }
0xac: {  	s5 =	simm.s32 @p0 $0x1B8D  }
0xad: {  	_ =	swait.eq @p0 [sflag:s5], $0x1  }
0xae: {  	[sflag:s5] =	ssyncadd.s32 @p0 $0xFFFFFFFF  }
0xaf: {  	s6 =	sshll.u32 @!p0 s1, $0xE  }
0xb0: {  	s6 =	sor.u32 @!p0 $0x4000, s6;
	s5 =	simm.s32 @!p0 $0x1B8D  }
0xb1: {  	s4 =	sshll.u32 @!p0 s4, $0x11;
	s6 =	sadd.s32 @!p0 $0x11B8D, s6;
	_ =	swait.eq @!p0 [sflag:s5], $0x1  }
0xb2: {  	s4 =	sor.u32 @!p0 s4, s6;
	[sflag:s5] =	ssyncadd.s32 @!p0 $0xFFFFFFFF  }
0xb3: {  	s25 =	simm.s32 $0x1B8E;
	s24 =	sld [smem:$0x3FFE];
	[sflag:s4] =	ssyncadd.remote.s32 @!p0 $0x1  }
0xb4: {  	s26 =	simm.s32 $execute0_lowered;
	[smem:$0x3FD2] =	sst s25  }
0xb5: {  	s5 =	sshll.u32 s26, $0x1;
	_ =	strace $0x8000004F;
	[dreg:$0x1] =	wrdreg $0xFFFFFFFF  }
0xb6: {  	s28 =	simm.s32 $_size_execute0_lowered;
	s3 =	sadd.s32 s3, s5;
	[dreg:$0x0] =	wrdreg $0x0  }
0xb7: {  	s5 =	sshll.u32 s28, $0x1;
	[dreg:$0x2] =	wrdreg s3  }
0xb8: {  	[dreg:$0x3] =	wrdreg s5  }
0xb9: {  	[dreg:$0x4] =	wrdreg $0xC0  }
0xba: {  	_ =	task [dreg:s22], $0x5FFFF  }
0xbb: {  	[dreg:$0x1] =	wrdreg $0xFFFFFFFF  }
0xbc: {  	[dreg:$0x0] =	wrdreg $0x60  }
0xbd: {  	[dreg:$0x2] =	wrdreg s24  }
0xbe: {  	[dreg:$0x3] =	wrdreg $0x90800  }
0xbf: {  	[dreg:$0x4] =	wrdreg $0x9  }
0xc0: {  	_ =	task.clear_ibuf [dreg:s22], $0x5FFFF;
	_ =	strace $0x9000004F  }
0xc1: {  	s29 =	simm.s32 $0x9;
	_ =	strace $0x80000051  }
0xc2: {  	_ =	swait.ge [sflag:s29], $0x1  }
0xc3: {  	[sflag:s29] =	ssyncadd.s32 $0xFFFFFFFF  }
0xc4: {  	_ =	strace $0x90000051  }
0xc5: {  	_ =	sfence  }
0xc6: {  	s30 =	sld [smem:$0x0];
	_ =	sdelay $0x2  }
0xc7: {  	s31 =	sshll.u32 s1, $0xD;
	s1 =	sshrl.u32 s1, $0x2  }
0xc8: {  	s4 =	sand.u32 $0x4000, s31;
	s1 =	sadd.s32 s1, s30  }
0xc9: {  	s0 =	sor.u32 s4, s0;
	s1 =	sshll.u32 s1, $0x11  }
0xca: {  	s0 =	sor.u32 s1, s0  }
0xcb: {  	s0 =	sadd.s32 $0x8F2B, s0  }
0xcc: {  	[sflag:s0] =	ssyncadd.remote.s32 $0x1  }
0xcd: {  	_ =	sfence.sel $0xFFFF  }
0xce: {  	[dreg:$0x0] =	wrdreg $0xFFFFFFFF;
	(pc) =	sbr.abs _section_cstart, $3  }
0xcf: {  	[dreg:$0x1] =	wrdreg $0xFFFFFFFF  }
0xd0: {  	_ =	task.clear_ibuf [dreg:s22], $0x2FFFF;
	_ =	strace $0x9FFFFFFF  }
0xd1: {  	(tm) =	ssettm $0x7FFFFFFF  }
tec
execute0_lowered:
.L_overlay_start_1:
0x0: {  	(tag) =	ssettag $0x1  }
0x1: {  	s5 =	rddreg [dreg:$0x0];
	s0 =	stileid.u32  }
0x2: {  	s1 =	srdreg.scid;
	s4 =	smul.u32 $0x1400, s0  }
0x3: {  	s2 =	rddreg [dreg:$0x1];
	s18 =	smul.u32 $0x16800, s0  }
0x4: {  	s3 =	simm.s32 $0x0;
	s17 =	sand.u32 $0x1, s1;
	s12 =	smul.u32 $0x280, s0  }
0x5: {  	[smem:$0x7FF] =	sst s3;
	s10 =	smul.u32 $0x5A000, s0;
	s20 =	sadd.s32 $0x1C1E00, s5  }
0x6: {  	s28 =	simm.s32 $0x0;
	s6 =	smul.u32 $0xA00, s17;
	_ =	strace $0x80000050  }
0x7: {  	s7 =	ssub.s32 $0x2, s17;
	s21 =	smul.u32 $0x168000, s17;
	s19 =	sadd.s32 s18, s5  }
0x8: {  	s8 =	sshrl.u32 s7, $0x1;
	s11 =	sadd.s32 $0x80, s12;
	s15 =	sshrl.u32 s10, $0x2  }
0x9: {  	s12 =	sadd.s32 $0x24000, s10;
	s23 =	sadd.s32 $0x36000, s10;
	s10 =	sadd.s32 $0x48000, s10  }
0xa: {  	s29 =	sadd.s32 $0xD800, s18;
	s4 =	sadd.s32 s6, s4;
	s13 =	ssub.s32 s7, s8  }
0xb: {  	s14 =	smul.u32 $0x240, s11;
	s7 =	sadd.s32 s15, s2;
	s16 =	sshrl.u32 s12, $0x2  }
0xc: {  	s12 =	sshrl.u32 s23, $0x2;
	s24 =	sadd.s32 s21, s18;
	s15 =	sadd.s32 $0x9000, s18  }
0xd: {  	s4 =	sshrl.u32 s4, $0x3;
	s6 =	smax.u32 s13, $0x1;
	s13 =	sshrl.u32 s10, $0x2  }
0xe: {  	s10 =	sadd.s32 s12, s2;
	s12 =	sshrl.u32 s24, $0x3;
	s23 =	sadd.s32 s21, s15  }
0xf: {  	s15 =	sadd.s32 s15, s2;
	s24 =	sadd.s32 s21, s29;
	s22 =	sadd.s32 s4, s5  }
0x10: {  	s4 =	sadd.s32 $0x167400, s5;
	s5 =	sadd.s32 s18, s2;
	s9 =	sshrl.u32 s14, $0x2  }
0x11: {  	s14 =	smul.u32 $0x90, s11;
	s11 =	sadd.s32 s13, s2;
	s12 =	sadd.s32 s20, s12  }
0x12: {  	s26 =	sshrl.u32 s23, $0x3;
	s30 =	sshrl.u32 s24, $0x3;
	s23 =	simm.s32 $0x4880  }
0x13: {  	s24 =	simm.s32 $0x2;
	s8 =	sadd.s32 s9, s2;
	s25 =	sadd.s32 s21, s14  }
0x14: {  	s9 =	sadd.s32 s16, s2;
	s22 =	sadd.s32 $0x272200, s22;
	s16 =	sshrl.u32 s25, $0x3  }
0x15: {  	s13 =	sadd.s32 s14, s2;
	s25 =	sadd.s32 $0x12000, s18;
	s14 =	sadd.s32 s20, s16  }
0x16: {  	s16 =	sadd.s32 s20, s26;
	s26 =	smul.u32 $0xB400, s17;
	s21 =	sadd.s32 s21, s25  }
0x17: {  	s18 =	sadd.s32 s20, s30;
	s17 =	sadd.s32 s29, s2;
	s21 =	sshrl.u32 s21, $0x3  }
0x18: {  	s31 =	sadd.s32 s26, s19;
	s19 =	sadd.s32 s25, s2;
	s20 =	sadd.s32 s20, s21  }
0x19: {  	s25 =	simm.s32 $0x80;
	s26 =	simm.s32 $0x1;
	s21 =	sadd.s32 $0x274A00, s31  }
.LBB2_1:
0x1a: {  	[tilespmem:s23], [sflag:$0x2] =	stream.linear.gather [hbm4b:s4+s3], $0x4800, $0x38;
	[tilespmem:$0x1F880] =	vst v63  }
0x1b: {  	_ =	swait.ge [sflag:s24], $0x4800  }
0x1c: {  	[sflag:s24] =	ssyncset.done $0x0  }
0x1d: {  	[sflag:s24] =	ssyncadd.s32 $0xFFFFB800  }
0x1e: {  	[spmem:s7] =	stream.linear.scatter [tilespmem:s23], [sflag:$0x2], $0x4800, $0x38;
	[tilespmem:$0x1F880] =	vst v63  }
0x1f: {  	_ =	swait.ge [sflag:s24], $0x4800  }
0x20: {  	[sflag:s24] =	ssyncset.done $0x0  }
0x21: {  	[sflag:s24] =	ssyncadd.s32 $0xFFFFB800  }
0x22: {  	[spmem:s8] =	stream.linear.scatter [tilespmem:s23], [sflag:$0x2], $0x4800, $0x38;
	[tilespmem:$0x1F880] =	vst v63  }
0x23: {  	_ =	swait.ge [sflag:s24], $0x4800  }
0x24: {  	[sflag:s24] =	ssyncset.done $0x0  }
0x25: {  	[sflag:s24] =	ssyncadd.s32 $0xFFFFB800  }
0x26: {  	[spmem:s9] =	stream.linear.scatter [tilespmem:s23], [sflag:$0x2], $0x4800, $0x38;
	[tilespmem:$0x1F880] =	vst v63  }
0x27: {  	_ =	swait.ge [sflag:s24], $0x4800  }
0x28: {  	[sflag:s24] =	ssyncset.done $0x0  }
0x29: {  	[sflag:s24] =	ssyncadd.s32 $0xFFFFB800  }
0x2a: {  	[spmem:s10] =	stream.linear.scatter [tilespmem:s23], [sflag:$0x2], $0x4800, $0x38;
	[tilespmem:$0x1F880] =	vst v63  }
0x2b: {  	_ =	swait.ge [sflag:s24], $0x4800  }
0x2c: {  	[sflag:s24] =	ssyncset.done $0x0  }
0x2d: {  	[sflag:s24] =	ssyncadd.s32 $0xFFFFB800  }
0x2e: {  	[spmem:s11] =	stream.linear.scatter [tilespmem:s23], [sflag:$0x2], $0x4800, $0x38;
	[tilespmem:$0x1F880] =	vst v63  }
0x2f: {  	_ =	swait.ge [sflag:s24], $0x4800  }
0x30: {  	[sflag:s24] =	ssyncset.done $0x0  }
0x31: {  	[sflag:s24] =	ssyncadd.s32 $0xFFFFB800  }
0x32: {  	s29 =	sadd.s32 $0x0, s22;
	[bflag:$0x0] =	sbarrier.arrive $0xFFFF  }
0x33: {  	[tilespmem:s3], [sflag:$0x1] =	stream.linear.gather [hbm4b:s29+s3], $0x80, $0x38;
	[tilespmem:$0x1F880] =	vst v63  }
0x34: {  	_ = 	snop  }
0x35: {  	[tilespmem:s25], [sflag:$0x1] =	stream.linear.gather [hbm4b:s21+s3], $0x4800, $0x38;
	[tilespmem:$0x1F880] =	vst v63  }
0x36: {  	_ =	swait.ge [sflag:s26], $0x80  }
0x37: {  	[sflag:s26] =	ssyncset.done $0x0  }
0x38: {  	[sflag:s26] =	ssyncadd.s32 $0xFFFFFF80  }
0x39: {  	_ =	swait.ge [sflag:s26], $0x4800  }
0x3a: {  	[sflag:s26] =	ssyncset.done $0x0  }
0x3b: {  	[sflag:s26] =	ssyncadd.s32 $0xFFFFB800  }
0x3c: {  	[spmem:s2] =	stream.indirect.scatter.add.f32 [tilespmem:s25], [sflag:$0x2], $0x90, s3, s25, $0xb8;
	[tilespmem:$0x1F880] =	vst v63  }
0x3d: {  	s30 =	simm.s32 $0x10;
	_ =	swait.ge [sflag:s24], $0x4800  }
0x3e: {  	s31 =	simm.s32 $0x20;
	s29 =	sadd.s32 $0x900, s21;
	[sflag:s24] =	ssyncset.done $0x0  }
.LBB2_2:
0x3f: {  	s1 =	sadd.s32 s30, s22  }
0x40: {  	[sflag:s24] =	ssyncadd.s32 $0xFFFFB800;
	s30 =	smov.u32 s31;
	s0 =	sadd.s32 $0x10, s31  }
0x41: {  	[tilespmem:s3], [sflag:$0x1] =	stream.linear.gather [hbm4b:s1+s3], $0x80, $0x38;
	[tilespmem:$0x1F880] =	vst v63  }
0x42: {  	p0 =	sne.s32 s31, $0x130  }
0x43: {  	[tilespmem:s25], [sflag:$0x1] =	stream.linear.gather [hbm4b:s29+s3], $0x4800, $0x38;
	[tilespmem:$0x1F880] =	vst v63  }
0x44: {  	_ =	swait.ge [sflag:s26], $0x80  }
0x45: {  	[sflag:s26] =	ssyncset.done $0x0  }
0x46: {  	[sflag:s26] =	ssyncadd.s32 $0xFFFFFF80  }
0x47: {  	_ =	swait.ge [sflag:s26], $0x4800  }
.Ltmp0:
0x48: {  	[sflag:s26] =	ssyncset.done $0x0;
	(pc) =	sbr.rel @p0 .LBB2_2-.Ltmp0, $4  }
0x49: {  	[sflag:s26] =	ssyncadd.s32 $0xFFFFB800  }
0x4a: {  	[spmem:s2] =	stream.indirect.scatter.add.f32 [tilespmem:s25], [sflag:$0x2], $0x90, s3, s25, $0xb8;
	[tilespmem:$0x1F880] =	vst v63  }
0x4b: {  	_ =	swait.ge [sflag:s24], $0x4800  }
0x4c: {  	s31 =	smov.u32 s0;
	s29 =	sadd.s32 $0x900, s29;
	[sflag:s24] =	ssyncset.done $0x0  }
0x4d: {  	s0 =	sadd.s32 s30, s22;
	[sflag:s24] =	ssyncadd.s32 $0xFFFFB800  }
0x4e: {  	[tilespmem:s3], [sflag:$0x1] =	stream.linear.gather [hbm4b:s0+s3], $0x80, $0x38;
	[tilespmem:$0x1F880] =	vst v63  }
0x4f: {  	_ = 	snop  }
0x50: {  	[tilespmem:s25], [sflag:$0x1] =	stream.linear.gather [hbm4b:s29+s3], $0x4800, $0x38;
	[tilespmem:$0x1F880] =	vst v63  }
0x51: {  	_ =	swait.ge [sflag:s26], $0x80  }
0x52: {  	[sflag:s26] =	ssyncset.done $0x0  }
0x53: {  	[sflag:s26] =	ssyncadd.s32 $0xFFFFFF80  }
0x54: {  	_ =	swait.ge [sflag:s26], $0x4800  }
0x55: {  	[sflag:s26] =	ssyncset.done $0x0  }
0x56: {  	[sflag:s26] =	ssyncadd.s32 $0xFFFFB800  }
0x57: {  	[spmem:s2] =	stream.indirect.scatter.add.f32 [tilespmem:s25], [sflag:$0x2], $0x90, s3, s25, $0xb8;
	[tilespmem:$0x1F880] =	vst v63  }
0x58: {  	_ =	swait.ge [sflag:s24], $0x4800  }
0x59: {  	[sflag:s24] =	ssyncset.done $0x0  }
0x5a: {  	[sflag:s24] =	ssyncadd.s32 $0xFFFFB800  }
0x5b: {  	[bflag:$0x0] =	sbarrier.arrive $0xFFFF  }
0x5c: {  	[tilespmem:s23], [sflag:$0x2] =	stream.linear.gather [spmem:s5], $0x4800, $0x38;
	[tilespmem:$0x1F880] =	vst v63  }
0x5d: {  	_ =	swait.ge [sflag:s24], $0x4800  }
0x5e: {  	[sflag:s24] =	ssyncset.done $0x0  }
0x5f: {  	[sflag:s24] =	ssyncadd.s32 $0xFFFFB800  }
0x60: {  	[hbm4b:s12+s3] =	stream.linear.scatter [tilespmem:s23], [sflag:$0x2], $0x4800, $0x38;
	[tilespmem:$0x1F880] =	vst v63  }
0x61: {  	_ =	swait.ge [sflag:s24], $0x4800  }
0x62: {  	[sflag:s24] =	ssyncset.done $0x0  }
0x63: {  	[sflag:s24] =	ssyncadd.s32 $0xFFFFB800  }
0x64: {  	[tilespmem:s23], [sflag:$0x2] =	stream.linear.gather [spmem:s13], $0x4800, $0x38;
	[tilespmem:$0x1F880] =	vst v63  }
0x65: {  	_ =	swait.ge [sflag:s24], $0x4800  }
0x66: {  	[sflag:s24] =	ssyncset.done $0x0  }
0x67: {  	[sflag:s24] =	ssyncadd.s32 $0xFFFFB800  }
0x68: {  	[hbm4b:s14+s3] =	stream.linear.scatter [tilespmem:s23], [sflag:$0x2], $0x4800, $0x38;
	[tilespmem:$0x1F880] =	vst v63  }
0x69: {  	_ =	swait.ge [sflag:s24], $0x4800  }
0x6a: {  	[sflag:s24] =	ssyncset.done $0x0  }
0x6b: {  	[sflag:s24] =	ssyncadd.s32 $0xFFFFB800  }
0x6c: {  	[tilespmem:s23], [sflag:$0x2] =	stream.linear.gather [spmem:s15], $0x4800, $0x38;
	[tilespmem:$0x1F880] =	vst v63  }
0x6d: {  	_ =	swait.ge [sflag:s24], $0x4800  }
0x6e: {  	[sflag:s24] =	ssyncset.done $0x0  }
0x6f: {  	[sflag:s24] =	ssyncadd.s32 $0xFFFFB800  }
0x70: {  	[hbm4b:s16+s3] =	stream.linear.scatter [tilespmem:s23], [sflag:$0x2], $0x4800, $0x38;
	[tilespmem:$0x1F880] =	vst v63  }
0x71: {  	_ =	swait.ge [sflag:s24], $0x4800  }
0x72: {  	[sflag:s24] =	ssyncset.done $0x0  }
0x73: {  	[sflag:s24] =	ssyncadd.s32 $0xFFFFB800  }
0x74: {  	[tilespmem:s23], [sflag:$0x2] =	stream.linear.gather [spmem:s17], $0x4800, $0x38;
	[tilespmem:$0x1F880] =	vst v63  }
0x75: {  	_ =	swait.ge [sflag:s24], $0x4800  }
0x76: {  	[sflag:s24] =	ssyncset.done $0x0  }
0x77: {  	[sflag:s24] =	ssyncadd.s32 $0xFFFFB800  }
0x78: {  	[hbm4b:s18+s3] =	stream.linear.scatter [tilespmem:s23], [sflag:$0x2], $0x4800, $0x38;
	[tilespmem:$0x1F880] =	vst v63  }
0x79: {  	_ =	swait.ge [sflag:s24], $0x4800  }
0x7a: {  	[sflag:s24] =	ssyncset.done $0x0  }
0x7b: {  	[sflag:s24] =	ssyncadd.s32 $0xFFFFB800  }
0x7c: {  	[tilespmem:s23], [sflag:$0x2] =	stream.linear.gather [spmem:s19], $0x4800, $0x38;
	[tilespmem:$0x1F880] =	vst v63  }
0x7d: {  	s28 =	sadd.s32 $0x1, s28;
	_ =	swait.ge [sflag:s24], $0x4800  }
0x7e: {  	p0 =	sne.s32 s28, s6;
	[sflag:s24] =	ssyncset.done $0x0  }
.Ltmp1:
0x7f: {  	[sflag:s24] =	ssyncadd.s32 $0xFFFFB800;
	(pc) =	sbr.rel @p0 .LBB2_1-.Ltmp1, $4  }
0x80: {  	[hbm4b:s20+s3] =	stream.linear.scatter [tilespmem:s23], [sflag:$0x2], $0x4800, $0x38;
	[tilespmem:$0x1F880] =	vst v63  }
0x81: {  	_ =	swait.ge [sflag:s24], $0x4800  }
0x82: {  	[sflag:s24] =	ssyncset.done $0x0  }
0x83: {  	[sflag:s24] =	ssyncadd.s32 $0xFFFFB800  }
0x84: {  	_ =	sfence.sel $0x180000  }
0x85: {  	[bflag:$0x0] =	sbarrier.arrive $0xFFFF  }
0x86: {  	_ =	strace $0x90000050  }
0x87: {  	s0 =	stileid.u32;
	[bflag:$0x2] =	sbarrier.arrive $0xFFFF  }
0x88: {  	p0 =	sne.s32 s0, $0x0;
	s0 =	rddreg [dreg:$0x2]  }
0x89: {  	s0 =	sadd.s32 @!p0 $0x100000, s0  }
0x8a: {  	[sflag:s0] =	ssyncadd.tile.s32 @!p0 $0x1;
	_ =	shalt  }
.Lfunc_end2:
_tile_overlayer_lowered:
.L_overlay_start_2:
0x8b: {  	(tag) =	ssettag $0x2  }
0x8c: {  	s0 =	rddreg [dreg:$0x0];
	s2 =	stileid.u32  }
0x8d: {  	s1 =	rddreg [dreg:$0x1];
	p0 =	sne.s32 s2, $0x0  }
0x8e: {  	s3 =	rddreg [dreg:$0x2];
	[bflag:$0x3] =	sbarrier.arrive $0xFFFF;
	s2 =	simm.s32 @!p0 $0x1C02  }
0x8f: {  	[timem:s3], [sflag:s2] =	dma.local @!p0 [hbm:s0], s1  }
0x90: {  	s0 =	simm.s32 @!p0 $0x2  }
0x91: {  	_ =	swait.ge @!p0 [sflag:s0], s1  }
0x92: {  	s1 =	ssub.s32 @!p0 $0x0, s1;
	[sflag:s0] =	ssyncset.done @!p0 $0x0  }
0x93: {  	[sflag:s0] =	ssyncadd.s32 @!p0 s1  }
0x94: {  	[bflag:$0x3] =	sbarrier.arrive $0xFFFF  }
0x95: {  	_ =	shalt  }

// kernel: kernel.26.cloned.1.call-start
scs
__scs_entry_jumppad:
0x0: {  	(pc) =	sbr.rel $0x88, $3  }
0x1: {  	(tag) =	ssettag $0x0;
	lr =	simm.s32 $0x1  }
0x2: {  	[smem:$0x3F72] =	sst lr;
	_ =	strace $0xD0000000  }
0x3: {  	_ = 	snop  }
0x4: {  	_ = 	snop  }
0x5: {  	_ = 	snop  }
0x6: {  	_ = 	snop  }
0x7: {  	_ = 	snop  }
__scs_overlays_trampoline_lowered:
0x8: {  	[smem:$0x3F81] =	sst s0  }
0x9: {  	[smem:$0x3F82] =	sst s1  }
0xa: {  	[smem:$0x3F83] =	sst s2  }
0xb: {  	[smem:$0x3F84] =	sst s3  }
0xc: {  	[smem:$0x3F85] =	sst s4  }
0xd: {  	[smem:$0x3F86] =	sst s5  }
0xe: {  	[smem:$0x3F87] =	sst s6  }
0xf: {  	[smem:$0x3F88] =	sst s7  }
0x10: {  	[smem:$0x3F89] =	sst s8  }
0x11: {  	[smem:$0x3F8A] =	sst s9;
	s0 =	simm.s32 @!p0 $0x0  }
0x12: {  	s1 =	sld [smem:$0x3F70];
	s0 =	simm.s32 @p0 $0x1  }
0x13: {  	[smem:$0x3F8B] =	sst s0;
	s0 =	simm.s32 @!p1 $0x0  }
0x14: {  	s2 =	sld [smem:$0x3F6F];
	s0 =	simm.s32 @p1 $0x1  }
0x15: {  	[smem:$0x3F8C] =	sst s0;
	s0 =	simm.s32 @!p2 $0x0  }
0x16: {  	s3 =	sld [smem:$0x3FDB];
	s0 =	simm.s32 @p2 $0x1  }
0x17: {  	s4 =	simm.s32 $0x1BF5;
	[smem:$0x3F8E] =	sst s0  }
0x18: {  	s0 =	sld [smem:$0x3F71];
	_ =	swait.ge [sflag:s4], $0x0  }
0x19: {  	s7 =	sld [smem:$0x3F72]  }
0x1a: {  	s8 =	sadd.s32 $0xFFFFE003, lr  }
0x1b: {  	s9 =	sadd.s32 $0xFFFFFEF7, lr;
	s5 =	simm.s32 $0xFFFFFFFF;
	p2 =	slt.u32 s8, $0xFFFFF086  }
0x1c: {  	p1 =	slt.u32 s9, $0xF7A;
	s5 =	simm.s32 @!p2 $0x0  }
0x1d: {  	s5 =	simm.s32 @p1 $0x1;
	p0 =	seq.s32 s7, s2  }
0x1e: {  	s7 =	smul.u32 @!p0 $0xF7A, s2;
	p2 =	seq.s32 @!p0 s5, $0x0  }
0x1f: {  	s9 =	smul.u32 $0xF7A, s1;
	s8 =	simm.s32 @!p0 $0x1BF5;
	p2 =	por !p2, p0  }
0x20: {  	[sflag:s8] =	ssyncset.s32 @!p0 $0xFFFFF086;
	s6 =	sadd.s32 @!p0 s3, s7;
	s7 =	simm.s32 @!p0 $0x108  }
0x21: {  	s3 =	sadd.s32 s3, s9;
	s6 =	sadd.s32 @!p0 $0x88, s6;
	s7 =	simm.s32 @p2 $0x1082  }
0x22: {  	[simem:s7], [sflag:s8] =	dma.local @!p0 [hbm:s6], $0xF7A  }
0x23: {  	s9 =	sor.u32 $0xD0000000, s2;
	s6 =	simm.s32 $0x108;
	_ =	swait.ge @!p0 [sflag:s8], $0x0  }
0x24: {  	s3 =	sadd.s32 $0x88, s3;
	s6 =	simm.s32 @!p1 $0x1082;
	[sflag:s4] =	ssyncset.s32 $0xFFFFF086  }
0x25: {  	[simem:s6], [sflag:s4] =	dma.local [hbm:s3], $0xF7A  }
0x26: {  	[smem:$0x3F72] =	sst s1;
	(tag) =	ssettag s2;
	_ =	strace s9  }
0x27: {  	s1 =	sld [smem:$0x3F82]  }
0x28: {  	s2 =	sld [smem:$0x3F83]  }
0x29: {  	s4 =	sld [smem:$0x3F85]  }
0x2a: {  	p0 =	seq.s32 s5, $0x0;
	s5 =	sld [smem:$0x3F86]  }
0x2b: {  	s6 =	sld [smem:$0x3F87]  }
0x2c: {  	s7 =	sld [smem:$0x3F88]  }
0x2d: {  	s3 =	simm.s32 $0x108;
	s8 =	sld [smem:$0x3F89]  }
0x2e: {  	s3 =	simm.s32 @!p0 $0x1082;
	s9 =	sld [smem:$0x3F8A]  }
0x2f: {  	lr =	sadd.s32 s0, s3;
	s0 =	sld [smem:$0x3F81]  }
0x30: {  	s3 =	sld [smem:$0x3F84]  }
0x31: {  	[smem:$0x3F8D] =	sst s10  }
0x32: {  	s10 =	sld [smem:$0x3F8B];
	_ =	sdelay $0x3  }
0x33: {  	p0 =	seq.s32 s10, $0x1;
	s10 =	sld [smem:$0x3F8D];
	_ =	sdelay $0x3  }
0x34: {  	[smem:$0x3F8D] =	sst s10  }
0x35: {  	s10 =	sld [smem:$0x3F8C];
	_ =	sdelay $0x3  }
0x36: {  	p1 =	seq.s32 s10, $0x1;
	s10 =	sld [smem:$0x3F8D];
	_ =	sdelay $0x3  }
0x37: {  	[smem:$0x3F8D] =	sst s10  }
0x38: {  	s10 =	sld [smem:$0x3F8E]  }
0x39: {  	_ = 	snop;
	(pc) =	sbr.ind lr, $3  }
0x3a: {  	_ = 	snop  }
0x3b: {  	_ = 	snop  }
0x3c: {  	p2 =	seq.s32 s10, $0x1;
	s10 =	sld [smem:$0x3F8D]  }
0x3d: {  	_ =	shalt  }
0x3e: {  	_ =	shalt  }
0x3f: {  	_ =	shalt  }
0x40: {  	_ =	shalt  }
0x41: {  	_ =	shalt  }
0x42: {  	_ =	shalt  }
0x43: {  	_ =	shalt  }
0x44: {  	_ =	shalt  }
0x45: {  	_ =	shalt  }
0x46: {  	_ =	shalt  }
0x47: {  	_ =	shalt  }
0x48: {  	_ =	shalt  }
0x49: {  	_ =	shalt  }
0x4a: {  	_ =	shalt  }
0x4b: {  	_ =	shalt  }
0x4c: {  	_ =	shalt  }
0x4d: {  	_ =	shalt  }
0x4e: {  	_ =	shalt  }
0x4f: {  	_ =	shalt  }
0x50: {  	_ =	shalt  }
0x51: {  	_ =	shalt  }
0x52: {  	_ =	shalt  }
0x53: {  	_ =	shalt  }
0x54: {  	_ =	shalt  }
0x55: {  	_ =	shalt  }
0x56: {  	_ =	shalt  }
0x57: {  	_ =	shalt  }
0x58: {  	_ =	shalt  }
0x59: {  	_ =	shalt  }
0x5a: {  	_ =	shalt  }
0x5b: {  	_ =	shalt  }
0x5c: {  	_ =	shalt  }
0x5d: {  	_ =	shalt  }
0x5e: {  	_ =	shalt  }
0x5f: {  	_ =	shalt  }
0x60: {  	_ =	shalt  }
0x61: {  	_ =	shalt  }
0x62: {  	_ =	shalt  }
0x63: {  	_ =	shalt  }
0x64: {  	_ =	shalt  }
0x65: {  	_ =	shalt  }
0x66: {  	_ =	shalt  }
0x67: {  	_ =	shalt  }
0x68: {  	_ =	shalt  }
0x69: {  	_ =	shalt  }
0x6a: {  	_ =	shalt  }
0x6b: {  	_ =	shalt  }
0x6c: {  	_ =	shalt  }
0x6d: {  	_ =	shalt  }
0x6e: {  	_ =	shalt  }
0x6f: {  	_ =	shalt  }
0x70: {  	_ =	shalt  }
0x71: {  	_ =	shalt  }
0x72: {  	_ =	shalt  }
0x73: {  	_ =	shalt  }
0x74: {  	_ =	shalt  }
0x75: {  	_ =	shalt  }
0x76: {  	_ =	shalt  }
0x77: {  	_ =	shalt  }
0x78: {  	_ =	shalt  }
0x79: {  	_ =	shalt  }
0x7a: {  	_ =	shalt  }
0x7b: {  	_ =	shalt  }
0x7c: {  	_ =	shalt  }
0x7d: {  	_ =	shalt  }
0x7e: {  	_ =	shalt  }
0x7f: {  	_ =	shalt  }
0x80: {  	_ =	shalt  }
0x81: {  	_ =	shalt  }
0x82: {  	_ =	shalt  }
0x83: {  	_ =	shalt  }
0x84: {  	_ =	shalt  }
0x85: {  	_ =	shalt  }
0x86: {  	_ =	shalt  }
0x87: {  	_ =	shalt  }
.Lfunc_end0:
.L_simem_size_0:
called_computation.3_lowered:
.L_overlay_start_0:
0x88: {  	s2 =	sld [smem:$0x3FD9]  }
0x89: {  	s3 =	sld [smem:$0x3FFE];
	_ =	sdelay $0x1  }
0x8a: {  	s1 =	srdreg.scid  }
0x8b: {  	s0 =	sand.u32 $0x1, s1  }
0x8c: {  	s17 =	sshll.u32 s0, $0xA;
	s2 =	sadd.s32 s3, s2  }
0x8d: {  	s2 =	sadd.s32 s2, s17  }
0x8e: {  	[smem:$0x3F99] =	sst s2  }
0x8f: {  	_ = 	snop  }
0x90: {  	(tm) =	ssettm $0x1  }
0x91: {  	s18 =	sld [smem:$0x3FFB];
	_ =	sdelay $0x3  }
0x92: {  	_ =	strace s18  }
0x93: {  	s2 =	sld [smem:$0x3FFC];
	_ =	sdelay $0x3  }
0x94: {  	_ =	strace s2  }
0x95: {  	s2 =	sld [smem:$0x3FFD];
	_ =	sdelay $0x3  }
0x96: {  	_ =	strace s2  }
0x97: {  	_ =	strace $0x8FFFFFFF  }
0x98: {  	s19 =	sld [smem:$0x3FDB];
	_ =	sdelay $0x1  }
0x99: {  	s20 =	simm.s32 $_scs_section_size  }
0x9a: {  	s4 =	simm.s32 $_size__tile_overlayer_lowered;
	s5 =	simm.s32 $_tile_overlayer_lowered  }
0x9b: {  	s6 =	simm.s32 $0x1BFF;
	s21 =	sshll.u32 s5, $0x1;
	s3 =	sadd.s32 s20, s19  }
0x9c: {  	s22 =	simm.s32 $0x0;
	s4 =	sshll.u32 s4, $0x1;
	s5 =	sadd.s32 s21, s3  }
0x9d: {  	[timem:s22], [sflag:s6] =	dma.local [hbm:s5], s4  }
0x9e: {  	_ =	swait.ge [sflag:s6], s4  }
0x9f: {  	s4 =	ssub.s32 $0x0, s4;
	[sflag:s6] =	ssyncset.done $0x0  }
0xa0: {  	[sflag:s6] =	ssyncadd.s32 s4;
	_ =	sdelay $0x1  }
0xa1: {  	s23 =	simm.s32 $0x1B8B  }
0xa2: {  	_ =	swait.ge [sflag:s23], $0x1  }
0xa3: {  	[sflag:s23] =	ssyncset.done $0x0  }
0xa4: {  	[sflag:s23] =	ssyncadd.s32 $0xFFFFFFFF  }
0xa5: {  	s4 =	sld [smem:$0x0]  }
0xa6: {  	s5 =	sand.u32 $0xFFFFFFFE, s1  }
0xa7: {  	p0 =	sne.s32 s1, s5  }
0xa8: {  	s5 =	sshll.u32 @p0 s5, $0xE  }
0xa9: {  	s5 =	sadd.s32 @p0 $0x11B8D, s5;
	s6 =	sshll.u32 @p0 s4, $0x11  }
0xaa: {  	s5 =	sor.u32 @p0 s6, s5  }
0xab: {  	[sflag:s5] =	ssyncadd.remote.s32 @p0 $0x1;
	_ =	sdelay $0x1  }
0xac: {  	s5 =	simm.s32 @p0 $0x1B8D  }
0xad: {  	_ =	swait.eq @p0 [sflag:s5], $0x1  }
0xae: {  	[sflag:s5] =	ssyncadd.s32 @p0 $0xFFFFFFFF  }
0xaf: {  	s6 =	sshll.u32 @!p0 s1, $0xE  }
0xb0: {  	s6 =	sor.u32 @!p0 $0x4000, s6;
	s5 =	simm.s32 @!p0 $0x1B8D  }
0xb1: {  	s4 =	sshll.u32 @!p0 s4, $0x11;
	s6 =	sadd.s32 @!p0 $0x11B8D, s6;
	_ =	swait.eq @!p0 [sflag:s5], $0x1  }
0xb2: {  	s4 =	sor.u32 @!p0 s4, s6;
	[sflag:s5] =	ssyncadd.s32 @!p0 $0xFFFFFFFF  }
0xb3: {  	s25 =	simm.s32 $0x1B8E;
	s24 =	sld [smem:$0x3FFE];
	[sflag:s4] =	ssyncadd.remote.s32 @!p0 $0x1  }
0xb4: {  	s26 =	simm.s32 $execute0_lowered;
	[smem:$0x3FD2] =	sst s25  }
0xb5: {  	s5 =	sshll.u32 s26, $0x1;
	_ =	strace $0x8000004C;
	[dreg:$0x1] =	wrdreg $0xFFFFFFFF  }
0xb6: {  	s28 =	simm.s32 $_size_execute0_lowered;
	s3 =	sadd.s32 s3, s5;
	[dreg:$0x0] =	wrdreg $0x0  }
0xb7: {  	s5 =	sshll.u32 s28, $0x1;
	[dreg:$0x2] =	wrdreg s3  }
0xb8: {  	[dreg:$0x3] =	wrdreg s5  }
0xb9: {  	[dreg:$0x4] =	wrdreg $0xC0  }
0xba: {  	_ =	task [dreg:s22], $0x5FFFF  }
0xbb: {  	[dreg:$0x1] =	wrdreg $0xFFFFFFFF  }
0xbc: {  	[dreg:$0x0] =	wrdreg $0x60  }
0xbd: {  	[dreg:$0x2] =	wrdreg s24  }
0xbe: {  	[dreg:$0x3] =	wrdreg $0x95080  }
0xbf: {  	[dreg:$0x4] =	wrdreg $0xA  }
0xc0: {  	_ =	task.clear_ibuf [dreg:s22], $0x5FFFF;
	_ =	strace $0x9000004C  }
0xc1: {  	s29 =	simm.s32 $0xA;
	_ =	strace $0x8000004E  }
0xc2: {  	_ =	swait.ge [sflag:s29], $0x1  }
0xc3: {  	[sflag:s29] =	ssyncadd.s32 $0xFFFFFFFF  }
0xc4: {  	_ =	strace $0x9000004E  }
0xc5: {  	_ =	sfence  }
0xc6: {  	s30 =	sld [smem:$0x0];
	_ =	sdelay $0x2  }
0xc7: {  	s31 =	sshll.u32 s1, $0xD;
	s1 =	sshrl.u32 s1, $0x2  }
0xc8: {  	s4 =	sand.u32 $0x4000, s31;
	s1 =	sadd.s32 s1, s30  }
0xc9: {  	s0 =	sor.u32 s4, s0;
	s1 =	sshll.u32 s1, $0x11  }
0xca: {  	s0 =	sor.u32 s1, s0  }
0xcb: {  	s0 =	sadd.s32 $0x8F2B, s0  }
0xcc: {  	[sflag:s0] =	ssyncadd.remote.s32 $0x1  }
0xcd: {  	_ =	sfence.sel $0xFFFF  }
0xce: {  	[dreg:$0x0] =	wrdreg $0xFFFFFFFF;
	(pc) =	sbr.abs _section_cstart, $3  }
0xcf: {  	[dreg:$0x1] =	wrdreg $0xFFFFFFFF  }
0xd0: {  	_ =	task.clear_ibuf [dreg:s22], $0x2FFFF;
	_ =	strace $0x9FFFFFFF  }
0xd1: {  	(tm) =	ssettm $0x7FFFFFFF  }
tec
execute0_lowered:
.L_overlay_start_1:
0x0: {  	(tag) =	ssettag $0x1  }
0x1: {  	s1 =	rddreg [dreg:$0x0]  }
0x2: {  	s0 =	srdreg.scid;
	s18 =	stileid.u32  }
0x3: {  	s2 =	rddreg [dreg:$0x1];
	s3 =	simm.s32 $0x0;
	s28 =	simm.s32 $0x80  }
0x4: {  	s29 =	simm.s32 $0x1;
	s30 =	simm.s32 $0x4880;
	s6 =	smul.u32 $0x280, s18  }
0x5: {  	s31 =	simm.s32 $0x4888;
	s4 =	sand.u32 $0x1, s0;
	s13 =	smul.u32 $0x16800, s18  }
0x6: {  	s25 =	sshll.u32 s18, $0x1;
	[smem:$0x7FF] =	sst s3;
	s17 =	smul.u32 $0x15720, s18  }
0x7: {  	s14 =	sadd.s32 $0x10200, s1;
	s7 =	sadd.s32 $0x167400, s1;
	s12 =	smul.u32 $0x168000, s4  }
0x8: {  	s0 =	sor.u32 s4, s25;
	_ =	strace $0x8000004D;
	s25 =	smul.u32 $0xAB90, s4  }
0x9: {  	[dreg:$0x3] =	wrdreg s7;
	s26 =	ssub.s32 $0x2, s4;
	s4 =	smul.u32 $0x988, s4  }
0xa: {  	s5 =	smul.u32 $0x988, s0;
	s0 =	sadd.s32 $0xB200, s1;
	s1 =	sadd.s32 $0x167E00, s1  }
0xb: {  	s9 =	sshrl.u32 s26, $0x1;
	s10 =	sadd.s32 $0x80, s6;
	s6 =	smul.u32 $0x1310, s18  }
0xc: {  	s21 =	sadd.s32 $0x9000, s13;
	s22 =	sadd.s32 $0xD800, s13;
	s20 =	smul.u32 $0x90, s10  }
0xd: {  	s23 =	sadd.s32 $0x12000, s13;
	s9 =	ssub.s32 s26, s9;
	s15 =	smul.u32 $0x240, s10  }
0xe: {  	s10 =	sadd.s32 s12, s13;
	s16 =	sadd.s32 s12, s22;
	s19 =	sadd.s32 s12, s23  }
0xf: {  	s26 =	sadd.s32 s17, s14;
	s22 =	sadd.s32 s22, s2;
	s23 =	sadd.s32 s23, s2  }
0x10: {  	s5 =	sadd.s32 $0x980, s5;
	s16 =	sshrl.u32 s16, $0x3;
	s24 =	sshrl.u32 s19, $0x3  }
0x11: {  	s4 =	sadd.s32 s4, s6;
	s8 =	smul.u32 $0x12, s5;
	s5 =	sshrl.u32 s5, $0x3  }
0x12: {  	s11 =	sadd.s32 s12, s20;
	s15 =	sshrl.u32 s15, $0x2;
	s5 =	sadd.s32 s0, s5  }
0x13: {  	s20 =	sadd.s32 s20, s2;
	[dreg:$0x4] =	wrdreg s5;
	s7 =	sadd.s32 s14, s8  }
0x14: {  	s15 =	sadd.s32 s15, s2;
	s8 =	sadd.s32 s13, s2;
	[dreg:$0x5] =	wrdreg s7  }
0x15: {  	s5 =	smul.u32 $0x5A000, s18;
	s13 =	sadd.s32 s1, s24;
	[dreg:$0x6] =	wrdreg s8  }
0x16: {  	s8 =	smax.u32 s9, $0x1;
	s9 =	sshrl.u32 s10, $0x3;
	s10 =	sshrl.u32 s11, $0x3  }
0x17: {  	s11 =	sadd.s32 s12, s21;
	s12 =	sadd.s32 s1, s16;
	s16 =	sadd.s32 s25, s26  }
0x18: {  	s21 =	sadd.s32 s21, s2;
	s26 =	sshrl.u32 s4, $0x3;
	s9 =	sadd.s32 s1, s9  }
0x19: {  	s10 =	sadd.s32 s1, s10;
	s11 =	sshrl.u32 s11, $0x3;
	s7 =	sshrl.u32 s5, $0x2  }
0x1a: {  	s18 =	sadd.s32 $0x24000, s5;
	s19 =	sadd.s32 $0x36000, s5;
	s5 =	sadd.s32 $0x48000, s5  }
0x1b: {  	s11 =	sadd.s32 s1, s11;
	s14 =	sadd.s32 s7, s2;
	s1 =	sshrl.u32 s18, $0x2  }
0x1c: {  	s24 =	sshrl.u32 s19, $0x2;
	s25 =	sshrl.u32 s5, $0x2;
	s17 =	sadd.s32 s1, s2  }
0x1d: {  	s18 =	sadd.s32 s24, s2;
	s19 =	sadd.s32 s25, s2;
	s24 =	sadd.s32 s26, s0  }
0x1e: {  	s25 =	simm.s32 $0x4D08;
	s26 =	simm.s32 $0x2;
	s0 =	simm.s32 $0x0  }
.LBB2_1:
0x1f: {  	s1 =	rddreg [dreg:$0x3]  }
0x20: {  	[tilespmem:s25], [sflag:$0x2] =	stream.linear.gather [hbm4b:s1+s3], $0x4800, $0x38;
	[tilespmem:$0x1FD08] =	vst v63  }
0x21: {  	_ =	swait.ge [sflag:s26], $0x4800  }
0x22: {  	[sflag:s26] =	ssyncset.done $0x0  }
0x23: {  	[sflag:s26] =	ssyncadd.s32 $0xFFFFB800  }
0x24: {  	[spmem:s14] =	stream.linear.scatter [tilespmem:s25], [sflag:$0x2], $0x4800, $0x38;
	[tilespmem:$0x1FD08] =	vst v63  }
0x25: {  	_ =	swait.ge [sflag:s26], $0x4800  }
0x26: {  	[sflag:s26] =	ssyncset.done $0x0  }
0x27: {  	[sflag:s26] =	ssyncadd.s32 $0xFFFFB800  }
0x28: {  	[spmem:s15] =	stream.linear.scatter [tilespmem:s25], [sflag:$0x2], $0x4800, $0x38;
	[tilespmem:$0x1FD08] =	vst v63  }
0x29: {  	_ =	swait.ge [sflag:s26], $0x4800  }
0x2a: {  	[sflag:s26] =	ssyncset.done $0x0  }
0x2b: {  	[sflag:s26] =	ssyncadd.s32 $0xFFFFB800  }
0x2c: {  	[spmem:s17] =	stream.linear.scatter [tilespmem:s25], [sflag:$0x2], $0x4800, $0x38;
	[tilespmem:$0x1FD08] =	vst v63  }
0x2d: {  	_ =	swait.ge [sflag:s26], $0x4800  }
0x2e: {  	[sflag:s26] =	ssyncset.done $0x0  }
0x2f: {  	[sflag:s26] =	ssyncadd.s32 $0xFFFFB800  }
0x30: {  	[spmem:s18] =	stream.linear.scatter [tilespmem:s25], [sflag:$0x2], $0x4800, $0x38;
	[tilespmem:$0x1FD08] =	vst v63  }
0x31: {  	_ =	swait.ge [sflag:s26], $0x4800  }
0x32: {  	[sflag:s26] =	ssyncset.done $0x0  }
0x33: {  	[sflag:s26] =	ssyncadd.s32 $0xFFFFB800  }
0x34: {  	[spmem:s19] =	stream.linear.scatter [tilespmem:s25], [sflag:$0x2], $0x4800, $0x38;
	[tilespmem:$0x1FD08] =	vst v63  }
0x35: {  	_ =	swait.ge [sflag:s26], $0x4800  }
0x36: {  	[sflag:s26] =	ssyncset.done $0x0  }
0x37: {  	[sflag:s26] =	ssyncadd.s32 $0xFFFFB800  }
0x38: {  	s7 =	sadd.s32 $0x0, s24;
	[bflag:$0x0] =	sbarrier.arrive $0xFFFF  }
0x39: {  	[tilespmem:s3], [sflag:$0x1] =	stream.linear.gather [hbm4b:s7+s3], $0x80, $0x38;
	[tilespmem:$0x1FD08] =	vst v63  }
0x3a: {  	_ = 	snop  }
0x3b: {  	[tilespmem:s28], [sflag:$0x1] =	stream.linear.gather [hbm4b:s16+s3], $0x4800, $0x38;
	[tilespmem:$0x1FD08] =	vst v63  }
0x3c: {  	_ =	swait.ge [sflag:s29], $0x80  }
0x3d: {  	[sflag:s29] =	ssyncset.done $0x0  }
0x3e: {  	[sflag:s29] =	ssyncadd.s32 $0xFFFFFF80  }
0x3f: {  	_ =	swait.ge [sflag:s29], $0x4800  }
0x40: {  	[sflag:s29] =	ssyncset.done $0x0  }
0x41: {  	[sflag:s29] =	ssyncadd.s32 $0xFFFFB800  }
0x42: {  	[spmem:s2] =	stream.indirect.scatter.add.f32 [tilespmem:s28], [sflag:$0x2], $0x90, s3, s28, $0xb8;
	[tilespmem:$0x1FD08] =	vst v63  }
0x43: {  	s4 =	simm.s32 $0x10;
	_ =	swait.ge [sflag:s26], $0x4800  }
0x44: {  	s5 =	simm.s32 $0x20;
	s1 =	sadd.s32 $0x900, s16;
	[sflag:s26] =	ssyncset.done $0x0  }
.LBB2_2:
0x45: {  	s6 =	sadd.s32 s4, s24  }
0x46: {  	[sflag:s26] =	ssyncadd.s32 $0xFFFFB800;
	s4 =	smov.u32 s5;
	s7 =	sadd.s32 $0x10, s5  }
0x47: {  	[tilespmem:s3], [sflag:$0x1] =	stream.linear.gather [hbm4b:s6+s3], $0x80, $0x38;
	[tilespmem:$0x1FD08] =	vst v63  }
0x48: {  	p0 =	sne.s32 s5, $0x120  }
0x49: {  	[tilespmem:s28], [sflag:$0x1] =	stream.linear.gather [hbm4b:s1+s3], $0x4800, $0x38;
	[tilespmem:$0x1FD08] =	vst v63  }
0x4a: {  	_ =	swait.ge [sflag:s29], $0x80  }
0x4b: {  	[sflag:s29] =	ssyncset.done $0x0  }
0x4c: {  	[sflag:s29] =	ssyncadd.s32 $0xFFFFFF80  }
0x4d: {  	_ =	swait.ge [sflag:s29], $0x4800  }
.Ltmp0:
0x4e: {  	[sflag:s29] =	ssyncset.done $0x0;
	(pc) =	sbr.rel @p0 .LBB2_2-.Ltmp0, $4  }
0x4f: {  	[sflag:s29] =	ssyncadd.s32 $0xFFFFB800  }
0x50: {  	[spmem:s2] =	stream.indirect.scatter.add.f32 [tilespmem:s28], [sflag:$0x2], $0x90, s3, s28, $0xb8;
	[tilespmem:$0x1FD08] =	vst v63  }
0x51: {  	_ =	swait.ge [sflag:s26], $0x4800  }
0x52: {  	s5 =	smov.u32 s7;
	s1 =	sadd.s32 $0x900, s1;
	[sflag:s26] =	ssyncset.done $0x0  }
0x53: {  	s4 =	sadd.s32 s4, s24;
	[sflag:s26] =	ssyncadd.s32 $0xFFFFB800  }
0x54: {  	[tilespmem:s3], [sflag:$0x1] =	stream.linear.gather [hbm4b:s4+s3], $0x80, $0x38;
	[tilespmem:$0x1FD08] =	vst v63  }
0x55: {  	_ = 	snop  }
0x56: {  	[tilespmem:s28], [sflag:$0x1] =	stream.linear.gather [hbm4b:s1+s3], $0x4800, $0x38;
	[tilespmem:$0x1FD08] =	vst v63  }
0x57: {  	_ =	swait.ge [sflag:s29], $0x80  }
0x58: {  	[sflag:s29] =	ssyncset.done $0x0  }
0x59: {  	[sflag:s29] =	ssyncadd.s32 $0xFFFFFF80  }
0x5a: {  	_ =	swait.ge [sflag:s29], $0x4800  }
0x5b: {  	[sflag:s29] =	ssyncset.done $0x0  }
0x5c: {  	[sflag:s29] =	ssyncadd.s32 $0xFFFFB800  }
0x5d: {  	[spmem:s2] =	stream.indirect.scatter.add.f32 [tilespmem:s28], [sflag:$0x2], $0x90, s3, s28, $0xb8;
	[tilespmem:$0x1FD08] =	vst v63  }
0x5e: {  	_ =	swait.ge [sflag:s26], $0x4800  }
0x5f: {  	[sflag:s26] =	ssyncset.done $0x0  }
0x60: {  	s4 =	rddreg [dreg:$0x4];
	[sflag:s26] =	ssyncadd.s32 $0xFFFFB800  }
0x61: {  	[tilespmem:s30], [sflag:$0x1] =	stream.linear.gather [hbm4b:s4+s3], $0x8, $0x38;
	[tilespmem:$0x1FD08] =	vst v63  }
0x62: {  	s5 =	rddreg [dreg:$0x5]  }
0x63: {  	[tilespmem:s31], [sflag:$0x1] =	stream.linear.gather [hbm4b:s5+s3], $0x480, $0x38;
	[tilespmem:$0x1FD08] =	vst v63  }
0x64: {  	_ =	swait.ge [sflag:s29], $0x8  }
0x65: {  	[sflag:s29] =	ssyncset.done $0x0  }
0x66: {  	[sflag:s29] =	ssyncadd.s32 $0xFFFFFFF8  }
0x67: {  	_ =	swait.ge [sflag:s29], $0x480  }
0x68: {  	[sflag:s29] =	ssyncset.done $0x0  }
0x69: {  	s6 =	simm.s32 $0x8;
	[sflag:s29] =	ssyncadd.s32 $0xFFFFFB80  }
0x6a: {  	[spmem:s2] =	stream.indirect.scatter.add.f32 [tilespmem:s31], [sflag:$0x2], $0x90, s30, s6, $0xb8;
	[tilespmem:$0x1FD08] =	vst v63  }
0x6b: {  	_ =	swait.ge [sflag:s26], $0x480  }
0x6c: {  	[sflag:s26] =	ssyncset.done $0x0  }
0x6d: {  	[sflag:s26] =	ssyncadd.s32 $0xFFFFFB80  }
0x6e: {  	[bflag:$0x0] =	sbarrier.arrive $0xFFFF  }
0x6f: {  	s7 =	rddreg [dreg:$0x6]  }
0x70: {  	[tilespmem:s25], [sflag:$0x2] =	stream.linear.gather [spmem:s7], $0x4800, $0x38;
	[tilespmem:$0x1FD08] =	vst v63  }
0x71: {  	_ =	swait.ge [sflag:s26], $0x4800  }
0x72: {  	[sflag:s26] =	ssyncset.done $0x0  }
0x73: {  	[sflag:s26] =	ssyncadd.s32 $0xFFFFB800  }
0x74: {  	[hbm4b:s9+s3] =	stream.linear.scatter [tilespmem:s25], [sflag:$0x2], $0x4800, $0x38;
	[tilespmem:$0x1FD08] =	vst v63  }
0x75: {  	_ =	swait.ge [sflag:s26], $0x4800  }
0x76: {  	[sflag:s26] =	ssyncset.done $0x0  }
0x77: {  	[sflag:s26] =	ssyncadd.s32 $0xFFFFB800  }
0x78: {  	[tilespmem:s25], [sflag:$0x2] =	stream.linear.gather [spmem:s20], $0x4800, $0x38;
	[tilespmem:$0x1FD08] =	vst v63  }
0x79: {  	_ =	swait.ge [sflag:s26], $0x4800  }
0x7a: {  	[sflag:s26] =	ssyncset.done $0x0  }
0x7b: {  	[sflag:s26] =	ssyncadd.s32 $0xFFFFB800  }
0x7c: {  	[hbm4b:s10+s3] =	stream.linear.scatter [tilespmem:s25], [sflag:$0x2], $0x4800, $0x38;
	[tilespmem:$0x1FD08] =	vst v63  }
0x7d: {  	_ =	swait.ge [sflag:s26], $0x4800  }
0x7e: {  	[sflag:s26] =	ssyncset.done $0x0  }
0x7f: {  	[sflag:s26] =	ssyncadd.s32 $0xFFFFB800  }
0x80: {  	[tilespmem:s25], [sflag:$0x2] =	stream.linear.gather [spmem:s21], $0x4800, $0x38;
	[tilespmem:$0x1FD08] =	vst v63  }
0x81: {  	_ =	swait.ge [sflag:s26], $0x4800  }
0x82: {  	[sflag:s26] =	ssyncset.done $0x0  }
0x83: {  	[sflag:s26] =	ssyncadd.s32 $0xFFFFB800  }
0x84: {  	[hbm4b:s11+s3] =	stream.linear.scatter [tilespmem:s25], [sflag:$0x2], $0x4800, $0x38;
	[tilespmem:$0x1FD08] =	vst v63  }
0x85: {  	_ =	swait.ge [sflag:s26], $0x4800  }
0x86: {  	[sflag:s26] =	ssyncset.done $0x0  }
0x87: {  	[sflag:s26] =	ssyncadd.s32 $0xFFFFB800  }
0x88: {  	[tilespmem:s25], [sflag:$0x2] =	stream.linear.gather [spmem:s22], $0x4800, $0x38;
	[tilespmem:$0x1FD08] =	vst v63  }
0x89: {  	_ =	swait.ge [sflag:s26], $0x4800  }
0x8a: {  	[sflag:s26] =	ssyncset.done $0x0  }
0x8b: {  	[sflag:s26] =	ssyncadd.s32 $0xFFFFB800  }
0x8c: {  	[hbm4b:s12+s3] =	stream.linear.scatter [tilespmem:s25], [sflag:$0x2], $0x4800, $0x38;
	[tilespmem:$0x1FD08] =	vst v63  }
0x8d: {  	_ =	swait.ge [sflag:s26], $0x4800  }
0x8e: {  	[sflag:s26] =	ssyncset.done $0x0  }
0x8f: {  	[sflag:s26] =	ssyncadd.s32 $0xFFFFB800  }
0x90: {  	[tilespmem:s25], [sflag:$0x2] =	stream.linear.gather [spmem:s23], $0x4800, $0x38;
	[tilespmem:$0x1FD08] =	vst v63  }
0x91: {  	s0 =	sadd.s32 $0x1, s0;
	_ =	swait.ge [sflag:s26], $0x4800  }
0x92: {  	p0 =	sne.s32 s0, s8;
	[sflag:s26] =	ssyncset.done $0x0  }
.Ltmp1:
0x93: {  	[sflag:s26] =	ssyncadd.s32 $0xFFFFB800;
	(pc) =	sbr.rel @p0 .LBB2_1-.Ltmp1, $4  }
0x94: {  	[hbm4b:s13+s3] =	stream.linear.scatter [tilespmem:s25], [sflag:$0x2], $0x4800, $0x38;
	[tilespmem:$0x1FD08] =	vst v63  }
0x95: {  	_ =	swait.ge [sflag:s26], $0x4800  }
0x96: {  	[sflag:s26] =	ssyncset.done $0x0  }
0x97: {  	[sflag:s26] =	ssyncadd.s32 $0xFFFFB800  }
0x98: {  	_ =	sfence.sel $0x180000  }
0x99: {  	[bflag:$0x0] =	sbarrier.arrive $0xFFFF  }
0x9a: {  	_ =	strace $0x9000004D  }
0x9b: {  	s0 =	stileid.u32;
	[bflag:$0x2] =	sbarrier.arrive $0xFFFF  }
0x9c: {  	p0 =	sne.s32 s0, $0x0;
	s0 =	rddreg [dreg:$0x2]  }
0x9d: {  	s0 =	sadd.s32 @!p0 $0x100000, s0  }
0x9e: {  	[sflag:s0] =	ssyncadd.tile.s32 @!p0 $0x1;
	_ =	shalt  }
.Lfunc_end2:
_tile_overlayer_lowered:
.L_overlay_start_2:
0x9f: {  	(tag) =	ssettag $0x2  }
0xa0: {  	s0 =	rddreg [dreg:$0x0];
	s2 =	stileid.u32  }
0xa1: {  	s1 =	rddreg [dreg:$0x1];
	p0 =	sne.s32 s2, $0x0  }
0xa2: {  	s3 =	rddreg [dreg:$0x2];
	[bflag:$0x3] =	sbarrier.arrive $0xFFFF;
	s2 =	simm.s32 @!p0 $0x1C02  }
0xa3: {  	[timem:s3], [sflag:s2] =	dma.local @!p0 [hbm:s0], s1  }
0xa4: {  	s0 =	simm.s32 @!p0 $0x2  }
0xa5: {  	_ =	swait.ge @!p0 [sflag:s0], s1  }
0xa6: {  	s1 =	ssub.s32 @!p0 $0x0, s1;
	[sflag:s0] =	ssyncset.done @!p0 $0x0  }
0xa7: {  	[sflag:s0] =	ssyncadd.s32 @!p0 s1  }
0xa8: {  	[bflag:$0x3] =	sbarrier.arrive $0xFFFF  }
0xa9: {  	_ =	shalt  }

// kernel: kernel.29.cloned.1.call-start
scs
__scs_entry_jumppad:
0x0: {  	(pc) =	sbr.rel $0x88, $3  }
0x1: {  	(tag) =	ssettag $0x0;
	lr =	simm.s32 $0x1  }
0x2: {  	[smem:$0x3F72] =	sst lr;
	_ =	strace $0xD0000000  }
0x3: {  	_ = 	snop  }
0x4: {  	_ = 	snop  }
0x5: {  	_ = 	snop  }
0x6: {  	_ = 	snop  }
0x7: {  	_ = 	snop  }
__scs_overlays_trampoline_lowered:
0x8: {  	[smem:$0x3F81] =	sst s0  }
0x9: {  	[smem:$0x3F82] =	sst s1  }
0xa: {  	[smem:$0x3F83] =	sst s2  }
0xb: {  	[smem:$0x3F84] =	sst s3  }
0xc: {  	[smem:$0x3F85] =	sst s4  }
0xd: {  	[smem:$0x3F86] =	sst s5  }
0xe: {  	[smem:$0x3F87] =	sst s6  }
0xf: {  	[smem:$0x3F88] =	sst s7  }
0x10: {  	[smem:$0x3F89] =	sst s8  }
0x11: {  	[smem:$0x3F8A] =	sst s9;
	s0 =	simm.s32 @!p0 $0x0  }
0x12: {  	s1 =	sld [smem:$0x3F70];
	s0 =	simm.s32 @p0 $0x1  }
0x13: {  	[smem:$0x3F8B] =	sst s0;
	s0 =	simm.s32 @!p1 $0x0  }
0x14: {  	s2 =	sld [smem:$0x3F6F];
	s0 =	simm.s32 @p1 $0x1  }
0x15: {  	[smem:$0x3F8C] =	sst s0;
	s0 =	simm.s32 @!p2 $0x0  }
0x16: {  	s3 =	sld [smem:$0x3FDB];
	s0 =	simm.s32 @p2 $0x1  }
0x17: {  	s4 =	simm.s32 $0x1BF5;
	[smem:$0x3F8E] =	sst s0  }
0x18: {  	s0 =	sld [smem:$0x3F71];
	_ =	swait.ge [sflag:s4], $0x0  }
0x19: {  	s7 =	sld [smem:$0x3F72]  }
0x1a: {  	s8 =	sadd.s32 $0xFFFFE003, lr  }
0x1b: {  	s9 =	sadd.s32 $0xFFFFFEF7, lr;
	s5 =	simm.s32 $0xFFFFFFFF;
	p2 =	slt.u32 s8, $0xFFFFF086  }
0x1c: {  	p1 =	slt.u32 s9, $0xF7A;
	s5 =	simm.s32 @!p2 $0x0  }
0x1d: {  	s5 =	simm.s32 @p1 $0x1;
	p0 =	seq.s32 s7, s2  }
0x1e: {  	s7 =	smul.u32 @!p0 $0xF7A, s2;
	p2 =	seq.s32 @!p0 s5, $0x0  }
0x1f: {  	s9 =	smul.u32 $0xF7A, s1;
	s8 =	simm.s32 @!p0 $0x1BF5;
	p2 =	por !p2, p0  }
0x20: {  	[sflag:s8] =	ssyncset.s32 @!p0 $0xFFFFF086;
	s6 =	sadd.s32 @!p0 s3, s7;
	s7 =	simm.s32 @!p0 $0x108  }
0x21: {  	s3 =	sadd.s32 s3, s9;
	s6 =	sadd.s32 @!p0 $0x88, s6;
	s7 =	simm.s32 @p2 $0x1082  }
0x22: {  	[simem:s7], [sflag:s8] =	dma.local @!p0 [hbm:s6], $0xF7A  }
0x23: {  	s9 =	sor.u32 $0xD0000000, s2;
	s6 =	simm.s32 $0x108;
	_ =	swait.ge @!p0 [sflag:s8], $0x0  }
0x24: {  	s3 =	sadd.s32 $0x88, s3;
	s6 =	simm.s32 @!p1 $0x1082;
	[sflag:s4] =	ssyncset.s32 $0xFFFFF086  }
0x25: {  	[simem:s6], [sflag:s4] =	dma.local [hbm:s3], $0xF7A  }
0x26: {  	[smem:$0x3F72] =	sst s1;
	(tag) =	ssettag s2;
	_ =	strace s9  }
0x27: {  	s1 =	sld [smem:$0x3F82]  }
0x28: {  	s2 =	sld [smem:$0x3F83]  }
0x29: {  	s4 =	sld [smem:$0x3F85]  }
0x2a: {  	p0 =	seq.s32 s5, $0x0;
	s5 =	sld [smem:$0x3F86]  }
0x2b: {  	s6 =	sld [smem:$0x3F87]  }
0x2c: {  	s7 =	sld [smem:$0x3F88]  }
0x2d: {  	s3 =	simm.s32 $0x108;
	s8 =	sld [smem:$0x3F89]  }
0x2e: {  	s3 =	simm.s32 @!p0 $0x1082;
	s9 =	sld [smem:$0x3F8A]  }
0x2f: {  	lr =	sadd.s32 s0, s3;
	s0 =	sld [smem:$0x3F81]  }
0x30: {  	s3 =	sld [smem:$0x3F84]  }
0x31: {  	[smem:$0x3F8D] =	sst s10  }
0x32: {  	s10 =	sld [smem:$0x3F8B];
	_ =	sdelay $0x3  }
0x33: {  	p0 =	seq.s32 s10, $0x1;
	s10 =	sld [smem:$0x3F8D];
	_ =	sdelay $0x3  }
0x34: {  	[smem:$0x3F8D] =	sst s10  }
0x35: {  	s10 =	sld [smem:$0x3F8C];
	_ =	sdelay $0x3  }
0x36: {  	p1 =	seq.s32 s10, $0x1;
	s10 =	sld [smem:$0x3F8D];
	_ =	sdelay $0x3  }
0x37: {  	[smem:$0x3F8D] =	sst s10  }
0x38: {  	s10 =	sld [smem:$0x3F8E]  }
0x39: {  	_ = 	snop;
	(pc) =	sbr.ind lr, $3  }
0x3a: {  	_ = 	snop  }
0x3b: {  	_ = 	snop  }
0x3c: {  	p2 =	seq.s32 s10, $0x1;
	s10 =	sld [smem:$0x3F8D]  }
0x3d: {  	_ =	shalt  }
0x3e: {  	_ =	shalt  }
0x3f: {  	_ =	shalt  }
0x40: {  	_ =	shalt  }
0x41: {  	_ =	shalt  }
0x42: {  	_ =	shalt  }
0x43: {  	_ =	shalt  }
0x44: {  	_ =	shalt  }
0x45: {  	_ =	shalt  }
0x46: {  	_ =	shalt  }
0x47: {  	_ =	shalt  }
0x48: {  	_ =	shalt  }
0x49: {  	_ =	shalt  }
0x4a: {  	_ =	shalt  }
0x4b: {  	_ =	shalt  }
0x4c: {  	_ =	shalt  }
0x4d: {  	_ =	shalt  }
0x4e: {  	_ =	shalt  }
0x4f: {  	_ =	shalt  }
0x50: {  	_ =	shalt  }
0x51: {  	_ =	shalt  }
0x52: {  	_ =	shalt  }
0x53: {  	_ =	shalt  }
0x54: {  	_ =	shalt  }
0x55: {  	_ =	shalt  }
0x56: {  	_ =	shalt  }
0x57: {  	_ =	shalt  }
0x58: {  	_ =	shalt  }
0x59: {  	_ =	shalt  }
0x5a: {  	_ =	shalt  }
0x5b: {  	_ =	shalt  }
0x5c: {  	_ =	shalt  }
0x5d: {  	_ =	shalt  }
0x5e: {  	_ =	shalt  }
0x5f: {  	_ =	shalt  }
0x60: {  	_ =	shalt  }
0x61: {  	_ =	shalt  }
0x62: {  	_ =	shalt  }
0x63: {  	_ =	shalt  }
0x64: {  	_ =	shalt  }
0x65: {  	_ =	shalt  }
0x66: {  	_ =	shalt  }
0x67: {  	_ =	shalt  }
0x68: {  	_ =	shalt  }
0x69: {  	_ =	shalt  }
0x6a: {  	_ =	shalt  }
0x6b: {  	_ =	shalt  }
0x6c: {  	_ =	shalt  }
0x6d: {  	_ =	shalt  }
0x6e: {  	_ =	shalt  }
0x6f: {  	_ =	shalt  }
0x70: {  	_ =	shalt  }
0x71: {  	_ =	shalt  }
0x72: {  	_ =	shalt  }
0x73: {  	_ =	shalt  }
0x74: {  	_ =	shalt  }
0x75: {  	_ =	shalt  }
0x76: {  	_ =	shalt  }
0x77: {  	_ =	shalt  }
0x78: {  	_ =	shalt  }
0x79: {  	_ =	shalt  }
0x7a: {  	_ =	shalt  }
0x7b: {  	_ =	shalt  }
0x7c: {  	_ =	shalt  }
0x7d: {  	_ =	shalt  }
0x7e: {  	_ =	shalt  }
0x7f: {  	_ =	shalt  }
0x80: {  	_ =	shalt  }
0x81: {  	_ =	shalt  }
0x82: {  	_ =	shalt  }
0x83: {  	_ =	shalt  }
0x84: {  	_ =	shalt  }
0x85: {  	_ =	shalt  }
0x86: {  	_ =	shalt  }
0x87: {  	_ =	shalt  }
.Lfunc_end0:
.L_simem_size_0:
called_computation.4_lowered:
.L_overlay_start_0:
0x88: {  	s2 =	sld [smem:$0x3FD9]  }
0x89: {  	s3 =	sld [smem:$0x3FFE];
	_ =	sdelay $0x1  }
0x8a: {  	s1 =	srdreg.scid  }
0x8b: {  	s0 =	sand.u32 $0x1, s1  }
0x8c: {  	s14 =	sshll.u32 s0, $0xA;
	s2 =	sadd.s32 s3, s2  }
0x8d: {  	s2 =	sadd.s32 s2, s14  }
0x8e: {  	[smem:$0x3F99] =	sst s2  }
0x8f: {  	_ = 	snop  }
0x90: {  	s2 =	sld [smem:$0x3FD0];
	_ =	sdelay $0x2  }
0x91: {  	s15 =	simm.s32 $0xB;
	s4 =	simm.s32 $0x10  }
0x92: {  	[smem:s4], [sflag:s15] =	dma.local [hbm:s2], $0x1  }
0x93: {  	_ =	swait.eq [sflag:s15], $0x1  }
0x94: {  	[sflag:s15] =	ssyncset.done $0x0  }
0x95: {  	s16 =	sld [smem:$0x10];
	[sflag:s15] =	ssyncadd.s32 $0xFFFFFFFF  }
0x96: {  	s17 =	sld [smem:$0x11];
	(tm) =	ssettm $0x1  }
0x97: {  	s18 =	sld [smem:$0x3FFB];
	_ =	sdelay $0x3  }
0x98: {  	_ =	strace s18  }
0x99: {  	s4 =	sld [smem:$0x3FFC];
	_ =	sdelay $0x3  }
0x9a: {  	_ =	strace s4  }
0x9b: {  	s4 =	sld [smem:$0x3FFD];
	_ =	sdelay $0x3  }
0x9c: {  	_ =	strace s4  }
0x9d: {  	_ =	strace $0x8FFFFFFF  }
0x9e: {  	s19 =	sld [smem:$0x3FDB];
	_ =	sdelay $0x1  }
0x9f: {  	s5 =	simm.s32 $_scs_section_size  }
0xa0: {  	s6 =	simm.s32 $_size__tile_overlayer_lowered;
	s7 =	simm.s32 $_tile_overlayer_lowered  }
0xa1: {  	s22 =	simm.s32 $0x1BFF;
	s21 =	sshll.u32 s7, $0x1;
	s4 =	sadd.s32 s5, s19  }
0xa2: {  	s8 =	simm.s32 $0x0;
	s20 =	sshll.u32 s6, $0x1;
	s6 =	sadd.s32 s21, s4  }
0xa3: {  	[timem:s8], [sflag:s22] =	dma.local [hbm:s6], s20  }
0xa4: {  	_ =	swait.ge [sflag:s22], s20  }
0xa5: {  	s5 =	ssub.s32 $0x0, s20;
	[sflag:s22] =	ssyncset.done $0x0  }
0xa6: {  	[sflag:s22] =	ssyncadd.s32 s5;
	_ =	sdelay $0x1  }
0xa7: {  	s23 =	simm.s32 $0x1B8B  }
0xa8: {  	_ =	swait.ge [sflag:s23], $0x1  }
0xa9: {  	[sflag:s23] =	ssyncset.done $0x0  }
0xaa: {  	s25 =	simm.s32 $0x1B8E;
	s24 =	sld [smem:$0x3FFE];
	[sflag:s23] =	ssyncadd.s32 $0xFFFFFFFF  }
0xab: {  	s26 =	simm.s32 $execute0_lowered;
	[smem:$0x3FD2] =	sst s25  }
0xac: {  	s6 =	sshll.u32 s26, $0x1;
	_ =	strace $0x80000052;
	[dreg:$0x1] =	wrdreg $0xFFFFFFFF  }
0xad: {  	s28 =	simm.s32 $_size_execute0_lowered;
	s4 =	sadd.s32 s4, s6;
	[dreg:$0x0] =	wrdreg $0x0  }
0xae: {  	s6 =	sshll.u32 s28, $0x1;
	[dreg:$0x2] =	wrdreg s4  }
0xaf: {  	[dreg:$0x3] =	wrdreg s6  }
0xb0: {  	[dreg:$0x4] =	wrdreg $0xC0  }
0xb1: {  	_ =	task [dreg:s8], $0x5FFFF  }
0xb2: {  	[dreg:$0x1] =	wrdreg $0xFFFFFFFF  }
0xb3: {  	[dreg:$0x0] =	wrdreg $0x60  }
0xb4: {  	[dreg:$0x2] =	wrdreg s17  }
0xb5: {  	[dreg:$0x3] =	wrdreg s16  }
0xb6: {  	[dreg:$0x4] =	wrdreg s24  }
0xb7: {  	[dreg:$0x5] =	wrdreg $0xA  }
0xb8: {  	_ =	task.clear_ibuf [dreg:s8], $0x6FFFF;
	_ =	strace $0x90000052  }
0xb9: {  	s29 =	simm.s32 $0xA;
	_ =	strace $0x80000054  }
0xba: {  	_ =	swait.ge [sflag:s29], $0x1  }
0xbb: {  	[sflag:s29] =	ssyncadd.s32 $0xFFFFFFFF  }
0xbc: {  	_ =	strace $0x90000054  }
0xbd: {  	_ =	sfence  }
0xbe: {  	s30 =	sld [smem:$0x0];
	_ =	sdelay $0x2  }
0xbf: {  	s31 =	sshll.u32 s1, $0xD;
	s1 =	sshrl.u32 s1, $0x2  }
0xc0: {  	s3 =	sand.u32 $0x4000, s31;
	s1 =	sadd.s32 s1, s30  }
0xc1: {  	s0 =	sor.u32 s3, s0;
	s1 =	sshll.u32 s1, $0x11  }
0xc2: {  	s0 =	sor.u32 s1, s0  }
0xc3: {  	s0 =	sadd.s32 $0x8F2B, s0  }
0xc4: {  	[sflag:s0] =	ssyncadd.remote.s32 $0x1  }
0xc5: {  	_ =	sfence.sel $0xFFFF  }
0xc6: {  	[dreg:$0x0] =	wrdreg $0xFFFFFFFF;
	(pc) =	sbr.abs _section_cstart, $3  }
0xc7: {  	[dreg:$0x1] =	wrdreg $0xFFFFFFFF  }
0xc8: {  	_ =	task.clear_ibuf [dreg:s8], $0x2FFFF;
	_ =	strace $0x9FFFFFFF  }
0xc9: {  	(tm) =	ssettm $0x7FFFFFFF  }
tec
execute0_lowered:
.L_overlay_start_1:
0x0: {  	(tag) =	ssettag $0x1  }
0x1: {  	s1 =	rddreg [dreg:$0x0]  }
0x2: {  	s8 =	rddreg [dreg:$0x1]  }
0x3: {  	s4 =	rddreg [dreg:$0x2]  }
0x4: {  	s0 =	rddreg [dreg:$0x3];
	s2 =	stileid.u32  }
0x5: {  	s5 =	srdreg.scid;
	s6 =	smul.u32 $0x1400, s2  }
0x6: {  	s3 =	simm.s32 $0x0;
	s5 =	sand.u32 $0x1, s5;
	s9 =	smul.u32 $0x14000, s2  }
0x7: {  	s12 =	simm.s32 $0x0;
	[smem:$0x7FF] =	sst s3;
	s7 =	smul.u32 $0xA00, s5  }
0x8: {  	_ =	strace $0x80000053;
	s28 =	ssub.s32 $0x2, s5;
	s5 =	smul.u32 $0xA000, s5  }
0x9: {  	s29 =	sadd.s32 s9, s4;
	s30 =	sshrl.u32 s28, $0x1;
	s6 =	sadd.s32 s7, s6  }
0xa: {  	s9 =	simm.s32 $0x2;
	s31 =	ssub.s32 s28, s30;
	s10 =	sshrl.u32 s6, $0x3  }
0xb: {  	s6 =	sadd.s32 s5, s29;
	s11 =	sadd.s32 s10, s4;
	s4 =	smax.u32 s31, $0x1  }
0xc: {  	s5 =	sadd.s32 $0x10200, s6;
	s6 =	sadd.s32 $0x274A00, s6;
	s8 =	sadd.s32 s10, s8  }
0xd: {  	s10 =	simm.s32 $0x80;
	s7 =	sadd.s32 $0x272200, s11;
	s11 =	simm.s32 $0x1  }
.LBB2_1:
0xe: {  	s13 =	sadd.s32 $0x0, s8  }
0xf: {  	[tilespmem:s3], [sflag:$0x2] =	stream.linear.gather [hbm4b:s13+s3], $0x80, $0x38;
	[tilespmem:$0x4080] =	vst v63  }
0x10: {  	_ =	swait.ge [sflag:s9], $0x80  }
0x11: {  	[sflag:s9] =	ssyncset.done $0x0  }
0x12: {  	[sflag:s9] =	ssyncadd.s32 $0xFFFFFF80  }
0x13: {  	[tilespmem:s10], [sflag:$0x1] =	stream.indirect.gather [hbm4b:s1+s10], $0x80, s3, s10, $0xb8;
	[tilespmem:$0x4080] =	vst v63  }
0x14: {  	_ =	swait.ge [sflag:s11], $0x4000  }
0x15: {  	[sflag:s11] =	ssyncset.done $0x0  }
0x16: {  	[sflag:s11] =	ssyncadd.s32 $0xFFFFC000  }
0x17: {  	[hbm4b:s5+s3] =	stream.linear.scatter [tilespmem:s10], [sflag:$0x2], $0x4000, $0x38;
	[tilespmem:$0x4080] =	vst v63  }
0x18: {  	_ =	swait.ge [sflag:s9], $0x4000  }
0x19: {  	[sflag:s9] =	ssyncset.done $0x0  }
0x1a: {  	s31 =	sadd.s32 $0x0, s7;
	[sflag:s9] =	ssyncadd.s32 $0xFFFFC000  }
0x1b: {  	[tilespmem:s3], [sflag:$0x2] =	stream.linear.gather [hbm4b:s31+s3], $0x80, $0x38;
	[tilespmem:$0x4080] =	vst v63  }
0x1c: {  	_ =	swait.ge [sflag:s9], $0x80  }
0x1d: {  	[sflag:s9] =	ssyncset.done $0x0  }
0x1e: {  	[sflag:s9] =	ssyncadd.s32 $0xFFFFFF80  }
0x1f: {  	[tilespmem:s10], [sflag:$0x1] =	stream.indirect.gather [hbm4b:s1+s10], $0x80, s3, s10, $0xb8;
	[tilespmem:$0x4080] =	vst v63  }
0x20: {  	_ =	swait.ge [sflag:s11], $0x4000  }
0x21: {  	[sflag:s11] =	ssyncset.done $0x0  }
0x22: {  	[sflag:s11] =	ssyncadd.s32 $0xFFFFC000  }
0x23: {  	[hbm4b:s6+s3] =	stream.linear.scatter [tilespmem:s10], [sflag:$0x2], $0x4000, $0x38;
	[tilespmem:$0x4080] =	vst v63  }
0x24: {  	s14 =	simm.s32 $0x10;
	s16 =	simm.s32 $0x20;
	_ =	swait.ge [sflag:s9], $0x4000  }
0x25: {  	s15 =	sadd.s32 $0x800, s5;
	s13 =	sadd.s32 $0x800, s6;
	[sflag:s9] =	ssyncset.done $0x0  }
.LBB2_2:
0x26: {  	s17 =	sadd.s32 s14, s8  }
0x27: {  	[sflag:s9] =	ssyncadd.s32 $0xFFFFC000;
	s18 =	smov.u32 s16;
	s19 =	sadd.s32 $0x10, s16  }
0x28: {  	[tilespmem:s3], [sflag:$0x2] =	stream.linear.gather [hbm4b:s17+s3], $0x80, $0x38;
	[tilespmem:$0x4080] =	vst v63  }
0x29: {  	p0 =	sne.s32 s16, $0x130;
	_ =	swait.ge [sflag:s9], $0x80  }
0x2a: {  	[sflag:s9] =	ssyncset.done $0x0  }
0x2b: {  	[sflag:s9] =	ssyncadd.s32 $0xFFFFFF80  }
0x2c: {  	[tilespmem:s10], [sflag:$0x1] =	stream.indirect.gather [hbm4b:s1+s10], $0x80, s3, s10, $0xb8;
	[tilespmem:$0x4080] =	vst v63  }
0x2d: {  	_ =	swait.ge [sflag:s11], $0x4000  }
0x2e: {  	[sflag:s11] =	ssyncset.done $0x0  }
0x2f: {  	[sflag:s11] =	ssyncadd.s32 $0xFFFFC000  }
0x30: {  	[hbm4b:s15+s3] =	stream.linear.scatter [tilespmem:s10], [sflag:$0x2], $0x4000, $0x38;
	[tilespmem:$0x4080] =	vst v63  }
0x31: {  	_ =	swait.ge [sflag:s9], $0x4000  }
0x32: {  	[sflag:s9] =	ssyncset.done $0x0  }
0x33: {  	s16 =	sadd.s32 s14, s7;
	s14 =	smov.u32 s18;
	[sflag:s9] =	ssyncadd.s32 $0xFFFFC000  }
0x34: {  	[tilespmem:s3], [sflag:$0x2] =	stream.linear.gather [hbm4b:s16+s3], $0x80, $0x38;
	[tilespmem:$0x4080] =	vst v63  }
0x35: {  	_ =	swait.ge [sflag:s9], $0x80  }
0x36: {  	[sflag:s9] =	ssyncset.done $0x0  }
0x37: {  	[sflag:s9] =	ssyncadd.s32 $0xFFFFFF80  }
0x38: {  	[tilespmem:s10], [sflag:$0x1] =	stream.indirect.gather [hbm4b:s1+s10], $0x80, s3, s10, $0xb8;
	[tilespmem:$0x4080] =	vst v63  }
0x39: {  	_ =	swait.ge [sflag:s11], $0x4000  }
.Ltmp0:
0x3a: {  	[sflag:s11] =	ssyncset.done $0x0;
	(pc) =	sbr.rel @p0 .LBB2_2-.Ltmp0, $4  }
0x3b: {  	[sflag:s11] =	ssyncadd.s32 $0xFFFFC000  }
0x3c: {  	[hbm4b:s13+s3] =	stream.linear.scatter [tilespmem:s10], [sflag:$0x2], $0x4000, $0x38;
	[tilespmem:$0x4080] =	vst v63  }
0x3d: {  	s15 =	sadd.s32 $0x800, s15;
	_ =	swait.ge [sflag:s9], $0x4000  }
0x3e: {  	s16 =	smov.u32 s19;
	s13 =	sadd.s32 $0x800, s13;
	[sflag:s9] =	ssyncset.done $0x0  }
0x3f: {  	s16 =	sadd.s32 s14, s8;
	[sflag:s9] =	ssyncadd.s32 $0xFFFFC000  }
0x40: {  	[tilespmem:s3], [sflag:$0x2] =	stream.linear.gather [hbm4b:s16+s3], $0x80, $0x38;
	[tilespmem:$0x4080] =	vst v63  }
0x41: {  	_ =	swait.ge [sflag:s9], $0x80  }
0x42: {  	[sflag:s9] =	ssyncset.done $0x0  }
0x43: {  	[sflag:s9] =	ssyncadd.s32 $0xFFFFFF80  }
0x44: {  	[tilespmem:s10], [sflag:$0x1] =	stream.indirect.gather [hbm4b:s1+s10], $0x80, s3, s10, $0xb8;
	[tilespmem:$0x4080] =	vst v63  }
0x45: {  	_ =	swait.ge [sflag:s11], $0x4000  }
0x46: {  	[sflag:s11] =	ssyncset.done $0x0  }
0x47: {  	[sflag:s11] =	ssyncadd.s32 $0xFFFFC000  }
0x48: {  	[hbm4b:s15+s3] =	stream.linear.scatter [tilespmem:s10], [sflag:$0x2], $0x4000, $0x38;
	[tilespmem:$0x4080] =	vst v63  }
0x49: {  	_ =	swait.ge [sflag:s9], $0x4000  }
0x4a: {  	[sflag:s9] =	ssyncset.done $0x0  }
0x4b: {  	s31 =	sadd.s32 s14, s7;
	[sflag:s9] =	ssyncadd.s32 $0xFFFFC000  }
0x4c: {  	[tilespmem:s3], [sflag:$0x2] =	stream.linear.gather [hbm4b:s31+s3], $0x80, $0x38;
	[tilespmem:$0x4080] =	vst v63  }
0x4d: {  	_ =	swait.ge [sflag:s9], $0x80  }
0x4e: {  	[sflag:s9] =	ssyncset.done $0x0  }
0x4f: {  	[sflag:s9] =	ssyncadd.s32 $0xFFFFFF80  }
0x50: {  	[tilespmem:s10], [sflag:$0x1] =	stream.indirect.gather [hbm4b:s1+s10], $0x80, s3, s10, $0xb8;
	[tilespmem:$0x4080] =	vst v63  }
0x51: {  	s12 =	sadd.s32 $0x1, s12;
	_ =	swait.ge [sflag:s11], $0x4000  }
0x52: {  	p0 =	sne.s32 s12, s4;
	[sflag:s11] =	ssyncset.done $0x0  }
.Ltmp1:
0x53: {  	[sflag:s11] =	ssyncadd.s32 $0xFFFFC000;
	(pc) =	sbr.rel @p0 .LBB2_1-.Ltmp1, $4  }
0x54: {  	[hbm4b:s13+s3] =	stream.linear.scatter [tilespmem:s10], [sflag:$0x2], $0x4000, $0x38;
	[tilespmem:$0x4080] =	vst v63  }
0x55: {  	_ =	swait.ge [sflag:s9], $0x4000  }
0x56: {  	[sflag:s9] =	ssyncset.done $0x0  }
0x57: {  	[sflag:s9] =	ssyncadd.s32 $0xFFFFC000  }
0x58: {  	_ =	sfence.sel $0x180000  }
0x59: {  	[bflag:$0x0] =	sbarrier.arrive $0xFFFF  }
0x5a: {  	p0 =	sne.s32 s2, $0x0;
	_ =	strace $0x90000053  }
0x5b: {  	s0 =	sadd.s32 @!p0 $0x100000, s0;
	[bflag:$0x2] =	sbarrier.arrive $0xFFFF  }
0x5c: {  	[sflag:s0] =	ssyncadd.tile.s32 @!p0 $0x1;
	_ =	shalt  }
.Lfunc_end2:
_tile_overlayer_lowered:
.L_overlay_start_2:
0x5d: {  	(tag) =	ssettag $0x2  }
0x5e: {  	s0 =	rddreg [dreg:$0x0];
	s2 =	stileid.u32  }
0x5f: {  	s1 =	rddreg [dreg:$0x1];
	p0 =	sne.s32 s2, $0x0  }
0x60: {  	s3 =	rddreg [dreg:$0x2];
	[bflag:$0x3] =	sbarrier.arrive $0xFFFF;
	s2 =	simm.s32 @!p0 $0x1C02  }
0x61: {  	[timem:s3], [sflag:s2] =	dma.local @!p0 [hbm:s0], s1  }
0x62: {  	s0 =	simm.s32 @!p0 $0x2  }
0x63: {  	_ =	swait.ge @!p0 [sflag:s0], s1  }
0x64: {  	s1 =	ssub.s32 @!p0 $0x0, s1;
	[sflag:s0] =	ssyncset.done @!p0 $0x0  }
0x65: {  	[sflag:s0] =	ssyncadd.s32 @!p0 s1  }
0x66: {  	[bflag:$0x3] =	sbarrier.arrive $0xFFFF  }
0x67: {  	_ =	shalt  }

// kernel: kernel.32.cloned.1.call-start
scs
__scs_entry_jumppad:
0x0: {  	(pc) =	sbr.rel $0x88, $3  }
0x1: {  	(tag) =	ssettag $0x0;
	lr =	simm.s32 $0x1  }
0x2: {  	[smem:$0x3F72] =	sst lr;
	_ =	strace $0xD0000000  }
0x3: {  	_ = 	snop  }
0x4: {  	_ = 	snop  }
0x5: {  	_ = 	snop  }
0x6: {  	_ = 	snop  }
0x7: {  	_ = 	snop  }
__scs_overlays_trampoline_lowered:
0x8: {  	[smem:$0x3F81] =	sst s0  }
0x9: {  	[smem:$0x3F82] =	sst s1  }
0xa: {  	[smem:$0x3F83] =	sst s2  }
0xb: {  	[smem:$0x3F84] =	sst s3  }
0xc: {  	[smem:$0x3F85] =	sst s4  }
0xd: {  	[smem:$0x3F86] =	sst s5  }
0xe: {  	[smem:$0x3F87] =	sst s6  }
0xf: {  	[smem:$0x3F88] =	sst s7  }
0x10: {  	[smem:$0x3F89] =	sst s8  }
0x11: {  	[smem:$0x3F8A] =	sst s9;
	s0 =	simm.s32 @!p0 $0x0  }
0x12: {  	s1 =	sld [smem:$0x3F70];
	s0 =	simm.s32 @p0 $0x1  }
0x13: {  	[smem:$0x3F8B] =	sst s0;
	s0 =	simm.s32 @!p1 $0x0  }
0x14: {  	s2 =	sld [smem:$0x3F6F];
	s0 =	simm.s32 @p1 $0x1  }
0x15: {  	[smem:$0x3F8C] =	sst s0;
	s0 =	simm.s32 @!p2 $0x0  }
0x16: {  	s3 =	sld [smem:$0x3FDB];
	s0 =	simm.s32 @p2 $0x1  }
0x17: {  	s4 =	simm.s32 $0x1BF5;
	[smem:$0x3F8E] =	sst s0  }
0x18: {  	s0 =	sld [smem:$0x3F71];
	_ =	swait.ge [sflag:s4], $0x0  }
0x19: {  	s7 =	sld [smem:$0x3F72]  }
0x1a: {  	s8 =	sadd.s32 $0xFFFFE003, lr  }
0x1b: {  	s9 =	sadd.s32 $0xFFFFFEF7, lr;
	s5 =	simm.s32 $0xFFFFFFFF;
	p2 =	slt.u32 s8, $0xFFFFF086  }
0x1c: {  	p1 =	slt.u32 s9, $0xF7A;
	s5 =	simm.s32 @!p2 $0x0  }
0x1d: {  	s5 =	simm.s32 @p1 $0x1;
	p0 =	seq.s32 s7, s2  }
0x1e: {  	s7 =	smul.u32 @!p0 $0xF7A, s2;
	p2 =	seq.s32 @!p0 s5, $0x0  }
0x1f: {  	s9 =	smul.u32 $0xF7A, s1;
	s8 =	simm.s32 @!p0 $0x1BF5;
	p2 =	por !p2, p0  }
0x20: {  	[sflag:s8] =	ssyncset.s32 @!p0 $0xFFFFF086;
	s6 =	sadd.s32 @!p0 s3, s7;
	s7 =	simm.s32 @!p0 $0x108  }
0x21: {  	s3 =	sadd.s32 s3, s9;
	s6 =	sadd.s32 @!p0 $0x88, s6;
	s7 =	simm.s32 @p2 $0x1082  }
0x22: {  	[simem:s7], [sflag:s8] =	dma.local @!p0 [hbm:s6], $0xF7A  }
0x23: {  	s9 =	sor.u32 $0xD0000000, s2;
	s6 =	simm.s32 $0x108;
	_ =	swait.ge @!p0 [sflag:s8], $0x0  }
0x24: {  	s3 =	sadd.s32 $0x88, s3;
	s6 =	simm.s32 @!p1 $0x1082;
	[sflag:s4] =	ssyncset.s32 $0xFFFFF086  }
0x25: {  	[simem:s6], [sflag:s4] =	dma.local [hbm:s3], $0xF7A  }
0x26: {  	[smem:$0x3F72] =	sst s1;
	(tag) =	ssettag s2;
	_ =	strace s9  }
0x27: {  	s1 =	sld [smem:$0x3F82]  }
0x28: {  	s2 =	sld [smem:$0x3F83]  }
0x29: {  	s4 =	sld [smem:$0x3F85]  }
0x2a: {  	p0 =	seq.s32 s5, $0x0;
	s5 =	sld [smem:$0x3F86]  }
0x2b: {  	s6 =	sld [smem:$0x3F87]  }
0x2c: {  	s7 =	sld [smem:$0x3F88]  }
0x2d: {  	s3 =	simm.s32 $0x108;
	s8 =	sld [smem:$0x3F89]  }
0x2e: {  	s3 =	simm.s32 @!p0 $0x1082;
	s9 =	sld [smem:$0x3F8A]  }
0x2f: {  	lr =	sadd.s32 s0, s3;
	s0 =	sld [smem:$0x3F81]  }
0x30: {  	s3 =	sld [smem:$0x3F84]  }
0x31: {  	[smem:$0x3F8D] =	sst s10  }
0x32: {  	s10 =	sld [smem:$0x3F8B];
	_ =	sdelay $0x3  }
0x33: {  	p0 =	seq.s32 s10, $0x1;
	s10 =	sld [smem:$0x3F8D];
	_ =	sdelay $0x3  }
0x34: {  	[smem:$0x3F8D] =	sst s10  }
0x35: {  	s10 =	sld [smem:$0x3F8C];
	_ =	sdelay $0x3  }
0x36: {  	p1 =	seq.s32 s10, $0x1;
	s10 =	sld [smem:$0x3F8D];
	_ =	sdelay $0x3  }
0x37: {  	[smem:$0x3F8D] =	sst s10  }
0x38: {  	s10 =	sld [smem:$0x3F8E]  }
0x39: {  	_ = 	snop;
	(pc) =	sbr.ind lr, $3  }
0x3a: {  	_ = 	snop  }
0x3b: {  	_ = 	snop  }
0x3c: {  	p2 =	seq.s32 s10, $0x1;
	s10 =	sld [smem:$0x3F8D]  }
0x3d: {  	_ =	shalt  }
0x3e: {  	_ =	shalt  }
0x3f: {  	_ =	shalt  }
0x40: {  	_ =	shalt  }
0x41: {  	_ =	shalt  }
0x42: {  	_ =	shalt  }
0x43: {  	_ =	shalt  }
0x44: {  	_ =	shalt  }
0x45: {  	_ =	shalt  }
0x46: {  	_ =	shalt  }
0x47: {  	_ =	shalt  }
0x48: {  	_ =	shalt  }
0x49: {  	_ =	shalt  }
0x4a: {  	_ =	shalt  }
0x4b: {  	_ =	shalt  }
0x4c: {  	_ =	shalt  }
0x4d: {  	_ =	shalt  }
0x4e: {  	_ =	shalt  }
0x4f: {  	_ =	shalt  }
0x50: {  	_ =	shalt  }
0x51: {  	_ =	shalt  }
0x52: {  	_ =	shalt  }
0x53: {  	_ =	shalt  }
0x54: {  	_ =	shalt  }
0x55: {  	_ =	shalt  }
0x56: {  	_ =	shalt  }
0x57: {  	_ =	shalt  }
0x58: {  	_ =	shalt  }
0x59: {  	_ =	shalt  }
0x5a: {  	_ =	shalt  }
0x5b: {  	_ =	shalt  }
0x5c: {  	_ =	shalt  }
0x5d: {  	_ =	shalt  }
0x5e: {  	_ =	shalt  }
0x5f: {  	_ =	shalt  }
0x60: {  	_ =	shalt  }
0x61: {  	_ =	shalt  }
0x62: {  	_ =	shalt  }
0x63: {  	_ =	shalt  }
0x64: {  	_ =	shalt  }
0x65: {  	_ =	shalt  }
0x66: {  	_ =	shalt  }
0x67: {  	_ =	shalt  }
0x68: {  	_ =	shalt  }
0x69: {  	_ =	shalt  }
0x6a: {  	_ =	shalt  }
0x6b: {  	_ =	shalt  }
0x6c: {  	_ =	shalt  }
0x6d: {  	_ =	shalt  }
0x6e: {  	_ =	shalt  }
0x6f: {  	_ =	shalt  }
0x70: {  	_ =	shalt  }
0x71: {  	_ =	shalt  }
0x72: {  	_ =	shalt  }
0x73: {  	_ =	shalt  }
0x74: {  	_ =	shalt  }
0x75: {  	_ =	shalt  }
0x76: {  	_ =	shalt  }
0x77: {  	_ =	shalt  }
0x78: {  	_ =	shalt  }
0x79: {  	_ =	shalt  }
0x7a: {  	_ =	shalt  }
0x7b: {  	_ =	shalt  }
0x7c: {  	_ =	shalt  }
0x7d: {  	_ =	shalt  }
0x7e: {  	_ =	shalt  }
0x7f: {  	_ =	shalt  }
0x80: {  	_ =	shalt  }
0x81: {  	_ =	shalt  }
0x82: {  	_ =	shalt  }
0x83: {  	_ =	shalt  }
0x84: {  	_ =	shalt  }
0x85: {  	_ =	shalt  }
0x86: {  	_ =	shalt  }
0x87: {  	_ =	shalt  }
.Lfunc_end0:
.L_simem_size_0:
called_computation.5_lowered:
.L_overlay_start_0:
0x88: {  	s2 =	sld [smem:$0x3FD9]  }
0x89: {  	s3 =	sld [smem:$0x3FFE];
	_ =	sdelay $0x1  }
0x8a: {  	s1 =	srdreg.scid  }
0x8b: {  	s0 =	sand.u32 $0x1, s1  }
0x8c: {  	s15 =	sshll.u32 s0, $0xA;
	s2 =	sadd.s32 s3, s2  }
0x8d: {  	s2 =	sadd.s32 s2, s15  }
0x8e: {  	[smem:$0x3F99] =	sst s2  }
0x8f: {  	_ = 	snop  }
0x90: {  	s2 =	sld [smem:$0x3FD0];
	_ =	sdelay $0x2  }
0x91: {  	s16 =	simm.s32 $0xB;
	s4 =	simm.s32 $0x10  }
0x92: {  	[smem:s4], [sflag:s16] =	dma.local [hbm:s2], $0x1  }
0x93: {  	_ =	swait.eq [sflag:s16], $0x1  }
0x94: {  	[sflag:s16] =	ssyncset.done $0x0  }
0x95: {  	[sflag:s16] =	ssyncadd.s32 $0xFFFFFFFF  }
0x96: {  	s17 =	sld [smem:$0x11];
	(tm) =	ssettm $0x1  }
0x97: {  	s18 =	sld [smem:$0x3FFB];
	_ =	sdelay $0x3  }
0x98: {  	_ =	strace s18  }
0x99: {  	s2 =	sld [smem:$0x3FFC];
	_ =	sdelay $0x3  }
0x9a: {  	_ =	strace s2  }
0x9b: {  	s2 =	sld [smem:$0x3FFD];
	_ =	sdelay $0x3  }
0x9c: {  	_ =	strace s2  }
0x9d: {  	_ =	strace $0x8FFFFFFF  }
0x9e: {  	s19 =	sld [smem:$0x3FDB];
	_ =	sdelay $0x1  }
0x9f: {  	s20 =	simm.s32 $_scs_section_size  }
0xa0: {  	s5 =	simm.s32 $_size__tile_overlayer_lowered;
	s6 =	simm.s32 $_tile_overlayer_lowered  }
0xa1: {  	s7 =	simm.s32 $0x1BFF;
	s21 =	sshll.u32 s6, $0x1;
	s4 =	sadd.s32 s20, s19  }
0xa2: {  	s22 =	simm.s32 $0x0;
	s5 =	sshll.u32 s5, $0x1;
	s6 =	sadd.s32 s21, s4  }
0xa3: {  	[timem:s22], [sflag:s7] =	dma.local [hbm:s6], s5  }
0xa4: {  	_ =	swait.ge [sflag:s7], s5  }
0xa5: {  	s5 =	ssub.s32 $0x0, s5;
	[sflag:s7] =	ssyncset.done $0x0  }
0xa6: {  	[sflag:s7] =	ssyncadd.s32 s5;
	_ =	sdelay $0x1  }
0xa7: {  	s23 =	simm.s32 $0x1B8B  }
0xa8: {  	_ =	swait.ge [sflag:s23], $0x1  }
0xa9: {  	[sflag:s23] =	ssyncset.done $0x0  }
0xaa: {  	[sflag:s23] =	ssyncadd.s32 $0xFFFFFFFF  }
0xab: {  	s5 =	sld [smem:$0x0]  }
0xac: {  	s6 =	sand.u32 $0xFFFFFFFE, s1  }
0xad: {  	p0 =	sne.s32 s1, s6  }
0xae: {  	s6 =	sshll.u32 @p0 s6, $0xE  }
0xaf: {  	s6 =	sadd.s32 @p0 $0x11B8D, s6;
	s7 =	sshll.u32 @p0 s5, $0x11  }
0xb0: {  	s6 =	sor.u32 @p0 s7, s6  }
0xb1: {  	[sflag:s6] =	ssyncadd.remote.s32 @p0 $0x1;
	_ =	sdelay $0x1  }
0xb2: {  	s6 =	simm.s32 @p0 $0x1B8D  }
0xb3: {  	_ =	swait.eq @p0 [sflag:s6], $0x1  }
0xb4: {  	[sflag:s6] =	ssyncadd.s32 @p0 $0xFFFFFFFF  }
0xb5: {  	s7 =	sshll.u32 @!p0 s1, $0xE  }
0xb6: {  	s7 =	sor.u32 @!p0 $0x4000, s7;
	s6 =	simm.s32 @!p0 $0x1B8D  }
0xb7: {  	s5 =	sshll.u32 @!p0 s5, $0x11;
	s7 =	sadd.s32 @!p0 $0x11B8D, s7;
	_ =	swait.eq @!p0 [sflag:s6], $0x1  }
0xb8: {  	s5 =	sor.u32 @!p0 s5, s7;
	[sflag:s6] =	ssyncadd.s32 @!p0 $0xFFFFFFFF  }
0xb9: {  	s25 =	simm.s32 $0x1B8E;
	s24 =	sld [smem:$0x3FFE];
	[sflag:s5] =	ssyncadd.remote.s32 @!p0 $0x1  }
0xba: {  	s26 =	simm.s32 $execute0_lowered;
	[smem:$0x3FD2] =	sst s25  }
0xbb: {  	s6 =	sshll.u32 s26, $0x1;
	_ =	strace $0x80000055;
	[dreg:$0x1] =	wrdreg $0xFFFFFFFF  }
0xbc: {  	s28 =	simm.s32 $_size_execute0_lowered;
	s4 =	sadd.s32 s4, s6;
	[dreg:$0x0] =	wrdreg $0x0  }
0xbd: {  	s6 =	sshll.u32 s28, $0x1;
	[dreg:$0x2] =	wrdreg s4  }
0xbe: {  	[dreg:$0x3] =	wrdreg s6  }
0xbf: {  	[dreg:$0x4] =	wrdreg $0xC0  }
0xc0: {  	_ =	task [dreg:s22], $0x5FFFF  }
0xc1: {  	[dreg:$0x1] =	wrdreg $0xFFFFFFFF  }
0xc2: {  	[dreg:$0x0] =	wrdreg $0x60  }
0xc3: {  	[dreg:$0x2] =	wrdreg s17  }
0xc4: {  	[dreg:$0x3] =	wrdreg s24  }
0xc5: {  	[dreg:$0x4] =	wrdreg $0x9  }
0xc6: {  	_ =	task.clear_ibuf [dreg:s22], $0x5FFFF;
	_ =	strace $0x90000055  }
0xc7: {  	s29 =	simm.s32 $0x9;
	_ =	strace $0x80000057  }
0xc8: {  	_ =	swait.ge [sflag:s29], $0x1  }
0xc9: {  	[sflag:s29] =	ssyncadd.s32 $0xFFFFFFFF  }
0xca: {  	_ =	strace $0x90000057  }
0xcb: {  	_ =	sfence  }
0xcc: {  	s30 =	sld [smem:$0x0];
	_ =	sdelay $0x2  }
0xcd: {  	s31 =	sshll.u32 s1, $0xD;
	s1 =	sshrl.u32 s1, $0x2  }
0xce: {  	s4 =	sand.u32 $0x4000, s31;
	s1 =	sadd.s32 s1, s30  }
0xcf: {  	s0 =	sor.u32 s4, s0;
	s1 =	sshll.u32 s1, $0x11  }
0xd0: {  	s0 =	sor.u32 s1, s0  }
0xd1: {  	s0 =	sadd.s32 $0x8F2B, s0  }
0xd2: {  	[sflag:s0] =	ssyncadd.remote.s32 $0x1  }
0xd3: {  	_ =	sfence.sel $0xFFFF  }
0xd4: {  	[dreg:$0x0] =	wrdreg $0xFFFFFFFF;
	(pc) =	sbr.abs _section_cstart, $3  }
0xd5: {  	[dreg:$0x1] =	wrdreg $0xFFFFFFFF  }
0xd6: {  	_ =	task.clear_ibuf [dreg:s22], $0x2FFFF;
	_ =	strace $0x9FFFFFFF  }
0xd7: {  	(tm) =	ssettm $0x7FFFFFFF  }
tec
execute0_lowered:
.L_overlay_start_1:
0x0: {  	(tag) =	ssettag $0x1  }
0x1: {  	s2 =	rddreg [dreg:$0x0]  }
0x2: {  	s4 =	rddreg [dreg:$0x1]  }
0x3: {  	s0 =	rddreg [dreg:$0x2];
	s5 =	srdreg.scid  }
0x4: {  	s1 =	stileid.u32;
	s3 =	simm.s32 $0x0;
	s18 =	simm.s32 $0x4100  }
0x5: {  	s19 =	simm.s32 $0x0;
	s9 =	sand.u32 $0x1, s5;
	s25 =	sshll.u32 s1, $0x1  }
0x6: {  	[smem:$0x7FF] =	sst s3;
	s12 =	sadd.s32 $0xDA00, s4;
	s14 =	smul.u32 $0x13100, s1  }
0x7: {  	s11 =	sadd.s32 $0xB200, s4;
	s10 =	sadd.s32 $0x3B4A00, s4;
	s15 =	smul.u32 $0x1310, s1  }
0x8: {  	s13 =	sadd.s32 $0x4E5A00, s4;
	s5 =	sor.u32 s9, s25;
	s16 =	smul.u32 $0x988, s9  }
0x9: {  	_ =	strace $0x80000056;
	s6 =	ssub.s32 $0x2, s9;
	s17 =	smul.u32 $0x9880, s9  }
0xa: {  	s5 =	smul.u32 $0x988, s5;
	s26 =	sshrl.u32 s6, $0x1;
	s29 =	sadd.s32 s14, s10  }
0xb: {  	s30 =	sadd.s32 s14, s13;
	s14 =	simm.s32 $0x80;
	s8 =	ssub.s32 s6, s26  }
0xc: {  	s31 =	sadd.s32 s16, s15;
	s9 =	sadd.s32 s17, s29;
	s5 =	sadd.s32 $0x980, s5  }
0xd: {  	s15 =	simm.s32 $0x1;
	s16 =	simm.s32 $0x4080;
	s28 =	sshrl.u32 s5, $0x3  }
0xe: {  	s8 =	smax.u32 s8, $0x1;
	s7 =	sshll.u32 s5, $0x4;
	s4 =	sadd.s32 s12, s28  }
0xf: {  	s5 =	sadd.s32 s10, s7;
	s6 =	sadd.s32 s11, s28;
	s7 =	sadd.s32 s13, s7  }
0x10: {  	s10 =	sadd.s32 s17, s30;
	s13 =	sshrl.u32 s31, $0x3;
	s17 =	simm.s32 $0x8  }
0x11: {  	s11 =	sadd.s32 s13, s11;
	s12 =	sadd.s32 s13, s12;
	s13 =	simm.s32 $0x2  }
.LBB2_1:
0x12: {  	s20 =	sadd.s32 $0x0, s12  }
0x13: {  	[tilespmem:s3], [sflag:$0x2] =	stream.linear.gather [hbm4b:s20+s3], $0x80, $0x38;
	[tilespmem:$0x4500] =	vst v63  }
0x14: {  	_ =	swait.ge [sflag:s13], $0x80  }
0x15: {  	[sflag:s13] =	ssyncset.done $0x0  }
0x16: {  	[sflag:s13] =	ssyncadd.s32 $0xFFFFFF80  }
0x17: {  	[tilespmem:s14], [sflag:$0x1] =	stream.indirect.gather [hbm4b:s2+s14], $0x80, s3, s14, $0xb8;
	[tilespmem:$0x4500] =	vst v63  }
0x18: {  	_ =	swait.ge [sflag:s15], $0x4000  }
0x19: {  	[sflag:s15] =	ssyncset.done $0x0  }
0x1a: {  	[sflag:s15] =	ssyncadd.s32 $0xFFFFC000  }
0x1b: {  	[hbm4b:s9+s3] =	stream.linear.scatter [tilespmem:s14], [sflag:$0x2], $0x4000, $0x38;
	[tilespmem:$0x4500] =	vst v63  }
0x1c: {  	_ =	swait.ge [sflag:s13], $0x4000  }
0x1d: {  	[sflag:s13] =	ssyncset.done $0x0  }
0x1e: {  	s31 =	sadd.s32 $0x0, s11;
	[sflag:s13] =	ssyncadd.s32 $0xFFFFC000  }
0x1f: {  	[tilespmem:s3], [sflag:$0x2] =	stream.linear.gather [hbm4b:s31+s3], $0x80, $0x38;
	[tilespmem:$0x4500] =	vst v63  }
0x20: {  	_ =	swait.ge [sflag:s13], $0x80  }
0x21: {  	[sflag:s13] =	ssyncset.done $0x0  }
0x22: {  	[sflag:s13] =	ssyncadd.s32 $0xFFFFFF80  }
0x23: {  	[tilespmem:s14], [sflag:$0x1] =	stream.indirect.gather [hbm4b:s2+s14], $0x80, s3, s14, $0xb8;
	[tilespmem:$0x4500] =	vst v63  }
0x24: {  	_ =	swait.ge [sflag:s15], $0x4000  }
0x25: {  	[sflag:s15] =	ssyncset.done $0x0  }
0x26: {  	[sflag:s15] =	ssyncadd.s32 $0xFFFFC000  }
0x27: {  	[hbm4b:s10+s3] =	stream.linear.scatter [tilespmem:s14], [sflag:$0x2], $0x4000, $0x38;
	[tilespmem:$0x4500] =	vst v63  }
0x28: {  	s21 =	simm.s32 $0x10;
	s23 =	simm.s32 $0x20;
	_ =	swait.ge [sflag:s13], $0x4000  }
0x29: {  	s22 =	sadd.s32 $0x800, s9;
	s20 =	sadd.s32 $0x800, s10;
	[sflag:s13] =	ssyncset.done $0x0  }
.LBB2_2:
0x2a: {  	s24 =	sadd.s32 s21, s12  }
0x2b: {  	[sflag:s13] =	ssyncadd.s32 $0xFFFFC000;
	s25 =	smov.u32 s23;
	s26 =	sadd.s32 $0x10, s23  }
0x2c: {  	[tilespmem:s3], [sflag:$0x2] =	stream.linear.gather [hbm4b:s24+s3], $0x80, $0x38;
	[tilespmem:$0x4500] =	vst v63  }
0x2d: {  	p0 =	sne.s32 s23, $0x120;
	_ =	swait.ge [sflag:s13], $0x80  }
0x2e: {  	[sflag:s13] =	ssyncset.done $0x0  }
0x2f: {  	[sflag:s13] =	ssyncadd.s32 $0xFFFFFF80  }
0x30: {  	[tilespmem:s14], [sflag:$0x1] =	stream.indirect.gather [hbm4b:s2+s14], $0x80, s3, s14, $0xb8;
	[tilespmem:$0x4500] =	vst v63  }
0x31: {  	_ =	swait.ge [sflag:s15], $0x4000  }
0x32: {  	[sflag:s15] =	ssyncset.done $0x0  }
0x33: {  	[sflag:s15] =	ssyncadd.s32 $0xFFFFC000  }
0x34: {  	[hbm4b:s22+s3] =	stream.linear.scatter [tilespmem:s14], [sflag:$0x2], $0x4000, $0x38;
	[tilespmem:$0x4500] =	vst v63  }
0x35: {  	_ =	swait.ge [sflag:s13], $0x4000  }
0x36: {  	[sflag:s13] =	ssyncset.done $0x0  }
0x37: {  	s23 =	sadd.s32 s21, s11;
	s21 =	smov.u32 s25;
	[sflag:s13] =	ssyncadd.s32 $0xFFFFC000  }
0x38: {  	[tilespmem:s3], [sflag:$0x2] =	stream.linear.gather [hbm4b:s23+s3], $0x80, $0x38;
	[tilespmem:$0x4500] =	vst v63  }
0x39: {  	_ =	swait.ge [sflag:s13], $0x80  }
0x3a: {  	[sflag:s13] =	ssyncset.done $0x0  }
0x3b: {  	[sflag:s13] =	ssyncadd.s32 $0xFFFFFF80  }
0x3c: {  	[tilespmem:s14], [sflag:$0x1] =	stream.indirect.gather [hbm4b:s2+s14], $0x80, s3, s14, $0xb8;
	[tilespmem:$0x4500] =	vst v63  }
0x3d: {  	_ =	swait.ge [sflag:s15], $0x4000  }
.Ltmp0:
0x3e: {  	[sflag:s15] =	ssyncset.done $0x0;
	(pc) =	sbr.rel @p0 .LBB2_2-.Ltmp0, $4  }
0x3f: {  	[sflag:s15] =	ssyncadd.s32 $0xFFFFC000  }
0x40: {  	[hbm4b:s20+s3] =	stream.linear.scatter [tilespmem:s14], [sflag:$0x2], $0x4000, $0x38;
	[tilespmem:$0x4500] =	vst v63  }
0x41: {  	s22 =	sadd.s32 $0x800, s22;
	_ =	swait.ge [sflag:s13], $0x4000  }
0x42: {  	s23 =	smov.u32 s26;
	s20 =	sadd.s32 $0x800, s20;
	[sflag:s13] =	ssyncset.done $0x0  }
0x43: {  	s23 =	sadd.s32 s21, s12;
	[sflag:s13] =	ssyncadd.s32 $0xFFFFC000  }
0x44: {  	[tilespmem:s3], [sflag:$0x2] =	stream.linear.gather [hbm4b:s23+s3], $0x80, $0x38;
	[tilespmem:$0x4500] =	vst v63  }
0x45: {  	_ =	swait.ge [sflag:s13], $0x80  }
0x46: {  	[sflag:s13] =	ssyncset.done $0x0  }
0x47: {  	[sflag:s13] =	ssyncadd.s32 $0xFFFFFF80  }
0x48: {  	[tilespmem:s14], [sflag:$0x1] =	stream.indirect.gather [hbm4b:s2+s14], $0x80, s3, s14, $0xb8;
	[tilespmem:$0x4500] =	vst v63  }
0x49: {  	_ =	swait.ge [sflag:s15], $0x4000  }
0x4a: {  	[sflag:s15] =	ssyncset.done $0x0  }
0x4b: {  	[sflag:s15] =	ssyncadd.s32 $0xFFFFC000  }
0x4c: {  	[hbm4b:s22+s3] =	stream.linear.scatter [tilespmem:s14], [sflag:$0x2], $0x4000, $0x38;
	[tilespmem:$0x4500] =	vst v63  }
0x4d: {  	_ =	swait.ge [sflag:s13], $0x4000  }
0x4e: {  	[sflag:s13] =	ssyncset.done $0x0  }
0x4f: {  	s31 =	sadd.s32 s21, s11;
	[sflag:s13] =	ssyncadd.s32 $0xFFFFC000  }
0x50: {  	[tilespmem:s3], [sflag:$0x2] =	stream.linear.gather [hbm4b:s31+s3], $0x80, $0x38;
	[tilespmem:$0x4500] =	vst v63  }
0x51: {  	_ =	swait.ge [sflag:s13], $0x80  }
0x52: {  	[sflag:s13] =	ssyncset.done $0x0  }
0x53: {  	[sflag:s13] =	ssyncadd.s32 $0xFFFFFF80  }
0x54: {  	[tilespmem:s14], [sflag:$0x1] =	stream.indirect.gather [hbm4b:s2+s14], $0x80, s3, s14, $0xb8;
	[tilespmem:$0x4500] =	vst v63  }
0x55: {  	_ =	swait.ge [sflag:s15], $0x4000  }
0x56: {  	[sflag:s15] =	ssyncset.done $0x0  }
0x57: {  	[sflag:s15] =	ssyncadd.s32 $0xFFFFC000  }
0x58: {  	[hbm4b:s20+s3] =	stream.linear.scatter [tilespmem:s14], [sflag:$0x2], $0x4000, $0x38;
	[tilespmem:$0x4500] =	vst v63  }
0x59: {  	_ =	swait.ge [sflag:s13], $0x4000  }
0x5a: {  	[sflag:s13] =	ssyncset.done $0x0  }
0x5b: {  	[sflag:s13] =	ssyncadd.s32 $0xFFFFC000  }
0x5c: {  	[tilespmem:s16], [sflag:$0x2] =	stream.linear.gather [hbm4b:s4+s3], $0x8, $0x38;
	[tilespmem:$0x4500] =	vst v63  }
0x5d: {  	_ =	swait.ge [sflag:s13], $0x8  }
0x5e: {  	[sflag:s13] =	ssyncset.done $0x0  }
0x5f: {  	[sflag:s13] =	ssyncadd.s32 $0xFFFFFFF8  }
0x60: {  	[tilespmem:s18], [sflag:$0x1] =	stream.indirect.gather [hbm4b:s2+s17], $0x80, s16, s17, $0xb8;
	[tilespmem:$0x4500] =	vst v63  }
0x61: {  	_ =	swait.ge [sflag:s15], $0x400  }
0x62: {  	[sflag:s15] =	ssyncset.done $0x0  }
0x63: {  	[sflag:s15] =	ssyncadd.s32 $0xFFFFFC00  }
0x64: {  	[hbm4b:s5+s3] =	stream.linear.scatter [tilespmem:s18], [sflag:$0x2], $0x400, $0x38;
	[tilespmem:$0x4500] =	vst v63  }
0x65: {  	_ =	swait.ge [sflag:s13], $0x400  }
0x66: {  	[sflag:s13] =	ssyncset.done $0x0  }
0x67: {  	[sflag:s13] =	ssyncadd.s32 $0xFFFFFC00  }
0x68: {  	[tilespmem:s16], [sflag:$0x2] =	stream.linear.gather [hbm4b:s6+s3], $0x8, $0x38;
	[tilespmem:$0x4500] =	vst v63  }
0x69: {  	_ =	swait.ge [sflag:s13], $0x8  }
0x6a: {  	[sflag:s13] =	ssyncset.done $0x0  }
0x6b: {  	[sflag:s13] =	ssyncadd.s32 $0xFFFFFFF8  }
0x6c: {  	[tilespmem:s18], [sflag:$0x1] =	stream.indirect.gather [hbm4b:s2+s17], $0x80, s16, s17, $0xb8;
	[tilespmem:$0x4500] =	vst v63  }
0x6d: {  	s19 =	sadd.s32 $0x1, s19;
	_ =	swait.ge [sflag:s15], $0x400  }
0x6e: {  	p0 =	sne.s32 s19, s8;
	[sflag:s15] =	ssyncset.done $0x0  }
.Ltmp1:
0x6f: {  	[sflag:s15] =	ssyncadd.s32 $0xFFFFFC00;
	(pc) =	sbr.rel @p0 .LBB2_1-.Ltmp1, $4  }
0x70: {  	[hbm4b:s7+s3] =	stream.linear.scatter [tilespmem:s18], [sflag:$0x2], $0x400, $0x38;
	[tilespmem:$0x4500] =	vst v63  }
0x71: {  	_ =	swait.ge [sflag:s13], $0x400  }
0x72: {  	[sflag:s13] =	ssyncset.done $0x0  }
0x73: {  	[sflag:s13] =	ssyncadd.s32 $0xFFFFFC00  }
0x74: {  	_ =	sfence.sel $0x180000  }
0x75: {  	[bflag:$0x0] =	sbarrier.arrive $0xFFFF  }
0x76: {  	p0 =	sne.s32 s1, $0x0;
	_ =	strace $0x90000056  }
0x77: {  	s0 =	sadd.s32 @!p0 $0x100000, s0;
	[bflag:$0x2] =	sbarrier.arrive $0xFFFF  }
0x78: {  	[sflag:s0] =	ssyncadd.tile.s32 @!p0 $0x1;
	_ =	shalt  }
.Lfunc_end2:
_tile_overlayer_lowered:
.L_overlay_start_2:
0x79: {  	(tag) =	ssettag $0x2  }
0x7a: {  	s0 =	rddreg [dreg:$0x0];
	s2 =	stileid.u32  }
0x7b: {  	s1 =	rddreg [dreg:$0x1];
	p0 =	sne.s32 s2, $0x0  }
0x7c: {  	s3 =	rddreg [dreg:$0x2];
	[bflag:$0x3] =	sbarrier.arrive $0xFFFF;
	s2 =	simm.s32 @!p0 $0x1C02  }
0x7d: {  	[timem:s3], [sflag:s2] =	dma.local @!p0 [hbm:s0], s1  }
0x7e: {  	s0 =	simm.s32 @!p0 $0x2  }
0x7f: {  	_ =	swait.ge @!p0 [sflag:s0], s1  }
0x80: {  	s1 =	ssub.s32 @!p0 $0x0, s1;
	[sflag:s0] =	ssyncset.done @!p0 $0x0  }
0x81: {  	[sflag:s0] =	ssyncadd.s32 @!p0 s1  }
0x82: {  	[bflag:$0x3] =	sbarrier.arrive $0xFFFF  }
0x83: {  	_ =	shalt  }

// kernel: kernel.35.cloned.1.call-start
scs
__scs_entry_jumppad:
0x0: {  	(pc) =	sbr.rel $0x88, $3  }
0x1: {  	(tag) =	ssettag $0x0;
	lr =	simm.s32 $0x1  }
0x2: {  	[smem:$0x3F72] =	sst lr;
	_ =	strace $0xD0000000  }
0x3: {  	_ = 	snop  }
0x4: {  	_ = 	snop  }
0x5: {  	_ = 	snop  }
0x6: {  	_ = 	snop  }
0x7: {  	_ = 	snop  }
__scs_overlays_trampoline_lowered:
0x8: {  	[smem:$0x3F81] =	sst s0  }
0x9: {  	[smem:$0x3F82] =	sst s1  }
0xa: {  	[smem:$0x3F83] =	sst s2  }
0xb: {  	[smem:$0x3F84] =	sst s3  }
0xc: {  	[smem:$0x3F85] =	sst s4  }
0xd: {  	[smem:$0x3F86] =	sst s5  }
0xe: {  	[smem:$0x3F87] =	sst s6  }
0xf: {  	[smem:$0x3F88] =	sst s7  }
0x10: {  	[smem:$0x3F89] =	sst s8  }
0x11: {  	[smem:$0x3F8A] =	sst s9;
	s0 =	simm.s32 @!p0 $0x0  }
0x12: {  	s1 =	sld [smem:$0x3F70];
	s0 =	simm.s32 @p0 $0x1  }
0x13: {  	[smem:$0x3F8B] =	sst s0;
	s0 =	simm.s32 @!p1 $0x0  }
0x14: {  	s2 =	sld [smem:$0x3F6F];
	s0 =	simm.s32 @p1 $0x1  }
0x15: {  	[smem:$0x3F8C] =	sst s0;
	s0 =	simm.s32 @!p2 $0x0  }
0x16: {  	s3 =	sld [smem:$0x3FDB];
	s0 =	simm.s32 @p2 $0x1  }
0x17: {  	s4 =	simm.s32 $0x1BF5;
	[smem:$0x3F8E] =	sst s0  }
0x18: {  	s0 =	sld [smem:$0x3F71];
	_ =	swait.ge [sflag:s4], $0x0  }
0x19: {  	s7 =	sld [smem:$0x3F72]  }
0x1a: {  	s8 =	sadd.s32 $0xFFFFE003, lr  }
0x1b: {  	s9 =	sadd.s32 $0xFFFFFEF7, lr;
	s5 =	simm.s32 $0xFFFFFFFF;
	p2 =	slt.u32 s8, $0xFFFFF086  }
0x1c: {  	p1 =	slt.u32 s9, $0xF7A;
	s5 =	simm.s32 @!p2 $0x0  }
0x1d: {  	s5 =	simm.s32 @p1 $0x1;
	p0 =	seq.s32 s7, s2  }
0x1e: {  	s7 =	smul.u32 @!p0 $0xF7A, s2;
	p2 =	seq.s32 @!p0 s5, $0x0  }
0x1f: {  	s9 =	smul.u32 $0xF7A, s1;
	s8 =	simm.s32 @!p0 $0x1BF5;
	p2 =	por !p2, p0  }
0x20: {  	[sflag:s8] =	ssyncset.s32 @!p0 $0xFFFFF086;
	s6 =	sadd.s32 @!p0 s3, s7;
	s7 =	simm.s32 @!p0 $0x108  }
0x21: {  	s3 =	sadd.s32 s3, s9;
	s6 =	sadd.s32 @!p0 $0x88, s6;
	s7 =	simm.s32 @p2 $0x1082  }
0x22: {  	[simem:s7], [sflag:s8] =	dma.local @!p0 [hbm:s6], $0xF7A  }
0x23: {  	s9 =	sor.u32 $0xD0000000, s2;
	s6 =	simm.s32 $0x108;
	_ =	swait.ge @!p0 [sflag:s8], $0x0  }
0x24: {  	s3 =	sadd.s32 $0x88, s3;
	s6 =	simm.s32 @!p1 $0x1082;
	[sflag:s4] =	ssyncset.s32 $0xFFFFF086  }
0x25: {  	[simem:s6], [sflag:s4] =	dma.local [hbm:s3], $0xF7A  }
0x26: {  	[smem:$0x3F72] =	sst s1;
	(tag) =	ssettag s2;
	_ =	strace s9  }
0x27: {  	s1 =	sld [smem:$0x3F82]  }
0x28: {  	s2 =	sld [smem:$0x3F83]  }
0x29: {  	s4 =	sld [smem:$0x3F85]  }
0x2a: {  	p0 =	seq.s32 s5, $0x0;
	s5 =	sld [smem:$0x3F86]  }
0x2b: {  	s6 =	sld [smem:$0x3F87]  }
0x2c: {  	s7 =	sld [smem:$0x3F88]  }
0x2d: {  	s3 =	simm.s32 $0x108;
	s8 =	sld [smem:$0x3F89]  }
0x2e: {  	s3 =	simm.s32 @!p0 $0x1082;
	s9 =	sld [smem:$0x3F8A]  }
0x2f: {  	lr =	sadd.s32 s0, s3;
	s0 =	sld [smem:$0x3F81]  }
0x30: {  	s3 =	sld [smem:$0x3F84]  }
0x31: {  	[smem:$0x3F8D] =	sst s10  }
0x32: {  	s10 =	sld [smem:$0x3F8B];
	_ =	sdelay $0x3  }
0x33: {  	p0 =	seq.s32 s10, $0x1;
	s10 =	sld [smem:$0x3F8D];
	_ =	sdelay $0x3  }
0x34: {  	[smem:$0x3F8D] =	sst s10  }
0x35: {  	s10 =	sld [smem:$0x3F8C];
	_ =	sdelay $0x3  }
0x36: {  	p1 =	seq.s32 s10, $0x1;
	s10 =	sld [smem:$0x3F8D];
	_ =	sdelay $0x3  }
0x37: {  	[smem:$0x3F8D] =	sst s10  }
0x38: {  	s10 =	sld [smem:$0x3F8E]  }
0x39: {  	_ = 	snop;
	(pc) =	sbr.ind lr, $3  }
0x3a: {  	_ = 	snop  }
0x3b: {  	_ = 	snop  }
0x3c: {  	p2 =	seq.s32 s10, $0x1;
	s10 =	sld [smem:$0x3F8D]  }
0x3d: {  	_ =	shalt  }
0x3e: {  	_ =	shalt  }
0x3f: {  	_ =	shalt  }
0x40: {  	_ =	shalt  }
0x41: {  	_ =	shalt  }
0x42: {  	_ =	shalt  }
0x43: {  	_ =	shalt  }
0x44: {  	_ =	shalt  }
0x45: {  	_ =	shalt  }
0x46: {  	_ =	shalt  }
0x47: {  	_ =	shalt  }
0x48: {  	_ =	shalt  }
0x49: {  	_ =	shalt  }
0x4a: {  	_ =	shalt  }
0x4b: {  	_ =	shalt  }
0x4c: {  	_ =	shalt  }
0x4d: {  	_ =	shalt  }
0x4e: {  	_ =	shalt  }
0x4f: {  	_ =	shalt  }
0x50: {  	_ =	shalt  }
0x51: {  	_ =	shalt  }
0x52: {  	_ =	shalt  }
0x53: {  	_ =	shalt  }
0x54: {  	_ =	shalt  }
0x55: {  	_ =	shalt  }
0x56: {  	_ =	shalt  }
0x57: {  	_ =	shalt  }
0x58: {  	_ =	shalt  }
0x59: {  	_ =	shalt  }
0x5a: {  	_ =	shalt  }
0x5b: {  	_ =	shalt  }
0x5c: {  	_ =	shalt  }
0x5d: {  	_ =	shalt  }
0x5e: {  	_ =	shalt  }
0x5f: {  	_ =	shalt  }
0x60: {  	_ =	shalt  }
0x61: {  	_ =	shalt  }
0x62: {  	_ =	shalt  }
0x63: {  	_ =	shalt  }
0x64: {  	_ =	shalt  }
0x65: {  	_ =	shalt  }
0x66: {  	_ =	shalt  }
0x67: {  	_ =	shalt  }
0x68: {  	_ =	shalt  }
0x69: {  	_ =	shalt  }
0x6a: {  	_ =	shalt  }
0x6b: {  	_ =	shalt  }
0x6c: {  	_ =	shalt  }
0x6d: {  	_ =	shalt  }
0x6e: {  	_ =	shalt  }
0x6f: {  	_ =	shalt  }
0x70: {  	_ =	shalt  }
0x71: {  	_ =	shalt  }
0x72: {  	_ =	shalt  }
0x73: {  	_ =	shalt  }
0x74: {  	_ =	shalt  }
0x75: {  	_ =	shalt  }
0x76: {  	_ =	shalt  }
0x77: {  	_ =	shalt  }
0x78: {  	_ =	shalt  }
0x79: {  	_ =	shalt  }
0x7a: {  	_ =	shalt  }
0x7b: {  	_ =	shalt  }
0x7c: {  	_ =	shalt  }
0x7d: {  	_ =	shalt  }
0x7e: {  	_ =	shalt  }
0x7f: {  	_ =	shalt  }
0x80: {  	_ =	shalt  }
0x81: {  	_ =	shalt  }
0x82: {  	_ =	shalt  }
0x83: {  	_ =	shalt  }
0x84: {  	_ =	shalt  }
0x85: {  	_ =	shalt  }
0x86: {  	_ =	shalt  }
0x87: {  	_ =	shalt  }
.Lfunc_end0:
.L_simem_size_0:
called_computation.6_lowered:
.L_overlay_start_0:
0x88: {  	s2 =	sld [smem:$0x3FD9]  }
0x89: {  	s3 =	sld [smem:$0x3FFE];
	_ =	sdelay $0x1  }
0x8a: {  	s1 =	srdreg.scid  }
0x8b: {  	s0 =	sand.u32 $0x1, s1  }
0x8c: {  	s17 =	sshll.u32 s0, $0xA;
	s2 =	sadd.s32 s3, s2  }
0x8d: {  	s2 =	sadd.s32 s2, s17  }
0x8e: {  	[smem:$0x3F99] =	sst s2  }
0x8f: {  	_ = 	snop  }
0x90: {  	(tm) =	ssettm $0x1  }
0x91: {  	s18 =	sld [smem:$0x3FFB];
	_ =	sdelay $0x3  }
0x92: {  	_ =	strace s18  }
0x93: {  	s2 =	sld [smem:$0x3FFC];
	_ =	sdelay $0x3  }
0x94: {  	_ =	strace s2  }
0x95: {  	s2 =	sld [smem:$0x3FFD];
	_ =	sdelay $0x3  }
0x96: {  	_ =	strace s2  }
0x97: {  	_ =	strace $0x8FFFFFFF  }
0x98: {  	s19 =	sld [smem:$0x3FDB];
	_ =	sdelay $0x1  }
0x99: {  	s20 =	simm.s32 $_scs_section_size  }
0x9a: {  	s4 =	simm.s32 $_size__tile_overlayer_lowered;
	s5 =	simm.s32 $_tile_overlayer_lowered  }
0x9b: {  	s6 =	simm.s32 $0x1BFF;
	s21 =	sshll.u32 s5, $0x1;
	s3 =	sadd.s32 s20, s19  }
0x9c: {  	s22 =	simm.s32 $0x0;
	s4 =	sshll.u32 s4, $0x1;
	s5 =	sadd.s32 s21, s3  }
0x9d: {  	[timem:s22], [sflag:s6] =	dma.local [hbm:s5], s4  }
0x9e: {  	_ =	swait.ge [sflag:s6], s4  }
0x9f: {  	s4 =	ssub.s32 $0x0, s4;
	[sflag:s6] =	ssyncset.done $0x0  }
0xa0: {  	[sflag:s6] =	ssyncadd.s32 s4;
	_ =	sdelay $0x1  }
0xa1: {  	s23 =	simm.s32 $0x1B8B  }
0xa2: {  	_ =	swait.ge [sflag:s23], $0x1  }
0xa3: {  	[sflag:s23] =	ssyncset.done $0x0  }
0xa4: {  	[sflag:s23] =	ssyncadd.s32 $0xFFFFFFFF  }
0xa5: {  	s4 =	sld [smem:$0x0]  }
0xa6: {  	s5 =	sand.u32 $0xFFFFFFFE, s1  }
0xa7: {  	p0 =	sne.s32 s1, s5  }
0xa8: {  	s5 =	sshll.u32 @p0 s5, $0xE  }
0xa9: {  	s5 =	sadd.s32 @p0 $0x11B8D, s5;
	s6 =	sshll.u32 @p0 s4, $0x11  }
0xaa: {  	s5 =	sor.u32 @p0 s6, s5  }
0xab: {  	[sflag:s5] =	ssyncadd.remote.s32 @p0 $0x1;
	_ =	sdelay $0x1  }
0xac: {  	s5 =	simm.s32 @p0 $0x1B8D  }
0xad: {  	_ =	swait.eq @p0 [sflag:s5], $0x1  }
0xae: {  	[sflag:s5] =	ssyncadd.s32 @p0 $0xFFFFFFFF  }
0xaf: {  	s6 =	sshll.u32 @!p0 s1, $0xE  }
0xb0: {  	s6 =	sor.u32 @!p0 $0x4000, s6;
	s5 =	simm.s32 @!p0 $0x1B8D  }
0xb1: {  	s4 =	sshll.u32 @!p0 s4, $0x11;
	s6 =	sadd.s32 @!p0 $0x11B8D, s6;
	_ =	swait.eq @!p0 [sflag:s5], $0x1  }
0xb2: {  	s4 =	sor.u32 @!p0 s4, s6;
	[sflag:s5] =	ssyncadd.s32 @!p0 $0xFFFFFFFF  }
0xb3: {  	s25 =	simm.s32 $0x1B8E;
	s24 =	sld [smem:$0x3FFE];
	[sflag:s4] =	ssyncadd.remote.s32 @!p0 $0x1  }
0xb4: {  	s26 =	simm.s32 $execute0_lowered;
	[smem:$0x3FD2] =	sst s25  }
0xb5: {  	s5 =	sshll.u32 s26, $0x1;
	_ =	strace $0x80000058;
	[dreg:$0x1] =	wrdreg $0xFFFFFFFF  }
0xb6: {  	s28 =	simm.s32 $_size_execute0_lowered;
	s3 =	sadd.s32 s3, s5;
	[dreg:$0x0] =	wrdreg $0x0  }
0xb7: {  	s5 =	sshll.u32 s28, $0x1;
	[dreg:$0x2] =	wrdreg s3  }
0xb8: {  	[dreg:$0x3] =	wrdreg s5  }
0xb9: {  	[dreg:$0x4] =	wrdreg $0xC0  }
0xba: {  	_ =	task [dreg:s22], $0x5FFFF  }
0xbb: {  	[dreg:$0x1] =	wrdreg $0xFFFFFFFF  }
0xbc: {  	[dreg:$0x0] =	wrdreg $0x60  }
0xbd: {  	[dreg:$0x2] =	wrdreg s24  }
0xbe: {  	[dreg:$0x3] =	wrdreg $0x90800  }
0xbf: {  	[dreg:$0x4] =	wrdreg $0xA  }
0xc0: {  	_ =	task.clear_ibuf [dreg:s22], $0x5FFFF;
	_ =	strace $0x90000058  }
0xc1: {  	s29 =	simm.s32 $0xA;
	_ =	strace $0x8000005A  }
0xc2: {  	_ =	swait.ge [sflag:s29], $0x1  }
0xc3: {  	[sflag:s29] =	ssyncadd.s32 $0xFFFFFFFF  }
0xc4: {  	_ =	strace $0x9000005A  }
0xc5: {  	_ =	sfence  }
0xc6: {  	s30 =	sld [smem:$0x0];
	_ =	sdelay $0x2  }
0xc7: {  	s31 =	sshll.u32 s1, $0xD;
	s1 =	sshrl.u32 s1, $0x2  }
0xc8: {  	s4 =	sand.u32 $0x4000, s31;
	s1 =	sadd.s32 s1, s30  }
0xc9: {  	s0 =	sor.u32 s4, s0;
	s1 =	sshll.u32 s1, $0x11  }
0xca: {  	s0 =	sor.u32 s1, s0  }
0xcb: {  	s0 =	sadd.s32 $0x8F2B, s0  }
0xcc: {  	[sflag:s0] =	ssyncadd.remote.s32 $0x1  }
0xcd: {  	_ =	sfence.sel $0xFFFF  }
0xce: {  	[dreg:$0x0] =	wrdreg $0xFFFFFFFF;
	(pc) =	sbr.abs _section_cstart, $3  }
0xcf: {  	[dreg:$0x1] =	wrdreg $0xFFFFFFFF  }
0xd0: {  	_ =	task.clear_ibuf [dreg:s22], $0x2FFFF;
	_ =	strace $0x9FFFFFFF  }
0xd1: {  	(tm) =	ssettm $0x7FFFFFFF  }
tec
execute0_lowered:
.L_overlay_start_1:
0x0: {  	(tag) =	ssettag $0x1  }
0x1: {  	s5 =	rddreg [dreg:$0x0];
	s0 =	stileid.u32  }
0x2: {  	s1 =	srdreg.scid;
	s4 =	smul.u32 $0x1400, s0  }
0x3: {  	s2 =	rddreg [dreg:$0x1];
	s18 =	smul.u32 $0x16800, s0  }
0x4: {  	s3 =	simm.s32 $0x0;
	s17 =	sand.u32 $0x1, s1;
	s12 =	smul.u32 $0x280, s0  }
0x5: {  	[smem:$0x7FF] =	sst s3;
	s10 =	smul.u32 $0x5A000, s0;
	s20 =	sadd.s32 $0x167E00, s5  }
0x6: {  	s28 =	simm.s32 $0x0;
	s6 =	smul.u32 $0xA00, s17;
	_ =	strace $0x80000059  }
0x7: {  	s7 =	ssub.s32 $0x2, s17;
	s21 =	smul.u32 $0x168000, s17;
	s19 =	sadd.s32 s18, s5  }
0x8: {  	s8 =	sshrl.u32 s7, $0x1;
	s11 =	sadd.s32 $0x80, s12;
	s15 =	sshrl.u32 s10, $0x2  }
0x9: {  	s12 =	sadd.s32 $0x24000, s10;
	s23 =	sadd.s32 $0x36000, s10;
	s10 =	sadd.s32 $0x48000, s10  }
0xa: {  	s29 =	sadd.s32 $0xD800, s18;
	s4 =	sadd.s32 s6, s4;
	s13 =	ssub.s32 s7, s8  }
0xb: {  	s14 =	smul.u32 $0x240, s11;
	s7 =	sadd.s32 s15, s2;
	s16 =	sshrl.u32 s12, $0x2  }
0xc: {  	s12 =	sshrl.u32 s23, $0x2;
	s24 =	sadd.s32 s21, s18;
	s15 =	sadd.s32 $0x9000, s18  }
0xd: {  	s4 =	sshrl.u32 s4, $0x3;
	s6 =	smax.u32 s13, $0x1;
	s13 =	sshrl.u32 s10, $0x2  }
0xe: {  	s10 =	sadd.s32 s12, s2;
	s12 =	sshrl.u32 s24, $0x3;
	s23 =	sadd.s32 s21, s15  }
0xf: {  	s15 =	sadd.s32 s15, s2;
	s24 =	sadd.s32 s21, s29;
	s22 =	sadd.s32 s4, s5  }
0x10: {  	s4 =	sadd.s32 $0x167400, s5;
	s5 =	sadd.s32 s18, s2;
	s9 =	sshrl.u32 s14, $0x2  }
0x11: {  	s14 =	smul.u32 $0x90, s11;
	s11 =	sadd.s32 s13, s2;
	s12 =	sadd.s32 s20, s12  }
0x12: {  	s26 =	sshrl.u32 s23, $0x3;
	s30 =	sshrl.u32 s24, $0x3;
	s23 =	simm.s32 $0x4880  }
0x13: {  	s24 =	simm.s32 $0x2;
	s8 =	sadd.s32 s9, s2;
	s25 =	sadd.s32 s21, s14  }
0x14: {  	s9 =	sadd.s32 s16, s2;
	s22 =	sadd.s32 $0x272200, s22;
	s16 =	sshrl.u32 s25, $0x3  }
0x15: {  	s13 =	sadd.s32 s14, s2;
	s25 =	sadd.s32 $0x12000, s18;
	s14 =	sadd.s32 s20, s16  }
0x16: {  	s16 =	sadd.s32 s20, s26;
	s26 =	smul.u32 $0xB400, s17;
	s21 =	sadd.s32 s21, s25  }
0x17: {  	s18 =	sadd.s32 s20, s30;
	s17 =	sadd.s32 s29, s2;
	s21 =	sshrl.u32 s21, $0x3  }
0x18: {  	s31 =	sadd.s32 s26, s19;
	s19 =	sadd.s32 s25, s2;
	s20 =	sadd.s32 s20, s21  }
0x19: {  	s25 =	simm.s32 $0x80;
	s26 =	simm.s32 $0x1;
	s21 =	sadd.s32 $0x616A00, s31  }
.LBB2_1:
0x1a: {  	[tilespmem:s23], [sflag:$0x2] =	stream.linear.gather [hbm4b:s4+s3], $0x4800, $0x38;
	[tilespmem:$0x1F880] =	vst v63  }
0x1b: {  	_ =	swait.ge [sflag:s24], $0x4800  }
0x1c: {  	[sflag:s24] =	ssyncset.done $0x0  }
0x1d: {  	[sflag:s24] =	ssyncadd.s32 $0xFFFFB800  }
0x1e: {  	[spmem:s7] =	stream.linear.scatter [tilespmem:s23], [sflag:$0x2], $0x4800, $0x38;
	[tilespmem:$0x1F880] =	vst v63  }
0x1f: {  	_ =	swait.ge [sflag:s24], $0x4800  }
0x20: {  	[sflag:s24] =	ssyncset.done $0x0  }
0x21: {  	[sflag:s24] =	ssyncadd.s32 $0xFFFFB800  }
0x22: {  	[spmem:s8] =	stream.linear.scatter [tilespmem:s23], [sflag:$0x2], $0x4800, $0x38;
	[tilespmem:$0x1F880] =	vst v63  }
0x23: {  	_ =	swait.ge [sflag:s24], $0x4800  }
0x24: {  	[sflag:s24] =	ssyncset.done $0x0  }
0x25: {  	[sflag:s24] =	ssyncadd.s32 $0xFFFFB800  }
0x26: {  	[spmem:s9] =	stream.linear.scatter [tilespmem:s23], [sflag:$0x2], $0x4800, $0x38;
	[tilespmem:$0x1F880] =	vst v63  }
0x27: {  	_ =	swait.ge [sflag:s24], $0x4800  }
0x28: {  	[sflag:s24] =	ssyncset.done $0x0  }
0x29: {  	[sflag:s24] =	ssyncadd.s32 $0xFFFFB800  }
0x2a: {  	[spmem:s10] =	stream.linear.scatter [tilespmem:s23], [sflag:$0x2], $0x4800, $0x38;
	[tilespmem:$0x1F880] =	vst v63  }
0x2b: {  	_ =	swait.ge [sflag:s24], $0x4800  }
0x2c: {  	[sflag:s24] =	ssyncset.done $0x0  }
0x2d: {  	[sflag:s24] =	ssyncadd.s32 $0xFFFFB800  }
0x2e: {  	[spmem:s11] =	stream.linear.scatter [tilespmem:s23], [sflag:$0x2], $0x4800, $0x38;
	[tilespmem:$0x1F880] =	vst v63  }
0x2f: {  	_ =	swait.ge [sflag:s24], $0x4800  }
0x30: {  	[sflag:s24] =	ssyncset.done $0x0  }
0x31: {  	[sflag:s24] =	ssyncadd.s32 $0xFFFFB800  }
0x32: {  	s29 =	sadd.s32 $0x0, s22;
	[bflag:$0x0] =	sbarrier.arrive $0xFFFF  }
0x33: {  	[tilespmem:s3], [sflag:$0x1] =	stream.linear.gather [hbm4b:s29+s3], $0x80, $0x38;
	[tilespmem:$0x1F880] =	vst v63  }
0x34: {  	_ = 	snop  }
0x35: {  	[tilespmem:s25], [sflag:$0x1] =	stream.linear.gather [hbm4b:s21+s3], $0x4800, $0x38;
	[tilespmem:$0x1F880] =	vst v63  }
0x36: {  	_ =	swait.ge [sflag:s26], $0x80  }
0x37: {  	[sflag:s26] =	ssyncset.done $0x0  }
0x38: {  	[sflag:s26] =	ssyncadd.s32 $0xFFFFFF80  }
0x39: {  	_ =	swait.ge [sflag:s26], $0x4800  }
0x3a: {  	[sflag:s26] =	ssyncset.done $0x0  }
0x3b: {  	[sflag:s26] =	ssyncadd.s32 $0xFFFFB800  }
0x3c: {  	[spmem:s2] =	stream.indirect.scatter.add.f32 [tilespmem:s25], [sflag:$0x2], $0x90, s3, s25, $0xb8;
	[tilespmem:$0x1F880] =	vst v63  }
0x3d: {  	s30 =	simm.s32 $0x10;
	_ =	swait.ge [sflag:s24], $0x4800  }
0x3e: {  	s31 =	simm.s32 $0x20;
	s29 =	sadd.s32 $0x900, s21;
	[sflag:s24] =	ssyncset.done $0x0  }
.LBB2_2:
0x3f: {  	s1 =	sadd.s32 s30, s22  }
0x40: {  	[sflag:s24] =	ssyncadd.s32 $0xFFFFB800;
	s30 =	smov.u32 s31;
	s0 =	sadd.s32 $0x10, s31  }
0x41: {  	[tilespmem:s3], [sflag:$0x1] =	stream.linear.gather [hbm4b:s1+s3], $0x80, $0x38;
	[tilespmem:$0x1F880] =	vst v63  }
0x42: {  	p0 =	sne.s32 s31, $0x130  }
0x43: {  	[tilespmem:s25], [sflag:$0x1] =	stream.linear.gather [hbm4b:s29+s3], $0x4800, $0x38;
	[tilespmem:$0x1F880] =	vst v63  }
0x44: {  	_ =	swait.ge [sflag:s26], $0x80  }
0x45: {  	[sflag:s26] =	ssyncset.done $0x0  }
0x46: {  	[sflag:s26] =	ssyncadd.s32 $0xFFFFFF80  }
0x47: {  	_ =	swait.ge [sflag:s26], $0x4800  }
.Ltmp0:
0x48: {  	[sflag:s26] =	ssyncset.done $0x0;
	(pc) =	sbr.rel @p0 .LBB2_2-.Ltmp0, $4  }
0x49: {  	[sflag:s26] =	ssyncadd.s32 $0xFFFFB800  }
0x4a: {  	[spmem:s2] =	stream.indirect.scatter.add.f32 [tilespmem:s25], [sflag:$0x2], $0x90, s3, s25, $0xb8;
	[tilespmem:$0x1F880] =	vst v63  }
0x4b: {  	_ =	swait.ge [sflag:s24], $0x4800  }
0x4c: {  	s31 =	smov.u32 s0;
	s29 =	sadd.s32 $0x900, s29;
	[sflag:s24] =	ssyncset.done $0x0  }
0x4d: {  	s0 =	sadd.s32 s30, s22;
	[sflag:s24] =	ssyncadd.s32 $0xFFFFB800  }
0x4e: {  	[tilespmem:s3], [sflag:$0x1] =	stream.linear.gather [hbm4b:s0+s3], $0x80, $0x38;
	[tilespmem:$0x1F880] =	vst v63  }
0x4f: {  	_ = 	snop  }
0x50: {  	[tilespmem:s25], [sflag:$0x1] =	stream.linear.gather [hbm4b:s29+s3], $0x4800, $0x38;
	[tilespmem:$0x1F880] =	vst v63  }
0x51: {  	_ =	swait.ge [sflag:s26], $0x80  }
0x52: {  	[sflag:s26] =	ssyncset.done $0x0  }
0x53: {  	[sflag:s26] =	ssyncadd.s32 $0xFFFFFF80  }
0x54: {  	_ =	swait.ge [sflag:s26], $0x4800  }
0x55: {  	[sflag:s26] =	ssyncset.done $0x0  }
0x56: {  	[sflag:s26] =	ssyncadd.s32 $0xFFFFB800  }
0x57: {  	[spmem:s2] =	stream.indirect.scatter.add.f32 [tilespmem:s25], [sflag:$0x2], $0x90, s3, s25, $0xb8;
	[tilespmem:$0x1F880] =	vst v63  }
0x58: {  	_ =	swait.ge [sflag:s24], $0x4800  }
0x59: {  	[sflag:s24] =	ssyncset.done $0x0  }
0x5a: {  	[sflag:s24] =	ssyncadd.s32 $0xFFFFB800  }
0x5b: {  	[bflag:$0x0] =	sbarrier.arrive $0xFFFF  }
0x5c: {  	[tilespmem:s23], [sflag:$0x2] =	stream.linear.gather [spmem:s5], $0x4800, $0x38;
	[tilespmem:$0x1F880] =	vst v63  }
0x5d: {  	_ =	swait.ge [sflag:s24], $0x4800  }
0x5e: {  	[sflag:s24] =	ssyncset.done $0x0  }
0x5f: {  	[sflag:s24] =	ssyncadd.s32 $0xFFFFB800  }
0x60: {  	[hbm4b:s12+s3] =	stream.linear.scatter [tilespmem:s23], [sflag:$0x2], $0x4800, $0x38;
	[tilespmem:$0x1F880] =	vst v63  }
0x61: {  	_ =	swait.ge [sflag:s24], $0x4800  }
0x62: {  	[sflag:s24] =	ssyncset.done $0x0  }
0x63: {  	[sflag:s24] =	ssyncadd.s32 $0xFFFFB800  }
0x64: {  	[tilespmem:s23], [sflag:$0x2] =	stream.linear.gather [spmem:s13], $0x4800, $0x38;
	[tilespmem:$0x1F880] =	vst v63  }
0x65: {  	_ =	swait.ge [sflag:s24], $0x4800  }
0x66: {  	[sflag:s24] =	ssyncset.done $0x0  }
0x67: {  	[sflag:s24] =	ssyncadd.s32 $0xFFFFB800  }
0x68: {  	[hbm4b:s14+s3] =	stream.linear.scatter [tilespmem:s23], [sflag:$0x2], $0x4800, $0x38;
	[tilespmem:$0x1F880] =	vst v63  }
0x69: {  	_ =	swait.ge [sflag:s24], $0x4800  }
0x6a: {  	[sflag:s24] =	ssyncset.done $0x0  }
0x6b: {  	[sflag:s24] =	ssyncadd.s32 $0xFFFFB800  }
0x6c: {  	[tilespmem:s23], [sflag:$0x2] =	stream.linear.gather [spmem:s15], $0x4800, $0x38;
	[tilespmem:$0x1F880] =	vst v63  }
0x6d: {  	_ =	swait.ge [sflag:s24], $0x4800  }
0x6e: {  	[sflag:s24] =	ssyncset.done $0x0  }
0x6f: {  	[sflag:s24] =	ssyncadd.s32 $0xFFFFB800  }
0x70: {  	[hbm4b:s16+s3] =	stream.linear.scatter [tilespmem:s23], [sflag:$0x2], $0x4800, $0x38;
	[tilespmem:$0x1F880] =	vst v63  }
0x71: {  	_ =	swait.ge [sflag:s24], $0x4800  }
0x72: {  	[sflag:s24] =	ssyncset.done $0x0  }
0x73: {  	[sflag:s24] =	ssyncadd.s32 $0xFFFFB800  }
0x74: {  	[tilespmem:s23], [sflag:$0x2] =	stream.linear.gather [spmem:s17], $0x4800, $0x38;
	[tilespmem:$0x1F880] =	vst v63  }
0x75: {  	_ =	swait.ge [sflag:s24], $0x4800  }
0x76: {  	[sflag:s24] =	ssyncset.done $0x0  }
0x77: {  	[sflag:s24] =	ssyncadd.s32 $0xFFFFB800  }
0x78: {  	[hbm4b:s18+s3] =	stream.linear.scatter [tilespmem:s23], [sflag:$0x2], $0x4800, $0x38;
	[tilespmem:$0x1F880] =	vst v63  }
0x79: {  	_ =	swait.ge [sflag:s24], $0x4800  }
0x7a: {  	[sflag:s24] =	ssyncset.done $0x0  }
0x7b: {  	[sflag:s24] =	ssyncadd.s32 $0xFFFFB800  }
0x7c: {  	[tilespmem:s23], [sflag:$0x2] =	stream.linear.gather [spmem:s19], $0x4800, $0x38;
	[tilespmem:$0x1F880] =	vst v63  }
0x7d: {  	s28 =	sadd.s32 $0x1, s28;
	_ =	swait.ge [sflag:s24], $0x4800  }
0x7e: {  	p0 =	sne.s32 s28, s6;
	[sflag:s24] =	ssyncset.done $0x0  }
.Ltmp1:
0x7f: {  	[sflag:s24] =	ssyncadd.s32 $0xFFFFB800;
	(pc) =	sbr.rel @p0 .LBB2_1-.Ltmp1, $4  }
0x80: {  	[hbm4b:s20+s3] =	stream.linear.scatter [tilespmem:s23], [sflag:$0x2], $0x4800, $0x38;
	[tilespmem:$0x1F880] =	vst v63  }
0x81: {  	_ =	swait.ge [sflag:s24], $0x4800  }
0x82: {  	[sflag:s24] =	ssyncset.done $0x0  }
0x83: {  	[sflag:s24] =	ssyncadd.s32 $0xFFFFB800  }
0x84: {  	_ =	sfence.sel $0x180000  }
0x85: {  	[bflag:$0x0] =	sbarrier.arrive $0xFFFF  }
0x86: {  	_ =	strace $0x90000059  }
0x87: {  	s0 =	stileid.u32;
	[bflag:$0x2] =	sbarrier.arrive $0xFFFF  }
0x88: {  	p0 =	sne.s32 s0, $0x0;
	s0 =	rddreg [dreg:$0x2]  }
0x89: {  	s0 =	sadd.s32 @!p0 $0x100000, s0  }
0x8a: {  	[sflag:s0] =	ssyncadd.tile.s32 @!p0 $0x1;
	_ =	shalt  }
.Lfunc_end2:
_tile_overlayer_lowered:
.L_overlay_start_2:
0x8b: {  	(tag) =	ssettag $0x2  }
0x8c: {  	s0 =	rddreg [dreg:$0x0];
	s2 =	stileid.u32  }
0x8d: {  	s1 =	rddreg [dreg:$0x1];
	p0 =	sne.s32 s2, $0x0  }
0x8e: {  	s3 =	rddreg [dreg:$0x2];
	[bflag:$0x3] =	sbarrier.arrive $0xFFFF;
	s2 =	simm.s32 @!p0 $0x1C02  }
0x8f: {  	[timem:s3], [sflag:s2] =	dma.local @!p0 [hbm:s0], s1  }
0x90: {  	s0 =	simm.s32 @!p0 $0x2  }
0x91: {  	_ =	swait.ge @!p0 [sflag:s0], s1  }
0x92: {  	s1 =	ssub.s32 @!p0 $0x0, s1;
	[sflag:s0] =	ssyncset.done @!p0 $0x0  }
0x93: {  	[sflag:s0] =	ssyncadd.s32 @!p0 s1  }
0x94: {  	[bflag:$0x3] =	sbarrier.arrive $0xFFFF  }
0x95: {  	_ =	shalt  }

// kernel: kernel.38.cloned.1.call-start
scs
__scs_entry_jumppad:
0x0: {  	(pc) =	sbr.rel $0x88, $3  }
0x1: {  	(tag) =	ssettag $0x0;
	lr =	simm.s32 $0x1  }
0x2: {  	[smem:$0x3F72] =	sst lr;
	_ =	strace $0xD0000000  }
0x3: {  	_ = 	snop  }
0x4: {  	_ = 	snop  }
0x5: {  	_ = 	snop  }
0x6: {  	_ = 	snop  }
0x7: {  	_ = 	snop  }
__scs_overlays_trampoline_lowered:
0x8: {  	[smem:$0x3F81] =	sst s0  }
0x9: {  	[smem:$0x3F82] =	sst s1  }
0xa: {  	[smem:$0x3F83] =	sst s2  }
0xb: {  	[smem:$0x3F84] =	sst s3  }
0xc: {  	[smem:$0x3F85] =	sst s4  }
0xd: {  	[smem:$0x3F86] =	sst s5  }
0xe: {  	[smem:$0x3F87] =	sst s6  }
0xf: {  	[smem:$0x3F88] =	sst s7  }
0x10: {  	[smem:$0x3F89] =	sst s8  }
0x11: {  	[smem:$0x3F8A] =	sst s9;
	s0 =	simm.s32 @!p0 $0x0  }
0x12: {  	s1 =	sld [smem:$0x3F70];
	s0 =	simm.s32 @p0 $0x1  }
0x13: {  	[smem:$0x3F8B] =	sst s0;
	s0 =	simm.s32 @!p1 $0x0  }
0x14: {  	s2 =	sld [smem:$0x3F6F];
	s0 =	simm.s32 @p1 $0x1  }
0x15: {  	[smem:$0x3F8C] =	sst s0;
	s0 =	simm.s32 @!p2 $0x0  }
0x16: {  	s3 =	sld [smem:$0x3FDB];
	s0 =	simm.s32 @p2 $0x1  }
0x17: {  	s4 =	simm.s32 $0x1BF5;
	[smem:$0x3F8E] =	sst s0  }
0x18: {  	s0 =	sld [smem:$0x3F71];
	_ =	swait.ge [sflag:s4], $0x0  }
0x19: {  	s7 =	sld [smem:$0x3F72]  }
0x1a: {  	s8 =	sadd.s32 $0xFFFFE003, lr  }
0x1b: {  	s9 =	sadd.s32 $0xFFFFFEF7, lr;
	s5 =	simm.s32 $0xFFFFFFFF;
	p2 =	slt.u32 s8, $0xFFFFF086  }
0x1c: {  	p1 =	slt.u32 s9, $0xF7A;
	s5 =	simm.s32 @!p2 $0x0  }
0x1d: {  	s5 =	simm.s32 @p1 $0x1;
	p0 =	seq.s32 s7, s2  }
0x1e: {  	s7 =	smul.u32 @!p0 $0xF7A, s2;
	p2 =	seq.s32 @!p0 s5, $0x0  }
0x1f: {  	s9 =	smul.u32 $0xF7A, s1;
	s8 =	simm.s32 @!p0 $0x1BF5;
	p2 =	por !p2, p0  }
0x20: {  	[sflag:s8] =	ssyncset.s32 @!p0 $0xFFFFF086;
	s6 =	sadd.s32 @!p0 s3, s7;
	s7 =	simm.s32 @!p0 $0x108  }
0x21: {  	s3 =	sadd.s32 s3, s9;
	s6 =	sadd.s32 @!p0 $0x88, s6;
	s7 =	simm.s32 @p2 $0x1082  }
0x22: {  	[simem:s7], [sflag:s8] =	dma.local @!p0 [hbm:s6], $0xF7A  }
0x23: {  	s9 =	sor.u32 $0xD0000000, s2;
	s6 =	simm.s32 $0x108;
	_ =	swait.ge @!p0 [sflag:s8], $0x0  }
0x24: {  	s3 =	sadd.s32 $0x88, s3;
	s6 =	simm.s32 @!p1 $0x1082;
	[sflag:s4] =	ssyncset.s32 $0xFFFFF086  }
0x25: {  	[simem:s6], [sflag:s4] =	dma.local [hbm:s3], $0xF7A  }
0x26: {  	[smem:$0x3F72] =	sst s1;
	(tag) =	ssettag s2;
	_ =	strace s9  }
0x27: {  	s1 =	sld [smem:$0x3F82]  }
0x28: {  	s2 =	sld [smem:$0x3F83]  }
0x29: {  	s4 =	sld [smem:$0x3F85]  }
0x2a: {  	p0 =	seq.s32 s5, $0x0;
	s5 =	sld [smem:$0x3F86]  }
0x2b: {  	s6 =	sld [smem:$0x3F87]  }
0x2c: {  	s7 =	sld [smem:$0x3F88]  }
0x2d: {  	s3 =	simm.s32 $0x108;
	s8 =	sld [smem:$0x3F89]  }
0x2e: {  	s3 =	simm.s32 @!p0 $0x1082;
	s9 =	sld [smem:$0x3F8A]  }
0x2f: {  	lr =	sadd.s32 s0, s3;
	s0 =	sld [smem:$0x3F81]  }
0x30: {  	s3 =	sld [smem:$0x3F84]  }
0x31: {  	[smem:$0x3F8D] =	sst s10  }
0x32: {  	s10 =	sld [smem:$0x3F8B];
	_ =	sdelay $0x3  }
0x33: {  	p0 =	seq.s32 s10, $0x1;
	s10 =	sld [smem:$0x3F8D];
	_ =	sdelay $0x3  }
0x34: {  	[smem:$0x3F8D] =	sst s10  }
0x35: {  	s10 =	sld [smem:$0x3F8C];
	_ =	sdelay $0x3  }
0x36: {  	p1 =	seq.s32 s10, $0x1;
	s10 =	sld [smem:$0x3F8D];
	_ =	sdelay $0x3  }
0x37: {  	[smem:$0x3F8D] =	sst s10  }
0x38: {  	s10 =	sld [smem:$0x3F8E]  }
0x39: {  	_ = 	snop;
	(pc) =	sbr.ind lr, $3  }
0x3a: {  	_ = 	snop  }
0x3b: {  	_ = 	snop  }
0x3c: {  	p2 =	seq.s32 s10, $0x1;
	s10 =	sld [smem:$0x3F8D]  }
0x3d: {  	_ =	shalt  }
0x3e: {  	_ =	shalt  }
0x3f: {  	_ =	shalt  }
0x40: {  	_ =	shalt  }
0x41: {  	_ =	shalt  }
0x42: {  	_ =	shalt  }
0x43: {  	_ =	shalt  }
0x44: {  	_ =	shalt  }
0x45: {  	_ =	shalt  }
0x46: {  	_ =	shalt  }
0x47: {  	_ =	shalt  }
0x48: {  	_ =	shalt  }
0x49: {  	_ =	shalt  }
0x4a: {  	_ =	shalt  }
0x4b: {  	_ =	shalt  }
0x4c: {  	_ =	shalt  }
0x4d: {  	_ =	shalt  }
0x4e: {  	_ =	shalt  }
0x4f: {  	_ =	shalt  }
0x50: {  	_ =	shalt  }
0x51: {  	_ =	shalt  }
0x52: {  	_ =	shalt  }
0x53: {  	_ =	shalt  }
0x54: {  	_ =	shalt  }
0x55: {  	_ =	shalt  }
0x56: {  	_ =	shalt  }
0x57: {  	_ =	shalt  }
0x58: {  	_ =	shalt  }
0x59: {  	_ =	shalt  }
0x5a: {  	_ =	shalt  }
0x5b: {  	_ =	shalt  }
0x5c: {  	_ =	shalt  }
0x5d: {  	_ =	shalt  }
0x5e: {  	_ =	shalt  }
0x5f: {  	_ =	shalt  }
0x60: {  	_ =	shalt  }
0x61: {  	_ =	shalt  }
0x62: {  	_ =	shalt  }
0x63: {  	_ =	shalt  }
0x64: {  	_ =	shalt  }
0x65: {  	_ =	shalt  }
0x66: {  	_ =	shalt  }
0x67: {  	_ =	shalt  }
0x68: {  	_ =	shalt  }
0x69: {  	_ =	shalt  }
0x6a: {  	_ =	shalt  }
0x6b: {  	_ =	shalt  }
0x6c: {  	_ =	shalt  }
0x6d: {  	_ =	shalt  }
0x6e: {  	_ =	shalt  }
0x6f: {  	_ =	shalt  }
0x70: {  	_ =	shalt  }
0x71: {  	_ =	shalt  }
0x72: {  	_ =	shalt  }
0x73: {  	_ =	shalt  }
0x74: {  	_ =	shalt  }
0x75: {  	_ =	shalt  }
0x76: {  	_ =	shalt  }
0x77: {  	_ =	shalt  }
0x78: {  	_ =	shalt  }
0x79: {  	_ =	shalt  }
0x7a: {  	_ =	shalt  }
0x7b: {  	_ =	shalt  }
0x7c: {  	_ =	shalt  }
0x7d: {  	_ =	shalt  }
0x7e: {  	_ =	shalt  }
0x7f: {  	_ =	shalt  }
0x80: {  	_ =	shalt  }
0x81: {  	_ =	shalt  }
0x82: {  	_ =	shalt  }
0x83: {  	_ =	shalt  }
0x84: {  	_ =	shalt  }
0x85: {  	_ =	shalt  }
0x86: {  	_ =	shalt  }
0x87: {  	_ =	shalt  }
.Lfunc_end0:
.L_simem_size_0:
called_computation.7_lowered:
.L_overlay_start_0:
0x88: {  	s2 =	sld [smem:$0x3FD9]  }
0x89: {  	s3 =	sld [smem:$0x3FFE];
	_ =	sdelay $0x1  }
0x8a: {  	s1 =	srdreg.scid  }
0x8b: {  	s0 =	sand.u32 $0x1, s1  }
0x8c: {  	s17 =	sshll.u32 s0, $0xA;
	s2 =	sadd.s32 s3, s2  }
0x8d: {  	s2 =	sadd.s32 s2, s17  }
0x8e: {  	[smem:$0x3F99] =	sst s2  }
0x8f: {  	_ = 	snop  }
0x90: {  	(tm) =	ssettm $0x1  }
0x91: {  	s18 =	sld [smem:$0x3FFB];
	_ =	sdelay $0x3  }
0x92: {  	_ =	strace s18  }
0x93: {  	s2 =	sld [smem:$0x3FFC];
	_ =	sdelay $0x3  }
0x94: {  	_ =	strace s2  }
0x95: {  	s2 =	sld [smem:$0x3FFD];
	_ =	sdelay $0x3  }
0x96: {  	_ =	strace s2  }
0x97: {  	_ =	strace $0x8FFFFFFF  }
0x98: {  	s19 =	sld [smem:$0x3FDB];
	_ =	sdelay $0x1  }
0x99: {  	s20 =	simm.s32 $_scs_section_size  }
0x9a: {  	s4 =	simm.s32 $_size__tile_overlayer_lowered;
	s5 =	simm.s32 $_tile_overlayer_lowered  }
0x9b: {  	s6 =	simm.s32 $0x1BFF;
	s21 =	sshll.u32 s5, $0x1;
	s3 =	sadd.s32 s20, s19  }
0x9c: {  	s22 =	simm.s32 $0x0;
	s4 =	sshll.u32 s4, $0x1;
	s5 =	sadd.s32 s21, s3  }
0x9d: {  	[timem:s22], [sflag:s6] =	dma.local [hbm:s5], s4  }
0x9e: {  	_ =	swait.ge [sflag:s6], s4  }
0x9f: {  	s4 =	ssub.s32 $0x0, s4;
	[sflag:s6] =	ssyncset.done $0x0  }
0xa0: {  	[sflag:s6] =	ssyncadd.s32 s4;
	_ =	sdelay $0x1  }
0xa1: {  	s23 =	simm.s32 $0x1B8B  }
0xa2: {  	_ =	swait.ge [sflag:s23], $0x1  }
0xa3: {  	[sflag:s23] =	ssyncset.done $0x0  }
0xa4: {  	[sflag:s23] =	ssyncadd.s32 $0xFFFFFFFF  }
0xa5: {  	s4 =	sld [smem:$0x0]  }
0xa6: {  	s5 =	sand.u32 $0xFFFFFFFE, s1  }
0xa7: {  	p0 =	sne.s32 s1, s5  }
0xa8: {  	s5 =	sshll.u32 @p0 s5, $0xE  }
0xa9: {  	s5 =	sadd.s32 @p0 $0x11B8D, s5;
	s6 =	sshll.u32 @p0 s4, $0x11  }
0xaa: {  	s5 =	sor.u32 @p0 s6, s5  }
0xab: {  	[sflag:s5] =	ssyncadd.remote.s32 @p0 $0x1;
	_ =	sdelay $0x1  }
0xac: {  	s5 =	simm.s32 @p0 $0x1B8D  }
0xad: {  	_ =	swait.eq @p0 [sflag:s5], $0x1  }
0xae: {  	[sflag:s5] =	ssyncadd.s32 @p0 $0xFFFFFFFF  }
0xaf: {  	s6 =	sshll.u32 @!p0 s1, $0xE  }
0xb0: {  	s6 =	sor.u32 @!p0 $0x4000, s6;
	s5 =	simm.s32 @!p0 $0x1B8D  }
0xb1: {  	s4 =	sshll.u32 @!p0 s4, $0x11;
	s6 =	sadd.s32 @!p0 $0x11B8D, s6;
	_ =	swait.eq @!p0 [sflag:s5], $0x1  }
0xb2: {  	s4 =	sor.u32 @!p0 s4, s6;
	[sflag:s5] =	ssyncadd.s32 @!p0 $0xFFFFFFFF  }
0xb3: {  	s25 =	simm.s32 $0x1B8E;
	s24 =	sld [smem:$0x3FFE];
	[sflag:s4] =	ssyncadd.remote.s32 @!p0 $0x1  }
0xb4: {  	s26 =	simm.s32 $execute0_lowered;
	[smem:$0x3FD2] =	sst s25  }
0xb5: {  	s5 =	sshll.u32 s26, $0x1;
	_ =	strace $0x8000005B;
	[dreg:$0x1] =	wrdreg $0xFFFFFFFF  }
0xb6: {  	s28 =	simm.s32 $_size_execute0_lowered;
	s3 =	sadd.s32 s3, s5;
	[dreg:$0x0] =	wrdreg $0x0  }
0xb7: {  	s5 =	sshll.u32 s28, $0x1;
	[dreg:$0x2] =	wrdreg s3  }
0xb8: {  	[dreg:$0x3] =	wrdreg s5  }
0xb9: {  	[dreg:$0x4] =	wrdreg $0xC0  }
0xba: {  	_ =	task [dreg:s22], $0x5FFFF  }
0xbb: {  	[dreg:$0x1] =	wrdreg $0xFFFFFFFF  }
0xbc: {  	[dreg:$0x0] =	wrdreg $0x60  }
0xbd: {  	[dreg:$0x2] =	wrdreg s24  }
0xbe: {  	[dreg:$0x3] =	wrdreg $0x95080  }
0xbf: {  	[dreg:$0x4] =	wrdreg $0x9  }
0xc0: {  	_ =	task.clear_ibuf [dreg:s22], $0x5FFFF;
	_ =	strace $0x9000005B  }
0xc1: {  	s29 =	simm.s32 $0x9;
	_ =	strace $0x8000005D  }
0xc2: {  	_ =	swait.ge [sflag:s29], $0x1  }
0xc3: {  	[sflag:s29] =	ssyncadd.s32 $0xFFFFFFFF  }
0xc4: {  	_ =	strace $0x9000005D  }
0xc5: {  	_ =	sfence  }
0xc6: {  	s30 =	sld [smem:$0x0];
	_ =	sdelay $0x2  }
0xc7: {  	s31 =	sshll.u32 s1, $0xD;
	s1 =	sshrl.u32 s1, $0x2  }
0xc8: {  	s4 =	sand.u32 $0x4000, s31;
	s1 =	sadd.s32 s1, s30  }
0xc9: {  	s0 =	sor.u32 s4, s0;
	s1 =	sshll.u32 s1, $0x11  }
0xca: {  	s0 =	sor.u32 s1, s0  }
0xcb: {  	s0 =	sadd.s32 $0x8F2B, s0  }
0xcc: {  	[sflag:s0] =	ssyncadd.remote.s32 $0x1  }
0xcd: {  	_ =	sfence.sel $0xFFFF  }
0xce: {  	[dreg:$0x0] =	wrdreg $0xFFFFFFFF;
	(pc) =	sbr.abs _section_cstart, $3  }
0xcf: {  	[dreg:$0x1] =	wrdreg $0xFFFFFFFF  }
0xd0: {  	_ =	task.clear_ibuf [dreg:s22], $0x2FFFF;
	_ =	strace $0x9FFFFFFF  }
0xd1: {  	(tm) =	ssettm $0x7FFFFFFF  }
tec
execute0_lowered:
.L_overlay_start_1:
0x0: {  	(tag) =	ssettag $0x1  }
0x1: {  	s1 =	rddreg [dreg:$0x0]  }
0x2: {  	s0 =	srdreg.scid;
	s18 =	stileid.u32  }
0x3: {  	s2 =	rddreg [dreg:$0x1];
	s3 =	simm.s32 $0x0;
	s28 =	simm.s32 $0x80  }
0x4: {  	s29 =	simm.s32 $0x1;
	s30 =	simm.s32 $0x4880;
	s6 =	smul.u32 $0x280, s18  }
0x5: {  	s31 =	simm.s32 $0x4888;
	s4 =	sand.u32 $0x1, s0;
	s13 =	smul.u32 $0x16800, s18  }
0x6: {  	s25 =	sshll.u32 s18, $0x1;
	[smem:$0x7FF] =	sst s3;
	s17 =	smul.u32 $0x15720, s18  }
0x7: {  	s14 =	sadd.s32 $0xDA00, s1;
	s7 =	sadd.s32 $0x167400, s1;
	s12 =	smul.u32 $0x168000, s4  }
0x8: {  	s0 =	sor.u32 s4, s25;
	_ =	strace $0x8000005C;
	s25 =	smul.u32 $0xAB90, s4  }
0x9: {  	[dreg:$0x3] =	wrdreg s7;
	s26 =	ssub.s32 $0x2, s4;
	s4 =	smul.u32 $0x988, s4  }
0xa: {  	s5 =	smul.u32 $0x988, s0;
	s0 =	sadd.s32 $0xB200, s1;
	s1 =	sadd.s32 $0x1C1E00, s1  }
0xb: {  	s9 =	sshrl.u32 s26, $0x1;
	s10 =	sadd.s32 $0x80, s6;
	s6 =	smul.u32 $0x1310, s18  }
0xc: {  	s21 =	sadd.s32 $0x9000, s13;
	s22 =	sadd.s32 $0xD800, s13;
	s20 =	smul.u32 $0x90, s10  }
0xd: {  	s23 =	sadd.s32 $0x12000, s13;
	s9 =	ssub.s32 s26, s9;
	s15 =	smul.u32 $0x240, s10  }
0xe: {  	s10 =	sadd.s32 s12, s13;
	s16 =	sadd.s32 s12, s22;
	s19 =	sadd.s32 s12, s23  }
0xf: {  	s26 =	sadd.s32 s17, s14;
	s22 =	sadd.s32 s22, s2;
	s23 =	sadd.s32 s23, s2  }
0x10: {  	s5 =	sadd.s32 $0x980, s5;
	s16 =	sshrl.u32 s16, $0x3;
	s24 =	sshrl.u32 s19, $0x3  }
0x11: {  	s4 =	sadd.s32 s4, s6;
	s8 =	smul.u32 $0x12, s5;
	s5 =	sshrl.u32 s5, $0x3  }
0x12: {  	s11 =	sadd.s32 s12, s20;
	s15 =	sshrl.u32 s15, $0x2;
	s5 =	sadd.s32 s0, s5  }
0x13: {  	s20 =	sadd.s32 s20, s2;
	[dreg:$0x4] =	wrdreg s5;
	s7 =	sadd.s32 s14, s8  }
0x14: {  	s15 =	sadd.s32 s15, s2;
	s8 =	sadd.s32 s13, s2;
	[dreg:$0x5] =	wrdreg s7  }
0x15: {  	s5 =	smul.u32 $0x5A000, s18;
	s13 =	sadd.s32 s1, s24;
	[dreg:$0x6] =	wrdreg s8  }
0x16: {  	s8 =	smax.u32 s9, $0x1;
	s9 =	sshrl.u32 s10, $0x3;
	s10 =	sshrl.u32 s11, $0x3  }
0x17: {  	s11 =	sadd.s32 s12, s21;
	s12 =	sadd.s32 s1, s16;
	s16 =	sadd.s32 s25, s26  }
0x18: {  	s21 =	sadd.s32 s21, s2;
	s26 =	sshrl.u32 s4, $0x3;
	s9 =	sadd.s32 s1, s9  }
0x19: {  	s10 =	sadd.s32 s1, s10;
	s11 =	sshrl.u32 s11, $0x3;
	s7 =	sshrl.u32 s5, $0x2  }
0x1a: {  	s18 =	sadd.s32 $0x24000, s5;
	s19 =	sadd.s32 $0x36000, s5;
	s5 =	sadd.s32 $0x48000, s5  }
0x1b: {  	s11 =	sadd.s32 s1, s11;
	s14 =	sadd.s32 s7, s2;
	s1 =	sshrl.u32 s18, $0x2  }
0x1c: {  	s24 =	sshrl.u32 s19, $0x2;
	s25 =	sshrl.u32 s5, $0x2;
	s17 =	sadd.s32 s1, s2  }
0x1d: {  	s18 =	sadd.s32 s24, s2;
	s19 =	sadd.s32 s25, s2;
	s24 =	sadd.s32 s26, s0  }
0x1e: {  	s25 =	simm.s32 $0x4D08;
	s26 =	simm.s32 $0x2;
	s0 =	simm.s32 $0x0  }
.LBB2_1:
0x1f: {  	s1 =	rddreg [dreg:$0x3]  }
0x20: {  	[tilespmem:s25], [sflag:$0x2] =	stream.linear.gather [hbm4b:s1+s3], $0x4800, $0x38;
	[tilespmem:$0x1FD08] =	vst v63  }
0x21: {  	_ =	swait.ge [sflag:s26], $0x4800  }
0x22: {  	[sflag:s26] =	ssyncset.done $0x0  }
0x23: {  	[sflag:s26] =	ssyncadd.s32 $0xFFFFB800  }
0x24: {  	[spmem:s14] =	stream.linear.scatter [tilespmem:s25], [sflag:$0x2], $0x4800, $0x38;
	[tilespmem:$0x1FD08] =	vst v63  }
0x25: {  	_ =	swait.ge [sflag:s26], $0x4800  }
0x26: {  	[sflag:s26] =	ssyncset.done $0x0  }
0x27: {  	[sflag:s26] =	ssyncadd.s32 $0xFFFFB800  }
0x28: {  	[spmem:s15] =	stream.linear.scatter [tilespmem:s25], [sflag:$0x2], $0x4800, $0x38;
	[tilespmem:$0x1FD08] =	vst v63  }
0x29: {  	_ =	swait.ge [sflag:s26], $0x4800  }
0x2a: {  	[sflag:s26] =	ssyncset.done $0x0  }
0x2b: {  	[sflag:s26] =	ssyncadd.s32 $0xFFFFB800  }
0x2c: {  	[spmem:s17] =	stream.linear.scatter [tilespmem:s25], [sflag:$0x2], $0x4800, $0x38;
	[tilespmem:$0x1FD08] =	vst v63  }
0x2d: {  	_ =	swait.ge [sflag:s26], $0x4800  }
0x2e: {  	[sflag:s26] =	ssyncset.done $0x0  }
0x2f: {  	[sflag:s26] =	ssyncadd.s32 $0xFFFFB800  }
0x30: {  	[spmem:s18] =	stream.linear.scatter [tilespmem:s25], [sflag:$0x2], $0x4800, $0x38;
	[tilespmem:$0x1FD08] =	vst v63  }
0x31: {  	_ =	swait.ge [sflag:s26], $0x4800  }
0x32: {  	[sflag:s26] =	ssyncset.done $0x0  }
0x33: {  	[sflag:s26] =	ssyncadd.s32 $0xFFFFB800  }
0x34: {  	[spmem:s19] =	stream.linear.scatter [tilespmem:s25], [sflag:$0x2], $0x4800, $0x38;
	[tilespmem:$0x1FD08] =	vst v63  }
0x35: {  	_ =	swait.ge [sflag:s26], $0x4800  }
0x36: {  	[sflag:s26] =	ssyncset.done $0x0  }
0x37: {  	[sflag:s26] =	ssyncadd.s32 $0xFFFFB800  }
0x38: {  	s7 =	sadd.s32 $0x0, s24;
	[bflag:$0x0] =	sbarrier.arrive $0xFFFF  }
0x39: {  	[tilespmem:s3], [sflag:$0x1] =	stream.linear.gather [hbm4b:s7+s3], $0x80, $0x38;
	[tilespmem:$0x1FD08] =	vst v63  }
0x3a: {  	_ = 	snop  }
0x3b: {  	[tilespmem:s28], [sflag:$0x1] =	stream.linear.gather [hbm4b:s16+s3], $0x4800, $0x38;
	[tilespmem:$0x1FD08] =	vst v63  }
0x3c: {  	_ =	swait.ge [sflag:s29], $0x80  }
0x3d: {  	[sflag:s29] =	ssyncset.done $0x0  }
0x3e: {  	[sflag:s29] =	ssyncadd.s32 $0xFFFFFF80  }
0x3f: {  	_ =	swait.ge [sflag:s29], $0x4800  }
0x40: {  	[sflag:s29] =	ssyncset.done $0x0  }
0x41: {  	[sflag:s29] =	ssyncadd.s32 $0xFFFFB800  }
0x42: {  	[spmem:s2] =	stream.indirect.scatter.add.f32 [tilespmem:s28], [sflag:$0x2], $0x90, s3, s28, $0xb8;
	[tilespmem:$0x1FD08] =	vst v63  }
0x43: {  	s4 =	simm.s32 $0x10;
	_ =	swait.ge [sflag:s26], $0x4800  }
0x44: {  	s5 =	simm.s32 $0x20;
	s1 =	sadd.s32 $0x900, s16;
	[sflag:s26] =	ssyncset.done $0x0  }
.LBB2_2:
0x45: {  	s6 =	sadd.s32 s4, s24  }
0x46: {  	[sflag:s26] =	ssyncadd.s32 $0xFFFFB800;
	s4 =	smov.u32 s5;
	s7 =	sadd.s32 $0x10, s5  }
0x47: {  	[tilespmem:s3], [sflag:$0x1] =	stream.linear.gather [hbm4b:s6+s3], $0x80, $0x38;
	[tilespmem:$0x1FD08] =	vst v63  }
0x48: {  	p0 =	sne.s32 s5, $0x120  }
0x49: {  	[tilespmem:s28], [sflag:$0x1] =	stream.linear.gather [hbm4b:s1+s3], $0x4800, $0x38;
	[tilespmem:$0x1FD08] =	vst v63  }
0x4a: {  	_ =	swait.ge [sflag:s29], $0x80  }
0x4b: {  	[sflag:s29] =	ssyncset.done $0x0  }
0x4c: {  	[sflag:s29] =	ssyncadd.s32 $0xFFFFFF80  }
0x4d: {  	_ =	swait.ge [sflag:s29], $0x4800  }
.Ltmp0:
0x4e: {  	[sflag:s29] =	ssyncset.done $0x0;
	(pc) =	sbr.rel @p0 .LBB2_2-.Ltmp0, $4  }
0x4f: {  	[sflag:s29] =	ssyncadd.s32 $0xFFFFB800  }
0x50: {  	[spmem:s2] =	stream.indirect.scatter.add.f32 [tilespmem:s28], [sflag:$0x2], $0x90, s3, s28, $0xb8;
	[tilespmem:$0x1FD08] =	vst v63  }
0x51: {  	_ =	swait.ge [sflag:s26], $0x4800  }
0x52: {  	s5 =	smov.u32 s7;
	s1 =	sadd.s32 $0x900, s1;
	[sflag:s26] =	ssyncset.done $0x0  }
0x53: {  	s4 =	sadd.s32 s4, s24;
	[sflag:s26] =	ssyncadd.s32 $0xFFFFB800  }
0x54: {  	[tilespmem:s3], [sflag:$0x1] =	stream.linear.gather [hbm4b:s4+s3], $0x80, $0x38;
	[tilespmem:$0x1FD08] =	vst v63  }
0x55: {  	_ = 	snop  }
0x56: {  	[tilespmem:s28], [sflag:$0x1] =	stream.linear.gather [hbm4b:s1+s3], $0x4800, $0x38;
	[tilespmem:$0x1FD08] =	vst v63  }
0x57: {  	_ =	swait.ge [sflag:s29], $0x80  }
0x58: {  	[sflag:s29] =	ssyncset.done $0x0  }
0x59: {  	[sflag:s29] =	ssyncadd.s32 $0xFFFFFF80  }
0x5a: {  	_ =	swait.ge [sflag:s29], $0x4800  }
0x5b: {  	[sflag:s29] =	ssyncset.done $0x0  }
0x5c: {  	[sflag:s29] =	ssyncadd.s32 $0xFFFFB800  }
0x5d: {  	[spmem:s2] =	stream.indirect.scatter.add.f32 [tilespmem:s28], [sflag:$0x2], $0x90, s3, s28, $0xb8;
	[tilespmem:$0x1FD08] =	vst v63  }
0x5e: {  	_ =	swait.ge [sflag:s26], $0x4800  }
0x5f: {  	[sflag:s26] =	ssyncset.done $0x0  }
0x60: {  	s4 =	rddreg [dreg:$0x4];
	[sflag:s26] =	ssyncadd.s32 $0xFFFFB800  }
0x61: {  	[tilespmem:s30], [sflag:$0x1] =	stream.linear.gather [hbm4b:s4+s3], $0x8, $0x38;
	[tilespmem:$0x1FD08] =	vst v63  }
0x62: {  	s5 =	rddreg [dreg:$0x5]  }
0x63: {  	[tilespmem:s31], [sflag:$0x1] =	stream.linear.gather [hbm4b:s5+s3], $0x480, $0x38;
	[tilespmem:$0x1FD08] =	vst v63  }
0x64: {  	_ =	swait.ge [sflag:s29], $0x8  }
0x65: {  	[sflag:s29] =	ssyncset.done $0x0  }
0x66: {  	[sflag:s29] =	ssyncadd.s32 $0xFFFFFFF8  }
0x67: {  	_ =	swait.ge [sflag:s29], $0x480  }
0x68: {  	[sflag:s29] =	ssyncset.done $0x0  }
0x69: {  	s6 =	simm.s32 $0x8;
	[sflag:s29] =	ssyncadd.s32 $0xFFFFFB80  }
0x6a: {  	[spmem:s2] =	stream.indirect.scatter.add.f32 [tilespmem:s31], [sflag:$0x2], $0x90, s30, s6, $0xb8;
	[tilespmem:$0x1FD08] =	vst v63  }
0x6b: {  	_ =	swait.ge [sflag:s26], $0x480  }
0x6c: {  	[sflag:s26] =	ssyncset.done $0x0  }
0x6d: {  	[sflag:s26] =	ssyncadd.s32 $0xFFFFFB80  }
0x6e: {  	[bflag:$0x0] =	sbarrier.arrive $0xFFFF  }
0x6f: {  	s7 =	rddreg [dreg:$0x6]  }
0x70: {  	[tilespmem:s25], [sflag:$0x2] =	stream.linear.gather [spmem:s7], $0x4800, $0x38;
	[tilespmem:$0x1FD08] =	vst v63  }
0x71: {  	_ =	swait.ge [sflag:s26], $0x4800  }
0x72: {  	[sflag:s26] =	ssyncset.done $0x0  }
0x73: {  	[sflag:s26] =	ssyncadd.s32 $0xFFFFB800  }
0x74: {  	[hbm4b:s9+s3] =	stream.linear.scatter [tilespmem:s25], [sflag:$0x2], $0x4800, $0x38;
	[tilespmem:$0x1FD08] =	vst v63  }
0x75: {  	_ =	swait.ge [sflag:s26], $0x4800  }
0x76: {  	[sflag:s26] =	ssyncset.done $0x0  }
0x77: {  	[sflag:s26] =	ssyncadd.s32 $0xFFFFB800  }
0x78: {  	[tilespmem:s25], [sflag:$0x2] =	stream.linear.gather [spmem:s20], $0x4800, $0x38;
	[tilespmem:$0x1FD08] =	vst v63  }
0x79: {  	_ =	swait.ge [sflag:s26], $0x4800  }
0x7a: {  	[sflag:s26] =	ssyncset.done $0x0  }
0x7b: {  	[sflag:s26] =	ssyncadd.s32 $0xFFFFB800  }
0x7c: {  	[hbm4b:s10+s3] =	stream.linear.scatter [tilespmem:s25], [sflag:$0x2], $0x4800, $0x38;
	[tilespmem:$0x1FD08] =	vst v63  }
0x7d: {  	_ =	swait.ge [sflag:s26], $0x4800  }
0x7e: {  	[sflag:s26] =	ssyncset.done $0x0  }
0x7f: {  	[sflag:s26] =	ssyncadd.s32 $0xFFFFB800  }
0x80: {  	[tilespmem:s25], [sflag:$0x2] =	stream.linear.gather [spmem:s21], $0x4800, $0x38;
	[tilespmem:$0x1FD08] =	vst v63  }
0x81: {  	_ =	swait.ge [sflag:s26], $0x4800  }
0x82: {  	[sflag:s26] =	ssyncset.done $0x0  }
0x83: {  	[sflag:s26] =	ssyncadd.s32 $0xFFFFB800  }
0x84: {  	[hbm4b:s11+s3] =	stream.linear.scatter [tilespmem:s25], [sflag:$0x2], $0x4800, $0x38;
	[tilespmem:$0x1FD08] =	vst v63  }
0x85: {  	_ =	swait.ge [sflag:s26], $0x4800  }
0x86: {  	[sflag:s26] =	ssyncset.done $0x0  }
0x87: {  	[sflag:s26] =	ssyncadd.s32 $0xFFFFB800  }
0x88: {  	[tilespmem:s25], [sflag:$0x2] =	stream.linear.gather [spmem:s22], $0x4800, $0x38;
	[tilespmem:$0x1FD08] =	vst v63  }
0x89: {  	_ =	swait.ge [sflag:s26], $0x4800  }
0x8a: {  	[sflag:s26] =	ssyncset.done $0x0  }
0x8b: {  	[sflag:s26] =	ssyncadd.s32 $0xFFFFB800  }
0x8c: {  	[hbm4b:s12+s3] =	stream.linear.scatter [tilespmem:s25], [sflag:$0x2], $0x4800, $0x38;
	[tilespmem:$0x1FD08] =	vst v63  }
0x8d: {  	_ =	swait.ge [sflag:s26], $0x4800  }
0x8e: {  	[sflag:s26] =	ssyncset.done $0x0  }
0x8f: {  	[sflag:s26] =	ssyncadd.s32 $0xFFFFB800  }
0x90: {  	[tilespmem:s25], [sflag:$0x2] =	stream.linear.gather [spmem:s23], $0x4800, $0x38;
	[tilespmem:$0x1FD08] =	vst v63  }
0x91: {  	s0 =	sadd.s32 $0x1, s0;
	_ =	swait.ge [sflag:s26], $0x4800  }
0x92: {  	p0 =	sne.s32 s0, s8;
	[sflag:s26] =	ssyncset.done $0x0  }
.Ltmp1:
0x93: {  	[sflag:s26] =	ssyncadd.s32 $0xFFFFB800;
	(pc) =	sbr.rel @p0 .LBB2_1-.Ltmp1, $4  }
0x94: {  	[hbm4b:s13+s3] =	stream.linear.scatter [tilespmem:s25], [sflag:$0x2], $0x4800, $0x38;
	[tilespmem:$0x1FD08] =	vst v63  }
0x95: {  	_ =	swait.ge [sflag:s26], $0x4800  }
0x96: {  	[sflag:s26] =	ssyncset.done $0x0  }
0x97: {  	[sflag:s26] =	ssyncadd.s32 $0xFFFFB800  }
0x98: {  	_ =	sfence.sel $0x180000  }
0x99: {  	[bflag:$0x0] =	sbarrier.arrive $0xFFFF  }
0x9a: {  	_ =	strace $0x9000005C  }
0x9b: {  	s0 =	stileid.u32;
	[bflag:$0x2] =	sbarrier.arrive $0xFFFF  }
0x9c: {  	p0 =	sne.s32 s0, $0x0;
	s0 =	rddreg [dreg:$0x2]  }
0x9d: {  	s0 =	sadd.s32 @!p0 $0x100000, s0  }
0x9e: {  	[sflag:s0] =	ssyncadd.tile.s32 @!p0 $0x1;
	_ =	shalt  }
.Lfunc_end2:
_tile_overlayer_lowered:
.L_overlay_start_2:
0x9f: {  	(tag) =	ssettag $0x2  }
0xa0: {  	s0 =	rddreg [dreg:$0x0];
	s2 =	stileid.u32  }
0xa1: {  	s1 =	rddreg [dreg:$0x1];
	p0 =	sne.s32 s2, $0x0  }
0xa2: {  	s3 =	rddreg [dreg:$0x2];
	[bflag:$0x3] =	sbarrier.arrive $0xFFFF;
	s2 =	simm.s32 @!p0 $0x1C02  }
0xa3: {  	[timem:s3], [sflag:s2] =	dma.local @!p0 [hbm:s0], s1  }
0xa4: {  	s0 =	simm.s32 @!p0 $0x2  }
0xa5: {  	_ =	swait.ge @!p0 [sflag:s0], s1  }
0xa6: {  	s1 =	ssub.s32 @!p0 $0x0, s1;
	[sflag:s0] =	ssyncset.done @!p0 $0x0  }
0xa7: {  	[sflag:s0] =	ssyncadd.s32 @!p0 s1  }
0xa8: {  	[bflag:$0x3] =	sbarrier.arrive $0xFFFF  }
0xa9: {  	_ =	shalt  }

</sc_bundles>
